<compile_context>
chip_gen: v7x
topology: tpu7x:2x2x1
jax: 0.10.2.dev20260603
libtpu: 0.0.44.dev20260713+nightly
codegen_flags: <defaults>
</compile_context>

<pallas_src>
import functools

import jax
import jax.numpy as jnp
from jax import lax
from jax.experimental import pallas as pl
from jax.experimental.pallas import tpu as pltpu
from jax.experimental.pallas import tpu_sc as plsc

VOCAB = 100000
EMBED = 256
D = 6
N_NODES = 512
B = 4
S = 8192
ROI_T = 128
K_ENGINE = 64

NW = 32
SEG_PER_W = N_NODES // NW
TOK_PER_SEG = (B * S) // N_NODES
CHUNK = 128
NCHUNK = (SEG_PER_W * TOK_PER_SEG) // CHUNK
PAD = 128


def _bf16_round(v):
    p = v * jnp.float32(65537.0)
    return p + (v - p)


NBUF = 3


def _sc_bag_body(tokens_hbm, emb_hbm, out_hbm, idx_v, rows_v, acc_v,
                 sem0, sem1, sem2):
    c = lax.axis_index("c")
    s = lax.axis_index("s")
    wid = c * 16 + s

    pltpu.sync_copy(tokens_hbm.at[:, wid], idx_v)

    sems = (sem0, sem1, sem2)
    handles = [None] * NBUF
    for p in range(NBUF):
        handles[p] = pltpu.async_copy(
            emb_hbm.at[idx_v.at[p // 2, p % 2]], rows_v.at[p], sems[p])

    for ch in range(NCHUNK):
        buf = ch % NBUF
        handles[buf].wait()

        first_batch = ch < 2
        half = ch % 2

        def seg_body(s8, _, _buf=buf, _half=half, _first=first_batch):
            base = s8 * 16
            l = _half * 8 + s8

            def row_body(j, carry):
                r0 = base + j
                return tuple(
                    carry[k]
                    + _bf16_round(rows_v[_buf, r0, pl.ds(k * 16, 16)])
                    for k in range(16)
                )

            zero = tuple(jnp.zeros((16,), jnp.float32) for _ in range(16))
            seg = lax.fori_loop(0, 16, row_body, zero)
            for k in range(16):
                if _first:
                    acc_v[l, pl.ds(k * 16, 16)] = seg[k]
                else:
                    acc_v[l, pl.ds(k * 16, 16)] = (
                        acc_v[l, pl.ds(k * 16, 16)] + seg[k]
                    )
            return 0

        lax.fori_loop(0, 8, seg_body, 0)

        nxt = ch + NBUF
        if nxt < NCHUNK:
            handles[buf] = pltpu.async_copy(
                emb_hbm.at[idx_v.at[nxt // 2, nxt % 2]], rows_v.at[buf],
                sems[buf])

    pltpu.sync_copy(acc_v, out_hbm.at[pl.ds(wid * SEG_PER_W, SEG_PER_W)])


@functools.cache
def _sc_bag():
    return functools.partial(
        pl.kernel,
        out_type=jax.ShapeDtypeStruct((N_NODES, EMBED), jnp.float32),
        mesh=plsc.VectorSubcoreMesh(core_axis_name="c", subcore_axis_name="s"),
        scratch_types=[
            pltpu.VMEM((B, 2, CHUNK), jnp.int32),
            pltpu.VMEM((NBUF, CHUNK, EMBED), jnp.float32),
            pltpu.VMEM((SEG_PER_W, EMBED), jnp.float32),
            pltpu.SemaphoreType.DMA,
            pltpu.SemaphoreType.DMA,
            pltpu.SemaphoreType.DMA,
        ],
    )(_sc_bag_body)


def _tc_body(pooled_ref, wlin_ref, blin_ref, wroi_ref, broi_ref, eng_ref,
             res_ref, ctx_ref, roi_ref, scores_ref, topidx_ref):
    def bfr(x):
        return x.astype(jnp.bfloat16).astype(jnp.float32)

    pooled = pooled_ref[...] * (1.0 / TOK_PER_SEG)
    res = lax.dot_general(
        pooled, bfr(wlin_ref[...]),
        dimension_numbers=(((1,), (0,)), ((), ())),
        precision=lax.Precision.HIGHEST,
        preferred_element_type=jnp.float32,
    ) + blin_ref[...]
    ctx = jnp.mean(res, axis=0, keepdims=True)

    res_bf = bfr(res)
    ctx_bf = bfr(ctx)
    sim = jnp.sum(res_bf * ctx_bf, axis=1, keepdims=True)
    simT = jnp.transpose(sim)

    row_i = lax.broadcasted_iota(jnp.int32, (N_NODES, N_NODES), 0)
    col_j = lax.broadcasted_iota(jnp.int32, (N_NODES, N_NODES), 1)
    beats = (simT > sim) | ((simT == sim) & (col_j < row_i))
    rank = jnp.sum(beats.astype(jnp.float32), axis=1, keepdims=True)

    roiscore = (jnp.sum(res_bf * bfr(wroi_ref[...]), axis=1, keepdims=True)
                + broi_ref[0, 0])
    escore = jnp.sum(bfr(eng_ref[...]) * ctx_bf, axis=1, keepdims=True)

    kcol = lax.broadcasted_iota(jnp.int32, (N_NODES, PAD), 1).astype(jnp.float32)
    onehot = (rank == kcol).astype(jnp.float32)
    irow = lax.broadcasted_iota(jnp.int32, (N_NODES, PAD), 0).astype(jnp.float32)

    roi_vec = jnp.sum(onehot * roiscore, axis=0, keepdims=True)
    esel = jnp.sum(onehot * escore, axis=0, keepdims=True)
    idx_vec = jnp.sum(onehot * irow, axis=0, keepdims=True)

    krow = lax.broadcasted_iota(jnp.int32, (1, PAD), 1)
    kmask = krow < K_ENGINE
    logits = jnp.where(kmask, esel, -1e30)
    m = jnp.max(logits, axis=1, keepdims=True)
    e = jnp.where(kmask, jnp.exp(logits - m), 0.0)
    scores = e / jnp.sum(e, axis=1, keepdims=True)

    res_ref[...] = res
    ctx_ref[...] = ctx
    roi_ref[...] = roi_vec
    scores_ref[...] = scores[:, :K_ENGINE]
    topidx_ref[...] = idx_vec[:, :K_ENGINE].astype(jnp.int32)


_tc_tail = pl.pallas_call(
    _tc_body,
    out_shape=[
        jax.ShapeDtypeStruct((N_NODES, D), jnp.float32),
        jax.ShapeDtypeStruct((1, D), jnp.float32),
        jax.ShapeDtypeStruct((1, ROI_T), jnp.float32),
        jax.ShapeDtypeStruct((1, K_ENGINE), jnp.float32),
        jax.ShapeDtypeStruct((1, K_ENGINE), jnp.int32),
    ],
)


def kernel(token_ids, embedding, W_lin, b_lin, W_roi, b_roi, engine_nodes):
    tokens = token_ids.astype(jnp.int32).reshape(B, NW, 2, CHUNK)

    pooled = _sc_bag()(tokens, embedding)

    res, ctx, roi, scores, topidx = _tc_tail(
        pooled, W_lin, b_lin.reshape(1, D), W_roi.reshape(1, D),
        b_roi.reshape(1, 1), engine_nodes)

    return (res, ctx.reshape(D), roi.reshape(ROI_T, 1),
            scores.reshape(K_ENGINE), topidx.reshape(K_ENGINE))

# --- scband reference (transcript-rebuilt; emitter-appended) ---
"""Pipeline reference for scband-lightweight-resonance-facade-2276332667134 (READ-ONLY COPY).

The authoritative reference and input builder live on the scoring server;
editing this copy changes nothing except your own understanding.
"""

import jax, jax.numpy as jnp
import numpy as np

VOCAB = 100000
EMBED = 256
D = 6
N_NODES = 512
TAU = 1.0
B = 4
S = 8192
ROI_T = 128
K_ENGINE = 64


def setup_inputs(seed: int = 0) -> dict:
    key = jax.random.key(seed)
    ks = jax.random.split(key, 6)
    token_ids = jax.random.randint(ks[0], (B, S), 0, VOCAB)
    embedding = jax.random.normal(ks[1], (VOCAB, EMBED), dtype=jnp.float32) * 0.02
    W_lin = jax.random.normal(ks[2], (EMBED, D), dtype=jnp.float32) * 0.05
    b_lin = jnp.zeros((D,), dtype=jnp.float32)
    W_roi = jax.random.normal(ks[3], (D, 1), dtype=jnp.float32) * 0.1
    b_roi = jnp.zeros((1,), dtype=jnp.float32)
    engine_nodes = jax.random.normal(ks[4], (N_NODES, D), dtype=jnp.float32) * 0.1
    return {
        "token_ids": token_ids,
        "embedding": embedding,
        "W_lin": W_lin,
        "b_lin": b_lin,
        "W_roi": W_roi,
        "b_roi": b_roi,
        "engine_nodes": engine_nodes,
    }


def reference(token_ids, embedding, W_lin, b_lin, W_roi, b_roi, engine_nodes):
    # embedding lookup (B, S, EMBED)
    x = jnp.take(embedding, token_ids, axis=0)
    # to_resonance linear (B, S, D)
    r = x @ W_lin + b_lin
    b, s, d = r.shape
    # adaptive_avg_pool1d over sequence dim to N_NODES (S divisible by N_NODES -> exact mean pooling)
    r_pooled = r.reshape(b, N_NODES, s // N_NODES, d).mean(axis=2)
    resonance_tensor = r_pooled.mean(axis=0)                 # (N, D)
    current_state = r.mean(axis=(0, 1))[None, :]             # (1, D)
    # DynamicROISelector.select_and_compute: select top-T nodes by similarity, linear score
    sim = (resonance_tensor @ current_state.T)[:, 0]         # (N,)
    roi_idx = jnp.argsort(-sim)[:ROI_T]                      # (T,)
    roi_out = resonance_tensor[roi_idx] @ W_roi + b_roi      # (T, 1)
    # engine top-k masking
    importance = (resonance_tensor @ current_state.T)[:, 0]  # (N,)
    top_idx = jnp.argsort(-importance)[:K_ENGINE]            # (K,)
    context_vector = current_state[0]                        # (D,)
    # ResonanceEngine: score selected node embeddings against context with temperature tau
    logits = (engine_nodes[top_idx] @ context_vector) / TAU  # (K,)
    resonance_scores = jax.nn.softmax(logits)                # (K,)
    return (resonance_tensor, context_vector, roi_out, resonance_scores, top_idx)

if __name__ == "__main__":
    import jax
    _d = setup_inputs()
    print(jax.jit(kernel)(*tuple(_d.values())))

</pallas_src>

<mosaic_0001>
#map = affine_map<(d0, d1) -> (0, 0, 0, 0)>
#map1 = affine_map<(d0, d1) -> (0, 0)>
module attributes {stable_mosaic.version = 14 : i64} {
  func.func @_sc_bag_body(%arg0: i32, %arg1: i32, %arg2: memref<4x32x2x128xi32, #tpu.memory_space<hbm>>, %arg3: memref<100000x256xf32, #tpu.memory_space<hbm>>, %arg4: memref<512x256xf32, #tpu.memory_space<hbm>>, %arg5: memref<4x2x128xi32, #tpu.memory_space<vmem>>, %arg6: memref<3x128x256xf32, #tpu.memory_space<vmem>>, %arg7: memref<16x256xf32, #tpu.memory_space<vmem>>, %arg8: memref<!tpu.dma_semaphore, #tpu.memory_space<semaphore_mem>>, %arg9: memref<!tpu.dma_semaphore, #tpu.memory_space<semaphore_mem>>, %arg10: memref<!tpu.dma_semaphore, #tpu.memory_space<semaphore_mem>>) attributes {dimension_semantics = [#tpu.dimension_semantics<core_parallel>, #tpu.dimension_semantics<subcore_parallel>], iteration_bounds = array<i64: 2, 16>, scalar_prefetch = 0 : i64, scratch_operands = 6 : i64, tpu.core_type = #tpu.core_type<sc_vector_subcore>, window_params = [{transform_indices = #map}, {transform_indices = #map1}, {transform_indices = #map1}]} {
    %mul3A = arith.constant 16 : i32
    %mul3A_0 = arith.muli %arg0, %mul3A : i32
    %add3A = arith.addi %mul3A_0, %arg1 : i32
    "tpu.region"() ({
      %run_scoped3A = tpu.sem_alloc : memref<!tpu.dma_semaphore, #tpu.memory_space<semaphore_mem>>
      %dma_start3A_264 = arith.constant 0 : i32
      %dma_start3A_265 = arith.constant 0 : i32
      %dma_start3A_266 = arith.constant 0 : i32
      %dma_start3A_267 = tpu.memref_slice %arg2[%dma_start3A_264, %add3A, %dma_start3A_265, %dma_start3A_266] : memref<4x32x2x128xi32, #tpu.memory_space<hbm>> -> memref<4x1x2x128xi32, #tpu.memory_space<hbm>>
      %dma_start3A_268 = tpu.memref_squeeze %dma_start3A_267 : memref<4x1x2x128xi32, #tpu.memory_space<hbm>> -> memref<4x2x128xi32, #tpu.memory_space<hbm>>
      %dma_start3A_269 = arith.constant 0 : i32
      %dma_start3A_270 = arith.constant 0 : i32
      %dma_start3A_271 = arith.constant 0 : i32
      %dma_start3A_272 = tpu.memref_slice %arg2[%dma_start3A_269, %add3A, %dma_start3A_270, %dma_start3A_271] : memref<4x32x2x128xi32, #tpu.memory_space<hbm>> -> memref<4x1x2x128xi32, #tpu.memory_space<hbm>>
      %dma_start3A_273 = tpu.memref_squeeze %dma_start3A_272 : memref<4x1x2x128xi32, #tpu.memory_space<hbm>> -> memref<4x2x128xi32, #tpu.memory_space<hbm>>
      tpu.enqueue_dma source(%dma_start3A_273 : memref<4x2x128xi32, #tpu.memory_space<hbm>>) target(%arg5 : memref<4x2x128xi32, #tpu.memory_space<vmem>>) target_semaphore(%run_scoped3A : memref<!tpu.dma_semaphore, #tpu.memory_space<semaphore_mem>>)
      %dma_wait3A_274 = arith.constant 0 : i32
      %dma_wait3A_275 = arith.constant 0 : i32
      %dma_wait3A_276 = arith.constant 0 : i32
      %dma_wait3A_277 = tpu.memref_slice %arg2[%dma_wait3A_274, %add3A, %dma_wait3A_275, %dma_wait3A_276] : memref<4x32x2x128xi32, #tpu.memory_space<hbm>> -> memref<4x1x2x128xi32, #tpu.memory_space<hbm>>
      %dma_wait3A_278 = tpu.memref_squeeze %dma_wait3A_277 : memref<4x1x2x128xi32, #tpu.memory_space<hbm>> -> memref<4x2x128xi32, #tpu.memory_space<hbm>>
      %dma_wait3A_279 = arith.constant 0 : i32
      %dma_wait3A_280 = arith.constant 0 : i32
      %dma_wait3A_281 = arith.constant 0 : i32
      %dma_wait3A_282 = tpu.memref_slice %arg2[%dma_wait3A_279, %add3A, %dma_wait3A_280, %dma_wait3A_281] : memref<4x32x2x128xi32, #tpu.memory_space<hbm>> -> memref<4x1x2x128xi32, #tpu.memory_space<hbm>>
      %dma_wait3A_283 = tpu.memref_squeeze %dma_wait3A_282 : memref<4x1x2x128xi32, #tpu.memory_space<hbm>> -> memref<4x2x128xi32, #tpu.memory_space<hbm>>
      tpu.wait_dma2 semaphore(%run_scoped3A : memref<!tpu.dma_semaphore, #tpu.memory_space<semaphore_mem>>) src(%dma_wait3A_283 : memref<4x2x128xi32, #tpu.memory_space<hbm>>) dst(%arg5 : memref<4x2x128xi32, #tpu.memory_space<vmem>>)
      tpu.yield
    }) : () -> ()
    %dma_start3A = arith.constant 0 : i32
    %dma_start3A_1 = arith.constant 0 : i32
    %dma_start3A_2 = arith.constant 0 : i32
    %dma_start3A_3 = arith.constant 0 : i32
    %dma_start3A_4 = arith.constant 0 : i32
    %dma_start3A_5 = tpu.memref_slice %arg6[%dma_start3A_2, %dma_start3A_3, %dma_start3A_4] : memref<3x128x256xf32, #tpu.memory_space<vmem>> -> memref<1x128x256xf32, #tpu.memory_space<vmem>>
    %dma_start3A_6 = tpu.memref_squeeze %dma_start3A_5 : memref<1x128x256xf32, #tpu.memory_space<vmem>> -> memref<128x256xf32, #tpu.memory_space<vmem>>
    %dma_start3A_7 = arith.constant 0 : i32
    %dma_start3A_8 = tpu.memref_slice %arg5[%dma_start3A, %dma_start3A_1, %dma_start3A_7] : memref<4x2x128xi32, #tpu.memory_space<vmem>> -> memref<1x1x128xi32, #tpu.memory_space<vmem>>
    %dma_start3A_9 = tpu.memref_squeeze %dma_start3A_8 : memref<1x1x128xi32, #tpu.memory_space<vmem>> -> memref<128xi32, #tpu.memory_space<vmem>>
    %dma_start3A_10 = arith.constant 0 : i32
    %dma_start3A_11 = arith.constant 0 : i32
    %dma_start3A_12 = tpu.memref_slice %arg3[%dma_start3A_10, %dma_start3A_11] : memref<100000x256xf32, #tpu.memory_space<hbm>> -> memref<100000x256xf32, #tpu.memory_space<hbm>>
    tpu.enqueue_indirect_dma source(%dma_start3A_12 : memref<100000x256xf32, #tpu.memory_space<hbm>>) target(%dma_start3A_6 : memref<128x256xf32, #tpu.memory_space<vmem>>) offsets(%dma_start3A_9 : memref<128xi32, #tpu.memory_space<vmem>>) semaphore(%arg8 : memref<!tpu.dma_semaphore, #tpu.memory_space<semaphore_mem>>)
    %dma_start3A_13 = arith.constant 0 : i32
    %dma_start3A_14 = arith.constant 1 : i32
    %dma_start3A_15 = arith.constant 1 : i32
    %dma_start3A_16 = arith.constant 0 : i32
    %dma_start3A_17 = arith.constant 0 : i32
    %dma_start3A_18 = tpu.memref_slice %arg6[%dma_start3A_15, %dma_start3A_16, %dma_start3A_17] : memref<3x128x256xf32, #tpu.memory_space<vmem>> -> memref<1x128x256xf32, #tpu.memory_space<vmem>>
    %dma_start3A_19 = tpu.memref_squeeze %dma_start3A_18 : memref<1x128x256xf32, #tpu.memory_space<vmem>> -> memref<128x256xf32, #tpu.memory_space<vmem>>
    %dma_start3A_20 = arith.constant 0 : i32
    %dma_start3A_21 = tpu.memref_slice %arg5[%dma_start3A_13, %dma_start3A_14, %dma_start3A_20] : memref<4x2x128xi32, #tpu.memory_space<vmem>> -> memref<1x1x128xi32, #tpu.memory_space<vmem>>
    %dma_start3A_22 = tpu.memref_squeeze %dma_start3A_21 : memref<1x1x128xi32, #tpu.memory_space<vmem>> -> memref<128xi32, #tpu.memory_space<vmem>>
    %dma_start3A_23 = arith.constant 0 : i32
    %dma_start3A_24 = arith.constant 0 : i32
    %dma_start3A_25 = tpu.memref_slice %arg3[%dma_start3A_23, %dma_start3A_24] : memref<100000x256xf32, #tpu.memory_space<hbm>> -> memref<100000x256xf32, #tpu.memory_space<hbm>>
    tpu.enqueue_indirect_dma source(%dma_start3A_25 : memref<100000x256xf32, #tpu.memory_space<hbm>>) target(%dma_start3A_19 : memref<128x256xf32, #tpu.memory_space<vmem>>) offsets(%dma_start3A_22 : memref<128xi32, #tpu.memory_space<vmem>>) semaphore(%arg9 : memref<!tpu.dma_semaphore, #tpu.memory_space<semaphore_mem>>)
    %dma_start3A_26 = arith.constant 1 : i32
    %dma_start3A_27 = arith.constant 0 : i32
    %dma_start3A_28 = arith.constant 2 : i32
    %dma_start3A_29 = arith.constant 0 : i32
    %dma_start3A_30 = arith.constant 0 : i32
    %dma_start3A_31 = tpu.memref_slice %arg6[%dma_start3A_28, %dma_start3A_29, %dma_start3A_30] : memref<3x128x256xf32, #tpu.memory_space<vmem>> -> memref<1x128x256xf32, #tpu.memory_space<vmem>>
    %dma_start3A_32 = tpu.memref_squeeze %dma_start3A_31 : memref<1x128x256xf32, #tpu.memory_space<vmem>> -> memref<128x256xf32, #tpu.memory_space<vmem>>
    %dma_start3A_33 = arith.constant 0 : i32
    %dma_start3A_34 = tpu.memref_slice %arg5[%dma_start3A_26, %dma_start3A_27, %dma_start3A_33] : memref<4x2x128xi32, #tpu.memory_space<vmem>> -> memref<1x1x128xi32, #tpu.memory_space<vmem>>
    %dma_start3A_35 = tpu.memref_squeeze %dma_start3A_34 : memref<1x1x128xi32, #tpu.memory_space<vmem>> -> memref<128xi32, #tpu.memory_space<vmem>>
    %dma_start3A_36 = arith.constant 0 : i32
    %dma_start3A_37 = arith.constant 0 : i32
    %dma_start3A_38 = tpu.memref_slice %arg3[%dma_start3A_36, %dma_start3A_37] : memref<100000x256xf32, #tpu.memory_space<hbm>> -> memref<100000x256xf32, #tpu.memory_space<hbm>>
    tpu.enqueue_indirect_dma source(%dma_start3A_38 : memref<100000x256xf32, #tpu.memory_space<hbm>>) target(%dma_start3A_32 : memref<128x256xf32, #tpu.memory_space<vmem>>) offsets(%dma_start3A_35 : memref<128xi32, #tpu.memory_space<vmem>>) semaphore(%arg10 : memref<!tpu.dma_semaphore, #tpu.memory_space<semaphore_mem>>)
    %dma_wait3A = arith.constant 0 : i32
    %dma_wait3A_39 = arith.constant 0 : i32
    %dma_wait3A_40 = arith.constant 0 : i32
    %dma_wait3A_41 = arith.constant 0 : i32
    %dma_wait3A_42 = arith.constant 0 : i32
    %dma_wait3A_43 = tpu.memref_slice %arg6[%dma_wait3A_40, %dma_wait3A_41, %dma_wait3A_42] : memref<3x128x256xf32, #tpu.memory_space<vmem>> -> memref<1x128x256xf32, #tpu.memory_space<vmem>>
    %dma_wait3A_44 = tpu.memref_squeeze %dma_wait3A_43 : memref<1x128x256xf32, #tpu.memory_space<vmem>> -> memref<128x256xf32, #tpu.memory_space<vmem>>
    %dma_wait3A_45 = arith.constant 0 : i32
    %dma_wait3A_46 = tpu.memref_slice %arg5[%dma_wait3A, %dma_wait3A_39, %dma_wait3A_45] : memref<4x2x128xi32, #tpu.memory_space<vmem>> -> memref<1x1x128xi32, #tpu.memory_space<vmem>>
    %dma_wait3A_47 = tpu.memref_squeeze %dma_wait3A_46 : memref<1x1x128xi32, #tpu.memory_space<vmem>> -> memref<128xi32, #tpu.memory_space<vmem>>
    %dma_wait3A_48 = arith.constant 0 : i32
    %dma_wait3A_49 = arith.constant 0 : i32
    %dma_wait3A_50 = tpu.memref_slice %arg3[%dma_wait3A_48, %dma_wait3A_49] : memref<100000x256xf32, #tpu.memory_space<hbm>> -> memref<100000x256xf32, #tpu.memory_space<hbm>>
    tpu.wait_indirect_dma semaphore(%arg8 : memref<!tpu.dma_semaphore, #tpu.memory_space<semaphore_mem>>) src(%dma_wait3A_50 : memref<100000x256xf32, #tpu.memory_space<hbm>>) dst(%dma_wait3A_44 : memref<128x256xf32, #tpu.memory_space<vmem>>)
    %scan3A = arith.constant 0 : i32
    %scan3A_51 = arith.constant 0 : i32
    %scan3A_52 = arith.constant 8 : i32
    %scan3A_53 = arith.addi %scan3A_51, %scan3A_52 : i32
    %scan3A_54 = arith.constant 1 : i32
    %scan3A_55 = scf.for %scan3A_264 = %scan3A_51 to %scan3A_53 step %scan3A_54 iter_args(%scan3A_265 = %scan3A) -> (i32)  : i32 {
      %mul3A_266 = arith.constant 16 : i32
      %mul3A_267 = arith.muli %scan3A_264, %mul3A_266 : i32
      %add3A_268 = arith.constant 0 : i32
      %add3A_269 = arith.addi %add3A_268, %scan3A_264 : i32
      %broadcast_in_dim3A = arith.constant 0.000000e+00 : f32
      %broadcast_in_dim3A_270 = vector.broadcast %broadcast_in_dim3A : f32 to vector<16xf32>
      %broadcast_in_dim3A_271 = arith.constant 0.000000e+00 : f32
      %broadcast_in_dim3A_272 = vector.broadcast %broadcast_in_dim3A_271 : f32 to vector<16xf32>
      %broadcast_in_dim3A_273 = arith.constant 0.000000e+00 : f32
      %broadcast_in_dim3A_274 = vector.broadcast %broadcast_in_dim3A_273 : f32 to vector<16xf32>
      %broadcast_in_dim3A_275 = arith.constant 0.000000e+00 : f32
      %broadcast_in_dim3A_276 = vector.broadcast %broadcast_in_dim3A_275 : f32 to vector<16xf32>
      %broadcast_in_dim3A_277 = arith.constant 0.000000e+00 : f32
      %broadcast_in_dim3A_278 = vector.broadcast %broadcast_in_dim3A_277 : f32 to vector<16xf32>
      %broadcast_in_dim3A_279 = arith.constant 0.000000e+00 : f32
      %broadcast_in_dim3A_280 = vector.broadcast %broadcast_in_dim3A_279 : f32 to vector<16xf32>
      %broadcast_in_dim3A_281 = arith.constant 0.000000e+00 : f32
      %broadcast_in_dim3A_282 = vector.broadcast %broadcast_in_dim3A_281 : f32 to vector<16xf32>
      %broadcast_in_dim3A_283 = arith.constant 0.000000e+00 : f32
      %broadcast_in_dim3A_284 = vector.broadcast %broadcast_in_dim3A_283 : f32 to vector<16xf32>
      %broadcast_in_dim3A_285 = arith.constant 0.000000e+00 : f32
      %broadcast_in_dim3A_286 = vector.broadcast %broadcast_in_dim3A_285 : f32 to vector<16xf32>
      %broadcast_in_dim3A_287 = arith.constant 0.000000e+00 : f32
      %broadcast_in_dim3A_288 = vector.broadcast %broadcast_in_dim3A_287 : f32 to vector<16xf32>
      %broadcast_in_dim3A_289 = arith.constant 0.000000e+00 : f32
      %broadcast_in_dim3A_290 = vector.broadcast %broadcast_in_dim3A_289 : f32 to vector<16xf32>
      %broadcast_in_dim3A_291 = arith.constant 0.000000e+00 : f32
      %broadcast_in_dim3A_292 = vector.broadcast %broadcast_in_dim3A_291 : f32 to vector<16xf32>
      %broadcast_in_dim3A_293 = arith.constant 0.000000e+00 : f32
      %broadcast_in_dim3A_294 = vector.broadcast %broadcast_in_dim3A_293 : f32 to vector<16xf32>
      %broadcast_in_dim3A_295 = arith.constant 0.000000e+00 : f32
      %broadcast_in_dim3A_296 = vector.broadcast %broadcast_in_dim3A_295 : f32 to vector<16xf32>
      %broadcast_in_dim3A_297 = arith.constant 0.000000e+00 : f32
      %broadcast_in_dim3A_298 = vector.broadcast %broadcast_in_dim3A_297 : f32 to vector<16xf32>
      %broadcast_in_dim3A_299 = arith.constant 0.000000e+00 : f32
      %broadcast_in_dim3A_300 = vector.broadcast %broadcast_in_dim3A_299 : f32 to vector<16xf32>
      %scan3A_301 = arith.constant 0 : i32
      %scan3A_302 = arith.constant 16 : i32
      %scan3A_303 = arith.addi %scan3A_301, %scan3A_302 : i32
      %scan3A_304 = arith.constant 1 : i32
      %scan3A_305:16 = scf.for %scan3A_387 = %scan3A_301 to %scan3A_303 step %scan3A_304 iter_args(%scan3A_388 = %broadcast_in_dim3A_270, %scan3A_389 = %broadcast_in_dim3A_272, %scan3A_390 = %broadcast_in_dim3A_274, %scan3A_391 = %broadcast_in_dim3A_276, %scan3A_392 = %broadcast_in_dim3A_278, %scan3A_393 = %broadcast_in_dim3A_280, %scan3A_394 = %broadcast_in_dim3A_282, %scan3A_395 = %broadcast_in_dim3A_284, %scan3A_396 = %broadcast_in_dim3A_286, %scan3A_397 = %broadcast_in_dim3A_288, %scan3A_398 = %broadcast_in_dim3A_290, %scan3A_399 = %broadcast_in_dim3A_292, %scan3A_400 = %broadcast_in_dim3A_294, %scan3A_401 = %broadcast_in_dim3A_296, %scan3A_402 = %broadcast_in_dim3A_298, %scan3A_403 = %broadcast_in_dim3A_300) -> (vector<16xf32>, vector<16xf32>, vector<16xf32>, vector<16xf32>, vector<16xf32>, vector<16xf32>, vector<16xf32>, vector<16xf32>, vector<16xf32>, vector<16xf32>, vector<16xf32>, vector<16xf32>, vector<16xf32>, vector<16xf32>, vector<16xf32>, vector<16xf32>)  : i32 {
        %add3A_404 = arith.addi %mul3A_267, %scan3A_387 : i32
        %get3A = arith.constant 0 : i32
        %get3A_405 = arith.index_cast %get3A : i32 to index
        %get3A_406 = arith.index_cast %add3A_404 : i32 to index
        %get3A_407 = arith.constant 0 : index
        %get3A_408 = tpu.vector_load %arg6[%get3A_405, %get3A_406, %get3A_407] {strides = array<i32>} : memref<3x128x256xf32, #tpu.memory_space<vmem>>, vector<1x1x16xf32>,
        %get3A_409 = vector.shape_cast %get3A_408 : vector<1x1x16xf32> to vector<16xf32>
        %mul3A_410 = arith.constant 6.553700e+04 : f32
        %mul3A_411 = vector.broadcast %mul3A_410 : f32 to vector<16xf32>
        %mul3A_412 = arith.mulf %get3A_409, %mul3A_411 : vector<16xf32>
        %sub3A = arith.subf %get3A_409, %mul3A_412 : vector<16xf32>
        %add3A_413 = arith.addf %mul3A_412, %sub3A : vector<16xf32>
        %add3A_414 = arith.addf %scan3A_388, %add3A_413 : vector<16xf32>
        %get3A_415 = arith.constant 0 : i32
        %get3A_416 = arith.index_cast %get3A_415 : i32 to index
        %get3A_417 = arith.index_cast %add3A_404 : i32 to index
        %get3A_418 = arith.constant 16 : index
        %get3A_419 = tpu.vector_load %arg6[%get3A_416, %get3A_417, %get3A_418] {strides = array<i32>} : memref<3x128x256xf32, #tpu.memory_space<vmem>>, vector<1x1x16xf32>,
        %get3A_420 = vector.shape_cast %get3A_419 : vector<1x1x16xf32> to vector<16xf32>
        %mul3A_421 = arith.constant 6.553700e+04 : f32
        %mul3A_422 = vector.broadcast %mul3A_421 : f32 to vector<16xf32>
        %mul3A_423 = arith.mulf %get3A_420, %mul3A_422 : vector<16xf32>
        %sub3A_424 = arith.subf %get3A_420, %mul3A_423 : vector<16xf32>
        %add3A_425 = arith.addf %mul3A_423, %sub3A_424 : vector<16xf32>
        %add3A_426 = arith.addf %scan3A_389, %add3A_425 : vector<16xf32>
        %get3A_427 = arith.constant 0 : i32
        %get3A_428 = arith.index_cast %get3A_427 : i32 to index
        %get3A_429 = arith.index_cast %add3A_404 : i32 to index
        %get3A_430 = arith.constant 32 : index
        %get3A_431 = tpu.vector_load %arg6[%get3A_428, %get3A_429, %get3A_430] {strides = array<i32>} : memref<3x128x256xf32, #tpu.memory_space<vmem>>, vector<1x1x16xf32>,
        %get3A_432 = vector.shape_cast %get3A_431 : vector<1x1x16xf32> to vector<16xf32>
        %mul3A_433 = arith.constant 6.553700e+04 : f32
        %mul3A_434 = vector.broadcast %mul3A_433 : f32 to vector<16xf32>
        %mul3A_435 = arith.mulf %get3A_432, %mul3A_434 : vector<16xf32>
        %sub3A_436 = arith.subf %get3A_432, %mul3A_435 : vector<16xf32>
        %add3A_437 = arith.addf %mul3A_435, %sub3A_436 : vector<16xf32>
        %add3A_438 = arith.addf %scan3A_390, %add3A_437 : vector<16xf32>
        %get3A_439 = arith.constant 0 : i32
        %get3A_440 = arith.index_cast %get3A_439 : i32 to index
        %get3A_441 = arith.index_cast %add3A_404 : i32 to index
        %get3A_442 = arith.constant 48 : index
        %get3A_443 = tpu.vector_load %arg6[%get3A_440, %get3A_441, %get3A_442] {strides = array<i32>} : memref<3x128x256xf32, #tpu.memory_space<vmem>>, vector<1x1x16xf32>,
        %get3A_444 = vector.shape_cast %get3A_443 : vector<1x1x16xf32> to vector<16xf32>
        %mul3A_445 = arith.constant 6.553700e+04 : f32
        %mul3A_446 = vector.broadcast %mul3A_445 : f32 to vector<16xf32>
        %mul3A_447 = arith.mulf %get3A_444, %mul3A_446 : vector<16xf32>
        %sub3A_448 = arith.subf %get3A_444, %mul3A_447 : vector<16xf32>
        %add3A_449 = arith.addf %mul3A_447, %sub3A_448 : vector<16xf32>
        %add3A_450 = arith.addf %scan3A_391, %add3A_449 : vector<16xf32>
        %get3A_451 = arith.constant 0 : i32
        %get3A_452 = arith.index_cast %get3A_451 : i32 to index
        %get3A_453 = arith.index_cast %add3A_404 : i32 to index
        %get3A_454 = arith.constant 64 : index
        %get3A_455 = tpu.vector_load %arg6[%get3A_452, %get3A_453, %get3A_454] {strides = array<i32>} : memref<3x128x256xf32, #tpu.memory_space<vmem>>, vector<1x1x16xf32>,
        %get3A_456 = vector.shape_cast %get3A_455 : vector<1x1x16xf32> to vector<16xf32>
        %mul3A_457 = arith.constant 6.553700e+04 : f32
        %mul3A_458 = vector.broadcast %mul3A_457 : f32 to vector<16xf32>
        %mul3A_459 = arith.mulf %get3A_456, %mul3A_458 : vector<16xf32>
        %sub3A_460 = arith.subf %get3A_456, %mul3A_459 : vector<16xf32>
        %add3A_461 = arith.addf %mul3A_459, %sub3A_460 : vector<16xf32>
        %add3A_462 = arith.addf %scan3A_392, %add3A_461 : vector<16xf32>
        %get3A_463 = arith.constant 0 : i32
        %get3A_464 = arith.index_cast %get3A_463 : i32 to index
        %get3A_465 = arith.index_cast %add3A_404 : i32 to index
        %get3A_466 = arith.constant 80 : index
        %get3A_467 = tpu.vector_load %arg6[%get3A_464, %get3A_465, %get3A_466] {strides = array<i32>} : memref<3x128x256xf32, #tpu.memory_space<vmem>>, vector<1x1x16xf32>,
        %get3A_468 = vector.shape_cast %get3A_467 : vector<1x1x16xf32> to vector<16xf32>
        %mul3A_469 = arith.constant 6.553700e+04 : f32
        %mul3A_470 = vector.broadcast %mul3A_469 : f32 to vector<16xf32>
        %mul3A_471 = arith.mulf %get3A_468, %mul3A_470 : vector<16xf32>
        %sub3A_472 = arith.subf %get3A_468, %mul3A_471 : vector<16xf32>
        %add3A_473 = arith.addf %mul3A_471, %sub3A_472 : vector<16xf32>
        %add3A_474 = arith.addf %scan3A_393, %add3A_473 : vector<16xf32>
        %get3A_475 = arith.constant 0 : i32
        %get3A_476 = arith.index_cast %get3A_475 : i32 to index
        %get3A_477 = arith.index_cast %add3A_404 : i32 to index
        %get3A_478 = arith.constant 96 : index
        %get3A_479 = tpu.vector_load %arg6[%get3A_476, %get3A_477, %get3A_478] {strides = array<i32>} : memref<3x128x256xf32, #tpu.memory_space<vmem>>, vector<1x1x16xf32>,
        %get3A_480 = vector.shape_cast %get3A_479 : vector<1x1x16xf32> to vector<16xf32>
        %mul3A_481 = arith.constant 6.553700e+04 : f32
        %mul3A_482 = vector.broadcast %mul3A_481 : f32 to vector<16xf32>
        %mul3A_483 = arith.mulf %get3A_480, %mul3A_482 : vector<16xf32>
        %sub3A_484 = arith.subf %get3A_480, %mul3A_483 : vector<16xf32>
        %add3A_485 = arith.addf %mul3A_483, %sub3A_484 : vector<16xf32>
        %add3A_486 = arith.addf %scan3A_394, %add3A_485 : vector<16xf32>
        %get3A_487 = arith.constant 0 : i32
        %get3A_488 = arith.index_cast %get3A_487 : i32 to index
        %get3A_489 = arith.index_cast %add3A_404 : i32 to index
        %get3A_490 = arith.constant 112 : index
        %get3A_491 = tpu.vector_load %arg6[%get3A_488, %get3A_489, %get3A_490] {strides = array<i32>} : memref<3x128x256xf32, #tpu.memory_space<vmem>>, vector<1x1x16xf32>,
        %get3A_492 = vector.shape_cast %get3A_491 : vector<1x1x16xf32> to vector<16xf32>
        %mul3A_493 = arith.constant 6.553700e+04 : f32
        %mul3A_494 = vector.broadcast %mul3A_493 : f32 to vector<16xf32>
        %mul3A_495 = arith.mulf %get3A_492, %mul3A_494 : vector<16xf32>
        %sub3A_496 = arith.subf %get3A_492, %mul3A_495 : vector<16xf32>
        %add3A_497 = arith.addf %mul3A_495, %sub3A_496 : vector<16xf32>
        %add3A_498 = arith.addf %scan3A_395, %add3A_497 : vector<16xf32>
        %get3A_499 = arith.constant 0 : i32
        %get3A_500 = arith.index_cast %get3A_499 : i32 to index
        %get3A_501 = arith.index_cast %add3A_404 : i32 to index
        %get3A_502 = arith.constant 128 : index
        %get3A_503 = tpu.vector_load %arg6[%get3A_500, %get3A_501, %get3A_502] {strides = array<i32>} : memref<3x128x256xf32, #tpu.memory_space<vmem>>, vector<1x1x16xf32>,
        %get3A_504 = vector.shape_cast %get3A_503 : vector<1x1x16xf32> to vector<16xf32>
        %mul3A_505 = arith.constant 6.553700e+04 : f32
        %mul3A_506 = vector.broadcast %mul3A_505 : f32 to vector<16xf32>
        %mul3A_507 = arith.mulf %get3A_504, %mul3A_506 : vector<16xf32>
        %sub3A_508 = arith.subf %get3A_504, %mul3A_507 : vector<16xf32>
        %add3A_509 = arith.addf %mul3A_507, %sub3A_508 : vector<16xf32>
        %add3A_510 = arith.addf %scan3A_396, %add3A_509 : vector<16xf32>
        %get3A_511 = arith.constant 0 : i32
        %get3A_512 = arith.index_cast %get3A_511 : i32 to index
        %get3A_513 = arith.index_cast %add3A_404 : i32 to index
        %get3A_514 = arith.constant 144 : index
        %get3A_515 = tpu.vector_load %arg6[%get3A_512, %get3A_513, %get3A_514] {strides = array<i32>} : memref<3x128x256xf32, #tpu.memory_space<vmem>>, vector<1x1x16xf32>,
        %get3A_516 = vector.shape_cast %get3A_515 : vector<1x1x16xf32> to vector<16xf32>
        %mul3A_517 = arith.constant 6.553700e+04 : f32
        %mul3A_518 = vector.broadcast %mul3A_517 : f32 to vector<16xf32>
        %mul3A_519 = arith.mulf %get3A_516, %mul3A_518 : vector<16xf32>
        %sub3A_520 = arith.subf %get3A_516, %mul3A_519 : vector<16xf32>
        %add3A_521 = arith.addf %mul3A_519, %sub3A_520 : vector<16xf32>
        %add3A_522 = arith.addf %scan3A_397, %add3A_521 : vector<16xf32>
        %get3A_523 = arith.constant 0 : i32
        %get3A_524 = arith.index_cast %get3A_523 : i32 to index
        %get3A_525 = arith.index_cast %add3A_404 : i32 to index
        %get3A_526 = arith.constant 160 : index
        %get3A_527 = tpu.vector_load %arg6[%get3A_524, %get3A_525, %get3A_526] {strides = array<i32>} : memref<3x128x256xf32, #tpu.memory_space<vmem>>, vector<1x1x16xf32>,
        %get3A_528 = vector.shape_cast %get3A_527 : vector<1x1x16xf32> to vector<16xf32>
        %mul3A_529 = arith.constant 6.553700e+04 : f32
        %mul3A_530 = vector.broadcast %mul3A_529 : f32 to vector<16xf32>
        %mul3A_531 = arith.mulf %get3A_528, %mul3A_530 : vector<16xf32>
        %sub3A_532 = arith.subf %get3A_528, %mul3A_531 : vector<16xf32>
        %add3A_533 = arith.addf %mul3A_531, %sub3A_532 : vector<16xf32>
        %add3A_534 = arith.addf %scan3A_398, %add3A_533 : vector<16xf32>
        %get3A_535 = arith.constant 0 : i32
        %get3A_536 = arith.index_cast %get3A_535 : i32 to index
        %get3A_537 = arith.index_cast %add3A_404 : i32 to index
        %get3A_538 = arith.constant 176 : index
        %get3A_539 = tpu.vector_load %arg6[%get3A_536, %get3A_537, %get3A_538] {strides = array<i32>} : memref<3x128x256xf32, #tpu.memory_space<vmem>>, vector<1x1x16xf32>,
        %get3A_540 = vector.shape_cast %get3A_539 : vector<1x1x16xf32> to vector<16xf32>
        %mul3A_541 = arith.constant 6.553700e+04 : f32
        %mul3A_542 = vector.broadcast %mul3A_541 : f32 to vector<16xf32>
        %mul3A_543 = arith.mulf %get3A_540, %mul3A_542 : vector<16xf32>
        %sub3A_544 = arith.subf %get3A_540, %mul3A_543 : vector<16xf32>
        %add3A_545 = arith.addf %mul3A_543, %sub3A_544 : vector<16xf32>
        %add3A_546 = arith.addf %scan3A_399, %add3A_545 : vector<16xf32>
        %get3A_547 = arith.constant 0 : i32
        %get3A_548 = arith.index_cast %get3A_547 : i32 to index
        %get3A_549 = arith.index_cast %add3A_404 : i32 to index
        %get3A_550 = arith.constant 192 : index
        %get3A_551 = tpu.vector_load %arg6[%get3A_548, %get3A_549, %get3A_550] {strides = array<i32>} : memref<3x128x256xf32, #tpu.memory_space<vmem>>, vector<1x1x16xf32>,
        %get3A_552 = vector.shape_cast %get3A_551 : vector<1x1x16xf32> to vector<16xf32>
        %mul3A_553 = arith.constant 6.553700e+04 : f32
        %mul3A_554 = vector.broadcast %mul3A_553 : f32 to vector<16xf32>
        %mul3A_555 = arith.mulf %get3A_552, %mul3A_554 : vector<16xf32>
        %sub3A_556 = arith.subf %get3A_552, %mul3A_555 : vector<16xf32>
        %add3A_557 = arith.addf %mul3A_555, %sub3A_556 : vector<16xf32>
        %add3A_558 = arith.addf %scan3A_400, %add3A_557 : vector<16xf32>
        %get3A_559 = arith.constant 0 : i32
        %get3A_560 = arith.index_cast %get3A_559 : i32 to index
        %get3A_561 = arith.index_cast %add3A_404 : i32 to index
        %get3A_562 = arith.constant 208 : index
        %get3A_563 = tpu.vector_load %arg6[%get3A_560, %get3A_561, %get3A_562] {strides = array<i32>} : memref<3x128x256xf32, #tpu.memory_space<vmem>>, vector<1x1x16xf32>,
        %get3A_564 = vector.shape_cast %get3A_563 : vector<1x1x16xf32> to vector<16xf32>
        %mul3A_565 = arith.constant 6.553700e+04 : f32
        %mul3A_566 = vector.broadcast %mul3A_565 : f32 to vector<16xf32>
        %mul3A_567 = arith.mulf %get3A_564, %mul3A_566 : vector<16xf32>
        %sub3A_568 = arith.subf %get3A_564, %mul3A_567 : vector<16xf32>
        %add3A_569 = arith.addf %mul3A_567, %sub3A_568 : vector<16xf32>
        %add3A_570 = arith.addf %scan3A_401, %add3A_569 : vector<16xf32>
        %get3A_571 = arith.constant 0 : i32
        %get3A_572 = arith.index_cast %get3A_571 : i32 to index
        %get3A_573 = arith.index_cast %add3A_404 : i32 to index
        %get3A_574 = arith.constant 224 : index
        %get3A_575 = tpu.vector_load %arg6[%get3A_572, %get3A_573, %get3A_574] {strides = array<i32>} : memref<3x128x256xf32, #tpu.memory_space<vmem>>, vector<1x1x16xf32>,
        %get3A_576 = vector.shape_cast %get3A_575 : vector<1x1x16xf32> to vector<16xf32>
        %mul3A_577 = arith.constant 6.553700e+04 : f32
        %mul3A_578 = vector.broadcast %mul3A_577 : f32 to vector<16xf32>
        %mul3A_579 = arith.mulf %get3A_576, %mul3A_578 : vector<16xf32>
        %sub3A_580 = arith.subf %get3A_576, %mul3A_579 : vector<16xf32>
        %add3A_581 = arith.addf %mul3A_579, %sub3A_580 : vector<16xf32>
        %add3A_582 = arith.addf %scan3A_402, %add3A_581 : vector<16xf32>
        %get3A_583 = arith.constant 0 : i32
        %get3A_584 = arith.index_cast %get3A_583 : i32 to index
        %get3A_585 = arith.index_cast %add3A_404 : i32 to index
        %get3A_586 = arith.constant 240 : index
        %get3A_587 = tpu.vector_load %arg6[%get3A_584, %get3A_585, %get3A_586] {strides = array<i32>} : memref<3x128x256xf32, #tpu.memory_space<vmem>>, vector<1x1x16xf32>,
        %get3A_588 = vector.shape_cast %get3A_587 : vector<1x1x16xf32> to vector<16xf32>
        %mul3A_589 = arith.constant 6.553700e+04 : f32
        %mul3A_590 = vector.broadcast %mul3A_589 : f32 to vector<16xf32>
        %mul3A_591 = arith.mulf %get3A_588, %mul3A_590 : vector<16xf32>
        %sub3A_592 = arith.subf %get3A_588, %mul3A_591 : vector<16xf32>
        %add3A_593 = arith.addf %mul3A_591, %sub3A_592 : vector<16xf32>
        %add3A_594 = arith.addf %scan3A_403, %add3A_593 : vector<16xf32>
        scf.yield %add3A_414, %add3A_426, %add3A_438, %add3A_450, %add3A_462, %add3A_474, %add3A_486, %add3A_498, %add3A_510, %add3A_522, %add3A_534, %add3A_546, %add3A_558, %add3A_570, %add3A_582, %add3A_594 : vector<16xf32>, vector<16xf32>, vector<16xf32>, vector<16xf32>, vector<16xf32>, vector<16xf32>, vector<16xf32>, vector<16xf32>, vector<16xf32>, vector<16xf32>, vector<16xf32>, vector<16xf32>, vector<16xf32>, vector<16xf32>, vector<16xf32>, vector<16xf32>
      }
      %scan3A_306 = arith.constant 16 : i32
      %swap3A = arith.index_cast %add3A_269 : i32 to index
      %swap3A_307 = arith.constant 0 : index
      %swap3A_308 = tpu.vector_load %arg7[%swap3A, %swap3A_307] {strides = array<i32>} : memref<16x256xf32, #tpu.memory_space<vmem>>, vector<1x16xf32>,
      %swap3A_309 = vector.shape_cast %swap3A_308 : vector<1x16xf32> to vector<16xf32>
      %swap3A_310 = vector.shape_cast %scan3A_305#0 : vector<16xf32> to vector<1x16xf32>
      tpu.vector_store %arg7[%swap3A, %swap3A_307], %swap3A_310 {strides = array<i32>} : memref<16x256xf32, #tpu.memory_space<vmem>>, vector<1x16xf32>,
      %swap3A_311 = arith.index_cast %add3A_269 : i32 to index
      %swap3A_312 = arith.constant 16 : index
      %swap3A_313 = tpu.vector_load %arg7[%swap3A_311, %swap3A_312] {strides = array<i32>} : memref<16x256xf32, #tpu.memory_space<vmem>>, vector<1x16xf32>,
      %swap3A_314 = vector.shape_cast %swap3A_313 : vector<1x16xf32> to vector<16xf32>
      %swap3A_315 = vector.shape_cast %scan3A_305#1 : vector<16xf32> to vector<1x16xf32>
      tpu.vector_store %arg7[%swap3A_311, %swap3A_312], %swap3A_315 {strides = array<i32>} : memref<16x256xf32, #tpu.memory_space<vmem>>, vector<1x16xf32>,
      %swap3A_316 = arith.index_cast %add3A_269 : i32 to index
      %swap3A_317 = arith.constant 32 : index
      %swap3A_318 = tpu.vector_load %arg7[%swap3A_316, %swap3A_317] {strides = array<i32>} : memref<16x256xf32, #tpu.memory_space<vmem>>, vector<1x16xf32>,
      %swap3A_319 = vector.shape_cast %swap3A_318 : vector<1x16xf32> to vector<16xf32>
      %swap3A_320 = vector.shape_cast %scan3A_305#2 : vector<16xf32> to vector<1x16xf32>
      tpu.vector_store %arg7[%swap3A_316, %swap3A_317], %swap3A_320 {strides = array<i32>} : memref<16x256xf32, #tpu.memory_space<vmem>>, vector<1x16xf32>,
      %swap3A_321 = arith.index_cast %add3A_269 : i32 to index
      %swap3A_322 = arith.constant 48 : index
      %swap3A_323 = tpu.vector_load %arg7[%swap3A_321, %swap3A_322] {strides = array<i32>} : memref<16x256xf32, #tpu.memory_space<vmem>>, vector<1x16xf32>,
      %swap3A_324 = vector.shape_cast %swap3A_323 : vector<1x16xf32> to vector<16xf32>
      %swap3A_325 = vector.shape_cast %scan3A_305#3 : vector<16xf32> to vector<1x16xf32>
      tpu.vector_store %arg7[%swap3A_321, %swap3A_322], %swap3A_325 {strides = array<i32>} : memref<16x256xf32, #tpu.memory_space<vmem>>, vector<1x16xf32>,
      %swap3A_326 = arith.index_cast %add3A_269 : i32 to index
      %swap3A_327 = arith.constant 64 : index
      %swap3A_328 = tpu.vector_load %arg7[%swap3A_326, %swap3A_327] {strides = array<i32>} : memref<16x256xf32, #tpu.memory_space<vmem>>, vector<1x16xf32>,
      %swap3A_329 = vector.shape_cast %swap3A_328 : vector<1x16xf32> to vector<16xf32>
      %swap3A_330 = vector.shape_cast %scan3A_305#4 : vector<16xf32> to vector<1x16xf32>
      tpu.vector_store %arg7[%swap3A_326, %swap3A_327], %swap3A_330 {strides = array<i32>} : memref<16x256xf32, #tpu.memory_space<vmem>>, vector<1x16xf32>,
      %swap3A_331 = arith.index_cast %add3A_269 : i32 to index
      %swap3A_332 = arith.constant 80 : index
      %swap3A_333 = tpu.vector_load %arg7[%swap3A_331, %swap3A_332] {strides = array<i32>} : memref<16x256xf32, #tpu.memory_space<vmem>>, vector<1x16xf32>,
      %swap3A_334 = vector.shape_cast %swap3A_333 : vector<1x16xf32> to vector<16xf32>
      %swap3A_335 = vector.shape_cast %scan3A_305#5 : vector<16xf32> to vector<1x16xf32>
      tpu.vector_store %arg7[%swap3A_331, %swap3A_332], %swap3A_335 {strides = array<i32>} : memref<16x256xf32, #tpu.memory_space<vmem>>, vector<1x16xf32>,
      %swap3A_336 = arith.index_cast %add3A_269 : i32 to index
      %swap3A_337 = arith.constant 96 : index
      %swap3A_338 = tpu.vector_load %arg7[%swap3A_336, %swap3A_337] {strides = array<i32>} : memref<16x256xf32, #tpu.memory_space<vmem>>, vector<1x16xf32>,
      %swap3A_339 = vector.shape_cast %swap3A_338 : vector<1x16xf32> to vector<16xf32>
      %swap3A_340 = vector.shape_cast %scan3A_305#6 : vector<16xf32> to vector<1x16xf32>
      tpu.vector_store %arg7[%swap3A_336, %swap3A_337], %swap3A_340 {strides = array<i32>} : memref<16x256xf32, #tpu.memory_space<vmem>>, vector<1x16xf32>,
      %swap3A_341 = arith.index_cast %add3A_269 : i32 to index
      %swap3A_342 = arith.constant 112 : index
      %swap3A_343 = tpu.vector_load %arg7[%swap3A_341, %swap3A_342] {strides = array<i32>} : memref<16x256xf32, #tpu.memory_space<vmem>>, vector<1x16xf32>,
      %swap3A_344 = vector.shape_cast %swap3A_343 : vector<1x16xf32> to vector<16xf32>
      %swap3A_345 = vector.shape_cast %scan3A_305#7 : vector<16xf32> to vector<1x16xf32>
      tpu.vector_store %arg7[%swap3A_341, %swap3A_342], %swap3A_345 {strides = array<i32>} : memref<16x256xf32, #tpu.memory_space<vmem>>, vector<1x16xf32>,
      %swap3A_346 = arith.index_cast %add3A_269 : i32 to index
      %swap3A_347 = arith.constant 128 : index
      %swap3A_348 = tpu.vector_load %arg7[%swap3A_346, %swap3A_347] {strides = array<i32>} : memref<16x256xf32, #tpu.memory_space<vmem>>, vector<1x16xf32>,
      %swap3A_349 = vector.shape_cast %swap3A_348 : vector<1x16xf32> to vector<16xf32>
      %swap3A_350 = vector.shape_cast %scan3A_305#8 : vector<16xf32> to vector<1x16xf32>
      tpu.vector_store %arg7[%swap3A_346, %swap3A_347], %swap3A_350 {strides = array<i32>} : memref<16x256xf32, #tpu.memory_space<vmem>>, vector<1x16xf32>,
      %swap3A_351 = arith.index_cast %add3A_269 : i32 to index
      %swap3A_352 = arith.constant 144 : index
      %swap3A_353 = tpu.vector_load %arg7[%swap3A_351, %swap3A_352] {strides = array<i32>} : memref<16x256xf32, #tpu.memory_space<vmem>>, vector<1x16xf32>,
      %swap3A_354 = vector.shape_cast %swap3A_353 : vector<1x16xf32> to vector<16xf32>
      %swap3A_355 = vector.shape_cast %scan3A_305#9 : vector<16xf32> to vector<1x16xf32>
      tpu.vector_store %arg7[%swap3A_351, %swap3A_352], %swap3A_355 {strides = array<i32>} : memref<16x256xf32, #tpu.memory_space<vmem>>, vector<1x16xf32>,
      %swap3A_356 = arith.index_cast %add3A_269 : i32 to index
      %swap3A_357 = arith.constant 160 : index
      %swap3A_358 = tpu.vector_load %arg7[%swap3A_356, %swap3A_357] {strides = array<i32>} : memref<16x256xf32, #tpu.memory_space<vmem>>, vector<1x16xf32>,
      %swap3A_359 = vector.shape_cast %swap3A_358 : vector<1x16xf32> to vector<16xf32>
      %swap3A_360 = vector.shape_cast %scan3A_305#10 : vector<16xf32> to vector<1x16xf32>
      tpu.vector_store %arg7[%swap3A_356, %swap3A_357], %swap3A_360 {strides = array<i32>} : memref<16x256xf32, #tpu.memory_space<vmem>>, vector<1x16xf32>,
      %swap3A_361 = arith.index_cast %add3A_269 : i32 to index
      %swap3A_362 = arith.constant 176 : index
      %swap3A_363 = tpu.vector_load %arg7[%swap3A_361, %swap3A_362] {strides = array<i32>} : memref<16x256xf32, #tpu.memory_space<vmem>>, vector<1x16xf32>,
      %swap3A_364 = vector.shape_cast %swap3A_363 : vector<1x16xf32> to vector<16xf32>
      %swap3A_365 = vector.shape_cast %scan3A_305#11 : vector<16xf32> to vector<1x16xf32>
      tpu.vector_store %arg7[%swap3A_361, %swap3A_362], %swap3A_365 {strides = array<i32>} : memref<16x256xf32, #tpu.memory_space<vmem>>, vector<1x16xf32>,
      %swap3A_366 = arith.index_cast %add3A_269 : i32 to index
      %swap3A_367 = arith.constant 192 : index
      %swap3A_368 = tpu.vector_load %arg7[%swap3A_366, %swap3A_367] {strides = array<i32>} : memref<16x256xf32, #tpu.memory_space<vmem>>, vector<1x16xf32>,
      %swap3A_369 = vector.shape_cast %swap3A_368 : vector<1x16xf32> to vector<16xf32>
      %swap3A_370 = vector.shape_cast %scan3A_305#12 : vector<16xf32> to vector<1x16xf32>
      tpu.vector_store %arg7[%swap3A_366, %swap3A_367], %swap3A_370 {strides = array<i32>} : memref<16x256xf32, #tpu.memory_space<vmem>>, vector<1x16xf32>,
      %swap3A_371 = arith.index_cast %add3A_269 : i32 to index
      %swap3A_372 = arith.constant 208 : index
      %swap3A_373 = tpu.vector_load %arg7[%swap3A_371, %swap3A_372] {strides = array<i32>} : memref<16x256xf32, #tpu.memory_space<vmem>>, vector<1x16xf32>,
      %swap3A_374 = vector.shape_cast %swap3A_373 : vector<1x16xf32> to vector<16xf32>
      %swap3A_375 = vector.shape_cast %scan3A_305#13 : vector<16xf32> to vector<1x16xf32>
      tpu.vector_store %arg7[%swap3A_371, %swap3A_372], %swap3A_375 {strides = array<i32>} : memref<16x256xf32, #tpu.memory_space<vmem>>, vector<1x16xf32>,
      %swap3A_376 = arith.index_cast %add3A_269 : i32 to index
      %swap3A_377 = arith.constant 224 : index
      %swap3A_378 = tpu.vector_load %arg7[%swap3A_376, %swap3A_377] {strides = array<i32>} : memref<16x256xf32, #tpu.memory_space<vmem>>, vector<1x16xf32>,
      %swap3A_379 = vector.shape_cast %swap3A_378 : vector<1x16xf32> to vector<16xf32>
      %swap3A_380 = vector.shape_cast %scan3A_305#14 : vector<16xf32> to vector<1x16xf32>
      tpu.vector_store %arg7[%swap3A_376, %swap3A_377], %swap3A_380 {strides = array<i32>} : memref<16x256xf32, #tpu.memory_space<vmem>>, vector<1x16xf32>,
      %swap3A_381 = arith.index_cast %add3A_269 : i32 to index
      %swap3A_382 = arith.constant 240 : index
      %swap3A_383 = tpu.vector_load %arg7[%swap3A_381, %swap3A_382] {strides = array<i32>} : memref<16x256xf32, #tpu.memory_space<vmem>>, vector<1x16xf32>,
      %swap3A_384 = vector.shape_cast %swap3A_383 : vector<1x16xf32> to vector<16xf32>
      %swap3A_385 = vector.shape_cast %scan3A_305#15 : vector<16xf32> to vector<1x16xf32>
      tpu.vector_store %arg7[%swap3A_381, %swap3A_382], %swap3A_385 {strides = array<i32>} : memref<16x256xf32, #tpu.memory_space<vmem>>, vector<1x16xf32>,
      %scan3A_386 = arith.constant 0 : i32
      scf.yield %scan3A_386 : i32
    }
    %scan3A_56 = arith.constant 8 : i32
    %dma_start3A_57 = arith.constant 1 : i32
    %dma_start3A_58 = arith.constant 1 : i32
    %dma_start3A_59 = arith.constant 0 : i32
    %dma_start3A_60 = arith.constant 0 : i32
    %dma_start3A_61 = arith.constant 0 : i32
    %dma_start3A_62 = tpu.memref_slice %arg6[%dma_start3A_59, %dma_start3A_60, %dma_start3A_61] : memref<3x128x256xf32, #tpu.memory_space<vmem>> -> memref<1x128x256xf32, #tpu.memory_space<vmem>>
    %dma_start3A_63 = tpu.memref_squeeze %dma_start3A_62 : memref<1x128x256xf32, #tpu.memory_space<vmem>> -> memref<128x256xf32, #tpu.memory_space<vmem>>
    %dma_start3A_64 = arith.constant 0 : i32
    %dma_start3A_65 = tpu.memref_slice %arg5[%dma_start3A_57, %dma_start3A_58, %dma_start3A_64] : memref<4x2x128xi32, #tpu.memory_space<vmem>> -> memref<1x1x128xi32, #tpu.memory_space<vmem>>
    %dma_start3A_66 = tpu.memref_squeeze %dma_start3A_65 : memref<1x1x128xi32, #tpu.memory_space<vmem>> -> memref<128xi32, #tpu.memory_space<vmem>>
    %dma_start3A_67 = arith.constant 0 : i32
    %dma_start3A_68 = arith.constant 0 : i32
    %dma_start3A_69 = tpu.memref_slice %arg3[%dma_start3A_67, %dma_start3A_68] : memref<100000x256xf32, #tpu.memory_space<hbm>> -> memref<100000x256xf32, #tpu.memory_space<hbm>>
    tpu.enqueue_indirect_dma source(%dma_start3A_69 : memref<100000x256xf32, #tpu.memory_space<hbm>>) target(%dma_start3A_63 : memref<128x256xf32, #tpu.memory_space<vmem>>) offsets(%dma_start3A_66 : memref<128xi32, #tpu.memory_space<vmem>>) semaphore(%arg8 : memref<!tpu.dma_semaphore, #tpu.memory_space<semaphore_mem>>)
    %dma_wait3A_70 = arith.constant 0 : i32
    %dma_wait3A_71 = arith.constant 1 : i32
    %dma_wait3A_72 = arith.constant 1 : i32
    %dma_wait3A_73 = arith.constant 0 : i32
    %dma_wait3A_74 = arith.constant 0 : i32
    %dma_wait3A_75 = tpu.memref_slice %arg6[%dma_wait3A_72, %dma_wait3A_73, %dma_wait3A_74] : memref<3x128x256xf32, #tpu.memory_space<vmem>> -> memref<1x128x256xf32, #tpu.memory_space<vmem>>
    %dma_wait3A_76 = tpu.memref_squeeze %dma_wait3A_75 : memref<1x128x256xf32, #tpu.memory_space<vmem>> -> memref<128x256xf32, #tpu.memory_space<vmem>>
    %dma_wait3A_77 = arith.constant 0 : i32
    %dma_wait3A_78 = tpu.memref_slice %arg5[%dma_wait3A_70, %dma_wait3A_71, %dma_wait3A_77] : memref<4x2x128xi32, #tpu.memory_space<vmem>> -> memref<1x1x128xi32, #tpu.memory_space<vmem>>
    %dma_wait3A_79 = tpu.memref_squeeze %dma_wait3A_78 : memref<1x1x128xi32, #tpu.memory_space<vmem>> -> memref<128xi32, #tpu.memory_space<vmem>>
    %dma_wait3A_80 = arith.constant 0 : i32
    %dma_wait3A_81 = arith.constant 0 : i32
    %dma_wait3A_82 = tpu.memref_slice %arg3[%dma_wait3A_80, %dma_wait3A_81] : memref<100000x256xf32, #tpu.memory_space<hbm>> -> memref<100000x256xf32, #tpu.memory_space<hbm>>
    tpu.wait_indirect_dma semaphore(%arg9 : memref<!tpu.dma_semaphore, #tpu.memory_space<semaphore_mem>>) src(%dma_wait3A_82 : memref<100000x256xf32, #tpu.memory_space<hbm>>) dst(%dma_wait3A_76 : memref<128x256xf32, #tpu.memory_space<vmem>>)
    %scan3A_83 = arith.constant 0 : i32
    %scan3A_84 = arith.constant 0 : i32
    %scan3A_85 = arith.constant 8 : i32
    %scan3A_86 = arith.addi %scan3A_84, %scan3A_85 : i32
    %scan3A_87 = arith.constant 1 : i32
    %scan3A_88 = scf.for %scan3A_264 = %scan3A_84 to %scan3A_86 step %scan3A_87 iter_args(%scan3A_265 = %scan3A_83) -> (i32)  : i32 {
      %mul3A_266 = arith.constant 16 : i32
      %mul3A_267 = arith.muli %scan3A_264, %mul3A_266 : i32
      %add3A_268 = arith.constant 8 : i32
      %add3A_269 = arith.addi %add3A_268, %scan3A_264 : i32
      %broadcast_in_dim3A = arith.constant 0.000000e+00 : f32
      %broadcast_in_dim3A_270 = vector.broadcast %broadcast_in_dim3A : f32 to vector<16xf32>
      %broadcast_in_dim3A_271 = arith.constant 0.000000e+00 : f32
      %broadcast_in_dim3A_272 = vector.broadcast %broadcast_in_dim3A_271 : f32 to vector<16xf32>
      %broadcast_in_dim3A_273 = arith.constant 0.000000e+00 : f32
      %broadcast_in_dim3A_274 = vector.broadcast %broadcast_in_dim3A_273 : f32 to vector<16xf32>
      %broadcast_in_dim3A_275 = arith.constant 0.000000e+00 : f32
      %broadcast_in_dim3A_276 = vector.broadcast %broadcast_in_dim3A_275 : f32 to vector<16xf32>
      %broadcast_in_dim3A_277 = arith.constant 0.000000e+00 : f32
      %broadcast_in_dim3A_278 = vector.broadcast %broadcast_in_dim3A_277 : f32 to vector<16xf32>
      %broadcast_in_dim3A_279 = arith.constant 0.000000e+00 : f32
      %broadcast_in_dim3A_280 = vector.broadcast %broadcast_in_dim3A_279 : f32 to vector<16xf32>
      %broadcast_in_dim3A_281 = arith.constant 0.000000e+00 : f32
      %broadcast_in_dim3A_282 = vector.broadcast %broadcast_in_dim3A_281 : f32 to vector<16xf32>
      %broadcast_in_dim3A_283 = arith.constant 0.000000e+00 : f32
      %broadcast_in_dim3A_284 = vector.broadcast %broadcast_in_dim3A_283 : f32 to vector<16xf32>
      %broadcast_in_dim3A_285 = arith.constant 0.000000e+00 : f32
      %broadcast_in_dim3A_286 = vector.broadcast %broadcast_in_dim3A_285 : f32 to vector<16xf32>
      %broadcast_in_dim3A_287 = arith.constant 0.000000e+00 : f32
      %broadcast_in_dim3A_288 = vector.broadcast %broadcast_in_dim3A_287 : f32 to vector<16xf32>
      %broadcast_in_dim3A_289 = arith.constant 0.000000e+00 : f32
      %broadcast_in_dim3A_290 = vector.broadcast %broadcast_in_dim3A_289 : f32 to vector<16xf32>
      %broadcast_in_dim3A_291 = arith.constant 0.000000e+00 : f32
      %broadcast_in_dim3A_292 = vector.broadcast %broadcast_in_dim3A_291 : f32 to vector<16xf32>
      %broadcast_in_dim3A_293 = arith.constant 0.000000e+00 : f32
      %broadcast_in_dim3A_294 = vector.broadcast %broadcast_in_dim3A_293 : f32 to vector<16xf32>
      %broadcast_in_dim3A_295 = arith.constant 0.000000e+00 : f32
      %broadcast_in_dim3A_296 = vector.broadcast %broadcast_in_dim3A_295 : f32 to vector<16xf32>
      %broadcast_in_dim3A_297 = arith.constant 0.000000e+00 : f32
      %broadcast_in_dim3A_298 = vector.broadcast %broadcast_in_dim3A_297 : f32 to vector<16xf32>
      %broadcast_in_dim3A_299 = arith.constant 0.000000e+00 : f32
      %broadcast_in_dim3A_300 = vector.broadcast %broadcast_in_dim3A_299 : f32 to vector<16xf32>
      %scan3A_301 = arith.constant 0 : i32
      %scan3A_302 = arith.constant 16 : i32
      %scan3A_303 = arith.addi %scan3A_301, %scan3A_302 : i32
      %scan3A_304 = arith.constant 1 : i32
      %scan3A_305:16 = scf.for %scan3A_387 = %scan3A_301 to %scan3A_303 step %scan3A_304 iter_args(%scan3A_388 = %broadcast_in_dim3A_270, %scan3A_389 = %broadcast_in_dim3A_272, %scan3A_390 = %broadcast_in_dim3A_274, %scan3A_391 = %broadcast_in_dim3A_276, %scan3A_392 = %broadcast_in_dim3A_278, %scan3A_393 = %broadcast_in_dim3A_280, %scan3A_394 = %broadcast_in_dim3A_282, %scan3A_395 = %broadcast_in_dim3A_284, %scan3A_396 = %broadcast_in_dim3A_286, %scan3A_397 = %broadcast_in_dim3A_288, %scan3A_398 = %broadcast_in_dim3A_290, %scan3A_399 = %broadcast_in_dim3A_292, %scan3A_400 = %broadcast_in_dim3A_294, %scan3A_401 = %broadcast_in_dim3A_296, %scan3A_402 = %broadcast_in_dim3A_298, %scan3A_403 = %broadcast_in_dim3A_300) -> (vector<16xf32>, vector<16xf32>, vector<16xf32>, vector<16xf32>, vector<16xf32>, vector<16xf32>, vector<16xf32>, vector<16xf32>, vector<16xf32>, vector<16xf32>, vector<16xf32>, vector<16xf32>, vector<16xf32>, vector<16xf32>, vector<16xf32>, vector<16xf32>)  : i32 {
        %add3A_404 = arith.addi %mul3A_267, %scan3A_387 : i32
        %get3A = arith.constant 1 : i32
        %get3A_405 = arith.index_cast %get3A : i32 to index
        %get3A_406 = arith.index_cast %add3A_404 : i32 to index
        %get3A_407 = arith.constant 0 : index
        %get3A_408 = tpu.vector_load %arg6[%get3A_405, %get3A_406, %get3A_407] {strides = array<i32>} : memref<3x128x256xf32, #tpu.memory_space<vmem>>, vector<1x1x16xf32>,
        %get3A_409 = vector.shape_cast %get3A_408 : vector<1x1x16xf32> to vector<16xf32>
        %mul3A_410 = arith.constant 6.553700e+04 : f32
        %mul3A_411 = vector.broadcast %mul3A_410 : f32 to vector<16xf32>
        %mul3A_412 = arith.mulf %get3A_409, %mul3A_411 : vector<16xf32>
        %sub3A = arith.subf %get3A_409, %mul3A_412 : vector<16xf32>
        %add3A_413 = arith.addf %mul3A_412, %sub3A : vector<16xf32>
        %add3A_414 = arith.addf %scan3A_388, %add3A_413 : vector<16xf32>
        %get3A_415 = arith.constant 1 : i32
        %get3A_416 = arith.index_cast %get3A_415 : i32 to index
        %get3A_417 = arith.index_cast %add3A_404 : i32 to index
        %get3A_418 = arith.constant 16 : index
        %get3A_419 = tpu.vector_load %arg6[%get3A_416, %get3A_417, %get3A_418] {strides = array<i32>} : memref<3x128x256xf32, #tpu.memory_space<vmem>>, vector<1x1x16xf32>,
        %get3A_420 = vector.shape_cast %get3A_419 : vector<1x1x16xf32> to vector<16xf32>
        %mul3A_421 = arith.constant 6.553700e+04 : f32
        %mul3A_422 = vector.broadcast %mul3A_421 : f32 to vector<16xf32>
        %mul3A_423 = arith.mulf %get3A_420, %mul3A_422 : vector<16xf32>
        %sub3A_424 = arith.subf %get3A_420, %mul3A_423 : vector<16xf32>
        %add3A_425 = arith.addf %mul3A_423, %sub3A_424 : vector<16xf32>
        %add3A_426 = arith.addf %scan3A_389, %add3A_425 : vector<16xf32>
        %get3A_427 = arith.constant 1 : i32
        %get3A_428 = arith.index_cast %get3A_427 : i32 to index
        %get3A_429 = arith.index_cast %add3A_404 : i32 to index
        %get3A_430 = arith.constant 32 : index
        %get3A_431 = tpu.vector_load %arg6[%get3A_428, %get3A_429, %get3A_430] {strides = array<i32>} : memref<3x128x256xf32, #tpu.memory_space<vmem>>, vector<1x1x16xf32>,
        %get3A_432 = vector.shape_cast %get3A_431 : vector<1x1x16xf32> to vector<16xf32>
        %mul3A_433 = arith.constant 6.553700e+04 : f32
        %mul3A_434 = vector.broadcast %mul3A_433 : f32 to vector<16xf32>
        %mul3A_435 = arith.mulf %get3A_432, %mul3A_434 : vector<16xf32>
        %sub3A_436 = arith.subf %get3A_432, %mul3A_435 : vector<16xf32>
        %add3A_437 = arith.addf %mul3A_435, %sub3A_436 : vector<16xf32>
        %add3A_438 = arith.addf %scan3A_390, %add3A_437 : vector<16xf32>
        %get3A_439 = arith.constant 1 : i32
        %get3A_440 = arith.index_cast %get3A_439 : i32 to index
        %get3A_441 = arith.index_cast %add3A_404 : i32 to index
        %get3A_442 = arith.constant 48 : index
        %get3A_443 = tpu.vector_load %arg6[%get3A_440, %get3A_441, %get3A_442] {strides = array<i32>} : memref<3x128x256xf32, #tpu.memory_space<vmem>>, vector<1x1x16xf32>,
        %get3A_444 = vector.shape_cast %get3A_443 : vector<1x1x16xf32> to vector<16xf32>
        %mul3A_445 = arith.constant 6.553700e+04 : f32
        %mul3A_446 = vector.broadcast %mul3A_445 : f32 to vector<16xf32>
        %mul3A_447 = arith.mulf %get3A_444, %mul3A_446 : vector<16xf32>
        %sub3A_448 = arith.subf %get3A_444, %mul3A_447 : vector<16xf32>
        %add3A_449 = arith.addf %mul3A_447, %sub3A_448 : vector<16xf32>
        %add3A_450 = arith.addf %scan3A_391, %add3A_449 : vector<16xf32>
        %get3A_451 = arith.constant 1 : i32
        %get3A_452 = arith.index_cast %get3A_451 : i32 to index
        %get3A_453 = arith.index_cast %add3A_404 : i32 to index
        %get3A_454 = arith.constant 64 : index
        %get3A_455 = tpu.vector_load %arg6[%get3A_452, %get3A_453, %get3A_454] {strides = array<i32>} : memref<3x128x256xf32, #tpu.memory_space<vmem>>, vector<1x1x16xf32>,
        %get3A_456 = vector.shape_cast %get3A_455 : vector<1x1x16xf32> to vector<16xf32>
        %mul3A_457 = arith.constant 6.553700e+04 : f32
        %mul3A_458 = vector.broadcast %mul3A_457 : f32 to vector<16xf32>
        %mul3A_459 = arith.mulf %get3A_456, %mul3A_458 : vector<16xf32>
        %sub3A_460 = arith.subf %get3A_456, %mul3A_459 : vector<16xf32>
        %add3A_461 = arith.addf %mul3A_459, %sub3A_460 : vector<16xf32>
        %add3A_462 = arith.addf %scan3A_392, %add3A_461 : vector<16xf32>
        %get3A_463 = arith.constant 1 : i32
        %get3A_464 = arith.index_cast %get3A_463 : i32 to index
        %get3A_465 = arith.index_cast %add3A_404 : i32 to index
        %get3A_466 = arith.constant 80 : index
        %get3A_467 = tpu.vector_load %arg6[%get3A_464, %get3A_465, %get3A_466] {strides = array<i32>} : memref<3x128x256xf32, #tpu.memory_space<vmem>>, vector<1x1x16xf32>,
        %get3A_468 = vector.shape_cast %get3A_467 : vector<1x1x16xf32> to vector<16xf32>
        %mul3A_469 = arith.constant 6.553700e+04 : f32
        %mul3A_470 = vector.broadcast %mul3A_469 : f32 to vector<16xf32>
        %mul3A_471 = arith.mulf %get3A_468, %mul3A_470 : vector<16xf32>
        %sub3A_472 = arith.subf %get3A_468, %mul3A_471 : vector<16xf32>
        %add3A_473 = arith.addf %mul3A_471, %sub3A_472 : vector<16xf32>
        %add3A_474 = arith.addf %scan3A_393, %add3A_473 : vector<16xf32>
        %get3A_475 = arith.constant 1 : i32
        %get3A_476 = arith.index_cast %get3A_475 : i32 to index
        %get3A_477 = arith.index_cast %add3A_404 : i32 to index
        %get3A_478 = arith.constant 96 : index
        %get3A_479 = tpu.vector_load %arg6[%get3A_476, %get3A_477, %get3A_478] {strides = array<i32>} : memref<3x128x256xf32, #tpu.memory_space<vmem>>, vector<1x1x16xf32>,
        %get3A_480 = vector.shape_cast %get3A_479 : vector<1x1x16xf32> to vector<16xf32>
        %mul3A_481 = arith.constant 6.553700e+04 : f32
        %mul3A_482 = vector.broadcast %mul3A_481 : f32 to vector<16xf32>
        %mul3A_483 = arith.mulf %get3A_480, %mul3A_482 : vector<16xf32>
        %sub3A_484 = arith.subf %get3A_480, %mul3A_483 : vector<16xf32>
        %add3A_485 = arith.addf %mul3A_483, %sub3A_484 : vector<16xf32>
        %add3A_486 = arith.addf %scan3A_394, %add3A_485 : vector<16xf32>
        %get3A_487 = arith.constant 1 : i32
        %get3A_488 = arith.index_cast %get3A_487 : i32 to index
        %get3A_489 = arith.index_cast %add3A_404 : i32 to index
        %get3A_490 = arith.constant 112 : index
        %get3A_491 = tpu.vector_load %arg6[%get3A_488, %get3A_489, %get3A_490] {strides = array<i32>} : memref<3x128x256xf32, #tpu.memory_space<vmem>>, vector<1x1x16xf32>,
        %get3A_492 = vector.shape_cast %get3A_491 : vector<1x1x16xf32> to vector<16xf32>
        %mul3A_493 = arith.constant 6.553700e+04 : f32
        %mul3A_494 = vector.broadcast %mul3A_493 : f32 to vector<16xf32>
        %mul3A_495 = arith.mulf %get3A_492, %mul3A_494 : vector<16xf32>
        %sub3A_496 = arith.subf %get3A_492, %mul3A_495 : vector<16xf32>
        %add3A_497 = arith.addf %mul3A_495, %sub3A_496 : vector<16xf32>
        %add3A_498 = arith.addf %scan3A_395, %add3A_497 : vector<16xf32>
        %get3A_499 = arith.constant 1 : i32
        %get3A_500 = arith.index_cast %get3A_499 : i32 to index
        %get3A_501 = arith.index_cast %add3A_404 : i32 to index
        %get3A_502 = arith.constant 128 : index
        %get3A_503 = tpu.vector_load %arg6[%get3A_500, %get3A_501, %get3A_502] {strides = array<i32>} : memref<3x128x256xf32, #tpu.memory_space<vmem>>, vector<1x1x16xf32>,
        %get3A_504 = vector.shape_cast %get3A_503 : vector<1x1x16xf32> to vector<16xf32>
        %mul3A_505 = arith.constant 6.553700e+04 : f32
        %mul3A_506 = vector.broadcast %mul3A_505 : f32 to vector<16xf32>
        %mul3A_507 = arith.mulf %get3A_504, %mul3A_506 : vector<16xf32>
        %sub3A_508 = arith.subf %get3A_504, %mul3A_507 : vector<16xf32>
        %add3A_509 = arith.addf %mul3A_507, %sub3A_508 : vector<16xf32>
        %add3A_510 = arith.addf %scan3A_396, %add3A_509 : vector<16xf32>
        %get3A_511 = arith.constant 1 : i32
        %get3A_512 = arith.index_cast %get3A_511 : i32 to index
        %get3A_513 = arith.index_cast %add3A_404 : i32 to index
        %get3A_514 = arith.constant 144 : index
        %get3A_515 = tpu.vector_load %arg6[%get3A_512, %get3A_513, %get3A_514] {strides = array<i32>} : memref<3x128x256xf32, #tpu.memory_space<vmem>>, vector<1x1x16xf32>,
        %get3A_516 = vector.shape_cast %get3A_515 : vector<1x1x16xf32> to vector<16xf32>
        %mul3A_517 = arith.constant 6.553700e+04 : f32
        %mul3A_518 = vector.broadcast %mul3A_517 : f32 to vector<16xf32>
        %mul3A_519 = arith.mulf %get3A_516, %mul3A_518 : vector<16xf32>
        %sub3A_520 = arith.subf %get3A_516, %mul3A_519 : vector<16xf32>
        %add3A_521 = arith.addf %mul3A_519, %sub3A_520 : vector<16xf32>
        %add3A_522 = arith.addf %scan3A_397, %add3A_521 : vector<16xf32>
        %get3A_523 = arith.constant 1 : i32
        %get3A_524 = arith.index_cast %get3A_523 : i32 to index
        %get3A_525 = arith.index_cast %add3A_404 : i32 to index
        %get3A_526 = arith.constant 160 : index
        %get3A_527 = tpu.vector_load %arg6[%get3A_524, %get3A_525, %get3A_526] {strides = array<i32>} : memref<3x128x256xf32, #tpu.memory_space<vmem>>, vector<1x1x16xf32>,
        %get3A_528 = vector.shape_cast %get3A_527 : vector<1x1x16xf32> to vector<16xf32>
        %mul3A_529 = arith.constant 6.553700e+04 : f32
        %mul3A_530 = vector.broadcast %mul3A_529 : f32 to vector<16xf32>
        %mul3A_531 = arith.mulf %get3A_528, %mul3A_530 : vector<16xf32>
        %sub3A_532 = arith.subf %get3A_528, %mul3A_531 : vector<16xf32>
        %add3A_533 = arith.addf %mul3A_531, %sub3A_532 : vector<16xf32>
        %add3A_534 = arith.addf %scan3A_398, %add3A_533 : vector<16xf32>
        %get3A_535 = arith.constant 1 : i32
        %get3A_536 = arith.index_cast %get3A_535 : i32 to index
        %get3A_537 = arith.index_cast %add3A_404 : i32 to index
        %get3A_538 = arith.constant 176 : index
        %get3A_539 = tpu.vector_load %arg6[%get3A_536, %get3A_537, %get3A_538] {strides = array<i32>} : memref<3x128x256xf32, #tpu.memory_space<vmem>>, vector<1x1x16xf32>,
        %get3A_540 = vector.shape_cast %get3A_539 : vector<1x1x16xf32> to vector<16xf32>
        %mul3A_541 = arith.constant 6.553700e+04 : f32
        %mul3A_542 = vector.broadcast %mul3A_541 : f32 to vector<16xf32>
        %mul3A_543 = arith.mulf %get3A_540, %mul3A_542 : vector<16xf32>
        %sub3A_544 = arith.subf %get3A_540, %mul3A_543 : vector<16xf32>
        %add3A_545 = arith.addf %mul3A_543, %sub3A_544 : vector<16xf32>
        %add3A_546 = arith.addf %scan3A_399, %add3A_545 : vector<16xf32>
        %get3A_547 = arith.constant 1 : i32
        %get3A_548 = arith.index_cast %get3A_547 : i32 to index
        %get3A_549 = arith.index_cast %add3A_404 : i32 to index
        %get3A_550 = arith.constant 192 : index
        %get3A_551 = tpu.vector_load %arg6[%get3A_548, %get3A_549, %get3A_550] {strides = array<i32>} : memref<3x128x256xf32, #tpu.memory_space<vmem>>, vector<1x1x16xf32>,
        %get3A_552 = vector.shape_cast %get3A_551 : vector<1x1x16xf32> to vector<16xf32>
        %mul3A_553 = arith.constant 6.553700e+04 : f32
        %mul3A_554 = vector.broadcast %mul3A_553 : f32 to vector<16xf32>
        %mul3A_555 = arith.mulf %get3A_552, %mul3A_554 : vector<16xf32>
        %sub3A_556 = arith.subf %get3A_552, %mul3A_555 : vector<16xf32>
        %add3A_557 = arith.addf %mul3A_555, %sub3A_556 : vector<16xf32>
        %add3A_558 = arith.addf %scan3A_400, %add3A_557 : vector<16xf32>
        %get3A_559 = arith.constant 1 : i32
        %get3A_560 = arith.index_cast %get3A_559 : i32 to index
        %get3A_561 = arith.index_cast %add3A_404 : i32 to index
        %get3A_562 = arith.constant 208 : index
        %get3A_563 = tpu.vector_load %arg6[%get3A_560, %get3A_561, %get3A_562] {strides = array<i32>} : memref<3x128x256xf32, #tpu.memory_space<vmem>>, vector<1x1x16xf32>,
        %get3A_564 = vector.shape_cast %get3A_563 : vector<1x1x16xf32> to vector<16xf32>
        %mul3A_565 = arith.constant 6.553700e+04 : f32
        %mul3A_566 = vector.broadcast %mul3A_565 : f32 to vector<16xf32>
        %mul3A_567 = arith.mulf %get3A_564, %mul3A_566 : vector<16xf32>
        %sub3A_568 = arith.subf %get3A_564, %mul3A_567 : vector<16xf32>
        %add3A_569 = arith.addf %mul3A_567, %sub3A_568 : vector<16xf32>
        %add3A_570 = arith.addf %scan3A_401, %add3A_569 : vector<16xf32>
        %get3A_571 = arith.constant 1 : i32
        %get3A_572 = arith.index_cast %get3A_571 : i32 to index
        %get3A_573 = arith.index_cast %add3A_404 : i32 to index
        %get3A_574 = arith.constant 224 : index
        %get3A_575 = tpu.vector_load %arg6[%get3A_572, %get3A_573, %get3A_574] {strides = array<i32>} : memref<3x128x256xf32, #tpu.memory_space<vmem>>, vector<1x1x16xf32>,
        %get3A_576 = vector.shape_cast %get3A_575 : vector<1x1x16xf32> to vector<16xf32>
        %mul3A_577 = arith.constant 6.553700e+04 : f32
        %mul3A_578 = vector.broadcast %mul3A_577 : f32 to vector<16xf32>
        %mul3A_579 = arith.mulf %get3A_576, %mul3A_578 : vector<16xf32>
        %sub3A_580 = arith.subf %get3A_576, %mul3A_579 : vector<16xf32>
        %add3A_581 = arith.addf %mul3A_579, %sub3A_580 : vector<16xf32>
        %add3A_582 = arith.addf %scan3A_402, %add3A_581 : vector<16xf32>
        %get3A_583 = arith.constant 1 : i32
        %get3A_584 = arith.index_cast %get3A_583 : i32 to index
        %get3A_585 = arith.index_cast %add3A_404 : i32 to index
        %get3A_586 = arith.constant 240 : index
        %get3A_587 = tpu.vector_load %arg6[%get3A_584, %get3A_585, %get3A_586] {strides = array<i32>} : memref<3x128x256xf32, #tpu.memory_space<vmem>>, vector<1x1x16xf32>,
        %get3A_588 = vector.shape_cast %get3A_587 : vector<1x1x16xf32> to vector<16xf32>
        %mul3A_589 = arith.constant 6.553700e+04 : f32
        %mul3A_590 = vector.broadcast %mul3A_589 : f32 to vector<16xf32>
        %mul3A_591 = arith.mulf %get3A_588, %mul3A_590 : vector<16xf32>
        %sub3A_592 = arith.subf %get3A_588, %mul3A_591 : vector<16xf32>
        %add3A_593 = arith.addf %mul3A_591, %sub3A_592 : vector<16xf32>
        %add3A_594 = arith.addf %scan3A_403, %add3A_593 : vector<16xf32>
        scf.yield %add3A_414, %add3A_426, %add3A_438, %add3A_450, %add3A_462, %add3A_474, %add3A_486, %add3A_498, %add3A_510, %add3A_522, %add3A_534, %add3A_546, %add3A_558, %add3A_570, %add3A_582, %add3A_594 : vector<16xf32>, vector<16xf32>, vector<16xf32>, vector<16xf32>, vector<16xf32>, vector<16xf32>, vector<16xf32>, vector<16xf32>, vector<16xf32>, vector<16xf32>, vector<16xf32>, vector<16xf32>, vector<16xf32>, vector<16xf32>, vector<16xf32>, vector<16xf32>
      }
      %scan3A_306 = arith.constant 16 : i32
      %swap3A = arith.index_cast %add3A_269 : i32 to index
      %swap3A_307 = arith.constant 0 : index
      %swap3A_308 = tpu.vector_load %arg7[%swap3A, %swap3A_307] {strides = array<i32>} : memref<16x256xf32, #tpu.memory_space<vmem>>, vector<1x16xf32>,
      %swap3A_309 = vector.shape_cast %swap3A_308 : vector<1x16xf32> to vector<16xf32>
      %swap3A_310 = vector.shape_cast %scan3A_305#0 : vector<16xf32> to vector<1x16xf32>
      tpu.vector_store %arg7[%swap3A, %swap3A_307], %swap3A_310 {strides = array<i32>} : memref<16x256xf32, #tpu.memory_space<vmem>>, vector<1x16xf32>,
      %swap3A_311 = arith.index_cast %add3A_269 : i32 to index
      %swap3A_312 = arith.constant 16 : index
      %swap3A_313 = tpu.vector_load %arg7[%swap3A_311, %swap3A_312] {strides = array<i32>} : memref<16x256xf32, #tpu.memory_space<vmem>>, vector<1x16xf32>,
      %swap3A_314 = vector.shape_cast %swap3A_313 : vector<1x16xf32> to vector<16xf32>
      %swap3A_315 = vector.shape_cast %scan3A_305#1 : vector<16xf32> to vector<1x16xf32>
      tpu.vector_store %arg7[%swap3A_311, %swap3A_312], %swap3A_315 {strides = array<i32>} : memref<16x256xf32, #tpu.memory_space<vmem>>, vector<1x16xf32>,
      %swap3A_316 = arith.index_cast %add3A_269 : i32 to index
      %swap3A_317 = arith.constant 32 : index
      %swap3A_318 = tpu.vector_load %arg7[%swap3A_316, %swap3A_317] {strides = array<i32>} : memref<16x256xf32, #tpu.memory_space<vmem>>, vector<1x16xf32>,
      %swap3A_319 = vector.shape_cast %swap3A_318 : vector<1x16xf32> to vector<16xf32>
      %swap3A_320 = vector.shape_cast %scan3A_305#2 : vector<16xf32> to vector<1x16xf32>
      tpu.vector_store %arg7[%swap3A_316, %swap3A_317], %swap3A_320 {strides = array<i32>} : memref<16x256xf32, #tpu.memory_space<vmem>>, vector<1x16xf32>,
      %swap3A_321 = arith.index_cast %add3A_269 : i32 to index
      %swap3A_322 = arith.constant 48 : index
      %swap3A_323 = tpu.vector_load %arg7[%swap3A_321, %swap3A_322] {strides = array<i32>} : memref<16x256xf32, #tpu.memory_space<vmem>>, vector<1x16xf32>,
      %swap3A_324 = vector.shape_cast %swap3A_323 : vector<1x16xf32> to vector<16xf32>
      %swap3A_325 = vector.shape_cast %scan3A_305#3 : vector<16xf32> to vector<1x16xf32>
      tpu.vector_store %arg7[%swap3A_321, %swap3A_322], %swap3A_325 {strides = array<i32>} : memref<16x256xf32, #tpu.memory_space<vmem>>, vector<1x16xf32>,
      %swap3A_326 = arith.index_cast %add3A_269 : i32 to index
      %swap3A_327 = arith.constant 64 : index
      %swap3A_328 = tpu.vector_load %arg7[%swap3A_326, %swap3A_327] {strides = array<i32>} : memref<16x256xf32, #tpu.memory_space<vmem>>, vector<1x16xf32>,
      %swap3A_329 = vector.shape_cast %swap3A_328 : vector<1x16xf32> to vector<16xf32>
      %swap3A_330 = vector.shape_cast %scan3A_305#4 : vector<16xf32> to vector<1x16xf32>
      tpu.vector_store %arg7[%swap3A_326, %swap3A_327], %swap3A_330 {strides = array<i32>} : memref<16x256xf32, #tpu.memory_space<vmem>>, vector<1x16xf32>,
      %swap3A_331 = arith.index_cast %add3A_269 : i32 to index
      %swap3A_332 = arith.constant 80 : index
      %swap3A_333 = tpu.vector_load %arg7[%swap3A_331, %swap3A_332] {strides = array<i32>} : memref<16x256xf32, #tpu.memory_space<vmem>>, vector<1x16xf32>,
      %swap3A_334 = vector.shape_cast %swap3A_333 : vector<1x16xf32> to vector<16xf32>
      %swap3A_335 = vector.shape_cast %scan3A_305#5 : vector<16xf32> to vector<1x16xf32>
      tpu.vector_store %arg7[%swap3A_331, %swap3A_332], %swap3A_335 {strides = array<i32>} : memref<16x256xf32, #tpu.memory_space<vmem>>, vector<1x16xf32>,
      %swap3A_336 = arith.index_cast %add3A_269 : i32 to index
      %swap3A_337 = arith.constant 96 : index
      %swap3A_338 = tpu.vector_load %arg7[%swap3A_336, %swap3A_337] {strides = array<i32>} : memref<16x256xf32, #tpu.memory_space<vmem>>, vector<1x16xf32>,
      %swap3A_339 = vector.shape_cast %swap3A_338 : vector<1x16xf32> to vector<16xf32>
      %swap3A_340 = vector.shape_cast %scan3A_305#6 : vector<16xf32> to vector<1x16xf32>
      tpu.vector_store %arg7[%swap3A_336, %swap3A_337], %swap3A_340 {strides = array<i32>} : memref<16x256xf32, #tpu.memory_space<vmem>>, vector<1x16xf32>,
      %swap3A_341 = arith.index_cast %add3A_269 : i32 to index
      %swap3A_342 = arith.constant 112 : index
      %swap3A_343 = tpu.vector_load %arg7[%swap3A_341, %swap3A_342] {strides = array<i32>} : memref<16x256xf32, #tpu.memory_space<vmem>>, vector<1x16xf32>,
      %swap3A_344 = vector.shape_cast %swap3A_343 : vector<1x16xf32> to vector<16xf32>
      %swap3A_345 = vector.shape_cast %scan3A_305#7 : vector<16xf32> to vector<1x16xf32>
      tpu.vector_store %arg7[%swap3A_341, %swap3A_342], %swap3A_345 {strides = array<i32>} : memref<16x256xf32, #tpu.memory_space<vmem>>, vector<1x16xf32>,
      %swap3A_346 = arith.index_cast %add3A_269 : i32 to index
      %swap3A_347 = arith.constant 128 : index
      %swap3A_348 = tpu.vector_load %arg7[%swap3A_346, %swap3A_347] {strides = array<i32>} : memref<16x256xf32, #tpu.memory_space<vmem>>, vector<1x16xf32>,
      %swap3A_349 = vector.shape_cast %swap3A_348 : vector<1x16xf32> to vector<16xf32>
      %swap3A_350 = vector.shape_cast %scan3A_305#8 : vector<16xf32> to vector<1x16xf32>
      tpu.vector_store %arg7[%swap3A_346, %swap3A_347], %swap3A_350 {strides = array<i32>} : memref<16x256xf32, #tpu.memory_space<vmem>>, vector<1x16xf32>,
      %swap3A_351 = arith.index_cast %add3A_269 : i32 to index
      %swap3A_352 = arith.constant 144 : index
      %swap3A_353 = tpu.vector_load %arg7[%swap3A_351, %swap3A_352] {strides = array<i32>} : memref<16x256xf32, #tpu.memory_space<vmem>>, vector<1x16xf32>,
      %swap3A_354 = vector.shape_cast %swap3A_353 : vector<1x16xf32> to vector<16xf32>
      %swap3A_355 = vector.shape_cast %scan3A_305#9 : vector<16xf32> to vector<1x16xf32>
      tpu.vector_store %arg7[%swap3A_351, %swap3A_352], %swap3A_355 {strides = array<i32>} : memref<16x256xf32, #tpu.memory_space<vmem>>, vector<1x16xf32>,
      %swap3A_356 = arith.index_cast %add3A_269 : i32 to index
      %swap3A_357 = arith.constant 160 : index
      %swap3A_358 = tpu.vector_load %arg7[%swap3A_356, %swap3A_357] {strides = array<i32>} : memref<16x256xf32, #tpu.memory_space<vmem>>, vector<1x16xf32>,
      %swap3A_359 = vector.shape_cast %swap3A_358 : vector<1x16xf32> to vector<16xf32>
      %swap3A_360 = vector.shape_cast %scan3A_305#10 : vector<16xf32> to vector<1x16xf32>
      tpu.vector_store %arg7[%swap3A_356, %swap3A_357], %swap3A_360 {strides = array<i32>} : memref<16x256xf32, #tpu.memory_space<vmem>>, vector<1x16xf32>,
      %swap3A_361 = arith.index_cast %add3A_269 : i32 to index
      %swap3A_362 = arith.constant 176 : index
      %swap3A_363 = tpu.vector_load %arg7[%swap3A_361, %swap3A_362] {strides = array<i32>} : memref<16x256xf32, #tpu.memory_space<vmem>>, vector<1x16xf32>,
      %swap3A_364 = vector.shape_cast %swap3A_363 : vector<1x16xf32> to vector<16xf32>
      %swap3A_365 = vector.shape_cast %scan3A_305#11 : vector<16xf32> to vector<1x16xf32>
      tpu.vector_store %arg7[%swap3A_361, %swap3A_362], %swap3A_365 {strides = array<i32>} : memref<16x256xf32, #tpu.memory_space<vmem>>, vector<1x16xf32>,
      %swap3A_366 = arith.index_cast %add3A_269 : i32 to index
      %swap3A_367 = arith.constant 192 : index
      %swap3A_368 = tpu.vector_load %arg7[%swap3A_366, %swap3A_367] {strides = array<i32>} : memref<16x256xf32, #tpu.memory_space<vmem>>, vector<1x16xf32>,
      %swap3A_369 = vector.shape_cast %swap3A_368 : vector<1x16xf32> to vector<16xf32>
      %swap3A_370 = vector.shape_cast %scan3A_305#12 : vector<16xf32> to vector<1x16xf32>
      tpu.vector_store %arg7[%swap3A_366, %swap3A_367], %swap3A_370 {strides = array<i32>} : memref<16x256xf32, #tpu.memory_space<vmem>>, vector<1x16xf32>,
      %swap3A_371 = arith.index_cast %add3A_269 : i32 to index
      %swap3A_372 = arith.constant 208 : index
      %swap3A_373 = tpu.vector_load %arg7[%swap3A_371, %swap3A_372] {strides = array<i32>} : memref<16x256xf32, #tpu.memory_space<vmem>>, vector<1x16xf32>,
      %swap3A_374 = vector.shape_cast %swap3A_373 : vector<1x16xf32> to vector<16xf32>
      %swap3A_375 = vector.shape_cast %scan3A_305#13 : vector<16xf32> to vector<1x16xf32>
      tpu.vector_store %arg7[%swap3A_371, %swap3A_372], %swap3A_375 {strides = array<i32>} : memref<16x256xf32, #tpu.memory_space<vmem>>, vector<1x16xf32>,
      %swap3A_376 = arith.index_cast %add3A_269 : i32 to index
      %swap3A_377 = arith.constant 224 : index
      %swap3A_378 = tpu.vector_load %arg7[%swap3A_376, %swap3A_377] {strides = array<i32>} : memref<16x256xf32, #tpu.memory_space<vmem>>, vector<1x16xf32>,
      %swap3A_379 = vector.shape_cast %swap3A_378 : vector<1x16xf32> to vector<16xf32>
      %swap3A_380 = vector.shape_cast %scan3A_305#14 : vector<16xf32> to vector<1x16xf32>
      tpu.vector_store %arg7[%swap3A_376, %swap3A_377], %swap3A_380 {strides = array<i32>} : memref<16x256xf32, #tpu.memory_space<vmem>>, vector<1x16xf32>,
      %swap3A_381 = arith.index_cast %add3A_269 : i32 to index
      %swap3A_382 = arith.constant 240 : index
      %swap3A_383 = tpu.vector_load %arg7[%swap3A_381, %swap3A_382] {strides = array<i32>} : memref<16x256xf32, #tpu.memory_space<vmem>>, vector<1x16xf32>,
      %swap3A_384 = vector.shape_cast %swap3A_383 : vector<1x16xf32> to vector<16xf32>
      %swap3A_385 = vector.shape_cast %scan3A_305#15 : vector<16xf32> to vector<1x16xf32>
      tpu.vector_store %arg7[%swap3A_381, %swap3A_382], %swap3A_385 {strides = array<i32>} : memref<16x256xf32, #tpu.memory_space<vmem>>, vector<1x16xf32>,
      %scan3A_386 = arith.constant 0 : i32
      scf.yield %scan3A_386 : i32
    }
    %scan3A_89 = arith.constant 8 : i32
    %dma_start3A_90 = arith.constant 2 : i32
    %dma_start3A_91 = arith.constant 0 : i32
    %dma_start3A_92 = arith.constant 1 : i32
    %dma_start3A_93 = arith.constant 0 : i32
    %dma_start3A_94 = arith.constant 0 : i32
    %dma_start3A_95 = tpu.memref_slice %arg6[%dma_start3A_92, %dma_start3A_93, %dma_start3A_94] : memref<3x128x256xf32, #tpu.memory_space<vmem>> -> memref<1x128x256xf32, #tpu.memory_space<vmem>>
    %dma_start3A_96 = tpu.memref_squeeze %dma_start3A_95 : memref<1x128x256xf32, #tpu.memory_space<vmem>> -> memref<128x256xf32, #tpu.memory_space<vmem>>
    %dma_start3A_97 = arith.constant 0 : i32
    %dma_start3A_98 = tpu.memref_slice %arg5[%dma_start3A_90, %dma_start3A_91, %dma_start3A_97] : memref<4x2x128xi32, #tpu.memory_space<vmem>> -> memref<1x1x128xi32, #tpu.memory_space<vmem>>
    %dma_start3A_99 = tpu.memref_squeeze %dma_start3A_98 : memref<1x1x128xi32, #tpu.memory_space<vmem>> -> memref<128xi32, #tpu.memory_space<vmem>>
    %dma_start3A_100 = arith.constant 0 : i32
    %dma_start3A_101 = arith.constant 0 : i32
    %dma_start3A_102 = tpu.memref_slice %arg3[%dma_start3A_100, %dma_start3A_101] : memref<100000x256xf32, #tpu.memory_space<hbm>> -> memref<100000x256xf32, #tpu.memory_space<hbm>>
    tpu.enqueue_indirect_dma source(%dma_start3A_102 : memref<100000x256xf32, #tpu.memory_space<hbm>>) target(%dma_start3A_96 : memref<128x256xf32, #tpu.memory_space<vmem>>) offsets(%dma_start3A_99 : memref<128xi32, #tpu.memory_space<vmem>>) semaphore(%arg9 : memref<!tpu.dma_semaphore, #tpu.memory_space<semaphore_mem>>)
    %dma_wait3A_103 = arith.constant 1 : i32
    %dma_wait3A_104 = arith.constant 0 : i32
    %dma_wait3A_105 = arith.constant 2 : i32
    %dma_wait3A_106 = arith.constant 0 : i32
    %dma_wait3A_107 = arith.constant 0 : i32
    %dma_wait3A_108 = tpu.memref_slice %arg6[%dma_wait3A_105, %dma_wait3A_106, %dma_wait3A_107] : memref<3x128x256xf32, #tpu.memory_space<vmem>> -> memref<1x128x256xf32, #tpu.memory_space<vmem>>
    %dma_wait3A_109 = tpu.memref_squeeze %dma_wait3A_108 : memref<1x128x256xf32, #tpu.memory_space<vmem>> -> memref<128x256xf32, #tpu.memory_space<vmem>>
    %dma_wait3A_110 = arith.constant 0 : i32
    %dma_wait3A_111 = tpu.memref_slice %arg5[%dma_wait3A_103, %dma_wait3A_104, %dma_wait3A_110] : memref<4x2x128xi32, #tpu.memory_space<vmem>> -> memref<1x1x128xi32, #tpu.memory_space<vmem>>
    %dma_wait3A_112 = tpu.memref_squeeze %dma_wait3A_111 : memref<1x1x128xi32, #tpu.memory_space<vmem>> -> memref<128xi32, #tpu.memory_space<vmem>>
    %dma_wait3A_113 = arith.constant 0 : i32
    %dma_wait3A_114 = arith.constant 0 : i32
    %dma_wait3A_115 = tpu.memref_slice %arg3[%dma_wait3A_113, %dma_wait3A_114] : memref<100000x256xf32, #tpu.memory_space<hbm>> -> memref<100000x256xf32, #tpu.memory_space<hbm>>
    tpu.wait_indirect_dma semaphore(%arg10 : memref<!tpu.dma_semaphore, #tpu.memory_space<semaphore_mem>>) src(%dma_wait3A_115 : memref<100000x256xf32, #tpu.memory_space<hbm>>) dst(%dma_wait3A_109 : memref<128x256xf32, #tpu.memory_space<vmem>>)
    %scan3A_116 = arith.constant 0 : i32
    %scan3A_117 = arith.constant 0 : i32
    %scan3A_118 = arith.constant 8 : i32
    %scan3A_119 = arith.addi %scan3A_117, %scan3A_118 : i32
    %scan3A_120 = arith.constant 1 : i32
    %scan3A_121 = scf.for %scan3A_264 = %scan3A_117 to %scan3A_119 step %scan3A_120 iter_args(%scan3A_265 = %scan3A_116) -> (i32)  : i32 {
      %mul3A_266 = arith.constant 16 : i32
      %mul3A_267 = arith.muli %scan3A_264, %mul3A_266 : i32
      %add3A_268 = arith.constant 0 : i32
      %add3A_269 = arith.addi %add3A_268, %scan3A_264 : i32
      %broadcast_in_dim3A = arith.constant 0.000000e+00 : f32
      %broadcast_in_dim3A_270 = vector.broadcast %broadcast_in_dim3A : f32 to vector<16xf32>
      %broadcast_in_dim3A_271 = arith.constant 0.000000e+00 : f32
      %broadcast_in_dim3A_272 = vector.broadcast %broadcast_in_dim3A_271 : f32 to vector<16xf32>
      %broadcast_in_dim3A_273 = arith.constant 0.000000e+00 : f32
      %broadcast_in_dim3A_274 = vector.broadcast %broadcast_in_dim3A_273 : f32 to vector<16xf32>
      %broadcast_in_dim3A_275 = arith.constant 0.000000e+00 : f32
      %broadcast_in_dim3A_276 = vector.broadcast %broadcast_in_dim3A_275 : f32 to vector<16xf32>
      %broadcast_in_dim3A_277 = arith.constant 0.000000e+00 : f32
      %broadcast_in_dim3A_278 = vector.broadcast %broadcast_in_dim3A_277 : f32 to vector<16xf32>
      %broadcast_in_dim3A_279 = arith.constant 0.000000e+00 : f32
      %broadcast_in_dim3A_280 = vector.broadcast %broadcast_in_dim3A_279 : f32 to vector<16xf32>
      %broadcast_in_dim3A_281 = arith.constant 0.000000e+00 : f32
      %broadcast_in_dim3A_282 = vector.broadcast %broadcast_in_dim3A_281 : f32 to vector<16xf32>
      %broadcast_in_dim3A_283 = arith.constant 0.000000e+00 : f32
      %broadcast_in_dim3A_284 = vector.broadcast %broadcast_in_dim3A_283 : f32 to vector<16xf32>
      %broadcast_in_dim3A_285 = arith.constant 0.000000e+00 : f32
      %broadcast_in_dim3A_286 = vector.broadcast %broadcast_in_dim3A_285 : f32 to vector<16xf32>
      %broadcast_in_dim3A_287 = arith.constant 0.000000e+00 : f32
      %broadcast_in_dim3A_288 = vector.broadcast %broadcast_in_dim3A_287 : f32 to vector<16xf32>
      %broadcast_in_dim3A_289 = arith.constant 0.000000e+00 : f32
      %broadcast_in_dim3A_290 = vector.broadcast %broadcast_in_dim3A_289 : f32 to vector<16xf32>
      %broadcast_in_dim3A_291 = arith.constant 0.000000e+00 : f32
      %broadcast_in_dim3A_292 = vector.broadcast %broadcast_in_dim3A_291 : f32 to vector<16xf32>
      %broadcast_in_dim3A_293 = arith.constant 0.000000e+00 : f32
      %broadcast_in_dim3A_294 = vector.broadcast %broadcast_in_dim3A_293 : f32 to vector<16xf32>
      %broadcast_in_dim3A_295 = arith.constant 0.000000e+00 : f32
      %broadcast_in_dim3A_296 = vector.broadcast %broadcast_in_dim3A_295 : f32 to vector<16xf32>
      %broadcast_in_dim3A_297 = arith.constant 0.000000e+00 : f32
      %broadcast_in_dim3A_298 = vector.broadcast %broadcast_in_dim3A_297 : f32 to vector<16xf32>
      %broadcast_in_dim3A_299 = arith.constant 0.000000e+00 : f32
      %broadcast_in_dim3A_300 = vector.broadcast %broadcast_in_dim3A_299 : f32 to vector<16xf32>
      %scan3A_301 = arith.constant 0 : i32
      %scan3A_302 = arith.constant 16 : i32
      %scan3A_303 = arith.addi %scan3A_301, %scan3A_302 : i32
      %scan3A_304 = arith.constant 1 : i32
      %scan3A_305:16 = scf.for %scan3A_466 = %scan3A_301 to %scan3A_303 step %scan3A_304 iter_args(%scan3A_467 = %broadcast_in_dim3A_270, %scan3A_468 = %broadcast_in_dim3A_272, %scan3A_469 = %broadcast_in_dim3A_274, %scan3A_470 = %broadcast_in_dim3A_276, %scan3A_471 = %broadcast_in_dim3A_278, %scan3A_472 = %broadcast_in_dim3A_280, %scan3A_473 = %broadcast_in_dim3A_282, %scan3A_474 = %broadcast_in_dim3A_284, %scan3A_475 = %broadcast_in_dim3A_286, %scan3A_476 = %broadcast_in_dim3A_288, %scan3A_477 = %broadcast_in_dim3A_290, %scan3A_478 = %broadcast_in_dim3A_292, %scan3A_479 = %broadcast_in_dim3A_294, %scan3A_480 = %broadcast_in_dim3A_296, %scan3A_481 = %broadcast_in_dim3A_298, %scan3A_482 = %broadcast_in_dim3A_300) -> (vector<16xf32>, vector<16xf32>, vector<16xf32>, vector<16xf32>, vector<16xf32>, vector<16xf32>, vector<16xf32>, vector<16xf32>, vector<16xf32>, vector<16xf32>, vector<16xf32>, vector<16xf32>, vector<16xf32>, vector<16xf32>, vector<16xf32>, vector<16xf32>)  : i32 {
        %add3A_483 = arith.addi %mul3A_267, %scan3A_466 : i32
        %get3A_484 = arith.constant 2 : i32
        %get3A_485 = arith.index_cast %get3A_484 : i32 to index
        %get3A_486 = arith.index_cast %add3A_483 : i32 to index
        %get3A_487 = arith.constant 0 : index
        %get3A_488 = tpu.vector_load %arg6[%get3A_485, %get3A_486, %get3A_487] {strides = array<i32>} : memref<3x128x256xf32, #tpu.memory_space<vmem>>, vector<1x1x16xf32>,
        %get3A_489 = vector.shape_cast %get3A_488 : vector<1x1x16xf32> to vector<16xf32>
        %mul3A_490 = arith.constant 6.553700e+04 : f32
        %mul3A_491 = vector.broadcast %mul3A_490 : f32 to vector<16xf32>
        %mul3A_492 = arith.mulf %get3A_489, %mul3A_491 : vector<16xf32>
        %sub3A = arith.subf %get3A_489, %mul3A_492 : vector<16xf32>
        %add3A_493 = arith.addf %mul3A_492, %sub3A : vector<16xf32>
        %add3A_494 = arith.addf %scan3A_467, %add3A_493 : vector<16xf32>
        %get3A_495 = arith.constant 2 : i32
        %get3A_496 = arith.index_cast %get3A_495 : i32 to index
        %get3A_497 = arith.index_cast %add3A_483 : i32 to index
        %get3A_498 = arith.constant 16 : index
        %get3A_499 = tpu.vector_load %arg6[%get3A_496, %get3A_497, %get3A_498] {strides = array<i32>} : memref<3x128x256xf32, #tpu.memory_space<vmem>>, vector<1x1x16xf32>,
        %get3A_500 = vector.shape_cast %get3A_499 : vector<1x1x16xf32> to vector<16xf32>
        %mul3A_501 = arith.constant 6.553700e+04 : f32
        %mul3A_502 = vector.broadcast %mul3A_501 : f32 to vector<16xf32>
        %mul3A_503 = arith.mulf %get3A_500, %mul3A_502 : vector<16xf32>
        %sub3A_504 = arith.subf %get3A_500, %mul3A_503 : vector<16xf32>
        %add3A_505 = arith.addf %mul3A_503, %sub3A_504 : vector<16xf32>
        %add3A_506 = arith.addf %scan3A_468, %add3A_505 : vector<16xf32>
        %get3A_507 = arith.constant 2 : i32
        %get3A_508 = arith.index_cast %get3A_507 : i32 to index
        %get3A_509 = arith.index_cast %add3A_483 : i32 to index
        %get3A_510 = arith.constant 32 : index
        %get3A_511 = tpu.vector_load %arg6[%get3A_508, %get3A_509, %get3A_510] {strides = array<i32>} : memref<3x128x256xf32, #tpu.memory_space<vmem>>, vector<1x1x16xf32>,
        %get3A_512 = vector.shape_cast %get3A_511 : vector<1x1x16xf32> to vector<16xf32>
        %mul3A_513 = arith.constant 6.553700e+04 : f32
        %mul3A_514 = vector.broadcast %mul3A_513 : f32 to vector<16xf32>
        %mul3A_515 = arith.mulf %get3A_512, %mul3A_514 : vector<16xf32>
        %sub3A_516 = arith.subf %get3A_512, %mul3A_515 : vector<16xf32>
        %add3A_517 = arith.addf %mul3A_515, %sub3A_516 : vector<16xf32>
        %add3A_518 = arith.addf %scan3A_469, %add3A_517 : vector<16xf32>
        %get3A_519 = arith.constant 2 : i32
        %get3A_520 = arith.index_cast %get3A_519 : i32 to index
        %get3A_521 = arith.index_cast %add3A_483 : i32 to index
        %get3A_522 = arith.constant 48 : index
        %get3A_523 = tpu.vector_load %arg6[%get3A_520, %get3A_521, %get3A_522] {strides = array<i32>} : memref<3x128x256xf32, #tpu.memory_space<vmem>>, vector<1x1x16xf32>,
        %get3A_524 = vector.shape_cast %get3A_523 : vector<1x1x16xf32> to vector<16xf32>
        %mul3A_525 = arith.constant 6.553700e+04 : f32
        %mul3A_526 = vector.broadcast %mul3A_525 : f32 to vector<16xf32>
        %mul3A_527 = arith.mulf %get3A_524, %mul3A_526 : vector<16xf32>
        %sub3A_528 = arith.subf %get3A_524, %mul3A_527 : vector<16xf32>
        %add3A_529 = arith.addf %mul3A_527, %sub3A_528 : vector<16xf32>
        %add3A_530 = arith.addf %scan3A_470, %add3A_529 : vector<16xf32>
        %get3A_531 = arith.constant 2 : i32
        %get3A_532 = arith.index_cast %get3A_531 : i32 to index
        %get3A_533 = arith.index_cast %add3A_483 : i32 to index
        %get3A_534 = arith.constant 64 : index
        %get3A_535 = tpu.vector_load %arg6[%get3A_532, %get3A_533, %get3A_534] {strides = array<i32>} : memref<3x128x256xf32, #tpu.memory_space<vmem>>, vector<1x1x16xf32>,
        %get3A_536 = vector.shape_cast %get3A_535 : vector<1x1x16xf32> to vector<16xf32>
        %mul3A_537 = arith.constant 6.553700e+04 : f32
        %mul3A_538 = vector.broadcast %mul3A_537 : f32 to vector<16xf32>
        %mul3A_539 = arith.mulf %get3A_536, %mul3A_538 : vector<16xf32>
        %sub3A_540 = arith.subf %get3A_536, %mul3A_539 : vector<16xf32>
        %add3A_541 = arith.addf %mul3A_539, %sub3A_540 : vector<16xf32>
        %add3A_542 = arith.addf %scan3A_471, %add3A_541 : vector<16xf32>
        %get3A_543 = arith.constant 2 : i32
        %get3A_544 = arith.index_cast %get3A_543 : i32 to index
        %get3A_545 = arith.index_cast %add3A_483 : i32 to index
        %get3A_546 = arith.constant 80 : index
        %get3A_547 = tpu.vector_load %arg6[%get3A_544, %get3A_545, %get3A_546] {strides = array<i32>} : memref<3x128x256xf32, #tpu.memory_space<vmem>>, vector<1x1x16xf32>,
        %get3A_548 = vector.shape_cast %get3A_547 : vector<1x1x16xf32> to vector<16xf32>
        %mul3A_549 = arith.constant 6.553700e+04 : f32
        %mul3A_550 = vector.broadcast %mul3A_549 : f32 to vector<16xf32>
        %mul3A_551 = arith.mulf %get3A_548, %mul3A_550 : vector<16xf32>
        %sub3A_552 = arith.subf %get3A_548, %mul3A_551 : vector<16xf32>
        %add3A_553 = arith.addf %mul3A_551, %sub3A_552 : vector<16xf32>
        %add3A_554 = arith.addf %scan3A_472, %add3A_553 : vector<16xf32>
        %get3A_555 = arith.constant 2 : i32
        %get3A_556 = arith.index_cast %get3A_555 : i32 to index
        %get3A_557 = arith.index_cast %add3A_483 : i32 to index
        %get3A_558 = arith.constant 96 : index
        %get3A_559 = tpu.vector_load %arg6[%get3A_556, %get3A_557, %get3A_558] {strides = array<i32>} : memref<3x128x256xf32, #tpu.memory_space<vmem>>, vector<1x1x16xf32>,
        %get3A_560 = vector.shape_cast %get3A_559 : vector<1x1x16xf32> to vector<16xf32>
        %mul3A_561 = arith.constant 6.553700e+04 : f32
        %mul3A_562 = vector.broadcast %mul3A_561 : f32 to vector<16xf32>
        %mul3A_563 = arith.mulf %get3A_560, %mul3A_562 : vector<16xf32>
        %sub3A_564 = arith.subf %get3A_560, %mul3A_563 : vector<16xf32>
        %add3A_565 = arith.addf %mul3A_563, %sub3A_564 : vector<16xf32>
        %add3A_566 = arith.addf %scan3A_473, %add3A_565 : vector<16xf32>
        %get3A_567 = arith.constant 2 : i32
        %get3A_568 = arith.index_cast %get3A_567 : i32 to index
        %get3A_569 = arith.index_cast %add3A_483 : i32 to index
        %get3A_570 = arith.constant 112 : index
        %get3A_571 = tpu.vector_load %arg6[%get3A_568, %get3A_569, %get3A_570] {strides = array<i32>} : memref<3x128x256xf32, #tpu.memory_space<vmem>>, vector<1x1x16xf32>,
        %get3A_572 = vector.shape_cast %get3A_571 : vector<1x1x16xf32> to vector<16xf32>
        %mul3A_573 = arith.constant 6.553700e+04 : f32
        %mul3A_574 = vector.broadcast %mul3A_573 : f32 to vector<16xf32>
        %mul3A_575 = arith.mulf %get3A_572, %mul3A_574 : vector<16xf32>
        %sub3A_576 = arith.subf %get3A_572, %mul3A_575 : vector<16xf32>
        %add3A_577 = arith.addf %mul3A_575, %sub3A_576 : vector<16xf32>
        %add3A_578 = arith.addf %scan3A_474, %add3A_577 : vector<16xf32>
        %get3A_579 = arith.constant 2 : i32
        %get3A_580 = arith.index_cast %get3A_579 : i32 to index
        %get3A_581 = arith.index_cast %add3A_483 : i32 to index
        %get3A_582 = arith.constant 128 : index
        %get3A_583 = tpu.vector_load %arg6[%get3A_580, %get3A_581, %get3A_582] {strides = array<i32>} : memref<3x128x256xf32, #tpu.memory_space<vmem>>, vector<1x1x16xf32>,
        %get3A_584 = vector.shape_cast %get3A_583 : vector<1x1x16xf32> to vector<16xf32>
        %mul3A_585 = arith.constant 6.553700e+04 : f32
        %mul3A_586 = vector.broadcast %mul3A_585 : f32 to vector<16xf32>
        %mul3A_587 = arith.mulf %get3A_584, %mul3A_586 : vector<16xf32>
        %sub3A_588 = arith.subf %get3A_584, %mul3A_587 : vector<16xf32>
        %add3A_589 = arith.addf %mul3A_587, %sub3A_588 : vector<16xf32>
        %add3A_590 = arith.addf %scan3A_475, %add3A_589 : vector<16xf32>
        %get3A_591 = arith.constant 2 : i32
        %get3A_592 = arith.index_cast %get3A_591 : i32 to index
        %get3A_593 = arith.index_cast %add3A_483 : i32 to index
        %get3A_594 = arith.constant 144 : index
        %get3A_595 = tpu.vector_load %arg6[%get3A_592, %get3A_593, %get3A_594] {strides = array<i32>} : memref<3x128x256xf32, #tpu.memory_space<vmem>>, vector<1x1x16xf32>,
        %get3A_596 = vector.shape_cast %get3A_595 : vector<1x1x16xf32> to vector<16xf32>
        %mul3A_597 = arith.constant 6.553700e+04 : f32
        %mul3A_598 = vector.broadcast %mul3A_597 : f32 to vector<16xf32>
        %mul3A_599 = arith.mulf %get3A_596, %mul3A_598 : vector<16xf32>
        %sub3A_600 = arith.subf %get3A_596, %mul3A_599 : vector<16xf32>
        %add3A_601 = arith.addf %mul3A_599, %sub3A_600 : vector<16xf32>
        %add3A_602 = arith.addf %scan3A_476, %add3A_601 : vector<16xf32>
        %get3A_603 = arith.constant 2 : i32
        %get3A_604 = arith.index_cast %get3A_603 : i32 to index
        %get3A_605 = arith.index_cast %add3A_483 : i32 to index
        %get3A_606 = arith.constant 160 : index
        %get3A_607 = tpu.vector_load %arg6[%get3A_604, %get3A_605, %get3A_606] {strides = array<i32>} : memref<3x128x256xf32, #tpu.memory_space<vmem>>, vector<1x1x16xf32>,
        %get3A_608 = vector.shape_cast %get3A_607 : vector<1x1x16xf32> to vector<16xf32>
        %mul3A_609 = arith.constant 6.553700e+04 : f32
        %mul3A_610 = vector.broadcast %mul3A_609 : f32 to vector<16xf32>
        %mul3A_611 = arith.mulf %get3A_608, %mul3A_610 : vector<16xf32>
        %sub3A_612 = arith.subf %get3A_608, %mul3A_611 : vector<16xf32>
        %add3A_613 = arith.addf %mul3A_611, %sub3A_612 : vector<16xf32>
        %add3A_614 = arith.addf %scan3A_477, %add3A_613 : vector<16xf32>
        %get3A_615 = arith.constant 2 : i32
        %get3A_616 = arith.index_cast %get3A_615 : i32 to index
        %get3A_617 = arith.index_cast %add3A_483 : i32 to index
        %get3A_618 = arith.constant 176 : index
        %get3A_619 = tpu.vector_load %arg6[%get3A_616, %get3A_617, %get3A_618] {strides = array<i32>} : memref<3x128x256xf32, #tpu.memory_space<vmem>>, vector<1x1x16xf32>,
        %get3A_620 = vector.shape_cast %get3A_619 : vector<1x1x16xf32> to vector<16xf32>
        %mul3A_621 = arith.constant 6.553700e+04 : f32
        %mul3A_622 = vector.broadcast %mul3A_621 : f32 to vector<16xf32>
        %mul3A_623 = arith.mulf %get3A_620, %mul3A_622 : vector<16xf32>
        %sub3A_624 = arith.subf %get3A_620, %mul3A_623 : vector<16xf32>
        %add3A_625 = arith.addf %mul3A_623, %sub3A_624 : vector<16xf32>
        %add3A_626 = arith.addf %scan3A_478, %add3A_625 : vector<16xf32>
        %get3A_627 = arith.constant 2 : i32
        %get3A_628 = arith.index_cast %get3A_627 : i32 to index
        %get3A_629 = arith.index_cast %add3A_483 : i32 to index
        %get3A_630 = arith.constant 192 : index
        %get3A_631 = tpu.vector_load %arg6[%get3A_628, %get3A_629, %get3A_630] {strides = array<i32>} : memref<3x128x256xf32, #tpu.memory_space<vmem>>, vector<1x1x16xf32>,
        %get3A_632 = vector.shape_cast %get3A_631 : vector<1x1x16xf32> to vector<16xf32>
        %mul3A_633 = arith.constant 6.553700e+04 : f32
        %mul3A_634 = vector.broadcast %mul3A_633 : f32 to vector<16xf32>
        %mul3A_635 = arith.mulf %get3A_632, %mul3A_634 : vector<16xf32>
        %sub3A_636 = arith.subf %get3A_632, %mul3A_635 : vector<16xf32>
        %add3A_637 = arith.addf %mul3A_635, %sub3A_636 : vector<16xf32>
        %add3A_638 = arith.addf %scan3A_479, %add3A_637 : vector<16xf32>
        %get3A_639 = arith.constant 2 : i32
        %get3A_640 = arith.index_cast %get3A_639 : i32 to index
        %get3A_641 = arith.index_cast %add3A_483 : i32 to index
        %get3A_642 = arith.constant 208 : index
        %get3A_643 = tpu.vector_load %arg6[%get3A_640, %get3A_641, %get3A_642] {strides = array<i32>} : memref<3x128x256xf32, #tpu.memory_space<vmem>>, vector<1x1x16xf32>,
        %get3A_644 = vector.shape_cast %get3A_643 : vector<1x1x16xf32> to vector<16xf32>
        %mul3A_645 = arith.constant 6.553700e+04 : f32
        %mul3A_646 = vector.broadcast %mul3A_645 : f32 to vector<16xf32>
        %mul3A_647 = arith.mulf %get3A_644, %mul3A_646 : vector<16xf32>
        %sub3A_648 = arith.subf %get3A_644, %mul3A_647 : vector<16xf32>
        %add3A_649 = arith.addf %mul3A_647, %sub3A_648 : vector<16xf32>
        %add3A_650 = arith.addf %scan3A_480, %add3A_649 : vector<16xf32>
        %get3A_651 = arith.constant 2 : i32
        %get3A_652 = arith.index_cast %get3A_651 : i32 to index
        %get3A_653 = arith.index_cast %add3A_483 : i32 to index
        %get3A_654 = arith.constant 224 : index
        %get3A_655 = tpu.vector_load %arg6[%get3A_652, %get3A_653, %get3A_654] {strides = array<i32>} : memref<3x128x256xf32, #tpu.memory_space<vmem>>, vector<1x1x16xf32>,
        %get3A_656 = vector.shape_cast %get3A_655 : vector<1x1x16xf32> to vector<16xf32>
        %mul3A_657 = arith.constant 6.553700e+04 : f32
        %mul3A_658 = vector.broadcast %mul3A_657 : f32 to vector<16xf32>
        %mul3A_659 = arith.mulf %get3A_656, %mul3A_658 : vector<16xf32>
        %sub3A_660 = arith.subf %get3A_656, %mul3A_659 : vector<16xf32>
        %add3A_661 = arith.addf %mul3A_659, %sub3A_660 : vector<16xf32>
        %add3A_662 = arith.addf %scan3A_481, %add3A_661 : vector<16xf32>
        %get3A_663 = arith.constant 2 : i32
        %get3A_664 = arith.index_cast %get3A_663 : i32 to index
        %get3A_665 = arith.index_cast %add3A_483 : i32 to index
        %get3A_666 = arith.constant 240 : index
        %get3A_667 = tpu.vector_load %arg6[%get3A_664, %get3A_665, %get3A_666] {strides = array<i32>} : memref<3x128x256xf32, #tpu.memory_space<vmem>>, vector<1x1x16xf32>,
        %get3A_668 = vector.shape_cast %get3A_667 : vector<1x1x16xf32> to vector<16xf32>
        %mul3A_669 = arith.constant 6.553700e+04 : f32
        %mul3A_670 = vector.broadcast %mul3A_669 : f32 to vector<16xf32>
        %mul3A_671 = arith.mulf %get3A_668, %mul3A_670 : vector<16xf32>
        %sub3A_672 = arith.subf %get3A_668, %mul3A_671 : vector<16xf32>
        %add3A_673 = arith.addf %mul3A_671, %sub3A_672 : vector<16xf32>
        %add3A_674 = arith.addf %scan3A_482, %add3A_673 : vector<16xf32>
        scf.yield %add3A_494, %add3A_506, %add3A_518, %add3A_530, %add3A_542, %add3A_554, %add3A_566, %add3A_578, %add3A_590, %add3A_602, %add3A_614, %add3A_626, %add3A_638, %add3A_650, %add3A_662, %add3A_674 : vector<16xf32>, vector<16xf32>, vector<16xf32>, vector<16xf32>, vector<16xf32>, vector<16xf32>, vector<16xf32>, vector<16xf32>, vector<16xf32>, vector<16xf32>, vector<16xf32>, vector<16xf32>, vector<16xf32>, vector<16xf32>, vector<16xf32>, vector<16xf32>
      }
      %scan3A_306 = arith.constant 16 : i32
      %get3A = arith.index_cast %add3A_269 : i32 to index
      %get3A_307 = arith.constant 0 : index
      %get3A_308 = tpu.vector_load %arg7[%get3A, %get3A_307] {strides = array<i32>} : memref<16x256xf32, #tpu.memory_space<vmem>>, vector<1x16xf32>,
      %get3A_309 = vector.shape_cast %get3A_308 : vector<1x16xf32> to vector<16xf32>
      %add3A_310 = arith.addf %get3A_309, %scan3A_305#0 : vector<16xf32>
      %swap3A = arith.index_cast %add3A_269 : i32 to index
      %swap3A_311 = arith.constant 0 : index
      %swap3A_312 = tpu.vector_load %arg7[%swap3A, %swap3A_311] {strides = array<i32>} : memref<16x256xf32, #tpu.memory_space<vmem>>, vector<1x16xf32>,
      %swap3A_313 = vector.shape_cast %swap3A_312 : vector<1x16xf32> to vector<16xf32>
      %swap3A_314 = vector.shape_cast %add3A_310 : vector<16xf32> to vector<1x16xf32>
      tpu.vector_store %arg7[%swap3A, %swap3A_311], %swap3A_314 {strides = array<i32>} : memref<16x256xf32, #tpu.memory_space<vmem>>, vector<1x16xf32>,
      %get3A_315 = arith.index_cast %add3A_269 : i32 to index
      %get3A_316 = arith.constant 16 : index
      %get3A_317 = tpu.vector_load %arg7[%get3A_315, %get3A_316] {strides = array<i32>} : memref<16x256xf32, #tpu.memory_space<vmem>>, vector<1x16xf32>,
      %get3A_318 = vector.shape_cast %get3A_317 : vector<1x16xf32> to vector<16xf32>
      %add3A_319 = arith.addf %get3A_318, %scan3A_305#1 : vector<16xf32>
      %swap3A_320 = arith.index_cast %add3A_269 : i32 to index
      %swap3A_321 = arith.constant 16 : index
      %swap3A_322 = tpu.vector_load %arg7[%swap3A_320, %swap3A_321] {strides = array<i32>} : memref<16x256xf32, #tpu.memory_space<vmem>>, vector<1x16xf32>,
      %swap3A_323 = vector.shape_cast %swap3A_322 : vector<1x16xf32> to vector<16xf32>
      %swap3A_324 = vector.shape_cast %add3A_319 : vector<16xf32> to vector<1x16xf32>
      tpu.vector_store %arg7[%swap3A_320, %swap3A_321], %swap3A_324 {strides = array<i32>} : memref<16x256xf32, #tpu.memory_space<vmem>>, vector<1x16xf32>,
      %get3A_325 = arith.index_cast %add3A_269 : i32 to index
      %get3A_326 = arith.constant 32 : index
      %get3A_327 = tpu.vector_load %arg7[%get3A_325, %get3A_326] {strides = array<i32>} : memref<16x256xf32, #tpu.memory_space<vmem>>, vector<1x16xf32>,
      %get3A_328 = vector.shape_cast %get3A_327 : vector<1x16xf32> to vector<16xf32>
      %add3A_329 = arith.addf %get3A_328, %scan3A_305#2 : vector<16xf32>
      %swap3A_330 = arith.index_cast %add3A_269 : i32 to index
      %swap3A_331 = arith.constant 32 : index
      %swap3A_332 = tpu.vector_load %arg7[%swap3A_330, %swap3A_331] {strides = array<i32>} : memref<16x256xf32, #tpu.memory_space<vmem>>, vector<1x16xf32>,
      %swap3A_333 = vector.shape_cast %swap3A_332 : vector<1x16xf32> to vector<16xf32>
      %swap3A_334 = vector.shape_cast %add3A_329 : vector<16xf32> to vector<1x16xf32>
      tpu.vector_store %arg7[%swap3A_330, %swap3A_331], %swap3A_334 {strides = array<i32>} : memref<16x256xf32, #tpu.memory_space<vmem>>, vector<1x16xf32>,
      %get3A_335 = arith.index_cast %add3A_269 : i32 to index
      %get3A_336 = arith.constant 48 : index
      %get3A_337 = tpu.vector_load %arg7[%get3A_335, %get3A_336] {strides = array<i32>} : memref<16x256xf32, #tpu.memory_space<vmem>>, vector<1x16xf32>,
      %get3A_338 = vector.shape_cast %get3A_337 : vector<1x16xf32> to vector<16xf32>
      %add3A_339 = arith.addf %get3A_338, %scan3A_305#3 : vector<16xf32>
      %swap3A_340 = arith.index_cast %add3A_269 : i32 to index
      %swap3A_341 = arith.constant 48 : index
      %swap3A_342 = tpu.vector_load %arg7[%swap3A_340, %swap3A_341] {strides = array<i32>} : memref<16x256xf32, #tpu.memory_space<vmem>>, vector<1x16xf32>,
      %swap3A_343 = vector.shape_cast %swap3A_342 : vector<1x16xf32> to vector<16xf32>
      %swap3A_344 = vector.shape_cast %add3A_339 : vector<16xf32> to vector<1x16xf32>
      tpu.vector_store %arg7[%swap3A_340, %swap3A_341], %swap3A_344 {strides = array<i32>} : memref<16x256xf32, #tpu.memory_space<vmem>>, vector<1x16xf32>,
      %get3A_345 = arith.index_cast %add3A_269 : i32 to index
      %get3A_346 = arith.constant 64 : index
      %get3A_347 = tpu.vector_load %arg7[%get3A_345, %get3A_346] {strides = array<i32>} : memref<16x256xf32, #tpu.memory_space<vmem>>, vector<1x16xf32>,
      %get3A_348 = vector.shape_cast %get3A_347 : vector<1x16xf32> to vector<16xf32>
      %add3A_349 = arith.addf %get3A_348, %scan3A_305#4 : vector<16xf32>
      %swap3A_350 = arith.index_cast %add3A_269 : i32 to index
      %swap3A_351 = arith.constant 64 : index
      %swap3A_352 = tpu.vector_load %arg7[%swap3A_350, %swap3A_351] {strides = array<i32>} : memref<16x256xf32, #tpu.memory_space<vmem>>, vector<1x16xf32>,
      %swap3A_353 = vector.shape_cast %swap3A_352 : vector<1x16xf32> to vector<16xf32>
      %swap3A_354 = vector.shape_cast %add3A_349 : vector<16xf32> to vector<1x16xf32>
      tpu.vector_store %arg7[%swap3A_350, %swap3A_351], %swap3A_354 {strides = array<i32>} : memref<16x256xf32, #tpu.memory_space<vmem>>, vector<1x16xf32>,
      %get3A_355 = arith.index_cast %add3A_269 : i32 to index
      %get3A_356 = arith.constant 80 : index
      %get3A_357 = tpu.vector_load %arg7[%get3A_355, %get3A_356] {strides = array<i32>} : memref<16x256xf32, #tpu.memory_space<vmem>>, vector<1x16xf32>,
      %get3A_358 = vector.shape_cast %get3A_357 : vector<1x16xf32> to vector<16xf32>
      %add3A_359 = arith.addf %get3A_358, %scan3A_305#5 : vector<16xf32>
      %swap3A_360 = arith.index_cast %add3A_269 : i32 to index
      %swap3A_361 = arith.constant 80 : index
      %swap3A_362 = tpu.vector_load %arg7[%swap3A_360, %swap3A_361] {strides = array<i32>} : memref<16x256xf32, #tpu.memory_space<vmem>>, vector<1x16xf32>,
      %swap3A_363 = vector.shape_cast %swap3A_362 : vector<1x16xf32> to vector<16xf32>
      %swap3A_364 = vector.shape_cast %add3A_359 : vector<16xf32> to vector<1x16xf32>
      tpu.vector_store %arg7[%swap3A_360, %swap3A_361], %swap3A_364 {strides = array<i32>} : memref<16x256xf32, #tpu.memory_space<vmem>>, vector<1x16xf32>,
      %get3A_365 = arith.index_cast %add3A_269 : i32 to index
      %get3A_366 = arith.constant 96 : index
      %get3A_367 = tpu.vector_load %arg7[%get3A_365, %get3A_366] {strides = array<i32>} : memref<16x256xf32, #tpu.memory_space<vmem>>, vector<1x16xf32>,
      %get3A_368 = vector.shape_cast %get3A_367 : vector<1x16xf32> to vector<16xf32>
      %add3A_369 = arith.addf %get3A_368, %scan3A_305#6 : vector<16xf32>
      %swap3A_370 = arith.index_cast %add3A_269 : i32 to index
      %swap3A_371 = arith.constant 96 : index
      %swap3A_372 = tpu.vector_load %arg7[%swap3A_370, %swap3A_371] {strides = array<i32>} : memref<16x256xf32, #tpu.memory_space<vmem>>, vector<1x16xf32>,
      %swap3A_373 = vector.shape_cast %swap3A_372 : vector<1x16xf32> to vector<16xf32>
      %swap3A_374 = vector.shape_cast %add3A_369 : vector<16xf32> to vector<1x16xf32>
      tpu.vector_store %arg7[%swap3A_370, %swap3A_371], %swap3A_374 {strides = array<i32>} : memref<16x256xf32, #tpu.memory_space<vmem>>, vector<1x16xf32>,
      %get3A_375 = arith.index_cast %add3A_269 : i32 to index
      %get3A_376 = arith.constant 112 : index
      %get3A_377 = tpu.vector_load %arg7[%get3A_375, %get3A_376] {strides = array<i32>} : memref<16x256xf32, #tpu.memory_space<vmem>>, vector<1x16xf32>,
      %get3A_378 = vector.shape_cast %get3A_377 : vector<1x16xf32> to vector<16xf32>
      %add3A_379 = arith.addf %get3A_378, %scan3A_305#7 : vector<16xf32>
      %swap3A_380 = arith.index_cast %add3A_269 : i32 to index
      %swap3A_381 = arith.constant 112 : index
      %swap3A_382 = tpu.vector_load %arg7[%swap3A_380, %swap3A_381] {strides = array<i32>} : memref<16x256xf32, #tpu.memory_space<vmem>>, vector<1x16xf32>,
      %swap3A_383 = vector.shape_cast %swap3A_382 : vector<1x16xf32> to vector<16xf32>
      %swap3A_384 = vector.shape_cast %add3A_379 : vector<16xf32> to vector<1x16xf32>
      tpu.vector_store %arg7[%swap3A_380, %swap3A_381], %swap3A_384 {strides = array<i32>} : memref<16x256xf32, #tpu.memory_space<vmem>>, vector<1x16xf32>,
      %get3A_385 = arith.index_cast %add3A_269 : i32 to index
      %get3A_386 = arith.constant 128 : index
      %get3A_387 = tpu.vector_load %arg7[%get3A_385, %get3A_386] {strides = array<i32>} : memref<16x256xf32, #tpu.memory_space<vmem>>, vector<1x16xf32>,
      %get3A_388 = vector.shape_cast %get3A_387 : vector<1x16xf32> to vector<16xf32>
      %add3A_389 = arith.addf %get3A_388, %scan3A_305#8 : vector<16xf32>
      %swap3A_390 = arith.index_cast %add3A_269 : i32 to index
      %swap3A_391 = arith.constant 128 : index
      %swap3A_392 = tpu.vector_load %arg7[%swap3A_390, %swap3A_391] {strides = array<i32>} : memref<16x256xf32, #tpu.memory_space<vmem>>, vector<1x16xf32>,
      %swap3A_393 = vector.shape_cast %swap3A_392 : vector<1x16xf32> to vector<16xf32>
      %swap3A_394 = vector.shape_cast %add3A_389 : vector<16xf32> to vector<1x16xf32>
      tpu.vector_store %arg7[%swap3A_390, %swap3A_391], %swap3A_394 {strides = array<i32>} : memref<16x256xf32, #tpu.memory_space<vmem>>, vector<1x16xf32>,
      %get3A_395 = arith.index_cast %add3A_269 : i32 to index
      %get3A_396 = arith.constant 144 : index
      %get3A_397 = tpu.vector_load %arg7[%get3A_395, %get3A_396] {strides = array<i32>} : memref<16x256xf32, #tpu.memory_space<vmem>>, vector<1x16xf32>,
      %get3A_398 = vector.shape_cast %get3A_397 : vector<1x16xf32> to vector<16xf32>
      %add3A_399 = arith.addf %get3A_398, %scan3A_305#9 : vector<16xf32>
      %swap3A_400 = arith.index_cast %add3A_269 : i32 to index
      %swap3A_401 = arith.constant 144 : index
      %swap3A_402 = tpu.vector_load %arg7[%swap3A_400, %swap3A_401] {strides = array<i32>} : memref<16x256xf32, #tpu.memory_space<vmem>>, vector<1x16xf32>,
      %swap3A_403 = vector.shape_cast %swap3A_402 : vector<1x16xf32> to vector<16xf32>
      %swap3A_404 = vector.shape_cast %add3A_399 : vector<16xf32> to vector<1x16xf32>
      tpu.vector_store %arg7[%swap3A_400, %swap3A_401], %swap3A_404 {strides = array<i32>} : memref<16x256xf32, #tpu.memory_space<vmem>>, vector<1x16xf32>,
      %get3A_405 = arith.index_cast %add3A_269 : i32 to index
      %get3A_406 = arith.constant 160 : index
      %get3A_407 = tpu.vector_load %arg7[%get3A_405, %get3A_406] {strides = array<i32>} : memref<16x256xf32, #tpu.memory_space<vmem>>, vector<1x16xf32>,
      %get3A_408 = vector.shape_cast %get3A_407 : vector<1x16xf32> to vector<16xf32>
      %add3A_409 = arith.addf %get3A_408, %scan3A_305#10 : vector<16xf32>
      %swap3A_410 = arith.index_cast %add3A_269 : i32 to index
      %swap3A_411 = arith.constant 160 : index
      %swap3A_412 = tpu.vector_load %arg7[%swap3A_410, %swap3A_411] {strides = array<i32>} : memref<16x256xf32, #tpu.memory_space<vmem>>, vector<1x16xf32>,
      %swap3A_413 = vector.shape_cast %swap3A_412 : vector<1x16xf32> to vector<16xf32>
      %swap3A_414 = vector.shape_cast %add3A_409 : vector<16xf32> to vector<1x16xf32>
      tpu.vector_store %arg7[%swap3A_410, %swap3A_411], %swap3A_414 {strides = array<i32>} : memref<16x256xf32, #tpu.memory_space<vmem>>, vector<1x16xf32>,
      %get3A_415 = arith.index_cast %add3A_269 : i32 to index
      %get3A_416 = arith.constant 176 : index
      %get3A_417 = tpu.vector_load %arg7[%get3A_415, %get3A_416] {strides = array<i32>} : memref<16x256xf32, #tpu.memory_space<vmem>>, vector<1x16xf32>,
      %get3A_418 = vector.shape_cast %get3A_417 : vector<1x16xf32> to vector<16xf32>
      %add3A_419 = arith.addf %get3A_418, %scan3A_305#11 : vector<16xf32>
      %swap3A_420 = arith.index_cast %add3A_269 : i32 to index
      %swap3A_421 = arith.constant 176 : index
      %swap3A_422 = tpu.vector_load %arg7[%swap3A_420, %swap3A_421] {strides = array<i32>} : memref<16x256xf32, #tpu.memory_space<vmem>>, vector<1x16xf32>,
      %swap3A_423 = vector.shape_cast %swap3A_422 : vector<1x16xf32> to vector<16xf32>
      %swap3A_424 = vector.shape_cast %add3A_419 : vector<16xf32> to vector<1x16xf32>
      tpu.vector_store %arg7[%swap3A_420, %swap3A_421], %swap3A_424 {strides = array<i32>} : memref<16x256xf32, #tpu.memory_space<vmem>>, vector<1x16xf32>,
      %get3A_425 = arith.index_cast %add3A_269 : i32 to index
      %get3A_426 = arith.constant 192 : index
      %get3A_427 = tpu.vector_load %arg7[%get3A_425, %get3A_426] {strides = array<i32>} : memref<16x256xf32, #tpu.memory_space<vmem>>, vector<1x16xf32>,
      %get3A_428 = vector.shape_cast %get3A_427 : vector<1x16xf32> to vector<16xf32>
      %add3A_429 = arith.addf %get3A_428, %scan3A_305#12 : vector<16xf32>
      %swap3A_430 = arith.index_cast %add3A_269 : i32 to index
      %swap3A_431 = arith.constant 192 : index
      %swap3A_432 = tpu.vector_load %arg7[%swap3A_430, %swap3A_431] {strides = array<i32>} : memref<16x256xf32, #tpu.memory_space<vmem>>, vector<1x16xf32>,
      %swap3A_433 = vector.shape_cast %swap3A_432 : vector<1x16xf32> to vector<16xf32>
      %swap3A_434 = vector.shape_cast %add3A_429 : vector<16xf32> to vector<1x16xf32>
      tpu.vector_store %arg7[%swap3A_430, %swap3A_431], %swap3A_434 {strides = array<i32>} : memref<16x256xf32, #tpu.memory_space<vmem>>, vector<1x16xf32>,
      %get3A_435 = arith.index_cast %add3A_269 : i32 to index
      %get3A_436 = arith.constant 208 : index
      %get3A_437 = tpu.vector_load %arg7[%get3A_435, %get3A_436] {strides = array<i32>} : memref<16x256xf32, #tpu.memory_space<vmem>>, vector<1x16xf32>,
      %get3A_438 = vector.shape_cast %get3A_437 : vector<1x16xf32> to vector<16xf32>
      %add3A_439 = arith.addf %get3A_438, %scan3A_305#13 : vector<16xf32>
      %swap3A_440 = arith.index_cast %add3A_269 : i32 to index
      %swap3A_441 = arith.constant 208 : index
      %swap3A_442 = tpu.vector_load %arg7[%swap3A_440, %swap3A_441] {strides = array<i32>} : memref<16x256xf32, #tpu.memory_space<vmem>>, vector<1x16xf32>,
      %swap3A_443 = vector.shape_cast %swap3A_442 : vector<1x16xf32> to vector<16xf32>
      %swap3A_444 = vector.shape_cast %add3A_439 : vector<16xf32> to vector<1x16xf32>
      tpu.vector_store %arg7[%swap3A_440, %swap3A_441], %swap3A_444 {strides = array<i32>} : memref<16x256xf32, #tpu.memory_space<vmem>>, vector<1x16xf32>,
      %get3A_445 = arith.index_cast %add3A_269 : i32 to index
      %get3A_446 = arith.constant 224 : index
      %get3A_447 = tpu.vector_load %arg7[%get3A_445, %get3A_446] {strides = array<i32>} : memref<16x256xf32, #tpu.memory_space<vmem>>, vector<1x16xf32>,
      %get3A_448 = vector.shape_cast %get3A_447 : vector<1x16xf32> to vector<16xf32>
      %add3A_449 = arith.addf %get3A_448, %scan3A_305#14 : vector<16xf32>
      %swap3A_450 = arith.index_cast %add3A_269 : i32 to index
      %swap3A_451 = arith.constant 224 : index
      %swap3A_452 = tpu.vector_load %arg7[%swap3A_450, %swap3A_451] {strides = array<i32>} : memref<16x256xf32, #tpu.memory_space<vmem>>, vector<1x16xf32>,
      %swap3A_453 = vector.shape_cast %swap3A_452 : vector<1x16xf32> to vector<16xf32>
      %swap3A_454 = vector.shape_cast %add3A_449 : vector<16xf32> to vector<1x16xf32>
      tpu.vector_store %arg7[%swap3A_450, %swap3A_451], %swap3A_454 {strides = array<i32>} : memref<16x256xf32, #tpu.memory_space<vmem>>, vector<1x16xf32>,
      %get3A_455 = arith.index_cast %add3A_269 : i32 to index
      %get3A_456 = arith.constant 240 : index
      %get3A_457 = tpu.vector_load %arg7[%get3A_455, %get3A_456] {strides = array<i32>} : memref<16x256xf32, #tpu.memory_space<vmem>>, vector<1x16xf32>,
      %get3A_458 = vector.shape_cast %get3A_457 : vector<1x16xf32> to vector<16xf32>
      %add3A_459 = arith.addf %get3A_458, %scan3A_305#15 : vector<16xf32>
      %swap3A_460 = arith.index_cast %add3A_269 : i32 to index
      %swap3A_461 = arith.constant 240 : index
      %swap3A_462 = tpu.vector_load %arg7[%swap3A_460, %swap3A_461] {strides = array<i32>} : memref<16x256xf32, #tpu.memory_space<vmem>>, vector<1x16xf32>,
      %swap3A_463 = vector.shape_cast %swap3A_462 : vector<1x16xf32> to vector<16xf32>
      %swap3A_464 = vector.shape_cast %add3A_459 : vector<16xf32> to vector<1x16xf32>
      tpu.vector_store %arg7[%swap3A_460, %swap3A_461], %swap3A_464 {strides = array<i32>} : memref<16x256xf32, #tpu.memory_space<vmem>>, vector<1x16xf32>,
      %scan3A_465 = arith.constant 0 : i32
      scf.yield %scan3A_465 : i32
    }
    %scan3A_122 = arith.constant 8 : i32
    %dma_start3A_123 = arith.constant 2 : i32
    %dma_start3A_124 = arith.constant 1 : i32
    %dma_start3A_125 = arith.constant 2 : i32
    %dma_start3A_126 = arith.constant 0 : i32
    %dma_start3A_127 = arith.constant 0 : i32
    %dma_start3A_128 = tpu.memref_slice %arg6[%dma_start3A_125, %dma_start3A_126, %dma_start3A_127] : memref<3x128x256xf32, #tpu.memory_space<vmem>> -> memref<1x128x256xf32, #tpu.memory_space<vmem>>
    %dma_start3A_129 = tpu.memref_squeeze %dma_start3A_128 : memref<1x128x256xf32, #tpu.memory_space<vmem>> -> memref<128x256xf32, #tpu.memory_space<vmem>>
    %dma_start3A_130 = arith.constant 0 : i32
    %dma_start3A_131 = tpu.memref_slice %arg5[%dma_start3A_123, %dma_start3A_124, %dma_start3A_130] : memref<4x2x128xi32, #tpu.memory_space<vmem>> -> memref<1x1x128xi32, #tpu.memory_space<vmem>>
    %dma_start3A_132 = tpu.memref_squeeze %dma_start3A_131 : memref<1x1x128xi32, #tpu.memory_space<vmem>> -> memref<128xi32, #tpu.memory_space<vmem>>
    %dma_start3A_133 = arith.constant 0 : i32
    %dma_start3A_134 = arith.constant 0 : i32
    %dma_start3A_135 = tpu.memref_slice %arg3[%dma_start3A_133, %dma_start3A_134] : memref<100000x256xf32, #tpu.memory_space<hbm>> -> memref<100000x256xf32, #tpu.memory_space<hbm>>
    tpu.enqueue_indirect_dma source(%dma_start3A_135 : memref<100000x256xf32, #tpu.memory_space<hbm>>) target(%dma_start3A_129 : memref<128x256xf32, #tpu.memory_space<vmem>>) offsets(%dma_start3A_132 : memref<128xi32, #tpu.memory_space<vmem>>) semaphore(%arg10 : memref<!tpu.dma_semaphore, #tpu.memory_space<semaphore_mem>>)
    %dma_wait3A_136 = arith.constant 1 : i32
    %dma_wait3A_137 = arith.constant 1 : i32
    %dma_wait3A_138 = arith.constant 0 : i32
    %dma_wait3A_139 = arith.constant 0 : i32
    %dma_wait3A_140 = arith.constant 0 : i32
    %dma_wait3A_141 = tpu.memref_slice %arg6[%dma_wait3A_138, %dma_wait3A_139, %dma_wait3A_140] : memref<3x128x256xf32, #tpu.memory_space<vmem>> -> memref<1x128x256xf32, #tpu.memory_space<vmem>>
    %dma_wait3A_142 = tpu.memref_squeeze %dma_wait3A_141 : memref<1x128x256xf32, #tpu.memory_space<vmem>> -> memref<128x256xf32, #tpu.memory_space<vmem>>
    %dma_wait3A_143 = arith.constant 0 : i32
    %dma_wait3A_144 = tpu.memref_slice %arg5[%dma_wait3A_136, %dma_wait3A_137, %dma_wait3A_143] : memref<4x2x128xi32, #tpu.memory_space<vmem>> -> memref<1x1x128xi32, #tpu.memory_space<vmem>>
    %dma_wait3A_145 = tpu.memref_squeeze %dma_wait3A_144 : memref<1x1x128xi32, #tpu.memory_space<vmem>> -> memref<128xi32, #tpu.memory_space<vmem>>
    %dma_wait3A_146 = arith.constant 0 : i32
    %dma_wait3A_147 = arith.constant 0 : i32
    %dma_wait3A_148 = tpu.memref_slice %arg3[%dma_wait3A_146, %dma_wait3A_147] : memref<100000x256xf32, #tpu.memory_space<hbm>> -> memref<100000x256xf32, #tpu.memory_space<hbm>>
    tpu.wait_indirect_dma semaphore(%arg8 : memref<!tpu.dma_semaphore, #tpu.memory_space<semaphore_mem>>) src(%dma_wait3A_148 : memref<100000x256xf32, #tpu.memory_space<hbm>>) dst(%dma_wait3A_142 : memref<128x256xf32, #tpu.memory_space<vmem>>)
    %scan3A_149 = arith.constant 0 : i32
    %scan3A_150 = arith.constant 0 : i32
    %scan3A_151 = arith.constant 8 : i32
    %scan3A_152 = arith.addi %scan3A_150, %scan3A_151 : i32
    %scan3A_153 = arith.constant 1 : i32
    %scan3A_154 = scf.for %scan3A_264 = %scan3A_150 to %scan3A_152 step %scan3A_153 iter_args(%scan3A_265 = %scan3A_149) -> (i32)  : i32 {
      %mul3A_266 = arith.constant 16 : i32
      %mul3A_267 = arith.muli %scan3A_264, %mul3A_266 : i32
      %add3A_268 = arith.constant 8 : i32
      %add3A_269 = arith.addi %add3A_268, %scan3A_264 : i32
      %broadcast_in_dim3A = arith.constant 0.000000e+00 : f32
      %broadcast_in_dim3A_270 = vector.broadcast %broadcast_in_dim3A : f32 to vector<16xf32>
      %broadcast_in_dim3A_271 = arith.constant 0.000000e+00 : f32
      %broadcast_in_dim3A_272 = vector.broadcast %broadcast_in_dim3A_271 : f32 to vector<16xf32>
      %broadcast_in_dim3A_273 = arith.constant 0.000000e+00 : f32
      %broadcast_in_dim3A_274 = vector.broadcast %broadcast_in_dim3A_273 : f32 to vector<16xf32>
      %broadcast_in_dim3A_275 = arith.constant 0.000000e+00 : f32
      %broadcast_in_dim3A_276 = vector.broadcast %broadcast_in_dim3A_275 : f32 to vector<16xf32>
      %broadcast_in_dim3A_277 = arith.constant 0.000000e+00 : f32
      %broadcast_in_dim3A_278 = vector.broadcast %broadcast_in_dim3A_277 : f32 to vector<16xf32>
      %broadcast_in_dim3A_279 = arith.constant 0.000000e+00 : f32
      %broadcast_in_dim3A_280 = vector.broadcast %broadcast_in_dim3A_279 : f32 to vector<16xf32>
      %broadcast_in_dim3A_281 = arith.constant 0.000000e+00 : f32
      %broadcast_in_dim3A_282 = vector.broadcast %broadcast_in_dim3A_281 : f32 to vector<16xf32>
      %broadcast_in_dim3A_283 = arith.constant 0.000000e+00 : f32
      %broadcast_in_dim3A_284 = vector.broadcast %broadcast_in_dim3A_283 : f32 to vector<16xf32>
      %broadcast_in_dim3A_285 = arith.constant 0.000000e+00 : f32
      %broadcast_in_dim3A_286 = vector.broadcast %broadcast_in_dim3A_285 : f32 to vector<16xf32>
      %broadcast_in_dim3A_287 = arith.constant 0.000000e+00 : f32
      %broadcast_in_dim3A_288 = vector.broadcast %broadcast_in_dim3A_287 : f32 to vector<16xf32>
      %broadcast_in_dim3A_289 = arith.constant 0.000000e+00 : f32
      %broadcast_in_dim3A_290 = vector.broadcast %broadcast_in_dim3A_289 : f32 to vector<16xf32>
      %broadcast_in_dim3A_291 = arith.constant 0.000000e+00 : f32
      %broadcast_in_dim3A_292 = vector.broadcast %broadcast_in_dim3A_291 : f32 to vector<16xf32>
      %broadcast_in_dim3A_293 = arith.constant 0.000000e+00 : f32
      %broadcast_in_dim3A_294 = vector.broadcast %broadcast_in_dim3A_293 : f32 to vector<16xf32>
      %broadcast_in_dim3A_295 = arith.constant 0.000000e+00 : f32
      %broadcast_in_dim3A_296 = vector.broadcast %broadcast_in_dim3A_295 : f32 to vector<16xf32>
      %broadcast_in_dim3A_297 = arith.constant 0.000000e+00 : f32
      %broadcast_in_dim3A_298 = vector.broadcast %broadcast_in_dim3A_297 : f32 to vector<16xf32>
      %broadcast_in_dim3A_299 = arith.constant 0.000000e+00 : f32
      %broadcast_in_dim3A_300 = vector.broadcast %broadcast_in_dim3A_299 : f32 to vector<16xf32>
      %scan3A_301 = arith.constant 0 : i32
      %scan3A_302 = arith.constant 16 : i32
      %scan3A_303 = arith.addi %scan3A_301, %scan3A_302 : i32
      %scan3A_304 = arith.constant 1 : i32
      %scan3A_305:16 = scf.for %scan3A_466 = %scan3A_301 to %scan3A_303 step %scan3A_304 iter_args(%scan3A_467 = %broadcast_in_dim3A_270, %scan3A_468 = %broadcast_in_dim3A_272, %scan3A_469 = %broadcast_in_dim3A_274, %scan3A_470 = %broadcast_in_dim3A_276, %scan3A_471 = %broadcast_in_dim3A_278, %scan3A_472 = %broadcast_in_dim3A_280, %scan3A_473 = %broadcast_in_dim3A_282, %scan3A_474 = %broadcast_in_dim3A_284, %scan3A_475 = %broadcast_in_dim3A_286, %scan3A_476 = %broadcast_in_dim3A_288, %scan3A_477 = %broadcast_in_dim3A_290, %scan3A_478 = %broadcast_in_dim3A_292, %scan3A_479 = %broadcast_in_dim3A_294, %scan3A_480 = %broadcast_in_dim3A_296, %scan3A_481 = %broadcast_in_dim3A_298, %scan3A_482 = %broadcast_in_dim3A_300) -> (vector<16xf32>, vector<16xf32>, vector<16xf32>, vector<16xf32>, vector<16xf32>, vector<16xf32>, vector<16xf32>, vector<16xf32>, vector<16xf32>, vector<16xf32>, vector<16xf32>, vector<16xf32>, vector<16xf32>, vector<16xf32>, vector<16xf32>, vector<16xf32>)  : i32 {
        %add3A_483 = arith.addi %mul3A_267, %scan3A_466 : i32
        %get3A_484 = arith.constant 0 : i32
        %get3A_485 = arith.index_cast %get3A_484 : i32 to index
        %get3A_486 = arith.index_cast %add3A_483 : i32 to index
        %get3A_487 = arith.constant 0 : index
        %get3A_488 = tpu.vector_load %arg6[%get3A_485, %get3A_486, %get3A_487] {strides = array<i32>} : memref<3x128x256xf32, #tpu.memory_space<vmem>>, vector<1x1x16xf32>,
        %get3A_489 = vector.shape_cast %get3A_488 : vector<1x1x16xf32> to vector<16xf32>
        %mul3A_490 = arith.constant 6.553700e+04 : f32
        %mul3A_491 = vector.broadcast %mul3A_490 : f32 to vector<16xf32>
        %mul3A_492 = arith.mulf %get3A_489, %mul3A_491 : vector<16xf32>
        %sub3A = arith.subf %get3A_489, %mul3A_492 : vector<16xf32>
        %add3A_493 = arith.addf %mul3A_492, %sub3A : vector<16xf32>
        %add3A_494 = arith.addf %scan3A_467, %add3A_493 : vector<16xf32>
        %get3A_495 = arith.constant 0 : i32
        %get3A_496 = arith.index_cast %get3A_495 : i32 to index
        %get3A_497 = arith.index_cast %add3A_483 : i32 to index
        %get3A_498 = arith.constant 16 : index
        %get3A_499 = tpu.vector_load %arg6[%get3A_496, %get3A_497, %get3A_498] {strides = array<i32>} : memref<3x128x256xf32, #tpu.memory_space<vmem>>, vector<1x1x16xf32>,
        %get3A_500 = vector.shape_cast %get3A_499 : vector<1x1x16xf32> to vector<16xf32>
        %mul3A_501 = arith.constant 6.553700e+04 : f32
        %mul3A_502 = vector.broadcast %mul3A_501 : f32 to vector<16xf32>
        %mul3A_503 = arith.mulf %get3A_500, %mul3A_502 : vector<16xf32>
        %sub3A_504 = arith.subf %get3A_500, %mul3A_503 : vector<16xf32>
        %add3A_505 = arith.addf %mul3A_503, %sub3A_504 : vector<16xf32>
        %add3A_506 = arith.addf %scan3A_468, %add3A_505 : vector<16xf32>
        %get3A_507 = arith.constant 0 : i32
        %get3A_508 = arith.index_cast %get3A_507 : i32 to index
        %get3A_509 = arith.index_cast %add3A_483 : i32 to index
        %get3A_510 = arith.constant 32 : index
        %get3A_511 = tpu.vector_load %arg6[%get3A_508, %get3A_509, %get3A_510] {strides = array<i32>} : memref<3x128x256xf32, #tpu.memory_space<vmem>>, vector<1x1x16xf32>,
        %get3A_512 = vector.shape_cast %get3A_511 : vector<1x1x16xf32> to vector<16xf32>
        %mul3A_513 = arith.constant 6.553700e+04 : f32
        %mul3A_514 = vector.broadcast %mul3A_513 : f32 to vector<16xf32>
        %mul3A_515 = arith.mulf %get3A_512, %mul3A_514 : vector<16xf32>
        %sub3A_516 = arith.subf %get3A_512, %mul3A_515 : vector<16xf32>
        %add3A_517 = arith.addf %mul3A_515, %sub3A_516 : vector<16xf32>
        %add3A_518 = arith.addf %scan3A_469, %add3A_517 : vector<16xf32>
        %get3A_519 = arith.constant 0 : i32
        %get3A_520 = arith.index_cast %get3A_519 : i32 to index
        %get3A_521 = arith.index_cast %add3A_483 : i32 to index
        %get3A_522 = arith.constant 48 : index
        %get3A_523 = tpu.vector_load %arg6[%get3A_520, %get3A_521, %get3A_522] {strides = array<i32>} : memref<3x128x256xf32, #tpu.memory_space<vmem>>, vector<1x1x16xf32>,
        %get3A_524 = vector.shape_cast %get3A_523 : vector<1x1x16xf32> to vector<16xf32>
        %mul3A_525 = arith.constant 6.553700e+04 : f32
        %mul3A_526 = vector.broadcast %mul3A_525 : f32 to vector<16xf32>
        %mul3A_527 = arith.mulf %get3A_524, %mul3A_526 : vector<16xf32>
        %sub3A_528 = arith.subf %get3A_524, %mul3A_527 : vector<16xf32>
        %add3A_529 = arith.addf %mul3A_527, %sub3A_528 : vector<16xf32>
        %add3A_530 = arith.addf %scan3A_470, %add3A_529 : vector<16xf32>
        %get3A_531 = arith.constant 0 : i32
        %get3A_532 = arith.index_cast %get3A_531 : i32 to index
        %get3A_533 = arith.index_cast %add3A_483 : i32 to index
        %get3A_534 = arith.constant 64 : index
        %get3A_535 = tpu.vector_load %arg6[%get3A_532, %get3A_533, %get3A_534] {strides = array<i32>} : memref<3x128x256xf32, #tpu.memory_space<vmem>>, vector<1x1x16xf32>,
        %get3A_536 = vector.shape_cast %get3A_535 : vector<1x1x16xf32> to vector<16xf32>
        %mul3A_537 = arith.constant 6.553700e+04 : f32
        %mul3A_538 = vector.broadcast %mul3A_537 : f32 to vector<16xf32>
        %mul3A_539 = arith.mulf %get3A_536, %mul3A_538 : vector<16xf32>
        %sub3A_540 = arith.subf %get3A_536, %mul3A_539 : vector<16xf32>
        %add3A_541 = arith.addf %mul3A_539, %sub3A_540 : vector<16xf32>
        %add3A_542 = arith.addf %scan3A_471, %add3A_541 : vector<16xf32>
        %get3A_543 = arith.constant 0 : i32
        %get3A_544 = arith.index_cast %get3A_543 : i32 to index
        %get3A_545 = arith.index_cast %add3A_483 : i32 to index
        %get3A_546 = arith.constant 80 : index
        %get3A_547 = tpu.vector_load %arg6[%get3A_544, %get3A_545, %get3A_546] {strides = array<i32>} : memref<3x128x256xf32, #tpu.memory_space<vmem>>, vector<1x1x16xf32>,
        %get3A_548 = vector.shape_cast %get3A_547 : vector<1x1x16xf32> to vector<16xf32>
        %mul3A_549 = arith.constant 6.553700e+04 : f32
        %mul3A_550 = vector.broadcast %mul3A_549 : f32 to vector<16xf32>
        %mul3A_551 = arith.mulf %get3A_548, %mul3A_550 : vector<16xf32>
        %sub3A_552 = arith.subf %get3A_548, %mul3A_551 : vector<16xf32>
        %add3A_553 = arith.addf %mul3A_551, %sub3A_552 : vector<16xf32>
        %add3A_554 = arith.addf %scan3A_472, %add3A_553 : vector<16xf32>
        %get3A_555 = arith.constant 0 : i32
        %get3A_556 = arith.index_cast %get3A_555 : i32 to index
        %get3A_557 = arith.index_cast %add3A_483 : i32 to index
        %get3A_558 = arith.constant 96 : index
        %get3A_559 = tpu.vector_load %arg6[%get3A_556, %get3A_557, %get3A_558] {strides = array<i32>} : memref<3x128x256xf32, #tpu.memory_space<vmem>>, vector<1x1x16xf32>,
        %get3A_560 = vector.shape_cast %get3A_559 : vector<1x1x16xf32> to vector<16xf32>
        %mul3A_561 = arith.constant 6.553700e+04 : f32
        %mul3A_562 = vector.broadcast %mul3A_561 : f32 to vector<16xf32>
        %mul3A_563 = arith.mulf %get3A_560, %mul3A_562 : vector<16xf32>
        %sub3A_564 = arith.subf %get3A_560, %mul3A_563 : vector<16xf32>
        %add3A_565 = arith.addf %mul3A_563, %sub3A_564 : vector<16xf32>
        %add3A_566 = arith.addf %scan3A_473, %add3A_565 : vector<16xf32>
        %get3A_567 = arith.constant 0 : i32
        %get3A_568 = arith.index_cast %get3A_567 : i32 to index
        %get3A_569 = arith.index_cast %add3A_483 : i32 to index
        %get3A_570 = arith.constant 112 : index
        %get3A_571 = tpu.vector_load %arg6[%get3A_568, %get3A_569, %get3A_570] {strides = array<i32>} : memref<3x128x256xf32, #tpu.memory_space<vmem>>, vector<1x1x16xf32>,
        %get3A_572 = vector.shape_cast %get3A_571 : vector<1x1x16xf32> to vector<16xf32>
        %mul3A_573 = arith.constant 6.553700e+04 : f32
        %mul3A_574 = vector.broadcast %mul3A_573 : f32 to vector<16xf32>
        %mul3A_575 = arith.mulf %get3A_572, %mul3A_574 : vector<16xf32>
        %sub3A_576 = arith.subf %get3A_572, %mul3A_575 : vector<16xf32>
        %add3A_577 = arith.addf %mul3A_575, %sub3A_576 : vector<16xf32>
        %add3A_578 = arith.addf %scan3A_474, %add3A_577 : vector<16xf32>
        %get3A_579 = arith.constant 0 : i32
        %get3A_580 = arith.index_cast %get3A_579 : i32 to index
        %get3A_581 = arith.index_cast %add3A_483 : i32 to index
        %get3A_582 = arith.constant 128 : index
        %get3A_583 = tpu.vector_load %arg6[%get3A_580, %get3A_581, %get3A_582] {strides = array<i32>} : memref<3x128x256xf32, #tpu.memory_space<vmem>>, vector<1x1x16xf32>,
        %get3A_584 = vector.shape_cast %get3A_583 : vector<1x1x16xf32> to vector<16xf32>
        %mul3A_585 = arith.constant 6.553700e+04 : f32
        %mul3A_586 = vector.broadcast %mul3A_585 : f32 to vector<16xf32>
        %mul3A_587 = arith.mulf %get3A_584, %mul3A_586 : vector<16xf32>
        %sub3A_588 = arith.subf %get3A_584, %mul3A_587 : vector<16xf32>
        %add3A_589 = arith.addf %mul3A_587, %sub3A_588 : vector<16xf32>
        %add3A_590 = arith.addf %scan3A_475, %add3A_589 : vector<16xf32>
        %get3A_591 = arith.constant 0 : i32
        %get3A_592 = arith.index_cast %get3A_591 : i32 to index
        %get3A_593 = arith.index_cast %add3A_483 : i32 to index
        %get3A_594 = arith.constant 144 : index
        %get3A_595 = tpu.vector_load %arg6[%get3A_592, %get3A_593, %get3A_594] {strides = array<i32>} : memref<3x128x256xf32, #tpu.memory_space<vmem>>, vector<1x1x16xf32>,
        %get3A_596 = vector.shape_cast %get3A_595 : vector<1x1x16xf32> to vector<16xf32>
        %mul3A_597 = arith.constant 6.553700e+04 : f32
        %mul3A_598 = vector.broadcast %mul3A_597 : f32 to vector<16xf32>
        %mul3A_599 = arith.mulf %get3A_596, %mul3A_598 : vector<16xf32>
        %sub3A_600 = arith.subf %get3A_596, %mul3A_599 : vector<16xf32>
        %add3A_601 = arith.addf %mul3A_599, %sub3A_600 : vector<16xf32>
        %add3A_602 = arith.addf %scan3A_476, %add3A_601 : vector<16xf32>
        %get3A_603 = arith.constant 0 : i32
        %get3A_604 = arith.index_cast %get3A_603 : i32 to index
        %get3A_605 = arith.index_cast %add3A_483 : i32 to index
        %get3A_606 = arith.constant 160 : index
        %get3A_607 = tpu.vector_load %arg6[%get3A_604, %get3A_605, %get3A_606] {strides = array<i32>} : memref<3x128x256xf32, #tpu.memory_space<vmem>>, vector<1x1x16xf32>,
        %get3A_608 = vector.shape_cast %get3A_607 : vector<1x1x16xf32> to vector<16xf32>
        %mul3A_609 = arith.constant 6.553700e+04 : f32
        %mul3A_610 = vector.broadcast %mul3A_609 : f32 to vector<16xf32>
        %mul3A_611 = arith.mulf %get3A_608, %mul3A_610 : vector<16xf32>
        %sub3A_612 = arith.subf %get3A_608, %mul3A_611 : vector<16xf32>
        %add3A_613 = arith.addf %mul3A_611, %sub3A_612 : vector<16xf32>
        %add3A_614 = arith.addf %scan3A_477, %add3A_613 : vector<16xf32>
        %get3A_615 = arith.constant 0 : i32
        %get3A_616 = arith.index_cast %get3A_615 : i32 to index
        %get3A_617 = arith.index_cast %add3A_483 : i32 to index
        %get3A_618 = arith.constant 176 : index
        %get3A_619 = tpu.vector_load %arg6[%get3A_616, %get3A_617, %get3A_618] {strides = array<i32>} : memref<3x128x256xf32, #tpu.memory_space<vmem>>, vector<1x1x16xf32>,
        %get3A_620 = vector.shape_cast %get3A_619 : vector<1x1x16xf32> to vector<16xf32>
        %mul3A_621 = arith.constant 6.553700e+04 : f32
        %mul3A_622 = vector.broadcast %mul3A_621 : f32 to vector<16xf32>
        %mul3A_623 = arith.mulf %get3A_620, %mul3A_622 : vector<16xf32>
        %sub3A_624 = arith.subf %get3A_620, %mul3A_623 : vector<16xf32>
        %add3A_625 = arith.addf %mul3A_623, %sub3A_624 : vector<16xf32>
        %add3A_626 = arith.addf %scan3A_478, %add3A_625 : vector<16xf32>
        %get3A_627 = arith.constant 0 : i32
        %get3A_628 = arith.index_cast %get3A_627 : i32 to index
        %get3A_629 = arith.index_cast %add3A_483 : i32 to index
        %get3A_630 = arith.constant 192 : index
        %get3A_631 = tpu.vector_load %arg6[%get3A_628, %get3A_629, %get3A_630] {strides = array<i32>} : memref<3x128x256xf32, #tpu.memory_space<vmem>>, vector<1x1x16xf32>,
        %get3A_632 = vector.shape_cast %get3A_631 : vector<1x1x16xf32> to vector<16xf32>
        %mul3A_633 = arith.constant 6.553700e+04 : f32
        %mul3A_634 = vector.broadcast %mul3A_633 : f32 to vector<16xf32>
        %mul3A_635 = arith.mulf %get3A_632, %mul3A_634 : vector<16xf32>
        %sub3A_636 = arith.subf %get3A_632, %mul3A_635 : vector<16xf32>
        %add3A_637 = arith.addf %mul3A_635, %sub3A_636 : vector<16xf32>
        %add3A_638 = arith.addf %scan3A_479, %add3A_637 : vector<16xf32>
        %get3A_639 = arith.constant 0 : i32
        %get3A_640 = arith.index_cast %get3A_639 : i32 to index
        %get3A_641 = arith.index_cast %add3A_483 : i32 to index
        %get3A_642 = arith.constant 208 : index
        %get3A_643 = tpu.vector_load %arg6[%get3A_640, %get3A_641, %get3A_642] {strides = array<i32>} : memref<3x128x256xf32, #tpu.memory_space<vmem>>, vector<1x1x16xf32>,
        %get3A_644 = vector.shape_cast %get3A_643 : vector<1x1x16xf32> to vector<16xf32>
        %mul3A_645 = arith.constant 6.553700e+04 : f32
        %mul3A_646 = vector.broadcast %mul3A_645 : f32 to vector<16xf32>
        %mul3A_647 = arith.mulf %get3A_644, %mul3A_646 : vector<16xf32>
        %sub3A_648 = arith.subf %get3A_644, %mul3A_647 : vector<16xf32>
        %add3A_649 = arith.addf %mul3A_647, %sub3A_648 : vector<16xf32>
        %add3A_650 = arith.addf %scan3A_480, %add3A_649 : vector<16xf32>
        %get3A_651 = arith.constant 0 : i32
        %get3A_652 = arith.index_cast %get3A_651 : i32 to index
        %get3A_653 = arith.index_cast %add3A_483 : i32 to index
        %get3A_654 = arith.constant 224 : index
        %get3A_655 = tpu.vector_load %arg6[%get3A_652, %get3A_653, %get3A_654] {strides = array<i32>} : memref<3x128x256xf32, #tpu.memory_space<vmem>>, vector<1x1x16xf32>,
        %get3A_656 = vector.shape_cast %get3A_655 : vector<1x1x16xf32> to vector<16xf32>
        %mul3A_657 = arith.constant 6.553700e+04 : f32
        %mul3A_658 = vector.broadcast %mul3A_657 : f32 to vector<16xf32>
        %mul3A_659 = arith.mulf %get3A_656, %mul3A_658 : vector<16xf32>
        %sub3A_660 = arith.subf %get3A_656, %mul3A_659 : vector<16xf32>
        %add3A_661 = arith.addf %mul3A_659, %sub3A_660 : vector<16xf32>
        %add3A_662 = arith.addf %scan3A_481, %add3A_661 : vector<16xf32>
        %get3A_663 = arith.constant 0 : i32
        %get3A_664 = arith.index_cast %get3A_663 : i32 to index
        %get3A_665 = arith.index_cast %add3A_483 : i32 to index
        %get3A_666 = arith.constant 240 : index
        %get3A_667 = tpu.vector_load %arg6[%get3A_664, %get3A_665, %get3A_666] {strides = array<i32>} : memref<3x128x256xf32, #tpu.memory_space<vmem>>, vector<1x1x16xf32>,
        %get3A_668 = vector.shape_cast %get3A_667 : vector<1x1x16xf32> to vector<16xf32>
        %mul3A_669 = arith.constant 6.553700e+04 : f32
        %mul3A_670 = vector.broadcast %mul3A_669 : f32 to vector<16xf32>
        %mul3A_671 = arith.mulf %get3A_668, %mul3A_670 : vector<16xf32>
        %sub3A_672 = arith.subf %get3A_668, %mul3A_671 : vector<16xf32>
        %add3A_673 = arith.addf %mul3A_671, %sub3A_672 : vector<16xf32>
        %add3A_674 = arith.addf %scan3A_482, %add3A_673 : vector<16xf32>
        scf.yield %add3A_494, %add3A_506, %add3A_518, %add3A_530, %add3A_542, %add3A_554, %add3A_566, %add3A_578, %add3A_590, %add3A_602, %add3A_614, %add3A_626, %add3A_638, %add3A_650, %add3A_662, %add3A_674 : vector<16xf32>, vector<16xf32>, vector<16xf32>, vector<16xf32>, vector<16xf32>, vector<16xf32>, vector<16xf32>, vector<16xf32>, vector<16xf32>, vector<16xf32>, vector<16xf32>, vector<16xf32>, vector<16xf32>, vector<16xf32>, vector<16xf32>, vector<16xf32>
      }
      %scan3A_306 = arith.constant 16 : i32
      %get3A = arith.index_cast %add3A_269 : i32 to index
      %get3A_307 = arith.constant 0 : index
      %get3A_308 = tpu.vector_load %arg7[%get3A, %get3A_307] {strides = array<i32>} : memref<16x256xf32, #tpu.memory_space<vmem>>, vector<1x16xf32>,
      %get3A_309 = vector.shape_cast %get3A_308 : vector<1x16xf32> to vector<16xf32>
      %add3A_310 = arith.addf %get3A_309, %scan3A_305#0 : vector<16xf32>
      %swap3A = arith.index_cast %add3A_269 : i32 to index
      %swap3A_311 = arith.constant 0 : index
      %swap3A_312 = tpu.vector_load %arg7[%swap3A, %swap3A_311] {strides = array<i32>} : memref<16x256xf32, #tpu.memory_space<vmem>>, vector<1x16xf32>,
      %swap3A_313 = vector.shape_cast %swap3A_312 : vector<1x16xf32> to vector<16xf32>
      %swap3A_314 = vector.shape_cast %add3A_310 : vector<16xf32> to vector<1x16xf32>
      tpu.vector_store %arg7[%swap3A, %swap3A_311], %swap3A_314 {strides = array<i32>} : memref<16x256xf32, #tpu.memory_space<vmem>>, vector<1x16xf32>,
      %get3A_315 = arith.index_cast %add3A_269 : i32 to index
      %get3A_316 = arith.constant 16 : index
      %get3A_317 = tpu.vector_load %arg7[%get3A_315, %get3A_316] {strides = array<i32>} : memref<16x256xf32, #tpu.memory_space<vmem>>, vector<1x16xf32>,
      %get3A_318 = vector.shape_cast %get3A_317 : vector<1x16xf32> to vector<16xf32>
      %add3A_319 = arith.addf %get3A_318, %scan3A_305#1 : vector<16xf32>
      %swap3A_320 = arith.index_cast %add3A_269 : i32 to index
      %swap3A_321 = arith.constant 16 : index
      %swap3A_322 = tpu.vector_load %arg7[%swap3A_320, %swap3A_321] {strides = array<i32>} : memref<16x256xf32, #tpu.memory_space<vmem>>, vector<1x16xf32>,
      %swap3A_323 = vector.shape_cast %swap3A_322 : vector<1x16xf32> to vector<16xf32>
      %swap3A_324 = vector.shape_cast %add3A_319 : vector<16xf32> to vector<1x16xf32>
      tpu.vector_store %arg7[%swap3A_320, %swap3A_321], %swap3A_324 {strides = array<i32>} : memref<16x256xf32, #tpu.memory_space<vmem>>, vector<1x16xf32>,
      %get3A_325 = arith.index_cast %add3A_269 : i32 to index
      %get3A_326 = arith.constant 32 : index
      %get3A_327 = tpu.vector_load %arg7[%get3A_325, %get3A_326] {strides = array<i32>} : memref<16x256xf32, #tpu.memory_space<vmem>>, vector<1x16xf32>,
      %get3A_328 = vector.shape_cast %get3A_327 : vector<1x16xf32> to vector<16xf32>
      %add3A_329 = arith.addf %get3A_328, %scan3A_305#2 : vector<16xf32>
      %swap3A_330 = arith.index_cast %add3A_269 : i32 to index
      %swap3A_331 = arith.constant 32 : index
      %swap3A_332 = tpu.vector_load %arg7[%swap3A_330, %swap3A_331] {strides = array<i32>} : memref<16x256xf32, #tpu.memory_space<vmem>>, vector<1x16xf32>,
      %swap3A_333 = vector.shape_cast %swap3A_332 : vector<1x16xf32> to vector<16xf32>
      %swap3A_334 = vector.shape_cast %add3A_329 : vector<16xf32> to vector<1x16xf32>
      tpu.vector_store %arg7[%swap3A_330, %swap3A_331], %swap3A_334 {strides = array<i32>} : memref<16x256xf32, #tpu.memory_space<vmem>>, vector<1x16xf32>,
      %get3A_335 = arith.index_cast %add3A_269 : i32 to index
      %get3A_336 = arith.constant 48 : index
      %get3A_337 = tpu.vector_load %arg7[%get3A_335, %get3A_336] {strides = array<i32>} : memref<16x256xf32, #tpu.memory_space<vmem>>, vector<1x16xf32>,
      %get3A_338 = vector.shape_cast %get3A_337 : vector<1x16xf32> to vector<16xf32>
      %add3A_339 = arith.addf %get3A_338, %scan3A_305#3 : vector<16xf32>
      %swap3A_340 = arith.index_cast %add3A_269 : i32 to index
      %swap3A_341 = arith.constant 48 : index
      %swap3A_342 = tpu.vector_load %arg7[%swap3A_340, %swap3A_341] {strides = array<i32>} : memref<16x256xf32, #tpu.memory_space<vmem>>, vector<1x16xf32>,
      %swap3A_343 = vector.shape_cast %swap3A_342 : vector<1x16xf32> to vector<16xf32>
      %swap3A_344 = vector.shape_cast %add3A_339 : vector<16xf32> to vector<1x16xf32>
      tpu.vector_store %arg7[%swap3A_340, %swap3A_341], %swap3A_344 {strides = array<i32>} : memref<16x256xf32, #tpu.memory_space<vmem>>, vector<1x16xf32>,
      %get3A_345 = arith.index_cast %add3A_269 : i32 to index
      %get3A_346 = arith.constant 64 : index
      %get3A_347 = tpu.vector_load %arg7[%get3A_345, %get3A_346] {strides = array<i32>} : memref<16x256xf32, #tpu.memory_space<vmem>>, vector<1x16xf32>,
      %get3A_348 = vector.shape_cast %get3A_347 : vector<1x16xf32> to vector<16xf32>
      %add3A_349 = arith.addf %get3A_348, %scan3A_305#4 : vector<16xf32>
      %swap3A_350 = arith.index_cast %add3A_269 : i32 to index
      %swap3A_351 = arith.constant 64 : index
      %swap3A_352 = tpu.vector_load %arg7[%swap3A_350, %swap3A_351] {strides = array<i32>} : memref<16x256xf32, #tpu.memory_space<vmem>>, vector<1x16xf32>,
      %swap3A_353 = vector.shape_cast %swap3A_352 : vector<1x16xf32> to vector<16xf32>
      %swap3A_354 = vector.shape_cast %add3A_349 : vector<16xf32> to vector<1x16xf32>
      tpu.vector_store %arg7[%swap3A_350, %swap3A_351], %swap3A_354 {strides = array<i32>} : memref<16x256xf32, #tpu.memory_space<vmem>>, vector<1x16xf32>,
      %get3A_355 = arith.index_cast %add3A_269 : i32 to index
      %get3A_356 = arith.constant 80 : index
      %get3A_357 = tpu.vector_load %arg7[%get3A_355, %get3A_356] {strides = array<i32>} : memref<16x256xf32, #tpu.memory_space<vmem>>, vector<1x16xf32>,
      %get3A_358 = vector.shape_cast %get3A_357 : vector<1x16xf32> to vector<16xf32>
      %add3A_359 = arith.addf %get3A_358, %scan3A_305#5 : vector<16xf32>
      %swap3A_360 = arith.index_cast %add3A_269 : i32 to index
      %swap3A_361 = arith.constant 80 : index
      %swap3A_362 = tpu.vector_load %arg7[%swap3A_360, %swap3A_361] {strides = array<i32>} : memref<16x256xf32, #tpu.memory_space<vmem>>, vector<1x16xf32>,
      %swap3A_363 = vector.shape_cast %swap3A_362 : vector<1x16xf32> to vector<16xf32>
      %swap3A_364 = vector.shape_cast %add3A_359 : vector<16xf32> to vector<1x16xf32>
      tpu.vector_store %arg7[%swap3A_360, %swap3A_361], %swap3A_364 {strides = array<i32>} : memref<16x256xf32, #tpu.memory_space<vmem>>, vector<1x16xf32>,
      %get3A_365 = arith.index_cast %add3A_269 : i32 to index
      %get3A_366 = arith.constant 96 : index
      %get3A_367 = tpu.vector_load %arg7[%get3A_365, %get3A_366] {strides = array<i32>} : memref<16x256xf32, #tpu.memory_space<vmem>>, vector<1x16xf32>,
      %get3A_368 = vector.shape_cast %get3A_367 : vector<1x16xf32> to vector<16xf32>
      %add3A_369 = arith.addf %get3A_368, %scan3A_305#6 : vector<16xf32>
      %swap3A_370 = arith.index_cast %add3A_269 : i32 to index
      %swap3A_371 = arith.constant 96 : index
      %swap3A_372 = tpu.vector_load %arg7[%swap3A_370, %swap3A_371] {strides = array<i32>} : memref<16x256xf32, #tpu.memory_space<vmem>>, vector<1x16xf32>,
      %swap3A_373 = vector.shape_cast %swap3A_372 : vector<1x16xf32> to vector<16xf32>
      %swap3A_374 = vector.shape_cast %add3A_369 : vector<16xf32> to vector<1x16xf32>
      tpu.vector_store %arg7[%swap3A_370, %swap3A_371], %swap3A_374 {strides = array<i32>} : memref<16x256xf32, #tpu.memory_space<vmem>>, vector<1x16xf32>,
      %get3A_375 = arith.index_cast %add3A_269 : i32 to index
      %get3A_376 = arith.constant 112 : index
      %get3A_377 = tpu.vector_load %arg7[%get3A_375, %get3A_376] {strides = array<i32>} : memref<16x256xf32, #tpu.memory_space<vmem>>, vector<1x16xf32>,
      %get3A_378 = vector.shape_cast %get3A_377 : vector<1x16xf32> to vector<16xf32>
      %add3A_379 = arith.addf %get3A_378, %scan3A_305#7 : vector<16xf32>
      %swap3A_380 = arith.index_cast %add3A_269 : i32 to index
      %swap3A_381 = arith.constant 112 : index
      %swap3A_382 = tpu.vector_load %arg7[%swap3A_380, %swap3A_381] {strides = array<i32>} : memref<16x256xf32, #tpu.memory_space<vmem>>, vector<1x16xf32>,
      %swap3A_383 = vector.shape_cast %swap3A_382 : vector<1x16xf32> to vector<16xf32>
      %swap3A_384 = vector.shape_cast %add3A_379 : vector<16xf32> to vector<1x16xf32>
      tpu.vector_store %arg7[%swap3A_380, %swap3A_381], %swap3A_384 {strides = array<i32>} : memref<16x256xf32, #tpu.memory_space<vmem>>, vector<1x16xf32>,
      %get3A_385 = arith.index_cast %add3A_269 : i32 to index
      %get3A_386 = arith.constant 128 : index
      %get3A_387 = tpu.vector_load %arg7[%get3A_385, %get3A_386] {strides = array<i32>} : memref<16x256xf32, #tpu.memory_space<vmem>>, vector<1x16xf32>,
      %get3A_388 = vector.shape_cast %get3A_387 : vector<1x16xf32> to vector<16xf32>
      %add3A_389 = arith.addf %get3A_388, %scan3A_305#8 : vector<16xf32>
      %swap3A_390 = arith.index_cast %add3A_269 : i32 to index
      %swap3A_391 = arith.constant 128 : index
      %swap3A_392 = tpu.vector_load %arg7[%swap3A_390, %swap3A_391] {strides = array<i32>} : memref<16x256xf32, #tpu.memory_space<vmem>>, vector<1x16xf32>,
      %swap3A_393 = vector.shape_cast %swap3A_392 : vector<1x16xf32> to vector<16xf32>
      %swap3A_394 = vector.shape_cast %add3A_389 : vector<16xf32> to vector<1x16xf32>
      tpu.vector_store %arg7[%swap3A_390, %swap3A_391], %swap3A_394 {strides = array<i32>} : memref<16x256xf32, #tpu.memory_space<vmem>>, vector<1x16xf32>,
      %get3A_395 = arith.index_cast %add3A_269 : i32 to index
      %get3A_396 = arith.constant 144 : index
      %get3A_397 = tpu.vector_load %arg7[%get3A_395, %get3A_396] {strides = array<i32>} : memref<16x256xf32, #tpu.memory_space<vmem>>, vector<1x16xf32>,
      %get3A_398 = vector.shape_cast %get3A_397 : vector<1x16xf32> to vector<16xf32>
      %add3A_399 = arith.addf %get3A_398, %scan3A_305#9 : vector<16xf32>
      %swap3A_400 = arith.index_cast %add3A_269 : i32 to index
      %swap3A_401 = arith.constant 144 : index
      %swap3A_402 = tpu.vector_load %arg7[%swap3A_400, %swap3A_401] {strides = array<i32>} : memref<16x256xf32, #tpu.memory_space<vmem>>, vector<1x16xf32>,
      %swap3A_403 = vector.shape_cast %swap3A_402 : vector<1x16xf32> to vector<16xf32>
      %swap3A_404 = vector.shape_cast %add3A_399 : vector<16xf32> to vector<1x16xf32>
      tpu.vector_store %arg7[%swap3A_400, %swap3A_401], %swap3A_404 {strides = array<i32>} : memref<16x256xf32, #tpu.memory_space<vmem>>, vector<1x16xf32>,
      %get3A_405 = arith.index_cast %add3A_269 : i32 to index
      %get3A_406 = arith.constant 160 : index
      %get3A_407 = tpu.vector_load %arg7[%get3A_405, %get3A_406] {strides = array<i32>} : memref<16x256xf32, #tpu.memory_space<vmem>>, vector<1x16xf32>,
      %get3A_408 = vector.shape_cast %get3A_407 : vector<1x16xf32> to vector<16xf32>
      %add3A_409 = arith.addf %get3A_408, %scan3A_305#10 : vector<16xf32>
      %swap3A_410 = arith.index_cast %add3A_269 : i32 to index
      %swap3A_411 = arith.constant 160 : index
      %swap3A_412 = tpu.vector_load %arg7[%swap3A_410, %swap3A_411] {strides = array<i32>} : memref<16x256xf32, #tpu.memory_space<vmem>>, vector<1x16xf32>,
      %swap3A_413 = vector.shape_cast %swap3A_412 : vector<1x16xf32> to vector<16xf32>
      %swap3A_414 = vector.shape_cast %add3A_409 : vector<16xf32> to vector<1x16xf32>
      tpu.vector_store %arg7[%swap3A_410, %swap3A_411], %swap3A_414 {strides = array<i32>} : memref<16x256xf32, #tpu.memory_space<vmem>>, vector<1x16xf32>,
      %get3A_415 = arith.index_cast %add3A_269 : i32 to index
      %get3A_416 = arith.constant 176 : index
      %get3A_417 = tpu.vector_load %arg7[%get3A_415, %get3A_416] {strides = array<i32>} : memref<16x256xf32, #tpu.memory_space<vmem>>, vector<1x16xf32>,
      %get3A_418 = vector.shape_cast %get3A_417 : vector<1x16xf32> to vector<16xf32>
      %add3A_419 = arith.addf %get3A_418, %scan3A_305#11 : vector<16xf32>
      %swap3A_420 = arith.index_cast %add3A_269 : i32 to index
      %swap3A_421 = arith.constant 176 : index
      %swap3A_422 = tpu.vector_load %arg7[%swap3A_420, %swap3A_421] {strides = array<i32>} : memref<16x256xf32, #tpu.memory_space<vmem>>, vector<1x16xf32>,
      %swap3A_423 = vector.shape_cast %swap3A_422 : vector<1x16xf32> to vector<16xf32>
      %swap3A_424 = vector.shape_cast %add3A_419 : vector<16xf32> to vector<1x16xf32>
      tpu.vector_store %arg7[%swap3A_420, %swap3A_421], %swap3A_424 {strides = array<i32>} : memref<16x256xf32, #tpu.memory_space<vmem>>, vector<1x16xf32>,
      %get3A_425 = arith.index_cast %add3A_269 : i32 to index
      %get3A_426 = arith.constant 192 : index
      %get3A_427 = tpu.vector_load %arg7[%get3A_425, %get3A_426] {strides = array<i32>} : memref<16x256xf32, #tpu.memory_space<vmem>>, vector<1x16xf32>,
      %get3A_428 = vector.shape_cast %get3A_427 : vector<1x16xf32> to vector<16xf32>
      %add3A_429 = arith.addf %get3A_428, %scan3A_305#12 : vector<16xf32>
      %swap3A_430 = arith.index_cast %add3A_269 : i32 to index
      %swap3A_431 = arith.constant 192 : index
      %swap3A_432 = tpu.vector_load %arg7[%swap3A_430, %swap3A_431] {strides = array<i32>} : memref<16x256xf32, #tpu.memory_space<vmem>>, vector<1x16xf32>,
      %swap3A_433 = vector.shape_cast %swap3A_432 : vector<1x16xf32> to vector<16xf32>
      %swap3A_434 = vector.shape_cast %add3A_429 : vector<16xf32> to vector<1x16xf32>
      tpu.vector_store %arg7[%swap3A_430, %swap3A_431], %swap3A_434 {strides = array<i32>} : memref<16x256xf32, #tpu.memory_space<vmem>>, vector<1x16xf32>,
      %get3A_435 = arith.index_cast %add3A_269 : i32 to index
      %get3A_436 = arith.constant 208 : index
      %get3A_437 = tpu.vector_load %arg7[%get3A_435, %get3A_436] {strides = array<i32>} : memref<16x256xf32, #tpu.memory_space<vmem>>, vector<1x16xf32>,
      %get3A_438 = vector.shape_cast %get3A_437 : vector<1x16xf32> to vector<16xf32>
      %add3A_439 = arith.addf %get3A_438, %scan3A_305#13 : vector<16xf32>
      %swap3A_440 = arith.index_cast %add3A_269 : i32 to index
      %swap3A_441 = arith.constant 208 : index
      %swap3A_442 = tpu.vector_load %arg7[%swap3A_440, %swap3A_441] {strides = array<i32>} : memref<16x256xf32, #tpu.memory_space<vmem>>, vector<1x16xf32>,
      %swap3A_443 = vector.shape_cast %swap3A_442 : vector<1x16xf32> to vector<16xf32>
      %swap3A_444 = vector.shape_cast %add3A_439 : vector<16xf32> to vector<1x16xf32>
      tpu.vector_store %arg7[%swap3A_440, %swap3A_441], %swap3A_444 {strides = array<i32>} : memref<16x256xf32, #tpu.memory_space<vmem>>, vector<1x16xf32>,
      %get3A_445 = arith.index_cast %add3A_269 : i32 to index
      %get3A_446 = arith.constant 224 : index
      %get3A_447 = tpu.vector_load %arg7[%get3A_445, %get3A_446] {strides = array<i32>} : memref<16x256xf32, #tpu.memory_space<vmem>>, vector<1x16xf32>,
      %get3A_448 = vector.shape_cast %get3A_447 : vector<1x16xf32> to vector<16xf32>
      %add3A_449 = arith.addf %get3A_448, %scan3A_305#14 : vector<16xf32>
      %swap3A_450 = arith.index_cast %add3A_269 : i32 to index
      %swap3A_451 = arith.constant 224 : index
      %swap3A_452 = tpu.vector_load %arg7[%swap3A_450, %swap3A_451] {strides = array<i32>} : memref<16x256xf32, #tpu.memory_space<vmem>>, vector<1x16xf32>,
      %swap3A_453 = vector.shape_cast %swap3A_452 : vector<1x16xf32> to vector<16xf32>
      %swap3A_454 = vector.shape_cast %add3A_449 : vector<16xf32> to vector<1x16xf32>
      tpu.vector_store %arg7[%swap3A_450, %swap3A_451], %swap3A_454 {strides = array<i32>} : memref<16x256xf32, #tpu.memory_space<vmem>>, vector<1x16xf32>,
      %get3A_455 = arith.index_cast %add3A_269 : i32 to index
      %get3A_456 = arith.constant 240 : index
      %get3A_457 = tpu.vector_load %arg7[%get3A_455, %get3A_456] {strides = array<i32>} : memref<16x256xf32, #tpu.memory_space<vmem>>, vector<1x16xf32>,
      %get3A_458 = vector.shape_cast %get3A_457 : vector<1x16xf32> to vector<16xf32>
      %add3A_459 = arith.addf %get3A_458, %scan3A_305#15 : vector<16xf32>
      %swap3A_460 = arith.index_cast %add3A_269 : i32 to index
      %swap3A_461 = arith.constant 240 : index
      %swap3A_462 = tpu.vector_load %arg7[%swap3A_460, %swap3A_461] {strides = array<i32>} : memref<16x256xf32, #tpu.memory_space<vmem>>, vector<1x16xf32>,
      %swap3A_463 = vector.shape_cast %swap3A_462 : vector<1x16xf32> to vector<16xf32>
      %swap3A_464 = vector.shape_cast %add3A_459 : vector<16xf32> to vector<1x16xf32>
      tpu.vector_store %arg7[%swap3A_460, %swap3A_461], %swap3A_464 {strides = array<i32>} : memref<16x256xf32, #tpu.memory_space<vmem>>, vector<1x16xf32>,
      %scan3A_465 = arith.constant 0 : i32
      scf.yield %scan3A_465 : i32
    }
    %scan3A_155 = arith.constant 8 : i32
    %dma_start3A_156 = arith.constant 3 : i32
    %dma_start3A_157 = arith.constant 0 : i32
    %dma_start3A_158 = arith.constant 0 : i32
    %dma_start3A_159 = arith.constant 0 : i32
    %dma_start3A_160 = arith.constant 0 : i32
    %dma_start3A_161 = tpu.memref_slice %arg6[%dma_start3A_158, %dma_start3A_159, %dma_start3A_160] : memref<3x128x256xf32, #tpu.memory_space<vmem>> -> memref<1x128x256xf32, #tpu.memory_space<vmem>>
    %dma_start3A_162 = tpu.memref_squeeze %dma_start3A_161 : memref<1x128x256xf32, #tpu.memory_space<vmem>> -> memref<128x256xf32, #tpu.memory_space<vmem>>
    %dma_start3A_163 = arith.constant 0 : i32
    %dma_start3A_164 = tpu.memref_slice %arg5[%dma_start3A_156, %dma_start3A_157, %dma_start3A_163] : memref<4x2x128xi32, #tpu.memory_space<vmem>> -> memref<1x1x128xi32, #tpu.memory_space<vmem>>
    %dma_start3A_165 = tpu.memref_squeeze %dma_start3A_164 : memref<1x1x128xi32, #tpu.memory_space<vmem>> -> memref<128xi32, #tpu.memory_space<vmem>>
    %dma_start3A_166 = arith.constant 0 : i32
    %dma_start3A_167 = arith.constant 0 : i32
    %dma_start3A_168 = tpu.memref_slice %arg3[%dma_start3A_166, %dma_start3A_167] : memref<100000x256xf32, #tpu.memory_space<hbm>> -> memref<100000x256xf32, #tpu.memory_space<hbm>>
    tpu.enqueue_indirect_dma source(%dma_start3A_168 : memref<100000x256xf32, #tpu.memory_space<hbm>>) target(%dma_start3A_162 : memref<128x256xf32, #tpu.memory_space<vmem>>) offsets(%dma_start3A_165 : memref<128xi32, #tpu.memory_space<vmem>>) semaphore(%arg8 : memref<!tpu.dma_semaphore, #tpu.memory_space<semaphore_mem>>)
    %dma_wait3A_169 = arith.constant 2 : i32
    %dma_wait3A_170 = arith.constant 0 : i32
    %dma_wait3A_171 = arith.constant 1 : i32
    %dma_wait3A_172 = arith.constant 0 : i32
    %dma_wait3A_173 = arith.constant 0 : i32
    %dma_wait3A_174 = tpu.memref_slice %arg6[%dma_wait3A_171, %dma_wait3A_172, %dma_wait3A_173] : memref<3x128x256xf32, #tpu.memory_space<vmem>> -> memref<1x128x256xf32, #tpu.memory_space<vmem>>
    %dma_wait3A_175 = tpu.memref_squeeze %dma_wait3A_174 : memref<1x128x256xf32, #tpu.memory_space<vmem>> -> memref<128x256xf32, #tpu.memory_space<vmem>>
    %dma_wait3A_176 = arith.constant 0 : i32
    %dma_wait3A_177 = tpu.memref_slice %arg5[%dma_wait3A_169, %dma_wait3A_170, %dma_wait3A_176] : memref<4x2x128xi32, #tpu.memory_space<vmem>> -> memref<1x1x128xi32, #tpu.memory_space<vmem>>
    %dma_wait3A_178 = tpu.memref_squeeze %dma_wait3A_177 : memref<1x1x128xi32, #tpu.memory_space<vmem>> -> memref<128xi32, #tpu.memory_space<vmem>>
    %dma_wait3A_179 = arith.constant 0 : i32
    %dma_wait3A_180 = arith.constant 0 : i32
    %dma_wait3A_181 = tpu.memref_slice %arg3[%dma_wait3A_179, %dma_wait3A_180] : memref<100000x256xf32, #tpu.memory_space<hbm>> -> memref<100000x256xf32, #tpu.memory_space<hbm>>
    tpu.wait_indirect_dma semaphore(%arg9 : memref<!tpu.dma_semaphore, #tpu.memory_space<semaphore_mem>>) src(%dma_wait3A_181 : memref<100000x256xf32, #tpu.memory_space<hbm>>) dst(%dma_wait3A_175 : memref<128x256xf32, #tpu.memory_space<vmem>>)
    %scan3A_182 = arith.constant 0 : i32
    %scan3A_183 = arith.constant 0 : i32
    %scan3A_184 = arith.constant 8 : i32
    %scan3A_185 = arith.addi %scan3A_183, %scan3A_184 : i32
    %scan3A_186 = arith.constant 1 : i32
    %scan3A_187 = scf.for %scan3A_264 = %scan3A_183 to %scan3A_185 step %scan3A_186 iter_args(%scan3A_265 = %scan3A_182) -> (i32)  : i32 {
      %mul3A_266 = arith.constant 16 : i32
      %mul3A_267 = arith.muli %scan3A_264, %mul3A_266 : i32
      %add3A_268 = arith.constant 0 : i32
      %add3A_269 = arith.addi %add3A_268, %scan3A_264 : i32
      %broadcast_in_dim3A = arith.constant 0.000000e+00 : f32
      %broadcast_in_dim3A_270 = vector.broadcast %broadcast_in_dim3A : f32 to vector<16xf32>
      %broadcast_in_dim3A_271 = arith.constant 0.000000e+00 : f32
      %broadcast_in_dim3A_272 = vector.broadcast %broadcast_in_dim3A_271 : f32 to vector<16xf32>
      %broadcast_in_dim3A_273 = arith.constant 0.000000e+00 : f32
      %broadcast_in_dim3A_274 = vector.broadcast %broadcast_in_dim3A_273 : f32 to vector<16xf32>
      %broadcast_in_dim3A_275 = arith.constant 0.000000e+00 : f32
      %broadcast_in_dim3A_276 = vector.broadcast %broadcast_in_dim3A_275 : f32 to vector<16xf32>
      %broadcast_in_dim3A_277 = arith.constant 0.000000e+00 : f32
      %broadcast_in_dim3A_278 = vector.broadcast %broadcast_in_dim3A_277 : f32 to vector<16xf32>
      %broadcast_in_dim3A_279 = arith.constant 0.000000e+00 : f32
      %broadcast_in_dim3A_280 = vector.broadcast %broadcast_in_dim3A_279 : f32 to vector<16xf32>
      %broadcast_in_dim3A_281 = arith.constant 0.000000e+00 : f32
      %broadcast_in_dim3A_282 = vector.broadcast %broadcast_in_dim3A_281 : f32 to vector<16xf32>
      %broadcast_in_dim3A_283 = arith.constant 0.000000e+00 : f32
      %broadcast_in_dim3A_284 = vector.broadcast %broadcast_in_dim3A_283 : f32 to vector<16xf32>
      %broadcast_in_dim3A_285 = arith.constant 0.000000e+00 : f32
      %broadcast_in_dim3A_286 = vector.broadcast %broadcast_in_dim3A_285 : f32 to vector<16xf32>
      %broadcast_in_dim3A_287 = arith.constant 0.000000e+00 : f32
      %broadcast_in_dim3A_288 = vector.broadcast %broadcast_in_dim3A_287 : f32 to vector<16xf32>
      %broadcast_in_dim3A_289 = arith.constant 0.000000e+00 : f32
      %broadcast_in_dim3A_290 = vector.broadcast %broadcast_in_dim3A_289 : f32 to vector<16xf32>
      %broadcast_in_dim3A_291 = arith.constant 0.000000e+00 : f32
      %broadcast_in_dim3A_292 = vector.broadcast %broadcast_in_dim3A_291 : f32 to vector<16xf32>
      %broadcast_in_dim3A_293 = arith.constant 0.000000e+00 : f32
      %broadcast_in_dim3A_294 = vector.broadcast %broadcast_in_dim3A_293 : f32 to vector<16xf32>
      %broadcast_in_dim3A_295 = arith.constant 0.000000e+00 : f32
      %broadcast_in_dim3A_296 = vector.broadcast %broadcast_in_dim3A_295 : f32 to vector<16xf32>
      %broadcast_in_dim3A_297 = arith.constant 0.000000e+00 : f32
      %broadcast_in_dim3A_298 = vector.broadcast %broadcast_in_dim3A_297 : f32 to vector<16xf32>
      %broadcast_in_dim3A_299 = arith.constant 0.000000e+00 : f32
      %broadcast_in_dim3A_300 = vector.broadcast %broadcast_in_dim3A_299 : f32 to vector<16xf32>
      %scan3A_301 = arith.constant 0 : i32
      %scan3A_302 = arith.constant 16 : i32
      %scan3A_303 = arith.addi %scan3A_301, %scan3A_302 : i32
      %scan3A_304 = arith.constant 1 : i32
      %scan3A_305:16 = scf.for %scan3A_466 = %scan3A_301 to %scan3A_303 step %scan3A_304 iter_args(%scan3A_467 = %broadcast_in_dim3A_270, %scan3A_468 = %broadcast_in_dim3A_272, %scan3A_469 = %broadcast_in_dim3A_274, %scan3A_470 = %broadcast_in_dim3A_276, %scan3A_471 = %broadcast_in_dim3A_278, %scan3A_472 = %broadcast_in_dim3A_280, %scan3A_473 = %broadcast_in_dim3A_282, %scan3A_474 = %broadcast_in_dim3A_284, %scan3A_475 = %broadcast_in_dim3A_286, %scan3A_476 = %broadcast_in_dim3A_288, %scan3A_477 = %broadcast_in_dim3A_290, %scan3A_478 = %broadcast_in_dim3A_292, %scan3A_479 = %broadcast_in_dim3A_294, %scan3A_480 = %broadcast_in_dim3A_296, %scan3A_481 = %broadcast_in_dim3A_298, %scan3A_482 = %broadcast_in_dim3A_300) -> (vector<16xf32>, vector<16xf32>, vector<16xf32>, vector<16xf32>, vector<16xf32>, vector<16xf32>, vector<16xf32>, vector<16xf32>, vector<16xf32>, vector<16xf32>, vector<16xf32>, vector<16xf32>, vector<16xf32>, vector<16xf32>, vector<16xf32>, vector<16xf32>)  : i32 {
        %add3A_483 = arith.addi %mul3A_267, %scan3A_466 : i32
        %get3A_484 = arith.constant 1 : i32
        %get3A_485 = arith.index_cast %get3A_484 : i32 to index
        %get3A_486 = arith.index_cast %add3A_483 : i32 to index
        %get3A_487 = arith.constant 0 : index
        %get3A_488 = tpu.vector_load %arg6[%get3A_485, %get3A_486, %get3A_487] {strides = array<i32>} : memref<3x128x256xf32, #tpu.memory_space<vmem>>, vector<1x1x16xf32>,
        %get3A_489 = vector.shape_cast %get3A_488 : vector<1x1x16xf32> to vector<16xf32>
        %mul3A_490 = arith.constant 6.553700e+04 : f32
        %mul3A_491 = vector.broadcast %mul3A_490 : f32 to vector<16xf32>
        %mul3A_492 = arith.mulf %get3A_489, %mul3A_491 : vector<16xf32>
        %sub3A = arith.subf %get3A_489, %mul3A_492 : vector<16xf32>
        %add3A_493 = arith.addf %mul3A_492, %sub3A : vector<16xf32>
        %add3A_494 = arith.addf %scan3A_467, %add3A_493 : vector<16xf32>
        %get3A_495 = arith.constant 1 : i32
        %get3A_496 = arith.index_cast %get3A_495 : i32 to index
        %get3A_497 = arith.index_cast %add3A_483 : i32 to index
        %get3A_498 = arith.constant 16 : index
        %get3A_499 = tpu.vector_load %arg6[%get3A_496, %get3A_497, %get3A_498] {strides = array<i32>} : memref<3x128x256xf32, #tpu.memory_space<vmem>>, vector<1x1x16xf32>,
        %get3A_500 = vector.shape_cast %get3A_499 : vector<1x1x16xf32> to vector<16xf32>
        %mul3A_501 = arith.constant 6.553700e+04 : f32
        %mul3A_502 = vector.broadcast %mul3A_501 : f32 to vector<16xf32>
        %mul3A_503 = arith.mulf %get3A_500, %mul3A_502 : vector<16xf32>
        %sub3A_504 = arith.subf %get3A_500, %mul3A_503 : vector<16xf32>
        %add3A_505 = arith.addf %mul3A_503, %sub3A_504 : vector<16xf32>
        %add3A_506 = arith.addf %scan3A_468, %add3A_505 : vector<16xf32>
        %get3A_507 = arith.constant 1 : i32
        %get3A_508 = arith.index_cast %get3A_507 : i32 to index
        %get3A_509 = arith.index_cast %add3A_483 : i32 to index
        %get3A_510 = arith.constant 32 : index
        %get3A_511 = tpu.vector_load %arg6[%get3A_508, %get3A_509, %get3A_510] {strides = array<i32>} : memref<3x128x256xf32, #tpu.memory_space<vmem>>, vector<1x1x16xf32>,
        %get3A_512 = vector.shape_cast %get3A_511 : vector<1x1x16xf32> to vector<16xf32>
        %mul3A_513 = arith.constant 6.553700e+04 : f32
        %mul3A_514 = vector.broadcast %mul3A_513 : f32 to vector<16xf32>
        %mul3A_515 = arith.mulf %get3A_512, %mul3A_514 : vector<16xf32>
        %sub3A_516 = arith.subf %get3A_512, %mul3A_515 : vector<16xf32>
        %add3A_517 = arith.addf %mul3A_515, %sub3A_516 : vector<16xf32>
        %add3A_518 = arith.addf %scan3A_469, %add3A_517 : vector<16xf32>
        %get3A_519 = arith.constant 1 : i32
        %get3A_520 = arith.index_cast %get3A_519 : i32 to index
        %get3A_521 = arith.index_cast %add3A_483 : i32 to index
        %get3A_522 = arith.constant 48 : index
        %get3A_523 = tpu.vector_load %arg6[%get3A_520, %get3A_521, %get3A_522] {strides = array<i32>} : memref<3x128x256xf32, #tpu.memory_space<vmem>>, vector<1x1x16xf32>,
        %get3A_524 = vector.shape_cast %get3A_523 : vector<1x1x16xf32> to vector<16xf32>
        %mul3A_525 = arith.constant 6.553700e+04 : f32
        %mul3A_526 = vector.broadcast %mul3A_525 : f32 to vector<16xf32>
        %mul3A_527 = arith.mulf %get3A_524, %mul3A_526 : vector<16xf32>
        %sub3A_528 = arith.subf %get3A_524, %mul3A_527 : vector<16xf32>
        %add3A_529 = arith.addf %mul3A_527, %sub3A_528 : vector<16xf32>
        %add3A_530 = arith.addf %scan3A_470, %add3A_529 : vector<16xf32>
        %get3A_531 = arith.constant 1 : i32
        %get3A_532 = arith.index_cast %get3A_531 : i32 to index
        %get3A_533 = arith.index_cast %add3A_483 : i32 to index
        %get3A_534 = arith.constant 64 : index
        %get3A_535 = tpu.vector_load %arg6[%get3A_532, %get3A_533, %get3A_534] {strides = array<i32>} : memref<3x128x256xf32, #tpu.memory_space<vmem>>, vector<1x1x16xf32>,
        %get3A_536 = vector.shape_cast %get3A_535 : vector<1x1x16xf32> to vector<16xf32>
        %mul3A_537 = arith.constant 6.553700e+04 : f32
        %mul3A_538 = vector.broadcast %mul3A_537 : f32 to vector<16xf32>
        %mul3A_539 = arith.mulf %get3A_536, %mul3A_538 : vector<16xf32>
        %sub3A_540 = arith.subf %get3A_536, %mul3A_539 : vector<16xf32>
        %add3A_541 = arith.addf %mul3A_539, %sub3A_540 : vector<16xf32>
        %add3A_542 = arith.addf %scan3A_471, %add3A_541 : vector<16xf32>
        %get3A_543 = arith.constant 1 : i32
        %get3A_544 = arith.index_cast %get3A_543 : i32 to index
        %get3A_545 = arith.index_cast %add3A_483 : i32 to index
        %get3A_546 = arith.constant 80 : index
        %get3A_547 = tpu.vector_load %arg6[%get3A_544, %get3A_545, %get3A_546] {strides = array<i32>} : memref<3x128x256xf32, #tpu.memory_space<vmem>>, vector<1x1x16xf32>,
        %get3A_548 = vector.shape_cast %get3A_547 : vector<1x1x16xf32> to vector<16xf32>
        %mul3A_549 = arith.constant 6.553700e+04 : f32
        %mul3A_550 = vector.broadcast %mul3A_549 : f32 to vector<16xf32>
        %mul3A_551 = arith.mulf %get3A_548, %mul3A_550 : vector<16xf32>
        %sub3A_552 = arith.subf %get3A_548, %mul3A_551 : vector<16xf32>
        %add3A_553 = arith.addf %mul3A_551, %sub3A_552 : vector<16xf32>
        %add3A_554 = arith.addf %scan3A_472, %add3A_553 : vector<16xf32>
        %get3A_555 = arith.constant 1 : i32
        %get3A_556 = arith.index_cast %get3A_555 : i32 to index
        %get3A_557 = arith.index_cast %add3A_483 : i32 to index
        %get3A_558 = arith.constant 96 : index
        %get3A_559 = tpu.vector_load %arg6[%get3A_556, %get3A_557, %get3A_558] {strides = array<i32>} : memref<3x128x256xf32, #tpu.memory_space<vmem>>, vector<1x1x16xf32>,
        %get3A_560 = vector.shape_cast %get3A_559 : vector<1x1x16xf32> to vector<16xf32>
        %mul3A_561 = arith.constant 6.553700e+04 : f32
        %mul3A_562 = vector.broadcast %mul3A_561 : f32 to vector<16xf32>
        %mul3A_563 = arith.mulf %get3A_560, %mul3A_562 : vector<16xf32>
        %sub3A_564 = arith.subf %get3A_560, %mul3A_563 : vector<16xf32>
        %add3A_565 = arith.addf %mul3A_563, %sub3A_564 : vector<16xf32>
        %add3A_566 = arith.addf %scan3A_473, %add3A_565 : vector<16xf32>
        %get3A_567 = arith.constant 1 : i32
        %get3A_568 = arith.index_cast %get3A_567 : i32 to index
        %get3A_569 = arith.index_cast %add3A_483 : i32 to index
        %get3A_570 = arith.constant 112 : index
        %get3A_571 = tpu.vector_load %arg6[%get3A_568, %get3A_569, %get3A_570] {strides = array<i32>} : memref<3x128x256xf32, #tpu.memory_space<vmem>>, vector<1x1x16xf32>,
        %get3A_572 = vector.shape_cast %get3A_571 : vector<1x1x16xf32> to vector<16xf32>
        %mul3A_573 = arith.constant 6.553700e+04 : f32
        %mul3A_574 = vector.broadcast %mul3A_573 : f32 to vector<16xf32>
        %mul3A_575 = arith.mulf %get3A_572, %mul3A_574 : vector<16xf32>
        %sub3A_576 = arith.subf %get3A_572, %mul3A_575 : vector<16xf32>
        %add3A_577 = arith.addf %mul3A_575, %sub3A_576 : vector<16xf32>
        %add3A_578 = arith.addf %scan3A_474, %add3A_577 : vector<16xf32>
        %get3A_579 = arith.constant 1 : i32
        %get3A_580 = arith.index_cast %get3A_579 : i32 to index
        %get3A_581 = arith.index_cast %add3A_483 : i32 to index
        %get3A_582 = arith.constant 128 : index
        %get3A_583 = tpu.vector_load %arg6[%get3A_580, %get3A_581, %get3A_582] {strides = array<i32>} : memref<3x128x256xf32, #tpu.memory_space<vmem>>, vector<1x1x16xf32>,
        %get3A_584 = vector.shape_cast %get3A_583 : vector<1x1x16xf32> to vector<16xf32>
        %mul3A_585 = arith.constant 6.553700e+04 : f32
        %mul3A_586 = vector.broadcast %mul3A_585 : f32 to vector<16xf32>
        %mul3A_587 = arith.mulf %get3A_584, %mul3A_586 : vector<16xf32>
        %sub3A_588 = arith.subf %get3A_584, %mul3A_587 : vector<16xf32>
        %add3A_589 = arith.addf %mul3A_587, %sub3A_588 : vector<16xf32>
        %add3A_590 = arith.addf %scan3A_475, %add3A_589 : vector<16xf32>
        %get3A_591 = arith.constant 1 : i32
        %get3A_592 = arith.index_cast %get3A_591 : i32 to index
        %get3A_593 = arith.index_cast %add3A_483 : i32 to index
        %get3A_594 = arith.constant 144 : index
        %get3A_595 = tpu.vector_load %arg6[%get3A_592, %get3A_593, %get3A_594] {strides = array<i32>} : memref<3x128x256xf32, #tpu.memory_space<vmem>>, vector<1x1x16xf32>,
        %get3A_596 = vector.shape_cast %get3A_595 : vector<1x1x16xf32> to vector<16xf32>
        %mul3A_597 = arith.constant 6.553700e+04 : f32
        %mul3A_598 = vector.broadcast %mul3A_597 : f32 to vector<16xf32>
        %mul3A_599 = arith.mulf %get3A_596, %mul3A_598 : vector<16xf32>
        %sub3A_600 = arith.subf %get3A_596, %mul3A_599 : vector<16xf32>
        %add3A_601 = arith.addf %mul3A_599, %sub3A_600 : vector<16xf32>
        %add3A_602 = arith.addf %scan3A_476, %add3A_601 : vector<16xf32>
        %get3A_603 = arith.constant 1 : i32
        %get3A_604 = arith.index_cast %get3A_603 : i32 to index
        %get3A_605 = arith.index_cast %add3A_483 : i32 to index
        %get3A_606 = arith.constant 160 : index
        %get3A_607 = tpu.vector_load %arg6[%get3A_604, %get3A_605, %get3A_606] {strides = array<i32>} : memref<3x128x256xf32, #tpu.memory_space<vmem>>, vector<1x1x16xf32>,
        %get3A_608 = vector.shape_cast %get3A_607 : vector<1x1x16xf32> to vector<16xf32>
        %mul3A_609 = arith.constant 6.553700e+04 : f32
        %mul3A_610 = vector.broadcast %mul3A_609 : f32 to vector<16xf32>
        %mul3A_611 = arith.mulf %get3A_608, %mul3A_610 : vector<16xf32>
        %sub3A_612 = arith.subf %get3A_608, %mul3A_611 : vector<16xf32>
        %add3A_613 = arith.addf %mul3A_611, %sub3A_612 : vector<16xf32>
        %add3A_614 = arith.addf %scan3A_477, %add3A_613 : vector<16xf32>
        %get3A_615 = arith.constant 1 : i32
        %get3A_616 = arith.index_cast %get3A_615 : i32 to index
        %get3A_617 = arith.index_cast %add3A_483 : i32 to index
        %get3A_618 = arith.constant 176 : index
        %get3A_619 = tpu.vector_load %arg6[%get3A_616, %get3A_617, %get3A_618] {strides = array<i32>} : memref<3x128x256xf32, #tpu.memory_space<vmem>>, vector<1x1x16xf32>,
        %get3A_620 = vector.shape_cast %get3A_619 : vector<1x1x16xf32> to vector<16xf32>
        %mul3A_621 = arith.constant 6.553700e+04 : f32
        %mul3A_622 = vector.broadcast %mul3A_621 : f32 to vector<16xf32>
        %mul3A_623 = arith.mulf %get3A_620, %mul3A_622 : vector<16xf32>
        %sub3A_624 = arith.subf %get3A_620, %mul3A_623 : vector<16xf32>
        %add3A_625 = arith.addf %mul3A_623, %sub3A_624 : vector<16xf32>
        %add3A_626 = arith.addf %scan3A_478, %add3A_625 : vector<16xf32>
        %get3A_627 = arith.constant 1 : i32
        %get3A_628 = arith.index_cast %get3A_627 : i32 to index
        %get3A_629 = arith.index_cast %add3A_483 : i32 to index
        %get3A_630 = arith.constant 192 : index
        %get3A_631 = tpu.vector_load %arg6[%get3A_628, %get3A_629, %get3A_630] {strides = array<i32>} : memref<3x128x256xf32, #tpu.memory_space<vmem>>, vector<1x1x16xf32>,
        %get3A_632 = vector.shape_cast %get3A_631 : vector<1x1x16xf32> to vector<16xf32>
        %mul3A_633 = arith.constant 6.553700e+04 : f32
        %mul3A_634 = vector.broadcast %mul3A_633 : f32 to vector<16xf32>
        %mul3A_635 = arith.mulf %get3A_632, %mul3A_634 : vector<16xf32>
        %sub3A_636 = arith.subf %get3A_632, %mul3A_635 : vector<16xf32>
        %add3A_637 = arith.addf %mul3A_635, %sub3A_636 : vector<16xf32>
        %add3A_638 = arith.addf %scan3A_479, %add3A_637 : vector<16xf32>
        %get3A_639 = arith.constant 1 : i32
        %get3A_640 = arith.index_cast %get3A_639 : i32 to index
        %get3A_641 = arith.index_cast %add3A_483 : i32 to index
        %get3A_642 = arith.constant 208 : index
        %get3A_643 = tpu.vector_load %arg6[%get3A_640, %get3A_641, %get3A_642] {strides = array<i32>} : memref<3x128x256xf32, #tpu.memory_space<vmem>>, vector<1x1x16xf32>,
        %get3A_644 = vector.shape_cast %get3A_643 : vector<1x1x16xf32> to vector<16xf32>
        %mul3A_645 = arith.constant 6.553700e+04 : f32
        %mul3A_646 = vector.broadcast %mul3A_645 : f32 to vector<16xf32>
        %mul3A_647 = arith.mulf %get3A_644, %mul3A_646 : vector<16xf32>
        %sub3A_648 = arith.subf %get3A_644, %mul3A_647 : vector<16xf32>
        %add3A_649 = arith.addf %mul3A_647, %sub3A_648 : vector<16xf32>
        %add3A_650 = arith.addf %scan3A_480, %add3A_649 : vector<16xf32>
        %get3A_651 = arith.constant 1 : i32
        %get3A_652 = arith.index_cast %get3A_651 : i32 to index
        %get3A_653 = arith.index_cast %add3A_483 : i32 to index
        %get3A_654 = arith.constant 224 : index
        %get3A_655 = tpu.vector_load %arg6[%get3A_652, %get3A_653, %get3A_654] {strides = array<i32>} : memref<3x128x256xf32, #tpu.memory_space<vmem>>, vector<1x1x16xf32>,
        %get3A_656 = vector.shape_cast %get3A_655 : vector<1x1x16xf32> to vector<16xf32>
        %mul3A_657 = arith.constant 6.553700e+04 : f32
        %mul3A_658 = vector.broadcast %mul3A_657 : f32 to vector<16xf32>
        %mul3A_659 = arith.mulf %get3A_656, %mul3A_658 : vector<16xf32>
        %sub3A_660 = arith.subf %get3A_656, %mul3A_659 : vector<16xf32>
        %add3A_661 = arith.addf %mul3A_659, %sub3A_660 : vector<16xf32>
        %add3A_662 = arith.addf %scan3A_481, %add3A_661 : vector<16xf32>
        %get3A_663 = arith.constant 1 : i32
        %get3A_664 = arith.index_cast %get3A_663 : i32 to index
        %get3A_665 = arith.index_cast %add3A_483 : i32 to index
        %get3A_666 = arith.constant 240 : index
        %get3A_667 = tpu.vector_load %arg6[%get3A_664, %get3A_665, %get3A_666] {strides = array<i32>} : memref<3x128x256xf32, #tpu.memory_space<vmem>>, vector<1x1x16xf32>,
        %get3A_668 = vector.shape_cast %get3A_667 : vector<1x1x16xf32> to vector<16xf32>
        %mul3A_669 = arith.constant 6.553700e+04 : f32
        %mul3A_670 = vector.broadcast %mul3A_669 : f32 to vector<16xf32>
        %mul3A_671 = arith.mulf %get3A_668, %mul3A_670 : vector<16xf32>
        %sub3A_672 = arith.subf %get3A_668, %mul3A_671 : vector<16xf32>
        %add3A_673 = arith.addf %mul3A_671, %sub3A_672 : vector<16xf32>
        %add3A_674 = arith.addf %scan3A_482, %add3A_673 : vector<16xf32>
        scf.yield %add3A_494, %add3A_506, %add3A_518, %add3A_530, %add3A_542, %add3A_554, %add3A_566, %add3A_578, %add3A_590, %add3A_602, %add3A_614, %add3A_626, %add3A_638, %add3A_650, %add3A_662, %add3A_674 : vector<16xf32>, vector<16xf32>, vector<16xf32>, vector<16xf32>, vector<16xf32>, vector<16xf32>, vector<16xf32>, vector<16xf32>, vector<16xf32>, vector<16xf32>, vector<16xf32>, vector<16xf32>, vector<16xf32>, vector<16xf32>, vector<16xf32>, vector<16xf32>
      }
      %scan3A_306 = arith.constant 16 : i32
      %get3A = arith.index_cast %add3A_269 : i32 to index
      %get3A_307 = arith.constant 0 : index
      %get3A_308 = tpu.vector_load %arg7[%get3A, %get3A_307] {strides = array<i32>} : memref<16x256xf32, #tpu.memory_space<vmem>>, vector<1x16xf32>,
      %get3A_309 = vector.shape_cast %get3A_308 : vector<1x16xf32> to vector<16xf32>
      %add3A_310 = arith.addf %get3A_309, %scan3A_305#0 : vector<16xf32>
      %swap3A = arith.index_cast %add3A_269 : i32 to index
      %swap3A_311 = arith.constant 0 : index
      %swap3A_312 = tpu.vector_load %arg7[%swap3A, %swap3A_311] {strides = array<i32>} : memref<16x256xf32, #tpu.memory_space<vmem>>, vector<1x16xf32>,
      %swap3A_313 = vector.shape_cast %swap3A_312 : vector<1x16xf32> to vector<16xf32>
      %swap3A_314 = vector.shape_cast %add3A_310 : vector<16xf32> to vector<1x16xf32>
      tpu.vector_store %arg7[%swap3A, %swap3A_311], %swap3A_314 {strides = array<i32>} : memref<16x256xf32, #tpu.memory_space<vmem>>, vector<1x16xf32>,
      %get3A_315 = arith.index_cast %add3A_269 : i32 to index
      %get3A_316 = arith.constant 16 : index
      %get3A_317 = tpu.vector_load %arg7[%get3A_315, %get3A_316] {strides = array<i32>} : memref<16x256xf32, #tpu.memory_space<vmem>>, vector<1x16xf32>,
      %get3A_318 = vector.shape_cast %get3A_317 : vector<1x16xf32> to vector<16xf32>
      %add3A_319 = arith.addf %get3A_318, %scan3A_305#1 : vector<16xf32>
      %swap3A_320 = arith.index_cast %add3A_269 : i32 to index
      %swap3A_321 = arith.constant 16 : index
      %swap3A_322 = tpu.vector_load %arg7[%swap3A_320, %swap3A_321] {strides = array<i32>} : memref<16x256xf32, #tpu.memory_space<vmem>>, vector<1x16xf32>,
      %swap3A_323 = vector.shape_cast %swap3A_322 : vector<1x16xf32> to vector<16xf32>
      %swap3A_324 = vector.shape_cast %add3A_319 : vector<16xf32> to vector<1x16xf32>
      tpu.vector_store %arg7[%swap3A_320, %swap3A_321], %swap3A_324 {strides = array<i32>} : memref<16x256xf32, #tpu.memory_space<vmem>>, vector<1x16xf32>,
      %get3A_325 = arith.index_cast %add3A_269 : i32 to index
      %get3A_326 = arith.constant 32 : index
      %get3A_327 = tpu.vector_load %arg7[%get3A_325, %get3A_326] {strides = array<i32>} : memref<16x256xf32, #tpu.memory_space<vmem>>, vector<1x16xf32>,
      %get3A_328 = vector.shape_cast %get3A_327 : vector<1x16xf32> to vector<16xf32>
      %add3A_329 = arith.addf %get3A_328, %scan3A_305#2 : vector<16xf32>
      %swap3A_330 = arith.index_cast %add3A_269 : i32 to index
      %swap3A_331 = arith.constant 32 : index
      %swap3A_332 = tpu.vector_load %arg7[%swap3A_330, %swap3A_331] {strides = array<i32>} : memref<16x256xf32, #tpu.memory_space<vmem>>, vector<1x16xf32>,
      %swap3A_333 = vector.shape_cast %swap3A_332 : vector<1x16xf32> to vector<16xf32>
      %swap3A_334 = vector.shape_cast %add3A_329 : vector<16xf32> to vector<1x16xf32>
      tpu.vector_store %arg7[%swap3A_330, %swap3A_331], %swap3A_334 {strides = array<i32>} : memref<16x256xf32, #tpu.memory_space<vmem>>, vector<1x16xf32>,
      %get3A_335 = arith.index_cast %add3A_269 : i32 to index
      %get3A_336 = arith.constant 48 : index
      %get3A_337 = tpu.vector_load %arg7[%get3A_335, %get3A_336] {strides = array<i32>} : memref<16x256xf32, #tpu.memory_space<vmem>>, vector<1x16xf32>,
      %get3A_338 = vector.shape_cast %get3A_337 : vector<1x16xf32> to vector<16xf32>
      %add3A_339 = arith.addf %get3A_338, %scan3A_305#3 : vector<16xf32>
      %swap3A_340 = arith.index_cast %add3A_269 : i32 to index
      %swap3A_341 = arith.constant 48 : index
      %swap3A_342 = tpu.vector_load %arg7[%swap3A_340, %swap3A_341] {strides = array<i32>} : memref<16x256xf32, #tpu.memory_space<vmem>>, vector<1x16xf32>,
      %swap3A_343 = vector.shape_cast %swap3A_342 : vector<1x16xf32> to vector<16xf32>
      %swap3A_344 = vector.shape_cast %add3A_339 : vector<16xf32> to vector<1x16xf32>
      tpu.vector_store %arg7[%swap3A_340, %swap3A_341], %swap3A_344 {strides = array<i32>} : memref<16x256xf32, #tpu.memory_space<vmem>>, vector<1x16xf32>,
      %get3A_345 = arith.index_cast %add3A_269 : i32 to index
      %get3A_346 = arith.constant 64 : index
      %get3A_347 = tpu.vector_load %arg7[%get3A_345, %get3A_346] {strides = array<i32>} : memref<16x256xf32, #tpu.memory_space<vmem>>, vector<1x16xf32>,
      %get3A_348 = vector.shape_cast %get3A_347 : vector<1x16xf32> to vector<16xf32>
      %add3A_349 = arith.addf %get3A_348, %scan3A_305#4 : vector<16xf32>
      %swap3A_350 = arith.index_cast %add3A_269 : i32 to index
      %swap3A_351 = arith.constant 64 : index
      %swap3A_352 = tpu.vector_load %arg7[%swap3A_350, %swap3A_351] {strides = array<i32>} : memref<16x256xf32, #tpu.memory_space<vmem>>, vector<1x16xf32>,
      %swap3A_353 = vector.shape_cast %swap3A_352 : vector<1x16xf32> to vector<16xf32>
      %swap3A_354 = vector.shape_cast %add3A_349 : vector<16xf32> to vector<1x16xf32>
      tpu.vector_store %arg7[%swap3A_350, %swap3A_351], %swap3A_354 {strides = array<i32>} : memref<16x256xf32, #tpu.memory_space<vmem>>, vector<1x16xf32>,
      %get3A_355 = arith.index_cast %add3A_269 : i32 to index
      %get3A_356 = arith.constant 80 : index
      %get3A_357 = tpu.vector_load %arg7[%get3A_355, %get3A_356] {strides = array<i32>} : memref<16x256xf32, #tpu.memory_space<vmem>>, vector<1x16xf32>,
      %get3A_358 = vector.shape_cast %get3A_357 : vector<1x16xf32> to vector<16xf32>
      %add3A_359 = arith.addf %get3A_358, %scan3A_305#5 : vector<16xf32>
      %swap3A_360 = arith.index_cast %add3A_269 : i32 to index
      %swap3A_361 = arith.constant 80 : index
      %swap3A_362 = tpu.vector_load %arg7[%swap3A_360, %swap3A_361] {strides = array<i32>} : memref<16x256xf32, #tpu.memory_space<vmem>>, vector<1x16xf32>,
      %swap3A_363 = vector.shape_cast %swap3A_362 : vector<1x16xf32> to vector<16xf32>
      %swap3A_364 = vector.shape_cast %add3A_359 : vector<16xf32> to vector<1x16xf32>
      tpu.vector_store %arg7[%swap3A_360, %swap3A_361], %swap3A_364 {strides = array<i32>} : memref<16x256xf32, #tpu.memory_space<vmem>>, vector<1x16xf32>,
      %get3A_365 = arith.index_cast %add3A_269 : i32 to index
      %get3A_366 = arith.constant 96 : index
      %get3A_367 = tpu.vector_load %arg7[%get3A_365, %get3A_366] {strides = array<i32>} : memref<16x256xf32, #tpu.memory_space<vmem>>, vector<1x16xf32>,
      %get3A_368 = vector.shape_cast %get3A_367 : vector<1x16xf32> to vector<16xf32>
      %add3A_369 = arith.addf %get3A_368, %scan3A_305#6 : vector<16xf32>
      %swap3A_370 = arith.index_cast %add3A_269 : i32 to index
      %swap3A_371 = arith.constant 96 : index
      %swap3A_372 = tpu.vector_load %arg7[%swap3A_370, %swap3A_371] {strides = array<i32>} : memref<16x256xf32, #tpu.memory_space<vmem>>, vector<1x16xf32>,
      %swap3A_373 = vector.shape_cast %swap3A_372 : vector<1x16xf32> to vector<16xf32>
      %swap3A_374 = vector.shape_cast %add3A_369 : vector<16xf32> to vector<1x16xf32>
      tpu.vector_store %arg7[%swap3A_370, %swap3A_371], %swap3A_374 {strides = array<i32>} : memref<16x256xf32, #tpu.memory_space<vmem>>, vector<1x16xf32>,
      %get3A_375 = arith.index_cast %add3A_269 : i32 to index
      %get3A_376 = arith.constant 112 : index
      %get3A_377 = tpu.vector_load %arg7[%get3A_375, %get3A_376] {strides = array<i32>} : memref<16x256xf32, #tpu.memory_space<vmem>>, vector<1x16xf32>,
      %get3A_378 = vector.shape_cast %get3A_377 : vector<1x16xf32> to vector<16xf32>
      %add3A_379 = arith.addf %get3A_378, %scan3A_305#7 : vector<16xf32>
      %swap3A_380 = arith.index_cast %add3A_269 : i32 to index
      %swap3A_381 = arith.constant 112 : index
      %swap3A_382 = tpu.vector_load %arg7[%swap3A_380, %swap3A_381] {strides = array<i32>} : memref<16x256xf32, #tpu.memory_space<vmem>>, vector<1x16xf32>,
      %swap3A_383 = vector.shape_cast %swap3A_382 : vector<1x16xf32> to vector<16xf32>
      %swap3A_384 = vector.shape_cast %add3A_379 : vector<16xf32> to vector<1x16xf32>
      tpu.vector_store %arg7[%swap3A_380, %swap3A_381], %swap3A_384 {strides = array<i32>} : memref<16x256xf32, #tpu.memory_space<vmem>>, vector<1x16xf32>,
      %get3A_385 = arith.index_cast %add3A_269 : i32 to index
      %get3A_386 = arith.constant 128 : index
      %get3A_387 = tpu.vector_load %arg7[%get3A_385, %get3A_386] {strides = array<i32>} : memref<16x256xf32, #tpu.memory_space<vmem>>, vector<1x16xf32>,
      %get3A_388 = vector.shape_cast %get3A_387 : vector<1x16xf32> to vector<16xf32>
      %add3A_389 = arith.addf %get3A_388, %scan3A_305#8 : vector<16xf32>
      %swap3A_390 = arith.index_cast %add3A_269 : i32 to index
      %swap3A_391 = arith.constant 128 : index
      %swap3A_392 = tpu.vector_load %arg7[%swap3A_390, %swap3A_391] {strides = array<i32>} : memref<16x256xf32, #tpu.memory_space<vmem>>, vector<1x16xf32>,
      %swap3A_393 = vector.shape_cast %swap3A_392 : vector<1x16xf32> to vector<16xf32>
      %swap3A_394 = vector.shape_cast %add3A_389 : vector<16xf32> to vector<1x16xf32>
      tpu.vector_store %arg7[%swap3A_390, %swap3A_391], %swap3A_394 {strides = array<i32>} : memref<16x256xf32, #tpu.memory_space<vmem>>, vector<1x16xf32>,
      %get3A_395 = arith.index_cast %add3A_269 : i32 to index
      %get3A_396 = arith.constant 144 : index
      %get3A_397 = tpu.vector_load %arg7[%get3A_395, %get3A_396] {strides = array<i32>} : memref<16x256xf32, #tpu.memory_space<vmem>>, vector<1x16xf32>,
      %get3A_398 = vector.shape_cast %get3A_397 : vector<1x16xf32> to vector<16xf32>
      %add3A_399 = arith.addf %get3A_398, %scan3A_305#9 : vector<16xf32>
      %swap3A_400 = arith.index_cast %add3A_269 : i32 to index
      %swap3A_401 = arith.constant 144 : index
      %swap3A_402 = tpu.vector_load %arg7[%swap3A_400, %swap3A_401] {strides = array<i32>} : memref<16x256xf32, #tpu.memory_space<vmem>>, vector<1x16xf32>,
      %swap3A_403 = vector.shape_cast %swap3A_402 : vector<1x16xf32> to vector<16xf32>
      %swap3A_404 = vector.shape_cast %add3A_399 : vector<16xf32> to vector<1x16xf32>
      tpu.vector_store %arg7[%swap3A_400, %swap3A_401], %swap3A_404 {strides = array<i32>} : memref<16x256xf32, #tpu.memory_space<vmem>>, vector<1x16xf32>,
      %get3A_405 = arith.index_cast %add3A_269 : i32 to index
      %get3A_406 = arith.constant 160 : index
      %get3A_407 = tpu.vector_load %arg7[%get3A_405, %get3A_406] {strides = array<i32>} : memref<16x256xf32, #tpu.memory_space<vmem>>, vector<1x16xf32>,
      %get3A_408 = vector.shape_cast %get3A_407 : vector<1x16xf32> to vector<16xf32>
      %add3A_409 = arith.addf %get3A_408, %scan3A_305#10 : vector<16xf32>
      %swap3A_410 = arith.index_cast %add3A_269 : i32 to index
      %swap3A_411 = arith.constant 160 : index
      %swap3A_412 = tpu.vector_load %arg7[%swap3A_410, %swap3A_411] {strides = array<i32>} : memref<16x256xf32, #tpu.memory_space<vmem>>, vector<1x16xf32>,
      %swap3A_413 = vector.shape_cast %swap3A_412 : vector<1x16xf32> to vector<16xf32>
      %swap3A_414 = vector.shape_cast %add3A_409 : vector<16xf32> to vector<1x16xf32>
      tpu.vector_store %arg7[%swap3A_410, %swap3A_411], %swap3A_414 {strides = array<i32>} : memref<16x256xf32, #tpu.memory_space<vmem>>, vector<1x16xf32>,
      %get3A_415 = arith.index_cast %add3A_269 : i32 to index
      %get3A_416 = arith.constant 176 : index
      %get3A_417 = tpu.vector_load %arg7[%get3A_415, %get3A_416] {strides = array<i32>} : memref<16x256xf32, #tpu.memory_space<vmem>>, vector<1x16xf32>,
      %get3A_418 = vector.shape_cast %get3A_417 : vector<1x16xf32> to vector<16xf32>
      %add3A_419 = arith.addf %get3A_418, %scan3A_305#11 : vector<16xf32>
      %swap3A_420 = arith.index_cast %add3A_269 : i32 to index
      %swap3A_421 = arith.constant 176 : index
      %swap3A_422 = tpu.vector_load %arg7[%swap3A_420, %swap3A_421] {strides = array<i32>} : memref<16x256xf32, #tpu.memory_space<vmem>>, vector<1x16xf32>,
      %swap3A_423 = vector.shape_cast %swap3A_422 : vector<1x16xf32> to vector<16xf32>
      %swap3A_424 = vector.shape_cast %add3A_419 : vector<16xf32> to vector<1x16xf32>
      tpu.vector_store %arg7[%swap3A_420, %swap3A_421], %swap3A_424 {strides = array<i32>} : memref<16x256xf32, #tpu.memory_space<vmem>>, vector<1x16xf32>,
      %get3A_425 = arith.index_cast %add3A_269 : i32 to index
      %get3A_426 = arith.constant 192 : index
      %get3A_427 = tpu.vector_load %arg7[%get3A_425, %get3A_426] {strides = array<i32>} : memref<16x256xf32, #tpu.memory_space<vmem>>, vector<1x16xf32>,
      %get3A_428 = vector.shape_cast %get3A_427 : vector<1x16xf32> to vector<16xf32>
      %add3A_429 = arith.addf %get3A_428, %scan3A_305#12 : vector<16xf32>
      %swap3A_430 = arith.index_cast %add3A_269 : i32 to index
      %swap3A_431 = arith.constant 192 : index
      %swap3A_432 = tpu.vector_load %arg7[%swap3A_430, %swap3A_431] {strides = array<i32>} : memref<16x256xf32, #tpu.memory_space<vmem>>, vector<1x16xf32>,
      %swap3A_433 = vector.shape_cast %swap3A_432 : vector<1x16xf32> to vector<16xf32>
      %swap3A_434 = vector.shape_cast %add3A_429 : vector<16xf32> to vector<1x16xf32>
      tpu.vector_store %arg7[%swap3A_430, %swap3A_431], %swap3A_434 {strides = array<i32>} : memref<16x256xf32, #tpu.memory_space<vmem>>, vector<1x16xf32>,
      %get3A_435 = arith.index_cast %add3A_269 : i32 to index
      %get3A_436 = arith.constant 208 : index
      %get3A_437 = tpu.vector_load %arg7[%get3A_435, %get3A_436] {strides = array<i32>} : memref<16x256xf32, #tpu.memory_space<vmem>>, vector<1x16xf32>,
      %get3A_438 = vector.shape_cast %get3A_437 : vector<1x16xf32> to vector<16xf32>
      %add3A_439 = arith.addf %get3A_438, %scan3A_305#13 : vector<16xf32>
      %swap3A_440 = arith.index_cast %add3A_269 : i32 to index
      %swap3A_441 = arith.constant 208 : index
      %swap3A_442 = tpu.vector_load %arg7[%swap3A_440, %swap3A_441] {strides = array<i32>} : memref<16x256xf32, #tpu.memory_space<vmem>>, vector<1x16xf32>,
      %swap3A_443 = vector.shape_cast %swap3A_442 : vector<1x16xf32> to vector<16xf32>
      %swap3A_444 = vector.shape_cast %add3A_439 : vector<16xf32> to vector<1x16xf32>
      tpu.vector_store %arg7[%swap3A_440, %swap3A_441], %swap3A_444 {strides = array<i32>} : memref<16x256xf32, #tpu.memory_space<vmem>>, vector<1x16xf32>,
      %get3A_445 = arith.index_cast %add3A_269 : i32 to index
      %get3A_446 = arith.constant 224 : index
      %get3A_447 = tpu.vector_load %arg7[%get3A_445, %get3A_446] {strides = array<i32>} : memref<16x256xf32, #tpu.memory_space<vmem>>, vector<1x16xf32>,
      %get3A_448 = vector.shape_cast %get3A_447 : vector<1x16xf32> to vector<16xf32>
      %add3A_449 = arith.addf %get3A_448, %scan3A_305#14 : vector<16xf32>
      %swap3A_450 = arith.index_cast %add3A_269 : i32 to index
      %swap3A_451 = arith.constant 224 : index
      %swap3A_452 = tpu.vector_load %arg7[%swap3A_450, %swap3A_451] {strides = array<i32>} : memref<16x256xf32, #tpu.memory_space<vmem>>, vector<1x16xf32>,
      %swap3A_453 = vector.shape_cast %swap3A_452 : vector<1x16xf32> to vector<16xf32>
      %swap3A_454 = vector.shape_cast %add3A_449 : vector<16xf32> to vector<1x16xf32>
      tpu.vector_store %arg7[%swap3A_450, %swap3A_451], %swap3A_454 {strides = array<i32>} : memref<16x256xf32, #tpu.memory_space<vmem>>, vector<1x16xf32>,
      %get3A_455 = arith.index_cast %add3A_269 : i32 to index
      %get3A_456 = arith.constant 240 : index
      %get3A_457 = tpu.vector_load %arg7[%get3A_455, %get3A_456] {strides = array<i32>} : memref<16x256xf32, #tpu.memory_space<vmem>>, vector<1x16xf32>,
      %get3A_458 = vector.shape_cast %get3A_457 : vector<1x16xf32> to vector<16xf32>
      %add3A_459 = arith.addf %get3A_458, %scan3A_305#15 : vector<16xf32>
      %swap3A_460 = arith.index_cast %add3A_269 : i32 to index
      %swap3A_461 = arith.constant 240 : index
      %swap3A_462 = tpu.vector_load %arg7[%swap3A_460, %swap3A_461] {strides = array<i32>} : memref<16x256xf32, #tpu.memory_space<vmem>>, vector<1x16xf32>,
      %swap3A_463 = vector.shape_cast %swap3A_462 : vector<1x16xf32> to vector<16xf32>
      %swap3A_464 = vector.shape_cast %add3A_459 : vector<16xf32> to vector<1x16xf32>
      tpu.vector_store %arg7[%swap3A_460, %swap3A_461], %swap3A_464 {strides = array<i32>} : memref<16x256xf32, #tpu.memory_space<vmem>>, vector<1x16xf32>,
      %scan3A_465 = arith.constant 0 : i32
      scf.yield %scan3A_465 : i32
    }
    %scan3A_188 = arith.constant 8 : i32
    %dma_start3A_189 = arith.constant 3 : i32
    %dma_start3A_190 = arith.constant 1 : i32
    %dma_start3A_191 = arith.constant 1 : i32
    %dma_start3A_192 = arith.constant 0 : i32
    %dma_start3A_193 = arith.constant 0 : i32
    %dma_start3A_194 = tpu.memref_slice %arg6[%dma_start3A_191, %dma_start3A_192, %dma_start3A_193] : memref<3x128x256xf32, #tpu.memory_space<vmem>> -> memref<1x128x256xf32, #tpu.memory_space<vmem>>
    %dma_start3A_195 = tpu.memref_squeeze %dma_start3A_194 : memref<1x128x256xf32, #tpu.memory_space<vmem>> -> memref<128x256xf32, #tpu.memory_space<vmem>>
    %dma_start3A_196 = arith.constant 0 : i32
    %dma_start3A_197 = tpu.memref_slice %arg5[%dma_start3A_189, %dma_start3A_190, %dma_start3A_196] : memref<4x2x128xi32, #tpu.memory_space<vmem>> -> memref<1x1x128xi32, #tpu.memory_space<vmem>>
    %dma_start3A_198 = tpu.memref_squeeze %dma_start3A_197 : memref<1x1x128xi32, #tpu.memory_space<vmem>> -> memref<128xi32, #tpu.memory_space<vmem>>
    %dma_start3A_199 = arith.constant 0 : i32
    %dma_start3A_200 = arith.constant 0 : i32
    %dma_start3A_201 = tpu.memref_slice %arg3[%dma_start3A_199, %dma_start3A_200] : memref<100000x256xf32, #tpu.memory_space<hbm>> -> memref<100000x256xf32, #tpu.memory_space<hbm>>
    tpu.enqueue_indirect_dma source(%dma_start3A_201 : memref<100000x256xf32, #tpu.memory_space<hbm>>) target(%dma_start3A_195 : memref<128x256xf32, #tpu.memory_space<vmem>>) offsets(%dma_start3A_198 : memref<128xi32, #tpu.memory_space<vmem>>) semaphore(%arg9 : memref<!tpu.dma_semaphore, #tpu.memory_space<semaphore_mem>>)
    %dma_wait3A_202 = arith.constant 2 : i32
    %dma_wait3A_203 = arith.constant 1 : i32
    %dma_wait3A_204 = arith.constant 2 : i32
    %dma_wait3A_205 = arith.constant 0 : i32
    %dma_wait3A_206 = arith.constant 0 : i32
    %dma_wait3A_207 = tpu.memref_slice %arg6[%dma_wait3A_204, %dma_wait3A_205, %dma_wait3A_206] : memref<3x128x256xf32, #tpu.memory_space<vmem>> -> memref<1x128x256xf32, #tpu.memory_space<vmem>>
    %dma_wait3A_208 = tpu.memref_squeeze %dma_wait3A_207 : memref<1x128x256xf32, #tpu.memory_space<vmem>> -> memref<128x256xf32, #tpu.memory_space<vmem>>
    %dma_wait3A_209 = arith.constant 0 : i32
    %dma_wait3A_210 = tpu.memref_slice %arg5[%dma_wait3A_202, %dma_wait3A_203, %dma_wait3A_209] : memref<4x2x128xi32, #tpu.memory_space<vmem>> -> memref<1x1x128xi32, #tpu.memory_space<vmem>>
    %dma_wait3A_211 = tpu.memref_squeeze %dma_wait3A_210 : memref<1x1x128xi32, #tpu.memory_space<vmem>> -> memref<128xi32, #tpu.memory_space<vmem>>
    %dma_wait3A_212 = arith.constant 0 : i32
    %dma_wait3A_213 = arith.constant 0 : i32
    %dma_wait3A_214 = tpu.memref_slice %arg3[%dma_wait3A_212, %dma_wait3A_213] : memref<100000x256xf32, #tpu.memory_space<hbm>> -> memref<100000x256xf32, #tpu.memory_space<hbm>>
    tpu.wait_indirect_dma semaphore(%arg10 : memref<!tpu.dma_semaphore, #tpu.memory_space<semaphore_mem>>) src(%dma_wait3A_214 : memref<100000x256xf32, #tpu.memory_space<hbm>>) dst(%dma_wait3A_208 : memref<128x256xf32, #tpu.memory_space<vmem>>)
    %scan3A_215 = arith.constant 0 : i32
    %scan3A_216 = arith.constant 0 : i32
    %scan3A_217 = arith.constant 8 : i32
    %scan3A_218 = arith.addi %scan3A_216, %scan3A_217 : i32
    %scan3A_219 = arith.constant 1 : i32
    %scan3A_220 = scf.for %scan3A_264 = %scan3A_216 to %scan3A_218 step %scan3A_219 iter_args(%scan3A_265 = %scan3A_215) -> (i32)  : i32 {
      %mul3A_266 = arith.constant 16 : i32
      %mul3A_267 = arith.muli %scan3A_264, %mul3A_266 : i32
      %add3A_268 = arith.constant 8 : i32
      %add3A_269 = arith.addi %add3A_268, %scan3A_264 : i32
      %broadcast_in_dim3A = arith.constant 0.000000e+00 : f32
      %broadcast_in_dim3A_270 = vector.broadcast %broadcast_in_dim3A : f32 to vector<16xf32>
      %broadcast_in_dim3A_271 = arith.constant 0.000000e+00 : f32
      %broadcast_in_dim3A_272 = vector.broadcast %broadcast_in_dim3A_271 : f32 to vector<16xf32>
      %broadcast_in_dim3A_273 = arith.constant 0.000000e+00 : f32
      %broadcast_in_dim3A_274 = vector.broadcast %broadcast_in_dim3A_273 : f32 to vector<16xf32>
      %broadcast_in_dim3A_275 = arith.constant 0.000000e+00 : f32
      %broadcast_in_dim3A_276 = vector.broadcast %broadcast_in_dim3A_275 : f32 to vector<16xf32>
      %broadcast_in_dim3A_277 = arith.constant 0.000000e+00 : f32
      %broadcast_in_dim3A_278 = vector.broadcast %broadcast_in_dim3A_277 : f32 to vector<16xf32>
      %broadcast_in_dim3A_279 = arith.constant 0.000000e+00 : f32
      %broadcast_in_dim3A_280 = vector.broadcast %broadcast_in_dim3A_279 : f32 to vector<16xf32>
      %broadcast_in_dim3A_281 = arith.constant 0.000000e+00 : f32
      %broadcast_in_dim3A_282 = vector.broadcast %broadcast_in_dim3A_281 : f32 to vector<16xf32>
      %broadcast_in_dim3A_283 = arith.constant 0.000000e+00 : f32
      %broadcast_in_dim3A_284 = vector.broadcast %broadcast_in_dim3A_283 : f32 to vector<16xf32>
      %broadcast_in_dim3A_285 = arith.constant 0.000000e+00 : f32
      %broadcast_in_dim3A_286 = vector.broadcast %broadcast_in_dim3A_285 : f32 to vector<16xf32>
      %broadcast_in_dim3A_287 = arith.constant 0.000000e+00 : f32
      %broadcast_in_dim3A_288 = vector.broadcast %broadcast_in_dim3A_287 : f32 to vector<16xf32>
      %broadcast_in_dim3A_289 = arith.constant 0.000000e+00 : f32
      %broadcast_in_dim3A_290 = vector.broadcast %broadcast_in_dim3A_289 : f32 to vector<16xf32>
      %broadcast_in_dim3A_291 = arith.constant 0.000000e+00 : f32
      %broadcast_in_dim3A_292 = vector.broadcast %broadcast_in_dim3A_291 : f32 to vector<16xf32>
      %broadcast_in_dim3A_293 = arith.constant 0.000000e+00 : f32
      %broadcast_in_dim3A_294 = vector.broadcast %broadcast_in_dim3A_293 : f32 to vector<16xf32>
      %broadcast_in_dim3A_295 = arith.constant 0.000000e+00 : f32
      %broadcast_in_dim3A_296 = vector.broadcast %broadcast_in_dim3A_295 : f32 to vector<16xf32>
      %broadcast_in_dim3A_297 = arith.constant 0.000000e+00 : f32
      %broadcast_in_dim3A_298 = vector.broadcast %broadcast_in_dim3A_297 : f32 to vector<16xf32>
      %broadcast_in_dim3A_299 = arith.constant 0.000000e+00 : f32
      %broadcast_in_dim3A_300 = vector.broadcast %broadcast_in_dim3A_299 : f32 to vector<16xf32>
      %scan3A_301 = arith.constant 0 : i32
      %scan3A_302 = arith.constant 16 : i32
      %scan3A_303 = arith.addi %scan3A_301, %scan3A_302 : i32
      %scan3A_304 = arith.constant 1 : i32
      %scan3A_305:16 = scf.for %scan3A_466 = %scan3A_301 to %scan3A_303 step %scan3A_304 iter_args(%scan3A_467 = %broadcast_in_dim3A_270, %scan3A_468 = %broadcast_in_dim3A_272, %scan3A_469 = %broadcast_in_dim3A_274, %scan3A_470 = %broadcast_in_dim3A_276, %scan3A_471 = %broadcast_in_dim3A_278, %scan3A_472 = %broadcast_in_dim3A_280, %scan3A_473 = %broadcast_in_dim3A_282, %scan3A_474 = %broadcast_in_dim3A_284, %scan3A_475 = %broadcast_in_dim3A_286, %scan3A_476 = %broadcast_in_dim3A_288, %scan3A_477 = %broadcast_in_dim3A_290, %scan3A_478 = %broadcast_in_dim3A_292, %scan3A_479 = %broadcast_in_dim3A_294, %scan3A_480 = %broadcast_in_dim3A_296, %scan3A_481 = %broadcast_in_dim3A_298, %scan3A_482 = %broadcast_in_dim3A_300) -> (vector<16xf32>, vector<16xf32>, vector<16xf32>, vector<16xf32>, vector<16xf32>, vector<16xf32>, vector<16xf32>, vector<16xf32>, vector<16xf32>, vector<16xf32>, vector<16xf32>, vector<16xf32>, vector<16xf32>, vector<16xf32>, vector<16xf32>, vector<16xf32>)  : i32 {
        %add3A_483 = arith.addi %mul3A_267, %scan3A_466 : i32
        %get3A_484 = arith.constant 2 : i32
        %get3A_485 = arith.index_cast %get3A_484 : i32 to index
        %get3A_486 = arith.index_cast %add3A_483 : i32 to index
        %get3A_487 = arith.constant 0 : index
        %get3A_488 = tpu.vector_load %arg6[%get3A_485, %get3A_486, %get3A_487] {strides = array<i32>} : memref<3x128x256xf32, #tpu.memory_space<vmem>>, vector<1x1x16xf32>,
        %get3A_489 = vector.shape_cast %get3A_488 : vector<1x1x16xf32> to vector<16xf32>
        %mul3A_490 = arith.constant 6.553700e+04 : f32
        %mul3A_491 = vector.broadcast %mul3A_490 : f32 to vector<16xf32>
        %mul3A_492 = arith.mulf %get3A_489, %mul3A_491 : vector<16xf32>
        %sub3A = arith.subf %get3A_489, %mul3A_492 : vector<16xf32>
        %add3A_493 = arith.addf %mul3A_492, %sub3A : vector<16xf32>
        %add3A_494 = arith.addf %scan3A_467, %add3A_493 : vector<16xf32>
        %get3A_495 = arith.constant 2 : i32
        %get3A_496 = arith.index_cast %get3A_495 : i32 to index
        %get3A_497 = arith.index_cast %add3A_483 : i32 to index
        %get3A_498 = arith.constant 16 : index
        %get3A_499 = tpu.vector_load %arg6[%get3A_496, %get3A_497, %get3A_498] {strides = array<i32>} : memref<3x128x256xf32, #tpu.memory_space<vmem>>, vector<1x1x16xf32>,
        %get3A_500 = vector.shape_cast %get3A_499 : vector<1x1x16xf32> to vector<16xf32>
        %mul3A_501 = arith.constant 6.553700e+04 : f32
        %mul3A_502 = vector.broadcast %mul3A_501 : f32 to vector<16xf32>
        %mul3A_503 = arith.mulf %get3A_500, %mul3A_502 : vector<16xf32>
        %sub3A_504 = arith.subf %get3A_500, %mul3A_503 : vector<16xf32>
        %add3A_505 = arith.addf %mul3A_503, %sub3A_504 : vector<16xf32>
        %add3A_506 = arith.addf %scan3A_468, %add3A_505 : vector<16xf32>
        %get3A_507 = arith.constant 2 : i32
        %get3A_508 = arith.index_cast %get3A_507 : i32 to index
        %get3A_509 = arith.index_cast %add3A_483 : i32 to index
        %get3A_510 = arith.constant 32 : index
        %get3A_511 = tpu.vector_load %arg6[%get3A_508, %get3A_509, %get3A_510] {strides = array<i32>} : memref<3x128x256xf32, #tpu.memory_space<vmem>>, vector<1x1x16xf32>,
        %get3A_512 = vector.shape_cast %get3A_511 : vector<1x1x16xf32> to vector<16xf32>
        %mul3A_513 = arith.constant 6.553700e+04 : f32
        %mul3A_514 = vector.broadcast %mul3A_513 : f32 to vector<16xf32>
        %mul3A_515 = arith.mulf %get3A_512, %mul3A_514 : vector<16xf32>
        %sub3A_516 = arith.subf %get3A_512, %mul3A_515 : vector<16xf32>
        %add3A_517 = arith.addf %mul3A_515, %sub3A_516 : vector<16xf32>
        %add3A_518 = arith.addf %scan3A_469, %add3A_517 : vector<16xf32>
        %get3A_519 = arith.constant 2 : i32
        %get3A_520 = arith.index_cast %get3A_519 : i32 to index
        %get3A_521 = arith.index_cast %add3A_483 : i32 to index
        %get3A_522 = arith.constant 48 : index
        %get3A_523 = tpu.vector_load %arg6[%get3A_520, %get3A_521, %get3A_522] {strides = array<i32>} : memref<3x128x256xf32, #tpu.memory_space<vmem>>, vector<1x1x16xf32>,
        %get3A_524 = vector.shape_cast %get3A_523 : vector<1x1x16xf32> to vector<16xf32>
        %mul3A_525 = arith.constant 6.553700e+04 : f32
        %mul3A_526 = vector.broadcast %mul3A_525 : f32 to vector<16xf32>
        %mul3A_527 = arith.mulf %get3A_524, %mul3A_526 : vector<16xf32>
        %sub3A_528 = arith.subf %get3A_524, %mul3A_527 : vector<16xf32>
        %add3A_529 = arith.addf %mul3A_527, %sub3A_528 : vector<16xf32>
        %add3A_530 = arith.addf %scan3A_470, %add3A_529 : vector<16xf32>
        %get3A_531 = arith.constant 2 : i32
        %get3A_532 = arith.index_cast %get3A_531 : i32 to index
        %get3A_533 = arith.index_cast %add3A_483 : i32 to index
        %get3A_534 = arith.constant 64 : index
        %get3A_535 = tpu.vector_load %arg6[%get3A_532, %get3A_533, %get3A_534] {strides = array<i32>} : memref<3x128x256xf32, #tpu.memory_space<vmem>>, vector<1x1x16xf32>,
        %get3A_536 = vector.shape_cast %get3A_535 : vector<1x1x16xf32> to vector<16xf32>
        %mul3A_537 = arith.constant 6.553700e+04 : f32
        %mul3A_538 = vector.broadcast %mul3A_537 : f32 to vector<16xf32>
        %mul3A_539 = arith.mulf %get3A_536, %mul3A_538 : vector<16xf32>
        %sub3A_540 = arith.subf %get3A_536, %mul3A_539 : vector<16xf32>
        %add3A_541 = arith.addf %mul3A_539, %sub3A_540 : vector<16xf32>
        %add3A_542 = arith.addf %scan3A_471, %add3A_541 : vector<16xf32>
        %get3A_543 = arith.constant 2 : i32
        %get3A_544 = arith.index_cast %get3A_543 : i32 to index
        %get3A_545 = arith.index_cast %add3A_483 : i32 to index
        %get3A_546 = arith.constant 80 : index
        %get3A_547 = tpu.vector_load %arg6[%get3A_544, %get3A_545, %get3A_546] {strides = array<i32>} : memref<3x128x256xf32, #tpu.memory_space<vmem>>, vector<1x1x16xf32>,
        %get3A_548 = vector.shape_cast %get3A_547 : vector<1x1x16xf32> to vector<16xf32>
        %mul3A_549 = arith.constant 6.553700e+04 : f32
        %mul3A_550 = vector.broadcast %mul3A_549 : f32 to vector<16xf32>
        %mul3A_551 = arith.mulf %get3A_548, %mul3A_550 : vector<16xf32>
        %sub3A_552 = arith.subf %get3A_548, %mul3A_551 : vector<16xf32>
        %add3A_553 = arith.addf %mul3A_551, %sub3A_552 : vector<16xf32>
        %add3A_554 = arith.addf %scan3A_472, %add3A_553 : vector<16xf32>
        %get3A_555 = arith.constant 2 : i32
        %get3A_556 = arith.index_cast %get3A_555 : i32 to index
        %get3A_557 = arith.index_cast %add3A_483 : i32 to index
        %get3A_558 = arith.constant 96 : index
        %get3A_559 = tpu.vector_load %arg6[%get3A_556, %get3A_557, %get3A_558] {strides = array<i32>} : memref<3x128x256xf32, #tpu.memory_space<vmem>>, vector<1x1x16xf32>,
        %get3A_560 = vector.shape_cast %get3A_559 : vector<1x1x16xf32> to vector<16xf32>
        %mul3A_561 = arith.constant 6.553700e+04 : f32
        %mul3A_562 = vector.broadcast %mul3A_561 : f32 to vector<16xf32>
        %mul3A_563 = arith.mulf %get3A_560, %mul3A_562 : vector<16xf32>
        %sub3A_564 = arith.subf %get3A_560, %mul3A_563 : vector<16xf32>
        %add3A_565 = arith.addf %mul3A_563, %sub3A_564 : vector<16xf32>
        %add3A_566 = arith.addf %scan3A_473, %add3A_565 : vector<16xf32>
        %get3A_567 = arith.constant 2 : i32
        %get3A_568 = arith.index_cast %get3A_567 : i32 to index
        %get3A_569 = arith.index_cast %add3A_483 : i32 to index
        %get3A_570 = arith.constant 112 : index
        %get3A_571 = tpu.vector_load %arg6[%get3A_568, %get3A_569, %get3A_570] {strides = array<i32>} : memref<3x128x256xf32, #tpu.memory_space<vmem>>, vector<1x1x16xf32>,
        %get3A_572 = vector.shape_cast %get3A_571 : vector<1x1x16xf32> to vector<16xf32>
        %mul3A_573 = arith.constant 6.553700e+04 : f32
        %mul3A_574 = vector.broadcast %mul3A_573 : f32 to vector<16xf32>
        %mul3A_575 = arith.mulf %get3A_572, %mul3A_574 : vector<16xf32>
        %sub3A_576 = arith.subf %get3A_572, %mul3A_575 : vector<16xf32>
        %add3A_577 = arith.addf %mul3A_575, %sub3A_576 : vector<16xf32>
        %add3A_578 = arith.addf %scan3A_474, %add3A_577 : vector<16xf32>
        %get3A_579 = arith.constant 2 : i32
        %get3A_580 = arith.index_cast %get3A_579 : i32 to index
        %get3A_581 = arith.index_cast %add3A_483 : i32 to index
        %get3A_582 = arith.constant 128 : index
        %get3A_583 = tpu.vector_load %arg6[%get3A_580, %get3A_581, %get3A_582] {strides = array<i32>} : memref<3x128x256xf32, #tpu.memory_space<vmem>>, vector<1x1x16xf32>,
        %get3A_584 = vector.shape_cast %get3A_583 : vector<1x1x16xf32> to vector<16xf32>
        %mul3A_585 = arith.constant 6.553700e+04 : f32
        %mul3A_586 = vector.broadcast %mul3A_585 : f32 to vector<16xf32>
        %mul3A_587 = arith.mulf %get3A_584, %mul3A_586 : vector<16xf32>
        %sub3A_588 = arith.subf %get3A_584, %mul3A_587 : vector<16xf32>
        %add3A_589 = arith.addf %mul3A_587, %sub3A_588 : vector<16xf32>
        %add3A_590 = arith.addf %scan3A_475, %add3A_589 : vector<16xf32>
        %get3A_591 = arith.constant 2 : i32
        %get3A_592 = arith.index_cast %get3A_591 : i32 to index
        %get3A_593 = arith.index_cast %add3A_483 : i32 to index
        %get3A_594 = arith.constant 144 : index
        %get3A_595 = tpu.vector_load %arg6[%get3A_592, %get3A_593, %get3A_594] {strides = array<i32>} : memref<3x128x256xf32, #tpu.memory_space<vmem>>, vector<1x1x16xf32>,
        %get3A_596 = vector.shape_cast %get3A_595 : vector<1x1x16xf32> to vector<16xf32>
        %mul3A_597 = arith.constant 6.553700e+04 : f32
        %mul3A_598 = vector.broadcast %mul3A_597 : f32 to vector<16xf32>
        %mul3A_599 = arith.mulf %get3A_596, %mul3A_598 : vector<16xf32>
        %sub3A_600 = arith.subf %get3A_596, %mul3A_599 : vector<16xf32>
        %add3A_601 = arith.addf %mul3A_599, %sub3A_600 : vector<16xf32>
        %add3A_602 = arith.addf %scan3A_476, %add3A_601 : vector<16xf32>
        %get3A_603 = arith.constant 2 : i32
        %get3A_604 = arith.index_cast %get3A_603 : i32 to index
        %get3A_605 = arith.index_cast %add3A_483 : i32 to index
        %get3A_606 = arith.constant 160 : index
        %get3A_607 = tpu.vector_load %arg6[%get3A_604, %get3A_605, %get3A_606] {strides = array<i32>} : memref<3x128x256xf32, #tpu.memory_space<vmem>>, vector<1x1x16xf32>,
        %get3A_608 = vector.shape_cast %get3A_607 : vector<1x1x16xf32> to vector<16xf32>
        %mul3A_609 = arith.constant 6.553700e+04 : f32
        %mul3A_610 = vector.broadcast %mul3A_609 : f32 to vector<16xf32>
        %mul3A_611 = arith.mulf %get3A_608, %mul3A_610 : vector<16xf32>
        %sub3A_612 = arith.subf %get3A_608, %mul3A_611 : vector<16xf32>
        %add3A_613 = arith.addf %mul3A_611, %sub3A_612 : vector<16xf32>
        %add3A_614 = arith.addf %scan3A_477, %add3A_613 : vector<16xf32>
        %get3A_615 = arith.constant 2 : i32
        %get3A_616 = arith.index_cast %get3A_615 : i32 to index
        %get3A_617 = arith.index_cast %add3A_483 : i32 to index
        %get3A_618 = arith.constant 176 : index
        %get3A_619 = tpu.vector_load %arg6[%get3A_616, %get3A_617, %get3A_618] {strides = array<i32>} : memref<3x128x256xf32, #tpu.memory_space<vmem>>, vector<1x1x16xf32>,
        %get3A_620 = vector.shape_cast %get3A_619 : vector<1x1x16xf32> to vector<16xf32>
        %mul3A_621 = arith.constant 6.553700e+04 : f32
        %mul3A_622 = vector.broadcast %mul3A_621 : f32 to vector<16xf32>
        %mul3A_623 = arith.mulf %get3A_620, %mul3A_622 : vector<16xf32>
        %sub3A_624 = arith.subf %get3A_620, %mul3A_623 : vector<16xf32>
        %add3A_625 = arith.addf %mul3A_623, %sub3A_624 : vector<16xf32>
        %add3A_626 = arith.addf %scan3A_478, %add3A_625 : vector<16xf32>
        %get3A_627 = arith.constant 2 : i32
        %get3A_628 = arith.index_cast %get3A_627 : i32 to index
        %get3A_629 = arith.index_cast %add3A_483 : i32 to index
        %get3A_630 = arith.constant 192 : index
        %get3A_631 = tpu.vector_load %arg6[%get3A_628, %get3A_629, %get3A_630] {strides = array<i32>} : memref<3x128x256xf32, #tpu.memory_space<vmem>>, vector<1x1x16xf32>,
        %get3A_632 = vector.shape_cast %get3A_631 : vector<1x1x16xf32> to vector<16xf32>
        %mul3A_633 = arith.constant 6.553700e+04 : f32
        %mul3A_634 = vector.broadcast %mul3A_633 : f32 to vector<16xf32>
        %mul3A_635 = arith.mulf %get3A_632, %mul3A_634 : vector<16xf32>
        %sub3A_636 = arith.subf %get3A_632, %mul3A_635 : vector<16xf32>
        %add3A_637 = arith.addf %mul3A_635, %sub3A_636 : vector<16xf32>
        %add3A_638 = arith.addf %scan3A_479, %add3A_637 : vector<16xf32>
        %get3A_639 = arith.constant 2 : i32
        %get3A_640 = arith.index_cast %get3A_639 : i32 to index
        %get3A_641 = arith.index_cast %add3A_483 : i32 to index
        %get3A_642 = arith.constant 208 : index
        %get3A_643 = tpu.vector_load %arg6[%get3A_640, %get3A_641, %get3A_642] {strides = array<i32>} : memref<3x128x256xf32, #tpu.memory_space<vmem>>, vector<1x1x16xf32>,
        %get3A_644 = vector.shape_cast %get3A_643 : vector<1x1x16xf32> to vector<16xf32>
        %mul3A_645 = arith.constant 6.553700e+04 : f32
        %mul3A_646 = vector.broadcast %mul3A_645 : f32 to vector<16xf32>
        %mul3A_647 = arith.mulf %get3A_644, %mul3A_646 : vector<16xf32>
        %sub3A_648 = arith.subf %get3A_644, %mul3A_647 : vector<16xf32>
        %add3A_649 = arith.addf %mul3A_647, %sub3A_648 : vector<16xf32>
        %add3A_650 = arith.addf %scan3A_480, %add3A_649 : vector<16xf32>
        %get3A_651 = arith.constant 2 : i32
        %get3A_652 = arith.index_cast %get3A_651 : i32 to index
        %get3A_653 = arith.index_cast %add3A_483 : i32 to index
        %get3A_654 = arith.constant 224 : index
        %get3A_655 = tpu.vector_load %arg6[%get3A_652, %get3A_653, %get3A_654] {strides = array<i32>} : memref<3x128x256xf32, #tpu.memory_space<vmem>>, vector<1x1x16xf32>,
        %get3A_656 = vector.shape_cast %get3A_655 : vector<1x1x16xf32> to vector<16xf32>
        %mul3A_657 = arith.constant 6.553700e+04 : f32
        %mul3A_658 = vector.broadcast %mul3A_657 : f32 to vector<16xf32>
        %mul3A_659 = arith.mulf %get3A_656, %mul3A_658 : vector<16xf32>
        %sub3A_660 = arith.subf %get3A_656, %mul3A_659 : vector<16xf32>
        %add3A_661 = arith.addf %mul3A_659, %sub3A_660 : vector<16xf32>
        %add3A_662 = arith.addf %scan3A_481, %add3A_661 : vector<16xf32>
        %get3A_663 = arith.constant 2 : i32
        %get3A_664 = arith.index_cast %get3A_663 : i32 to index
        %get3A_665 = arith.index_cast %add3A_483 : i32 to index
        %get3A_666 = arith.constant 240 : index
        %get3A_667 = tpu.vector_load %arg6[%get3A_664, %get3A_665, %get3A_666] {strides = array<i32>} : memref<3x128x256xf32, #tpu.memory_space<vmem>>, vector<1x1x16xf32>,
        %get3A_668 = vector.shape_cast %get3A_667 : vector<1x1x16xf32> to vector<16xf32>
        %mul3A_669 = arith.constant 6.553700e+04 : f32
        %mul3A_670 = vector.broadcast %mul3A_669 : f32 to vector<16xf32>
        %mul3A_671 = arith.mulf %get3A_668, %mul3A_670 : vector<16xf32>
        %sub3A_672 = arith.subf %get3A_668, %mul3A_671 : vector<16xf32>
        %add3A_673 = arith.addf %mul3A_671, %sub3A_672 : vector<16xf32>
        %add3A_674 = arith.addf %scan3A_482, %add3A_673 : vector<16xf32>
        scf.yield %add3A_494, %add3A_506, %add3A_518, %add3A_530, %add3A_542, %add3A_554, %add3A_566, %add3A_578, %add3A_590, %add3A_602, %add3A_614, %add3A_626, %add3A_638, %add3A_650, %add3A_662, %add3A_674 : vector<16xf32>, vector<16xf32>, vector<16xf32>, vector<16xf32>, vector<16xf32>, vector<16xf32>, vector<16xf32>, vector<16xf32>, vector<16xf32>, vector<16xf32>, vector<16xf32>, vector<16xf32>, vector<16xf32>, vector<16xf32>, vector<16xf32>, vector<16xf32>
      }
      %scan3A_306 = arith.constant 16 : i32
      %get3A = arith.index_cast %add3A_269 : i32 to index
      %get3A_307 = arith.constant 0 : index
      %get3A_308 = tpu.vector_load %arg7[%get3A, %get3A_307] {strides = array<i32>} : memref<16x256xf32, #tpu.memory_space<vmem>>, vector<1x16xf32>,
      %get3A_309 = vector.shape_cast %get3A_308 : vector<1x16xf32> to vector<16xf32>
      %add3A_310 = arith.addf %get3A_309, %scan3A_305#0 : vector<16xf32>
      %swap3A = arith.index_cast %add3A_269 : i32 to index
      %swap3A_311 = arith.constant 0 : index
      %swap3A_312 = tpu.vector_load %arg7[%swap3A, %swap3A_311] {strides = array<i32>} : memref<16x256xf32, #tpu.memory_space<vmem>>, vector<1x16xf32>,
      %swap3A_313 = vector.shape_cast %swap3A_312 : vector<1x16xf32> to vector<16xf32>
      %swap3A_314 = vector.shape_cast %add3A_310 : vector<16xf32> to vector<1x16xf32>
      tpu.vector_store %arg7[%swap3A, %swap3A_311], %swap3A_314 {strides = array<i32>} : memref<16x256xf32, #tpu.memory_space<vmem>>, vector<1x16xf32>,
      %get3A_315 = arith.index_cast %add3A_269 : i32 to index
      %get3A_316 = arith.constant 16 : index
      %get3A_317 = tpu.vector_load %arg7[%get3A_315, %get3A_316] {strides = array<i32>} : memref<16x256xf32, #tpu.memory_space<vmem>>, vector<1x16xf32>,
      %get3A_318 = vector.shape_cast %get3A_317 : vector<1x16xf32> to vector<16xf32>
      %add3A_319 = arith.addf %get3A_318, %scan3A_305#1 : vector<16xf32>
      %swap3A_320 = arith.index_cast %add3A_269 : i32 to index
      %swap3A_321 = arith.constant 16 : index
      %swap3A_322 = tpu.vector_load %arg7[%swap3A_320, %swap3A_321] {strides = array<i32>} : memref<16x256xf32, #tpu.memory_space<vmem>>, vector<1x16xf32>,
      %swap3A_323 = vector.shape_cast %swap3A_322 : vector<1x16xf32> to vector<16xf32>
      %swap3A_324 = vector.shape_cast %add3A_319 : vector<16xf32> to vector<1x16xf32>
      tpu.vector_store %arg7[%swap3A_320, %swap3A_321], %swap3A_324 {strides = array<i32>} : memref<16x256xf32, #tpu.memory_space<vmem>>, vector<1x16xf32>,
      %get3A_325 = arith.index_cast %add3A_269 : i32 to index
      %get3A_326 = arith.constant 32 : index
      %get3A_327 = tpu.vector_load %arg7[%get3A_325, %get3A_326] {strides = array<i32>} : memref<16x256xf32, #tpu.memory_space<vmem>>, vector<1x16xf32>,
      %get3A_328 = vector.shape_cast %get3A_327 : vector<1x16xf32> to vector<16xf32>
      %add3A_329 = arith.addf %get3A_328, %scan3A_305#2 : vector<16xf32>
      %swap3A_330 = arith.index_cast %add3A_269 : i32 to index
      %swap3A_331 = arith.constant 32 : index
      %swap3A_332 = tpu.vector_load %arg7[%swap3A_330, %swap3A_331] {strides = array<i32>} : memref<16x256xf32, #tpu.memory_space<vmem>>, vector<1x16xf32>,
      %swap3A_333 = vector.shape_cast %swap3A_332 : vector<1x16xf32> to vector<16xf32>
      %swap3A_334 = vector.shape_cast %add3A_329 : vector<16xf32> to vector<1x16xf32>
      tpu.vector_store %arg7[%swap3A_330, %swap3A_331], %swap3A_334 {strides = array<i32>} : memref<16x256xf32, #tpu.memory_space<vmem>>, vector<1x16xf32>,
      %get3A_335 = arith.index_cast %add3A_269 : i32 to index
      %get3A_336 = arith.constant 48 : index
      %get3A_337 = tpu.vector_load %arg7[%get3A_335, %get3A_336] {strides = array<i32>} : memref<16x256xf32, #tpu.memory_space<vmem>>, vector<1x16xf32>,
      %get3A_338 = vector.shape_cast %get3A_337 : vector<1x16xf32> to vector<16xf32>
      %add3A_339 = arith.addf %get3A_338, %scan3A_305#3 : vector<16xf32>
      %swap3A_340 = arith.index_cast %add3A_269 : i32 to index
      %swap3A_341 = arith.constant 48 : index
      %swap3A_342 = tpu.vector_load %arg7[%swap3A_340, %swap3A_341] {strides = array<i32>} : memref<16x256xf32, #tpu.memory_space<vmem>>, vector<1x16xf32>,
      %swap3A_343 = vector.shape_cast %swap3A_342 : vector<1x16xf32> to vector<16xf32>
      %swap3A_344 = vector.shape_cast %add3A_339 : vector<16xf32> to vector<1x16xf32>
      tpu.vector_store %arg7[%swap3A_340, %swap3A_341], %swap3A_344 {strides = array<i32>} : memref<16x256xf32, #tpu.memory_space<vmem>>, vector<1x16xf32>,
      %get3A_345 = arith.index_cast %add3A_269 : i32 to index
      %get3A_346 = arith.constant 64 : index
      %get3A_347 = tpu.vector_load %arg7[%get3A_345, %get3A_346] {strides = array<i32>} : memref<16x256xf32, #tpu.memory_space<vmem>>, vector<1x16xf32>,
      %get3A_348 = vector.shape_cast %get3A_347 : vector<1x16xf32> to vector<16xf32>
      %add3A_349 = arith.addf %get3A_348, %scan3A_305#4 : vector<16xf32>
      %swap3A_350 = arith.index_cast %add3A_269 : i32 to index
      %swap3A_351 = arith.constant 64 : index
      %swap3A_352 = tpu.vector_load %arg7[%swap3A_350, %swap3A_351] {strides = array<i32>} : memref<16x256xf32, #tpu.memory_space<vmem>>, vector<1x16xf32>,
      %swap3A_353 = vector.shape_cast %swap3A_352 : vector<1x16xf32> to vector<16xf32>
      %swap3A_354 = vector.shape_cast %add3A_349 : vector<16xf32> to vector<1x16xf32>
      tpu.vector_store %arg7[%swap3A_350, %swap3A_351], %swap3A_354 {strides = array<i32>} : memref<16x256xf32, #tpu.memory_space<vmem>>, vector<1x16xf32>,
      %get3A_355 = arith.index_cast %add3A_269 : i32 to index
      %get3A_356 = arith.constant 80 : index
      %get3A_357 = tpu.vector_load %arg7[%get3A_355, %get3A_356] {strides = array<i32>} : memref<16x256xf32, #tpu.memory_space<vmem>>, vector<1x16xf32>,
      %get3A_358 = vector.shape_cast %get3A_357 : vector<1x16xf32> to vector<16xf32>
      %add3A_359 = arith.addf %get3A_358, %scan3A_305#5 : vector<16xf32>
      %swap3A_360 = arith.index_cast %add3A_269 : i32 to index
      %swap3A_361 = arith.constant 80 : index
      %swap3A_362 = tpu.vector_load %arg7[%swap3A_360, %swap3A_361] {strides = array<i32>} : memref<16x256xf32, #tpu.memory_space<vmem>>, vector<1x16xf32>,
      %swap3A_363 = vector.shape_cast %swap3A_362 : vector<1x16xf32> to vector<16xf32>
      %swap3A_364 = vector.shape_cast %add3A_359 : vector<16xf32> to vector<1x16xf32>
      tpu.vector_store %arg7[%swap3A_360, %swap3A_361], %swap3A_364 {strides = array<i32>} : memref<16x256xf32, #tpu.memory_space<vmem>>, vector<1x16xf32>,
      %get3A_365 = arith.index_cast %add3A_269 : i32 to index
      %get3A_366 = arith.constant 96 : index
      %get3A_367 = tpu.vector_load %arg7[%get3A_365, %get3A_366] {strides = array<i32>} : memref<16x256xf32, #tpu.memory_space<vmem>>, vector<1x16xf32>,
      %get3A_368 = vector.shape_cast %get3A_367 : vector<1x16xf32> to vector<16xf32>
      %add3A_369 = arith.addf %get3A_368, %scan3A_305#6 : vector<16xf32>
      %swap3A_370 = arith.index_cast %add3A_269 : i32 to index
      %swap3A_371 = arith.constant 96 : index
      %swap3A_372 = tpu.vector_load %arg7[%swap3A_370, %swap3A_371] {strides = array<i32>} : memref<16x256xf32, #tpu.memory_space<vmem>>, vector<1x16xf32>,
      %swap3A_373 = vector.shape_cast %swap3A_372 : vector<1x16xf32> to vector<16xf32>
      %swap3A_374 = vector.shape_cast %add3A_369 : vector<16xf32> to vector<1x16xf32>
      tpu.vector_store %arg7[%swap3A_370, %swap3A_371], %swap3A_374 {strides = array<i32>} : memref<16x256xf32, #tpu.memory_space<vmem>>, vector<1x16xf32>,
      %get3A_375 = arith.index_cast %add3A_269 : i32 to index
      %get3A_376 = arith.constant 112 : index
      %get3A_377 = tpu.vector_load %arg7[%get3A_375, %get3A_376] {strides = array<i32>} : memref<16x256xf32, #tpu.memory_space<vmem>>, vector<1x16xf32>,
      %get3A_378 = vector.shape_cast %get3A_377 : vector<1x16xf32> to vector<16xf32>
      %add3A_379 = arith.addf %get3A_378, %scan3A_305#7 : vector<16xf32>
      %swap3A_380 = arith.index_cast %add3A_269 : i32 to index
      %swap3A_381 = arith.constant 112 : index
      %swap3A_382 = tpu.vector_load %arg7[%swap3A_380, %swap3A_381] {strides = array<i32>} : memref<16x256xf32, #tpu.memory_space<vmem>>, vector<1x16xf32>,
      %swap3A_383 = vector.shape_cast %swap3A_382 : vector<1x16xf32> to vector<16xf32>
      %swap3A_384 = vector.shape_cast %add3A_379 : vector<16xf32> to vector<1x16xf32>
      tpu.vector_store %arg7[%swap3A_380, %swap3A_381], %swap3A_384 {strides = array<i32>} : memref<16x256xf32, #tpu.memory_space<vmem>>, vector<1x16xf32>,
      %get3A_385 = arith.index_cast %add3A_269 : i32 to index
      %get3A_386 = arith.constant 128 : index
      %get3A_387 = tpu.vector_load %arg7[%get3A_385, %get3A_386] {strides = array<i32>} : memref<16x256xf32, #tpu.memory_space<vmem>>, vector<1x16xf32>,
      %get3A_388 = vector.shape_cast %get3A_387 : vector<1x16xf32> to vector<16xf32>
      %add3A_389 = arith.addf %get3A_388, %scan3A_305#8 : vector<16xf32>
      %swap3A_390 = arith.index_cast %add3A_269 : i32 to index
      %swap3A_391 = arith.constant 128 : index
      %swap3A_392 = tpu.vector_load %arg7[%swap3A_390, %swap3A_391] {strides = array<i32>} : memref<16x256xf32, #tpu.memory_space<vmem>>, vector<1x16xf32>,
      %swap3A_393 = vector.shape_cast %swap3A_392 : vector<1x16xf32> to vector<16xf32>
      %swap3A_394 = vector.shape_cast %add3A_389 : vector<16xf32> to vector<1x16xf32>
      tpu.vector_store %arg7[%swap3A_390, %swap3A_391], %swap3A_394 {strides = array<i32>} : memref<16x256xf32, #tpu.memory_space<vmem>>, vector<1x16xf32>,
      %get3A_395 = arith.index_cast %add3A_269 : i32 to index
      %get3A_396 = arith.constant 144 : index
      %get3A_397 = tpu.vector_load %arg7[%get3A_395, %get3A_396] {strides = array<i32>} : memref<16x256xf32, #tpu.memory_space<vmem>>, vector<1x16xf32>,
      %get3A_398 = vector.shape_cast %get3A_397 : vector<1x16xf32> to vector<16xf32>
      %add3A_399 = arith.addf %get3A_398, %scan3A_305#9 : vector<16xf32>
      %swap3A_400 = arith.index_cast %add3A_269 : i32 to index
      %swap3A_401 = arith.constant 144 : index
      %swap3A_402 = tpu.vector_load %arg7[%swap3A_400, %swap3A_401] {strides = array<i32>} : memref<16x256xf32, #tpu.memory_space<vmem>>, vector<1x16xf32>,
      %swap3A_403 = vector.shape_cast %swap3A_402 : vector<1x16xf32> to vector<16xf32>
      %swap3A_404 = vector.shape_cast %add3A_399 : vector<16xf32> to vector<1x16xf32>
      tpu.vector_store %arg7[%swap3A_400, %swap3A_401], %swap3A_404 {strides = array<i32>} : memref<16x256xf32, #tpu.memory_space<vmem>>, vector<1x16xf32>,
      %get3A_405 = arith.index_cast %add3A_269 : i32 to index
      %get3A_406 = arith.constant 160 : index
      %get3A_407 = tpu.vector_load %arg7[%get3A_405, %get3A_406] {strides = array<i32>} : memref<16x256xf32, #tpu.memory_space<vmem>>, vector<1x16xf32>,
      %get3A_408 = vector.shape_cast %get3A_407 : vector<1x16xf32> to vector<16xf32>
      %add3A_409 = arith.addf %get3A_408, %scan3A_305#10 : vector<16xf32>
      %swap3A_410 = arith.index_cast %add3A_269 : i32 to index
      %swap3A_411 = arith.constant 160 : index
      %swap3A_412 = tpu.vector_load %arg7[%swap3A_410, %swap3A_411] {strides = array<i32>} : memref<16x256xf32, #tpu.memory_space<vmem>>, vector<1x16xf32>,
      %swap3A_413 = vector.shape_cast %swap3A_412 : vector<1x16xf32> to vector<16xf32>
      %swap3A_414 = vector.shape_cast %add3A_409 : vector<16xf32> to vector<1x16xf32>
      tpu.vector_store %arg7[%swap3A_410, %swap3A_411], %swap3A_414 {strides = array<i32>} : memref<16x256xf32, #tpu.memory_space<vmem>>, vector<1x16xf32>,
      %get3A_415 = arith.index_cast %add3A_269 : i32 to index
      %get3A_416 = arith.constant 176 : index
      %get3A_417 = tpu.vector_load %arg7[%get3A_415, %get3A_416] {strides = array<i32>} : memref<16x256xf32, #tpu.memory_space<vmem>>, vector<1x16xf32>,
      %get3A_418 = vector.shape_cast %get3A_417 : vector<1x16xf32> to vector<16xf32>
      %add3A_419 = arith.addf %get3A_418, %scan3A_305#11 : vector<16xf32>
      %swap3A_420 = arith.index_cast %add3A_269 : i32 to index
      %swap3A_421 = arith.constant 176 : index
      %swap3A_422 = tpu.vector_load %arg7[%swap3A_420, %swap3A_421] {strides = array<i32>} : memref<16x256xf32, #tpu.memory_space<vmem>>, vector<1x16xf32>,
      %swap3A_423 = vector.shape_cast %swap3A_422 : vector<1x16xf32> to vector<16xf32>
      %swap3A_424 = vector.shape_cast %add3A_419 : vector<16xf32> to vector<1x16xf32>
      tpu.vector_store %arg7[%swap3A_420, %swap3A_421], %swap3A_424 {strides = array<i32>} : memref<16x256xf32, #tpu.memory_space<vmem>>, vector<1x16xf32>,
      %get3A_425 = arith.index_cast %add3A_269 : i32 to index
      %get3A_426 = arith.constant 192 : index
      %get3A_427 = tpu.vector_load %arg7[%get3A_425, %get3A_426] {strides = array<i32>} : memref<16x256xf32, #tpu.memory_space<vmem>>, vector<1x16xf32>,
      %get3A_428 = vector.shape_cast %get3A_427 : vector<1x16xf32> to vector<16xf32>
      %add3A_429 = arith.addf %get3A_428, %scan3A_305#12 : vector<16xf32>
      %swap3A_430 = arith.index_cast %add3A_269 : i32 to index
      %swap3A_431 = arith.constant 192 : index
      %swap3A_432 = tpu.vector_load %arg7[%swap3A_430, %swap3A_431] {strides = array<i32>} : memref<16x256xf32, #tpu.memory_space<vmem>>, vector<1x16xf32>,
      %swap3A_433 = vector.shape_cast %swap3A_432 : vector<1x16xf32> to vector<16xf32>
      %swap3A_434 = vector.shape_cast %add3A_429 : vector<16xf32> to vector<1x16xf32>
      tpu.vector_store %arg7[%swap3A_430, %swap3A_431], %swap3A_434 {strides = array<i32>} : memref<16x256xf32, #tpu.memory_space<vmem>>, vector<1x16xf32>,
      %get3A_435 = arith.index_cast %add3A_269 : i32 to index
      %get3A_436 = arith.constant 208 : index
      %get3A_437 = tpu.vector_load %arg7[%get3A_435, %get3A_436] {strides = array<i32>} : memref<16x256xf32, #tpu.memory_space<vmem>>, vector<1x16xf32>,
      %get3A_438 = vector.shape_cast %get3A_437 : vector<1x16xf32> to vector<16xf32>
      %add3A_439 = arith.addf %get3A_438, %scan3A_305#13 : vector<16xf32>
      %swap3A_440 = arith.index_cast %add3A_269 : i32 to index
      %swap3A_441 = arith.constant 208 : index
      %swap3A_442 = tpu.vector_load %arg7[%swap3A_440, %swap3A_441] {strides = array<i32>} : memref<16x256xf32, #tpu.memory_space<vmem>>, vector<1x16xf32>,
      %swap3A_443 = vector.shape_cast %swap3A_442 : vector<1x16xf32> to vector<16xf32>
      %swap3A_444 = vector.shape_cast %add3A_439 : vector<16xf32> to vector<1x16xf32>
      tpu.vector_store %arg7[%swap3A_440, %swap3A_441], %swap3A_444 {strides = array<i32>} : memref<16x256xf32, #tpu.memory_space<vmem>>, vector<1x16xf32>,
      %get3A_445 = arith.index_cast %add3A_269 : i32 to index
      %get3A_446 = arith.constant 224 : index
      %get3A_447 = tpu.vector_load %arg7[%get3A_445, %get3A_446] {strides = array<i32>} : memref<16x256xf32, #tpu.memory_space<vmem>>, vector<1x16xf32>,
      %get3A_448 = vector.shape_cast %get3A_447 : vector<1x16xf32> to vector<16xf32>
      %add3A_449 = arith.addf %get3A_448, %scan3A_305#14 : vector<16xf32>
      %swap3A_450 = arith.index_cast %add3A_269 : i32 to index
      %swap3A_451 = arith.constant 224 : index
      %swap3A_452 = tpu.vector_load %arg7[%swap3A_450, %swap3A_451] {strides = array<i32>} : memref<16x256xf32, #tpu.memory_space<vmem>>, vector<1x16xf32>,
      %swap3A_453 = vector.shape_cast %swap3A_452 : vector<1x16xf32> to vector<16xf32>
      %swap3A_454 = vector.shape_cast %add3A_449 : vector<16xf32> to vector<1x16xf32>
      tpu.vector_store %arg7[%swap3A_450, %swap3A_451], %swap3A_454 {strides = array<i32>} : memref<16x256xf32, #tpu.memory_space<vmem>>, vector<1x16xf32>,
      %get3A_455 = arith.index_cast %add3A_269 : i32 to index
      %get3A_456 = arith.constant 240 : index
      %get3A_457 = tpu.vector_load %arg7[%get3A_455, %get3A_456] {strides = array<i32>} : memref<16x256xf32, #tpu.memory_space<vmem>>, vector<1x16xf32>,
      %get3A_458 = vector.shape_cast %get3A_457 : vector<1x16xf32> to vector<16xf32>
      %add3A_459 = arith.addf %get3A_458, %scan3A_305#15 : vector<16xf32>
      %swap3A_460 = arith.index_cast %add3A_269 : i32 to index
      %swap3A_461 = arith.constant 240 : index
      %swap3A_462 = tpu.vector_load %arg7[%swap3A_460, %swap3A_461] {strides = array<i32>} : memref<16x256xf32, #tpu.memory_space<vmem>>, vector<1x16xf32>,
      %swap3A_463 = vector.shape_cast %swap3A_462 : vector<1x16xf32> to vector<16xf32>
      %swap3A_464 = vector.shape_cast %add3A_459 : vector<16xf32> to vector<1x16xf32>
      tpu.vector_store %arg7[%swap3A_460, %swap3A_461], %swap3A_464 {strides = array<i32>} : memref<16x256xf32, #tpu.memory_space<vmem>>, vector<1x16xf32>,
      %scan3A_465 = arith.constant 0 : i32
      scf.yield %scan3A_465 : i32
    }
    %scan3A_221 = arith.constant 8 : i32
    %dma_wait3A_222 = arith.constant 3 : i32
    %dma_wait3A_223 = arith.constant 0 : i32
    %dma_wait3A_224 = arith.constant 0 : i32
    %dma_wait3A_225 = arith.constant 0 : i32
    %dma_wait3A_226 = arith.constant 0 : i32
    %dma_wait3A_227 = tpu.memref_slice %arg6[%dma_wait3A_224, %dma_wait3A_225, %dma_wait3A_226] : memref<3x128x256xf32, #tpu.memory_space<vmem>> -> memref<1x128x256xf32, #tpu.memory_space<vmem>>
    %dma_wait3A_228 = tpu.memref_squeeze %dma_wait3A_227 : memref<1x128x256xf32, #tpu.memory_space<vmem>> -> memref<128x256xf32, #tpu.memory_space<vmem>>
    %dma_wait3A_229 = arith.constant 0 : i32
    %dma_wait3A_230 = tpu.memref_slice %arg5[%dma_wait3A_222, %dma_wait3A_223, %dma_wait3A_229] : memref<4x2x128xi32, #tpu.memory_space<vmem>> -> memref<1x1x128xi32, #tpu.memory_space<vmem>>
    %dma_wait3A_231 = tpu.memref_squeeze %dma_wait3A_230 : memref<1x1x128xi32, #tpu.memory_space<vmem>> -> memref<128xi32, #tpu.memory_space<vmem>>
    %dma_wait3A_232 = arith.constant 0 : i32
    %dma_wait3A_233 = arith.constant 0 : i32
    %dma_wait3A_234 = tpu.memref_slice %arg3[%dma_wait3A_232, %dma_wait3A_233] : memref<100000x256xf32, #tpu.memory_space<hbm>> -> memref<100000x256xf32, #tpu.memory_space<hbm>>
    tpu.wait_indirect_dma semaphore(%arg8 : memref<!tpu.dma_semaphore, #tpu.memory_space<semaphore_mem>>) src(%dma_wait3A_234 : memref<100000x256xf32, #tpu.memory_space<hbm>>) dst(%dma_wait3A_228 : memref<128x256xf32, #tpu.memory_space<vmem>>)
    %scan3A_235 = arith.constant 0 : i32
    %scan3A_236 = arith.constant 0 : i32
    %scan3A_237 = arith.constant 8 : i32
    %scan3A_238 = arith.addi %scan3A_236, %scan3A_237 : i32
    %scan3A_239 = arith.constant 1 : i32
    %scan3A_240 = scf.for %scan3A_264 = %scan3A_236 to %scan3A_238 step %scan3A_239 iter_args(%scan3A_265 = %scan3A_235) -> (i32)  : i32 {
      %mul3A_266 = arith.constant 16 : i32
      %mul3A_267 = arith.muli %scan3A_264, %mul3A_266 : i32
      %add3A_268 = arith.constant 0 : i32
      %add3A_269 = arith.addi %add3A_268, %scan3A_264 : i32
      %broadcast_in_dim3A = arith.constant 0.000000e+00 : f32
      %broadcast_in_dim3A_270 = vector.broadcast %broadcast_in_dim3A : f32 to vector<16xf32>
      %broadcast_in_dim3A_271 = arith.constant 0.000000e+00 : f32
      %broadcast_in_dim3A_272 = vector.broadcast %broadcast_in_dim3A_271 : f32 to vector<16xf32>
      %broadcast_in_dim3A_273 = arith.constant 0.000000e+00 : f32
      %broadcast_in_dim3A_274 = vector.broadcast %broadcast_in_dim3A_273 : f32 to vector<16xf32>
      %broadcast_in_dim3A_275 = arith.constant 0.000000e+00 : f32
      %broadcast_in_dim3A_276 = vector.broadcast %broadcast_in_dim3A_275 : f32 to vector<16xf32>
      %broadcast_in_dim3A_277 = arith.constant 0.000000e+00 : f32
      %broadcast_in_dim3A_278 = vector.broadcast %broadcast_in_dim3A_277 : f32 to vector<16xf32>
      %broadcast_in_dim3A_279 = arith.constant 0.000000e+00 : f32
      %broadcast_in_dim3A_280 = vector.broadcast %broadcast_in_dim3A_279 : f32 to vector<16xf32>
      %broadcast_in_dim3A_281 = arith.constant 0.000000e+00 : f32
      %broadcast_in_dim3A_282 = vector.broadcast %broadcast_in_dim3A_281 : f32 to vector<16xf32>
      %broadcast_in_dim3A_283 = arith.constant 0.000000e+00 : f32
      %broadcast_in_dim3A_284 = vector.broadcast %broadcast_in_dim3A_283 : f32 to vector<16xf32>
      %broadcast_in_dim3A_285 = arith.constant 0.000000e+00 : f32
      %broadcast_in_dim3A_286 = vector.broadcast %broadcast_in_dim3A_285 : f32 to vector<16xf32>
      %broadcast_in_dim3A_287 = arith.constant 0.000000e+00 : f32
      %broadcast_in_dim3A_288 = vector.broadcast %broadcast_in_dim3A_287 : f32 to vector<16xf32>
      %broadcast_in_dim3A_289 = arith.constant 0.000000e+00 : f32
      %broadcast_in_dim3A_290 = vector.broadcast %broadcast_in_dim3A_289 : f32 to vector<16xf32>
      %broadcast_in_dim3A_291 = arith.constant 0.000000e+00 : f32
      %broadcast_in_dim3A_292 = vector.broadcast %broadcast_in_dim3A_291 : f32 to vector<16xf32>
      %broadcast_in_dim3A_293 = arith.constant 0.000000e+00 : f32
      %broadcast_in_dim3A_294 = vector.broadcast %broadcast_in_dim3A_293 : f32 to vector<16xf32>
      %broadcast_in_dim3A_295 = arith.constant 0.000000e+00 : f32
      %broadcast_in_dim3A_296 = vector.broadcast %broadcast_in_dim3A_295 : f32 to vector<16xf32>
      %broadcast_in_dim3A_297 = arith.constant 0.000000e+00 : f32
      %broadcast_in_dim3A_298 = vector.broadcast %broadcast_in_dim3A_297 : f32 to vector<16xf32>
      %broadcast_in_dim3A_299 = arith.constant 0.000000e+00 : f32
      %broadcast_in_dim3A_300 = vector.broadcast %broadcast_in_dim3A_299 : f32 to vector<16xf32>
      %scan3A_301 = arith.constant 0 : i32
      %scan3A_302 = arith.constant 16 : i32
      %scan3A_303 = arith.addi %scan3A_301, %scan3A_302 : i32
      %scan3A_304 = arith.constant 1 : i32
      %scan3A_305:16 = scf.for %scan3A_466 = %scan3A_301 to %scan3A_303 step %scan3A_304 iter_args(%scan3A_467 = %broadcast_in_dim3A_270, %scan3A_468 = %broadcast_in_dim3A_272, %scan3A_469 = %broadcast_in_dim3A_274, %scan3A_470 = %broadcast_in_dim3A_276, %scan3A_471 = %broadcast_in_dim3A_278, %scan3A_472 = %broadcast_in_dim3A_280, %scan3A_473 = %broadcast_in_dim3A_282, %scan3A_474 = %broadcast_in_dim3A_284, %scan3A_475 = %broadcast_in_dim3A_286, %scan3A_476 = %broadcast_in_dim3A_288, %scan3A_477 = %broadcast_in_dim3A_290, %scan3A_478 = %broadcast_in_dim3A_292, %scan3A_479 = %broadcast_in_dim3A_294, %scan3A_480 = %broadcast_in_dim3A_296, %scan3A_481 = %broadcast_in_dim3A_298, %scan3A_482 = %broadcast_in_dim3A_300) -> (vector<16xf32>, vector<16xf32>, vector<16xf32>, vector<16xf32>, vector<16xf32>, vector<16xf32>, vector<16xf32>, vector<16xf32>, vector<16xf32>, vector<16xf32>, vector<16xf32>, vector<16xf32>, vector<16xf32>, vector<16xf32>, vector<16xf32>, vector<16xf32>)  : i32 {
        %add3A_483 = arith.addi %mul3A_267, %scan3A_466 : i32
        %get3A_484 = arith.constant 0 : i32
        %get3A_485 = arith.index_cast %get3A_484 : i32 to index
        %get3A_486 = arith.index_cast %add3A_483 : i32 to index
        %get3A_487 = arith.constant 0 : index
        %get3A_488 = tpu.vector_load %arg6[%get3A_485, %get3A_486, %get3A_487] {strides = array<i32>} : memref<3x128x256xf32, #tpu.memory_space<vmem>>, vector<1x1x16xf32>,
        %get3A_489 = vector.shape_cast %get3A_488 : vector<1x1x16xf32> to vector<16xf32>
        %mul3A_490 = arith.constant 6.553700e+04 : f32
        %mul3A_491 = vector.broadcast %mul3A_490 : f32 to vector<16xf32>
        %mul3A_492 = arith.mulf %get3A_489, %mul3A_491 : vector<16xf32>
        %sub3A = arith.subf %get3A_489, %mul3A_492 : vector<16xf32>
        %add3A_493 = arith.addf %mul3A_492, %sub3A : vector<16xf32>
        %add3A_494 = arith.addf %scan3A_467, %add3A_493 : vector<16xf32>
        %get3A_495 = arith.constant 0 : i32
        %get3A_496 = arith.index_cast %get3A_495 : i32 to index
        %get3A_497 = arith.index_cast %add3A_483 : i32 to index
        %get3A_498 = arith.constant 16 : index
        %get3A_499 = tpu.vector_load %arg6[%get3A_496, %get3A_497, %get3A_498] {strides = array<i32>} : memref<3x128x256xf32, #tpu.memory_space<vmem>>, vector<1x1x16xf32>,
        %get3A_500 = vector.shape_cast %get3A_499 : vector<1x1x16xf32> to vector<16xf32>
        %mul3A_501 = arith.constant 6.553700e+04 : f32
        %mul3A_502 = vector.broadcast %mul3A_501 : f32 to vector<16xf32>
        %mul3A_503 = arith.mulf %get3A_500, %mul3A_502 : vector<16xf32>
        %sub3A_504 = arith.subf %get3A_500, %mul3A_503 : vector<16xf32>
        %add3A_505 = arith.addf %mul3A_503, %sub3A_504 : vector<16xf32>
        %add3A_506 = arith.addf %scan3A_468, %add3A_505 : vector<16xf32>
        %get3A_507 = arith.constant 0 : i32
        %get3A_508 = arith.index_cast %get3A_507 : i32 to index
        %get3A_509 = arith.index_cast %add3A_483 : i32 to index
        %get3A_510 = arith.constant 32 : index
        %get3A_511 = tpu.vector_load %arg6[%get3A_508, %get3A_509, %get3A_510] {strides = array<i32>} : memref<3x128x256xf32, #tpu.memory_space<vmem>>, vector<1x1x16xf32>,
        %get3A_512 = vector.shape_cast %get3A_511 : vector<1x1x16xf32> to vector<16xf32>
        %mul3A_513 = arith.constant 6.553700e+04 : f32
        %mul3A_514 = vector.broadcast %mul3A_513 : f32 to vector<16xf32>
        %mul3A_515 = arith.mulf %get3A_512, %mul3A_514 : vector<16xf32>
        %sub3A_516 = arith.subf %get3A_512, %mul3A_515 : vector<16xf32>
        %add3A_517 = arith.addf %mul3A_515, %sub3A_516 : vector<16xf32>
        %add3A_518 = arith.addf %scan3A_469, %add3A_517 : vector<16xf32>
        %get3A_519 = arith.constant 0 : i32
        %get3A_520 = arith.index_cast %get3A_519 : i32 to index
        %get3A_521 = arith.index_cast %add3A_483 : i32 to index
        %get3A_522 = arith.constant 48 : index
        %get3A_523 = tpu.vector_load %arg6[%get3A_520, %get3A_521, %get3A_522] {strides = array<i32>} : memref<3x128x256xf32, #tpu.memory_space<vmem>>, vector<1x1x16xf32>,
        %get3A_524 = vector.shape_cast %get3A_523 : vector<1x1x16xf32> to vector<16xf32>
        %mul3A_525 = arith.constant 6.553700e+04 : f32
        %mul3A_526 = vector.broadcast %mul3A_525 : f32 to vector<16xf32>
        %mul3A_527 = arith.mulf %get3A_524, %mul3A_526 : vector<16xf32>
        %sub3A_528 = arith.subf %get3A_524, %mul3A_527 : vector<16xf32>
        %add3A_529 = arith.addf %mul3A_527, %sub3A_528 : vector<16xf32>
        %add3A_530 = arith.addf %scan3A_470, %add3A_529 : vector<16xf32>
        %get3A_531 = arith.constant 0 : i32
        %get3A_532 = arith.index_cast %get3A_531 : i32 to index
        %get3A_533 = arith.index_cast %add3A_483 : i32 to index
        %get3A_534 = arith.constant 64 : index
        %get3A_535 = tpu.vector_load %arg6[%get3A_532, %get3A_533, %get3A_534] {strides = array<i32>} : memref<3x128x256xf32, #tpu.memory_space<vmem>>, vector<1x1x16xf32>,
        %get3A_536 = vector.shape_cast %get3A_535 : vector<1x1x16xf32> to vector<16xf32>
        %mul3A_537 = arith.constant 6.553700e+04 : f32
        %mul3A_538 = vector.broadcast %mul3A_537 : f32 to vector<16xf32>
        %mul3A_539 = arith.mulf %get3A_536, %mul3A_538 : vector<16xf32>
        %sub3A_540 = arith.subf %get3A_536, %mul3A_539 : vector<16xf32>
        %add3A_541 = arith.addf %mul3A_539, %sub3A_540 : vector<16xf32>
        %add3A_542 = arith.addf %scan3A_471, %add3A_541 : vector<16xf32>
        %get3A_543 = arith.constant 0 : i32
        %get3A_544 = arith.index_cast %get3A_543 : i32 to index
        %get3A_545 = arith.index_cast %add3A_483 : i32 to index
        %get3A_546 = arith.constant 80 : index
        %get3A_547 = tpu.vector_load %arg6[%get3A_544, %get3A_545, %get3A_546] {strides = array<i32>} : memref<3x128x256xf32, #tpu.memory_space<vmem>>, vector<1x1x16xf32>,
        %get3A_548 = vector.shape_cast %get3A_547 : vector<1x1x16xf32> to vector<16xf32>
        %mul3A_549 = arith.constant 6.553700e+04 : f32
        %mul3A_550 = vector.broadcast %mul3A_549 : f32 to vector<16xf32>
        %mul3A_551 = arith.mulf %get3A_548, %mul3A_550 : vector<16xf32>
        %sub3A_552 = arith.subf %get3A_548, %mul3A_551 : vector<16xf32>
        %add3A_553 = arith.addf %mul3A_551, %sub3A_552 : vector<16xf32>
        %add3A_554 = arith.addf %scan3A_472, %add3A_553 : vector<16xf32>
        %get3A_555 = arith.constant 0 : i32
        %get3A_556 = arith.index_cast %get3A_555 : i32 to index
        %get3A_557 = arith.index_cast %add3A_483 : i32 to index
        %get3A_558 = arith.constant 96 : index
        %get3A_559 = tpu.vector_load %arg6[%get3A_556, %get3A_557, %get3A_558] {strides = array<i32>} : memref<3x128x256xf32, #tpu.memory_space<vmem>>, vector<1x1x16xf32>,
        %get3A_560 = vector.shape_cast %get3A_559 : vector<1x1x16xf32> to vector<16xf32>
        %mul3A_561 = arith.constant 6.553700e+04 : f32
        %mul3A_562 = vector.broadcast %mul3A_561 : f32 to vector<16xf32>
        %mul3A_563 = arith.mulf %get3A_560, %mul3A_562 : vector<16xf32>
        %sub3A_564 = arith.subf %get3A_560, %mul3A_563 : vector<16xf32>
        %add3A_565 = arith.addf %mul3A_563, %sub3A_564 : vector<16xf32>
        %add3A_566 = arith.addf %scan3A_473, %add3A_565 : vector<16xf32>
        %get3A_567 = arith.constant 0 : i32
        %get3A_568 = arith.index_cast %get3A_567 : i32 to index
        %get3A_569 = arith.index_cast %add3A_483 : i32 to index
        %get3A_570 = arith.constant 112 : index
        %get3A_571 = tpu.vector_load %arg6[%get3A_568, %get3A_569, %get3A_570] {strides = array<i32>} : memref<3x128x256xf32, #tpu.memory_space<vmem>>, vector<1x1x16xf32>,
        %get3A_572 = vector.shape_cast %get3A_571 : vector<1x1x16xf32> to vector<16xf32>
        %mul3A_573 = arith.constant 6.553700e+04 : f32
        %mul3A_574 = vector.broadcast %mul3A_573 : f32 to vector<16xf32>
        %mul3A_575 = arith.mulf %get3A_572, %mul3A_574 : vector<16xf32>
        %sub3A_576 = arith.subf %get3A_572, %mul3A_575 : vector<16xf32>
        %add3A_577 = arith.addf %mul3A_575, %sub3A_576 : vector<16xf32>
        %add3A_578 = arith.addf %scan3A_474, %add3A_577 : vector<16xf32>
        %get3A_579 = arith.constant 0 : i32
        %get3A_580 = arith.index_cast %get3A_579 : i32 to index
        %get3A_581 = arith.index_cast %add3A_483 : i32 to index
        %get3A_582 = arith.constant 128 : index
        %get3A_583 = tpu.vector_load %arg6[%get3A_580, %get3A_581, %get3A_582] {strides = array<i32>} : memref<3x128x256xf32, #tpu.memory_space<vmem>>, vector<1x1x16xf32>,
        %get3A_584 = vector.shape_cast %get3A_583 : vector<1x1x16xf32> to vector<16xf32>
        %mul3A_585 = arith.constant 6.553700e+04 : f32
        %mul3A_586 = vector.broadcast %mul3A_585 : f32 to vector<16xf32>
        %mul3A_587 = arith.mulf %get3A_584, %mul3A_586 : vector<16xf32>
        %sub3A_588 = arith.subf %get3A_584, %mul3A_587 : vector<16xf32>
        %add3A_589 = arith.addf %mul3A_587, %sub3A_588 : vector<16xf32>
        %add3A_590 = arith.addf %scan3A_475, %add3A_589 : vector<16xf32>
        %get3A_591 = arith.constant 0 : i32
        %get3A_592 = arith.index_cast %get3A_591 : i32 to index
        %get3A_593 = arith.index_cast %add3A_483 : i32 to index
        %get3A_594 = arith.constant 144 : index
        %get3A_595 = tpu.vector_load %arg6[%get3A_592, %get3A_593, %get3A_594] {strides = array<i32>} : memref<3x128x256xf32, #tpu.memory_space<vmem>>, vector<1x1x16xf32>,
        %get3A_596 = vector.shape_cast %get3A_595 : vector<1x1x16xf32> to vector<16xf32>
        %mul3A_597 = arith.constant 6.553700e+04 : f32
        %mul3A_598 = vector.broadcast %mul3A_597 : f32 to vector<16xf32>
        %mul3A_599 = arith.mulf %get3A_596, %mul3A_598 : vector<16xf32>
        %sub3A_600 = arith.subf %get3A_596, %mul3A_599 : vector<16xf32>
        %add3A_601 = arith.addf %mul3A_599, %sub3A_600 : vector<16xf32>
        %add3A_602 = arith.addf %scan3A_476, %add3A_601 : vector<16xf32>
        %get3A_603 = arith.constant 0 : i32
        %get3A_604 = arith.index_cast %get3A_603 : i32 to index
        %get3A_605 = arith.index_cast %add3A_483 : i32 to index
        %get3A_606 = arith.constant 160 : index
        %get3A_607 = tpu.vector_load %arg6[%get3A_604, %get3A_605, %get3A_606] {strides = array<i32>} : memref<3x128x256xf32, #tpu.memory_space<vmem>>, vector<1x1x16xf32>,
        %get3A_608 = vector.shape_cast %get3A_607 : vector<1x1x16xf32> to vector<16xf32>
        %mul3A_609 = arith.constant 6.553700e+04 : f32
        %mul3A_610 = vector.broadcast %mul3A_609 : f32 to vector<16xf32>
        %mul3A_611 = arith.mulf %get3A_608, %mul3A_610 : vector<16xf32>
        %sub3A_612 = arith.subf %get3A_608, %mul3A_611 : vector<16xf32>
        %add3A_613 = arith.addf %mul3A_611, %sub3A_612 : vector<16xf32>
        %add3A_614 = arith.addf %scan3A_477, %add3A_613 : vector<16xf32>
        %get3A_615 = arith.constant 0 : i32
        %get3A_616 = arith.index_cast %get3A_615 : i32 to index
        %get3A_617 = arith.index_cast %add3A_483 : i32 to index
        %get3A_618 = arith.constant 176 : index
        %get3A_619 = tpu.vector_load %arg6[%get3A_616, %get3A_617, %get3A_618] {strides = array<i32>} : memref<3x128x256xf32, #tpu.memory_space<vmem>>, vector<1x1x16xf32>,
        %get3A_620 = vector.shape_cast %get3A_619 : vector<1x1x16xf32> to vector<16xf32>
        %mul3A_621 = arith.constant 6.553700e+04 : f32
        %mul3A_622 = vector.broadcast %mul3A_621 : f32 to vector<16xf32>
        %mul3A_623 = arith.mulf %get3A_620, %mul3A_622 : vector<16xf32>
        %sub3A_624 = arith.subf %get3A_620, %mul3A_623 : vector<16xf32>
        %add3A_625 = arith.addf %mul3A_623, %sub3A_624 : vector<16xf32>
        %add3A_626 = arith.addf %scan3A_478, %add3A_625 : vector<16xf32>
        %get3A_627 = arith.constant 0 : i32
        %get3A_628 = arith.index_cast %get3A_627 : i32 to index
        %get3A_629 = arith.index_cast %add3A_483 : i32 to index
        %get3A_630 = arith.constant 192 : index
        %get3A_631 = tpu.vector_load %arg6[%get3A_628, %get3A_629, %get3A_630] {strides = array<i32>} : memref<3x128x256xf32, #tpu.memory_space<vmem>>, vector<1x1x16xf32>,
        %get3A_632 = vector.shape_cast %get3A_631 : vector<1x1x16xf32> to vector<16xf32>
        %mul3A_633 = arith.constant 6.553700e+04 : f32
        %mul3A_634 = vector.broadcast %mul3A_633 : f32 to vector<16xf32>
        %mul3A_635 = arith.mulf %get3A_632, %mul3A_634 : vector<16xf32>
        %sub3A_636 = arith.subf %get3A_632, %mul3A_635 : vector<16xf32>
        %add3A_637 = arith.addf %mul3A_635, %sub3A_636 : vector<16xf32>
        %add3A_638 = arith.addf %scan3A_479, %add3A_637 : vector<16xf32>
        %get3A_639 = arith.constant 0 : i32
        %get3A_640 = arith.index_cast %get3A_639 : i32 to index
        %get3A_641 = arith.index_cast %add3A_483 : i32 to index
        %get3A_642 = arith.constant 208 : index
        %get3A_643 = tpu.vector_load %arg6[%get3A_640, %get3A_641, %get3A_642] {strides = array<i32>} : memref<3x128x256xf32, #tpu.memory_space<vmem>>, vector<1x1x16xf32>,
        %get3A_644 = vector.shape_cast %get3A_643 : vector<1x1x16xf32> to vector<16xf32>
        %mul3A_645 = arith.constant 6.553700e+04 : f32
        %mul3A_646 = vector.broadcast %mul3A_645 : f32 to vector<16xf32>
        %mul3A_647 = arith.mulf %get3A_644, %mul3A_646 : vector<16xf32>
        %sub3A_648 = arith.subf %get3A_644, %mul3A_647 : vector<16xf32>
        %add3A_649 = arith.addf %mul3A_647, %sub3A_648 : vector<16xf32>
        %add3A_650 = arith.addf %scan3A_480, %add3A_649 : vector<16xf32>
        %get3A_651 = arith.constant 0 : i32
        %get3A_652 = arith.index_cast %get3A_651 : i32 to index
        %get3A_653 = arith.index_cast %add3A_483 : i32 to index
        %get3A_654 = arith.constant 224 : index
        %get3A_655 = tpu.vector_load %arg6[%get3A_652, %get3A_653, %get3A_654] {strides = array<i32>} : memref<3x128x256xf32, #tpu.memory_space<vmem>>, vector<1x1x16xf32>,
        %get3A_656 = vector.shape_cast %get3A_655 : vector<1x1x16xf32> to vector<16xf32>
        %mul3A_657 = arith.constant 6.553700e+04 : f32
        %mul3A_658 = vector.broadcast %mul3A_657 : f32 to vector<16xf32>
        %mul3A_659 = arith.mulf %get3A_656, %mul3A_658 : vector<16xf32>
        %sub3A_660 = arith.subf %get3A_656, %mul3A_659 : vector<16xf32>
        %add3A_661 = arith.addf %mul3A_659, %sub3A_660 : vector<16xf32>
        %add3A_662 = arith.addf %scan3A_481, %add3A_661 : vector<16xf32>
        %get3A_663 = arith.constant 0 : i32
        %get3A_664 = arith.index_cast %get3A_663 : i32 to index
        %get3A_665 = arith.index_cast %add3A_483 : i32 to index
        %get3A_666 = arith.constant 240 : index
        %get3A_667 = tpu.vector_load %arg6[%get3A_664, %get3A_665, %get3A_666] {strides = array<i32>} : memref<3x128x256xf32, #tpu.memory_space<vmem>>, vector<1x1x16xf32>,
        %get3A_668 = vector.shape_cast %get3A_667 : vector<1x1x16xf32> to vector<16xf32>
        %mul3A_669 = arith.constant 6.553700e+04 : f32
        %mul3A_670 = vector.broadcast %mul3A_669 : f32 to vector<16xf32>
        %mul3A_671 = arith.mulf %get3A_668, %mul3A_670 : vector<16xf32>
        %sub3A_672 = arith.subf %get3A_668, %mul3A_671 : vector<16xf32>
        %add3A_673 = arith.addf %mul3A_671, %sub3A_672 : vector<16xf32>
        %add3A_674 = arith.addf %scan3A_482, %add3A_673 : vector<16xf32>
        scf.yield %add3A_494, %add3A_506, %add3A_518, %add3A_530, %add3A_542, %add3A_554, %add3A_566, %add3A_578, %add3A_590, %add3A_602, %add3A_614, %add3A_626, %add3A_638, %add3A_650, %add3A_662, %add3A_674 : vector<16xf32>, vector<16xf32>, vector<16xf32>, vector<16xf32>, vector<16xf32>, vector<16xf32>, vector<16xf32>, vector<16xf32>, vector<16xf32>, vector<16xf32>, vector<16xf32>, vector<16xf32>, vector<16xf32>, vector<16xf32>, vector<16xf32>, vector<16xf32>
      }
      %scan3A_306 = arith.constant 16 : i32
      %get3A = arith.index_cast %add3A_269 : i32 to index
      %get3A_307 = arith.constant 0 : index
      %get3A_308 = tpu.vector_load %arg7[%get3A, %get3A_307] {strides = array<i32>} : memref<16x256xf32, #tpu.memory_space<vmem>>, vector<1x16xf32>,
      %get3A_309 = vector.shape_cast %get3A_308 : vector<1x16xf32> to vector<16xf32>
      %add3A_310 = arith.addf %get3A_309, %scan3A_305#0 : vector<16xf32>
      %swap3A = arith.index_cast %add3A_269 : i32 to index
      %swap3A_311 = arith.constant 0 : index
      %swap3A_312 = tpu.vector_load %arg7[%swap3A, %swap3A_311] {strides = array<i32>} : memref<16x256xf32, #tpu.memory_space<vmem>>, vector<1x16xf32>,
      %swap3A_313 = vector.shape_cast %swap3A_312 : vector<1x16xf32> to vector<16xf32>
      %swap3A_314 = vector.shape_cast %add3A_310 : vector<16xf32> to vector<1x16xf32>
      tpu.vector_store %arg7[%swap3A, %swap3A_311], %swap3A_314 {strides = array<i32>} : memref<16x256xf32, #tpu.memory_space<vmem>>, vector<1x16xf32>,
      %get3A_315 = arith.index_cast %add3A_269 : i32 to index
      %get3A_316 = arith.constant 16 : index
      %get3A_317 = tpu.vector_load %arg7[%get3A_315, %get3A_316] {strides = array<i32>} : memref<16x256xf32, #tpu.memory_space<vmem>>, vector<1x16xf32>,
      %get3A_318 = vector.shape_cast %get3A_317 : vector<1x16xf32> to vector<16xf32>
      %add3A_319 = arith.addf %get3A_318, %scan3A_305#1 : vector<16xf32>
      %swap3A_320 = arith.index_cast %add3A_269 : i32 to index
      %swap3A_321 = arith.constant 16 : index
      %swap3A_322 = tpu.vector_load %arg7[%swap3A_320, %swap3A_321] {strides = array<i32>} : memref<16x256xf32, #tpu.memory_space<vmem>>, vector<1x16xf32>,
      %swap3A_323 = vector.shape_cast %swap3A_322 : vector<1x16xf32> to vector<16xf32>
      %swap3A_324 = vector.shape_cast %add3A_319 : vector<16xf32> to vector<1x16xf32>
      tpu.vector_store %arg7[%swap3A_320, %swap3A_321], %swap3A_324 {strides = array<i32>} : memref<16x256xf32, #tpu.memory_space<vmem>>, vector<1x16xf32>,
      %get3A_325 = arith.index_cast %add3A_269 : i32 to index
      %get3A_326 = arith.constant 32 : index
      %get3A_327 = tpu.vector_load %arg7[%get3A_325, %get3A_326] {strides = array<i32>} : memref<16x256xf32, #tpu.memory_space<vmem>>, vector<1x16xf32>,
      %get3A_328 = vector.shape_cast %get3A_327 : vector<1x16xf32> to vector<16xf32>
      %add3A_329 = arith.addf %get3A_328, %scan3A_305#2 : vector<16xf32>
      %swap3A_330 = arith.index_cast %add3A_269 : i32 to index
      %swap3A_331 = arith.constant 32 : index
      %swap3A_332 = tpu.vector_load %arg7[%swap3A_330, %swap3A_331] {strides = array<i32>} : memref<16x256xf32, #tpu.memory_space<vmem>>, vector<1x16xf32>,
      %swap3A_333 = vector.shape_cast %swap3A_332 : vector<1x16xf32> to vector<16xf32>
      %swap3A_334 = vector.shape_cast %add3A_329 : vector<16xf32> to vector<1x16xf32>
      tpu.vector_store %arg7[%swap3A_330, %swap3A_331], %swap3A_334 {strides = array<i32>} : memref<16x256xf32, #tpu.memory_space<vmem>>, vector<1x16xf32>,
      %get3A_335 = arith.index_cast %add3A_269 : i32 to index
      %get3A_336 = arith.constant 48 : index
      %get3A_337 = tpu.vector_load %arg7[%get3A_335, %get3A_336] {strides = array<i32>} : memref<16x256xf32, #tpu.memory_space<vmem>>, vector<1x16xf32>,
      %get3A_338 = vector.shape_cast %get3A_337 : vector<1x16xf32> to vector<16xf32>
      %add3A_339 = arith.addf %get3A_338, %scan3A_305#3 : vector<16xf32>
      %swap3A_340 = arith.index_cast %add3A_269 : i32 to index
      %swap3A_341 = arith.constant 48 : index
      %swap3A_342 = tpu.vector_load %arg7[%swap3A_340, %swap3A_341] {strides = array<i32>} : memref<16x256xf32, #tpu.memory_space<vmem>>, vector<1x16xf32>,
      %swap3A_343 = vector.shape_cast %swap3A_342 : vector<1x16xf32> to vector<16xf32>
      %swap3A_344 = vector.shape_cast %add3A_339 : vector<16xf32> to vector<1x16xf32>
      tpu.vector_store %arg7[%swap3A_340, %swap3A_341], %swap3A_344 {strides = array<i32>} : memref<16x256xf32, #tpu.memory_space<vmem>>, vector<1x16xf32>,
      %get3A_345 = arith.index_cast %add3A_269 : i32 to index
      %get3A_346 = arith.constant 64 : index
      %get3A_347 = tpu.vector_load %arg7[%get3A_345, %get3A_346] {strides = array<i32>} : memref<16x256xf32, #tpu.memory_space<vmem>>, vector<1x16xf32>,
      %get3A_348 = vector.shape_cast %get3A_347 : vector<1x16xf32> to vector<16xf32>
      %add3A_349 = arith.addf %get3A_348, %scan3A_305#4 : vector<16xf32>
      %swap3A_350 = arith.index_cast %add3A_269 : i32 to index
      %swap3A_351 = arith.constant 64 : index
      %swap3A_352 = tpu.vector_load %arg7[%swap3A_350, %swap3A_351] {strides = array<i32>} : memref<16x256xf32, #tpu.memory_space<vmem>>, vector<1x16xf32>,
      %swap3A_353 = vector.shape_cast %swap3A_352 : vector<1x16xf32> to vector<16xf32>
      %swap3A_354 = vector.shape_cast %add3A_349 : vector<16xf32> to vector<1x16xf32>
      tpu.vector_store %arg7[%swap3A_350, %swap3A_351], %swap3A_354 {strides = array<i32>} : memref<16x256xf32, #tpu.memory_space<vmem>>, vector<1x16xf32>,
      %get3A_355 = arith.index_cast %add3A_269 : i32 to index
      %get3A_356 = arith.constant 80 : index
      %get3A_357 = tpu.vector_load %arg7[%get3A_355, %get3A_356] {strides = array<i32>} : memref<16x256xf32, #tpu.memory_space<vmem>>, vector<1x16xf32>,
      %get3A_358 = vector.shape_cast %get3A_357 : vector<1x16xf32> to vector<16xf32>
      %add3A_359 = arith.addf %get3A_358, %scan3A_305#5 : vector<16xf32>
      %swap3A_360 = arith.index_cast %add3A_269 : i32 to index
      %swap3A_361 = arith.constant 80 : index
      %swap3A_362 = tpu.vector_load %arg7[%swap3A_360, %swap3A_361] {strides = array<i32>} : memref<16x256xf32, #tpu.memory_space<vmem>>, vector<1x16xf32>,
      %swap3A_363 = vector.shape_cast %swap3A_362 : vector<1x16xf32> to vector<16xf32>
      %swap3A_364 = vector.shape_cast %add3A_359 : vector<16xf32> to vector<1x16xf32>
      tpu.vector_store %arg7[%swap3A_360, %swap3A_361], %swap3A_364 {strides = array<i32>} : memref<16x256xf32, #tpu.memory_space<vmem>>, vector<1x16xf32>,
      %get3A_365 = arith.index_cast %add3A_269 : i32 to index
      %get3A_366 = arith.constant 96 : index
      %get3A_367 = tpu.vector_load %arg7[%get3A_365, %get3A_366] {strides = array<i32>} : memref<16x256xf32, #tpu.memory_space<vmem>>, vector<1x16xf32>,
      %get3A_368 = vector.shape_cast %get3A_367 : vector<1x16xf32> to vector<16xf32>
      %add3A_369 = arith.addf %get3A_368, %scan3A_305#6 : vector<16xf32>
      %swap3A_370 = arith.index_cast %add3A_269 : i32 to index
      %swap3A_371 = arith.constant 96 : index
      %swap3A_372 = tpu.vector_load %arg7[%swap3A_370, %swap3A_371] {strides = array<i32>} : memref<16x256xf32, #tpu.memory_space<vmem>>, vector<1x16xf32>,
      %swap3A_373 = vector.shape_cast %swap3A_372 : vector<1x16xf32> to vector<16xf32>
      %swap3A_374 = vector.shape_cast %add3A_369 : vector<16xf32> to vector<1x16xf32>
      tpu.vector_store %arg7[%swap3A_370, %swap3A_371], %swap3A_374 {strides = array<i32>} : memref<16x256xf32, #tpu.memory_space<vmem>>, vector<1x16xf32>,
      %get3A_375 = arith.index_cast %add3A_269 : i32 to index
      %get3A_376 = arith.constant 112 : index
      %get3A_377 = tpu.vector_load %arg7[%get3A_375, %get3A_376] {strides = array<i32>} : memref<16x256xf32, #tpu.memory_space<vmem>>, vector<1x16xf32>,
      %get3A_378 = vector.shape_cast %get3A_377 : vector<1x16xf32> to vector<16xf32>
      %add3A_379 = arith.addf %get3A_378, %scan3A_305#7 : vector<16xf32>
      %swap3A_380 = arith.index_cast %add3A_269 : i32 to index
      %swap3A_381 = arith.constant 112 : index
      %swap3A_382 = tpu.vector_load %arg7[%swap3A_380, %swap3A_381] {strides = array<i32>} : memref<16x256xf32, #tpu.memory_space<vmem>>, vector<1x16xf32>,
      %swap3A_383 = vector.shape_cast %swap3A_382 : vector<1x16xf32> to vector<16xf32>
      %swap3A_384 = vector.shape_cast %add3A_379 : vector<16xf32> to vector<1x16xf32>
      tpu.vector_store %arg7[%swap3A_380, %swap3A_381], %swap3A_384 {strides = array<i32>} : memref<16x256xf32, #tpu.memory_space<vmem>>, vector<1x16xf32>,
      %get3A_385 = arith.index_cast %add3A_269 : i32 to index
      %get3A_386 = arith.constant 128 : index
      %get3A_387 = tpu.vector_load %arg7[%get3A_385, %get3A_386] {strides = array<i32>} : memref<16x256xf32, #tpu.memory_space<vmem>>, vector<1x16xf32>,
      %get3A_388 = vector.shape_cast %get3A_387 : vector<1x16xf32> to vector<16xf32>
      %add3A_389 = arith.addf %get3A_388, %scan3A_305#8 : vector<16xf32>
      %swap3A_390 = arith.index_cast %add3A_269 : i32 to index
      %swap3A_391 = arith.constant 128 : index
      %swap3A_392 = tpu.vector_load %arg7[%swap3A_390, %swap3A_391] {strides = array<i32>} : memref<16x256xf32, #tpu.memory_space<vmem>>, vector<1x16xf32>,
      %swap3A_393 = vector.shape_cast %swap3A_392 : vector<1x16xf32> to vector<16xf32>
      %swap3A_394 = vector.shape_cast %add3A_389 : vector<16xf32> to vector<1x16xf32>
      tpu.vector_store %arg7[%swap3A_390, %swap3A_391], %swap3A_394 {strides = array<i32>} : memref<16x256xf32, #tpu.memory_space<vmem>>, vector<1x16xf32>,
      %get3A_395 = arith.index_cast %add3A_269 : i32 to index
      %get3A_396 = arith.constant 144 : index
      %get3A_397 = tpu.vector_load %arg7[%get3A_395, %get3A_396] {strides = array<i32>} : memref<16x256xf32, #tpu.memory_space<vmem>>, vector<1x16xf32>,
      %get3A_398 = vector.shape_cast %get3A_397 : vector<1x16xf32> to vector<16xf32>
      %add3A_399 = arith.addf %get3A_398, %scan3A_305#9 : vector<16xf32>
      %swap3A_400 = arith.index_cast %add3A_269 : i32 to index
      %swap3A_401 = arith.constant 144 : index
      %swap3A_402 = tpu.vector_load %arg7[%swap3A_400, %swap3A_401] {strides = array<i32>} : memref<16x256xf32, #tpu.memory_space<vmem>>, vector<1x16xf32>,
      %swap3A_403 = vector.shape_cast %swap3A_402 : vector<1x16xf32> to vector<16xf32>
      %swap3A_404 = vector.shape_cast %add3A_399 : vector<16xf32> to vector<1x16xf32>
      tpu.vector_store %arg7[%swap3A_400, %swap3A_401], %swap3A_404 {strides = array<i32>} : memref<16x256xf32, #tpu.memory_space<vmem>>, vector<1x16xf32>,
      %get3A_405 = arith.index_cast %add3A_269 : i32 to index
      %get3A_406 = arith.constant 160 : index
      %get3A_407 = tpu.vector_load %arg7[%get3A_405, %get3A_406] {strides = array<i32>} : memref<16x256xf32, #tpu.memory_space<vmem>>, vector<1x16xf32>,
      %get3A_408 = vector.shape_cast %get3A_407 : vector<1x16xf32> to vector<16xf32>
      %add3A_409 = arith.addf %get3A_408, %scan3A_305#10 : vector<16xf32>
      %swap3A_410 = arith.index_cast %add3A_269 : i32 to index
      %swap3A_411 = arith.constant 160 : index
      %swap3A_412 = tpu.vector_load %arg7[%swap3A_410, %swap3A_411] {strides = array<i32>} : memref<16x256xf32, #tpu.memory_space<vmem>>, vector<1x16xf32>,
      %swap3A_413 = vector.shape_cast %swap3A_412 : vector<1x16xf32> to vector<16xf32>
      %swap3A_414 = vector.shape_cast %add3A_409 : vector<16xf32> to vector<1x16xf32>
      tpu.vector_store %arg7[%swap3A_410, %swap3A_411], %swap3A_414 {strides = array<i32>} : memref<16x256xf32, #tpu.memory_space<vmem>>, vector<1x16xf32>,
      %get3A_415 = arith.index_cast %add3A_269 : i32 to index
      %get3A_416 = arith.constant 176 : index
      %get3A_417 = tpu.vector_load %arg7[%get3A_415, %get3A_416] {strides = array<i32>} : memref<16x256xf32, #tpu.memory_space<vmem>>, vector<1x16xf32>,
      %get3A_418 = vector.shape_cast %get3A_417 : vector<1x16xf32> to vector<16xf32>
      %add3A_419 = arith.addf %get3A_418, %scan3A_305#11 : vector<16xf32>
      %swap3A_420 = arith.index_cast %add3A_269 : i32 to index
      %swap3A_421 = arith.constant 176 : index
      %swap3A_422 = tpu.vector_load %arg7[%swap3A_420, %swap3A_421] {strides = array<i32>} : memref<16x256xf32, #tpu.memory_space<vmem>>, vector<1x16xf32>,
      %swap3A_423 = vector.shape_cast %swap3A_422 : vector<1x16xf32> to vector<16xf32>
      %swap3A_424 = vector.shape_cast %add3A_419 : vector<16xf32> to vector<1x16xf32>
      tpu.vector_store %arg7[%swap3A_420, %swap3A_421], %swap3A_424 {strides = array<i32>} : memref<16x256xf32, #tpu.memory_space<vmem>>, vector<1x16xf32>,
      %get3A_425 = arith.index_cast %add3A_269 : i32 to index
      %get3A_426 = arith.constant 192 : index
      %get3A_427 = tpu.vector_load %arg7[%get3A_425, %get3A_426] {strides = array<i32>} : memref<16x256xf32, #tpu.memory_space<vmem>>, vector<1x16xf32>,
      %get3A_428 = vector.shape_cast %get3A_427 : vector<1x16xf32> to vector<16xf32>
      %add3A_429 = arith.addf %get3A_428, %scan3A_305#12 : vector<16xf32>
      %swap3A_430 = arith.index_cast %add3A_269 : i32 to index
      %swap3A_431 = arith.constant 192 : index
      %swap3A_432 = tpu.vector_load %arg7[%swap3A_430, %swap3A_431] {strides = array<i32>} : memref<16x256xf32, #tpu.memory_space<vmem>>, vector<1x16xf32>,
      %swap3A_433 = vector.shape_cast %swap3A_432 : vector<1x16xf32> to vector<16xf32>
      %swap3A_434 = vector.shape_cast %add3A_429 : vector<16xf32> to vector<1x16xf32>
      tpu.vector_store %arg7[%swap3A_430, %swap3A_431], %swap3A_434 {strides = array<i32>} : memref<16x256xf32, #tpu.memory_space<vmem>>, vector<1x16xf32>,
      %get3A_435 = arith.index_cast %add3A_269 : i32 to index
      %get3A_436 = arith.constant 208 : index
      %get3A_437 = tpu.vector_load %arg7[%get3A_435, %get3A_436] {strides = array<i32>} : memref<16x256xf32, #tpu.memory_space<vmem>>, vector<1x16xf32>,
      %get3A_438 = vector.shape_cast %get3A_437 : vector<1x16xf32> to vector<16xf32>
      %add3A_439 = arith.addf %get3A_438, %scan3A_305#13 : vector<16xf32>
      %swap3A_440 = arith.index_cast %add3A_269 : i32 to index
      %swap3A_441 = arith.constant 208 : index
      %swap3A_442 = tpu.vector_load %arg7[%swap3A_440, %swap3A_441] {strides = array<i32>} : memref<16x256xf32, #tpu.memory_space<vmem>>, vector<1x16xf32>,
      %swap3A_443 = vector.shape_cast %swap3A_442 : vector<1x16xf32> to vector<16xf32>
      %swap3A_444 = vector.shape_cast %add3A_439 : vector<16xf32> to vector<1x16xf32>
      tpu.vector_store %arg7[%swap3A_440, %swap3A_441], %swap3A_444 {strides = array<i32>} : memref<16x256xf32, #tpu.memory_space<vmem>>, vector<1x16xf32>,
      %get3A_445 = arith.index_cast %add3A_269 : i32 to index
      %get3A_446 = arith.constant 224 : index
      %get3A_447 = tpu.vector_load %arg7[%get3A_445, %get3A_446] {strides = array<i32>} : memref<16x256xf32, #tpu.memory_space<vmem>>, vector<1x16xf32>,
      %get3A_448 = vector.shape_cast %get3A_447 : vector<1x16xf32> to vector<16xf32>
      %add3A_449 = arith.addf %get3A_448, %scan3A_305#14 : vector<16xf32>
      %swap3A_450 = arith.index_cast %add3A_269 : i32 to index
      %swap3A_451 = arith.constant 224 : index
      %swap3A_452 = tpu.vector_load %arg7[%swap3A_450, %swap3A_451] {strides = array<i32>} : memref<16x256xf32, #tpu.memory_space<vmem>>, vector<1x16xf32>,
      %swap3A_453 = vector.shape_cast %swap3A_452 : vector<1x16xf32> to vector<16xf32>
      %swap3A_454 = vector.shape_cast %add3A_449 : vector<16xf32> to vector<1x16xf32>
      tpu.vector_store %arg7[%swap3A_450, %swap3A_451], %swap3A_454 {strides = array<i32>} : memref<16x256xf32, #tpu.memory_space<vmem>>, vector<1x16xf32>,
      %get3A_455 = arith.index_cast %add3A_269 : i32 to index
      %get3A_456 = arith.constant 240 : index
      %get3A_457 = tpu.vector_load %arg7[%get3A_455, %get3A_456] {strides = array<i32>} : memref<16x256xf32, #tpu.memory_space<vmem>>, vector<1x16xf32>,
      %get3A_458 = vector.shape_cast %get3A_457 : vector<1x16xf32> to vector<16xf32>
      %add3A_459 = arith.addf %get3A_458, %scan3A_305#15 : vector<16xf32>
      %swap3A_460 = arith.index_cast %add3A_269 : i32 to index
      %swap3A_461 = arith.constant 240 : index
      %swap3A_462 = tpu.vector_load %arg7[%swap3A_460, %swap3A_461] {strides = array<i32>} : memref<16x256xf32, #tpu.memory_space<vmem>>, vector<1x16xf32>,
      %swap3A_463 = vector.shape_cast %swap3A_462 : vector<1x16xf32> to vector<16xf32>
      %swap3A_464 = vector.shape_cast %add3A_459 : vector<16xf32> to vector<1x16xf32>
      tpu.vector_store %arg7[%swap3A_460, %swap3A_461], %swap3A_464 {strides = array<i32>} : memref<16x256xf32, #tpu.memory_space<vmem>>, vector<1x16xf32>,
      %scan3A_465 = arith.constant 0 : i32
      scf.yield %scan3A_465 : i32
    }
    %scan3A_241 = arith.constant 8 : i32
    %dma_wait3A_242 = arith.constant 3 : i32
    %dma_wait3A_243 = arith.constant 1 : i32
    %dma_wait3A_244 = arith.constant 1 : i32
    %dma_wait3A_245 = arith.constant 0 : i32
    %dma_wait3A_246 = arith.constant 0 : i32
    %dma_wait3A_247 = tpu.memref_slice %arg6[%dma_wait3A_244, %dma_wait3A_245, %dma_wait3A_246] : memref<3x128x256xf32, #tpu.memory_space<vmem>> -> memref<1x128x256xf32, #tpu.memory_space<vmem>>
    %dma_wait3A_248 = tpu.memref_squeeze %dma_wait3A_247 : memref<1x128x256xf32, #tpu.memory_space<vmem>> -> memref<128x256xf32, #tpu.memory_space<vmem>>
    %dma_wait3A_249 = arith.constant 0 : i32
    %dma_wait3A_250 = tpu.memref_slice %arg5[%dma_wait3A_242, %dma_wait3A_243, %dma_wait3A_249] : memref<4x2x128xi32, #tpu.memory_space<vmem>> -> memref<1x1x128xi32, #tpu.memory_space<vmem>>
    %dma_wait3A_251 = tpu.memref_squeeze %dma_wait3A_250 : memref<1x1x128xi32, #tpu.memory_space<vmem>> -> memref<128xi32, #tpu.memory_space<vmem>>
    %dma_wait3A_252 = arith.constant 0 : i32
    %dma_wait3A_253 = arith.constant 0 : i32
    %dma_wait3A_254 = tpu.memref_slice %arg3[%dma_wait3A_252, %dma_wait3A_253] : memref<100000x256xf32, #tpu.memory_space<hbm>> -> memref<100000x256xf32, #tpu.memory_space<hbm>>
    tpu.wait_indirect_dma semaphore(%arg9 : memref<!tpu.dma_semaphore, #tpu.memory_space<semaphore_mem>>) src(%dma_wait3A_254 : memref<100000x256xf32, #tpu.memory_space<hbm>>) dst(%dma_wait3A_248 : memref<128x256xf32, #tpu.memory_space<vmem>>)
    %scan3A_255 = arith.constant 0 : i32
    %scan3A_256 = arith.constant 0 : i32
    %scan3A_257 = arith.constant 8 : i32
    %scan3A_258 = arith.addi %scan3A_256, %scan3A_257 : i32
    %scan3A_259 = arith.constant 1 : i32
    %scan3A_260 = scf.for %scan3A_264 = %scan3A_256 to %scan3A_258 step %scan3A_259 iter_args(%scan3A_265 = %scan3A_255) -> (i32)  : i32 {
      %mul3A_266 = arith.constant 16 : i32
      %mul3A_267 = arith.muli %scan3A_264, %mul3A_266 : i32
      %add3A_268 = arith.constant 8 : i32
      %add3A_269 = arith.addi %add3A_268, %scan3A_264 : i32
      %broadcast_in_dim3A = arith.constant 0.000000e+00 : f32
      %broadcast_in_dim3A_270 = vector.broadcast %broadcast_in_dim3A : f32 to vector<16xf32>
      %broadcast_in_dim3A_271 = arith.constant 0.000000e+00 : f32
      %broadcast_in_dim3A_272 = vector.broadcast %broadcast_in_dim3A_271 : f32 to vector<16xf32>
      %broadcast_in_dim3A_273 = arith.constant 0.000000e+00 : f32
      %broadcast_in_dim3A_274 = vector.broadcast %broadcast_in_dim3A_273 : f32 to vector<16xf32>
      %broadcast_in_dim3A_275 = arith.constant 0.000000e+00 : f32
      %broadcast_in_dim3A_276 = vector.broadcast %broadcast_in_dim3A_275 : f32 to vector<16xf32>
      %broadcast_in_dim3A_277 = arith.constant 0.000000e+00 : f32
      %broadcast_in_dim3A_278 = vector.broadcast %broadcast_in_dim3A_277 : f32 to vector<16xf32>
      %broadcast_in_dim3A_279 = arith.constant 0.000000e+00 : f32
      %broadcast_in_dim3A_280 = vector.broadcast %broadcast_in_dim3A_279 : f32 to vector<16xf32>
      %broadcast_in_dim3A_281 = arith.constant 0.000000e+00 : f32
      %broadcast_in_dim3A_282 = vector.broadcast %broadcast_in_dim3A_281 : f32 to vector<16xf32>
      %broadcast_in_dim3A_283 = arith.constant 0.000000e+00 : f32
      %broadcast_in_dim3A_284 = vector.broadcast %broadcast_in_dim3A_283 : f32 to vector<16xf32>
      %broadcast_in_dim3A_285 = arith.constant 0.000000e+00 : f32
      %broadcast_in_dim3A_286 = vector.broadcast %broadcast_in_dim3A_285 : f32 to vector<16xf32>
      %broadcast_in_dim3A_287 = arith.constant 0.000000e+00 : f32
      %broadcast_in_dim3A_288 = vector.broadcast %broadcast_in_dim3A_287 : f32 to vector<16xf32>
      %broadcast_in_dim3A_289 = arith.constant 0.000000e+00 : f32
      %broadcast_in_dim3A_290 = vector.broadcast %broadcast_in_dim3A_289 : f32 to vector<16xf32>
      %broadcast_in_dim3A_291 = arith.constant 0.000000e+00 : f32
      %broadcast_in_dim3A_292 = vector.broadcast %broadcast_in_dim3A_291 : f32 to vector<16xf32>
      %broadcast_in_dim3A_293 = arith.constant 0.000000e+00 : f32
      %broadcast_in_dim3A_294 = vector.broadcast %broadcast_in_dim3A_293 : f32 to vector<16xf32>
      %broadcast_in_dim3A_295 = arith.constant 0.000000e+00 : f32
      %broadcast_in_dim3A_296 = vector.broadcast %broadcast_in_dim3A_295 : f32 to vector<16xf32>
      %broadcast_in_dim3A_297 = arith.constant 0.000000e+00 : f32
      %broadcast_in_dim3A_298 = vector.broadcast %broadcast_in_dim3A_297 : f32 to vector<16xf32>
      %broadcast_in_dim3A_299 = arith.constant 0.000000e+00 : f32
      %broadcast_in_dim3A_300 = vector.broadcast %broadcast_in_dim3A_299 : f32 to vector<16xf32>
      %scan3A_301 = arith.constant 0 : i32
      %scan3A_302 = arith.constant 16 : i32
      %scan3A_303 = arith.addi %scan3A_301, %scan3A_302 : i32
      %scan3A_304 = arith.constant 1 : i32
      %scan3A_305:16 = scf.for %scan3A_466 = %scan3A_301 to %scan3A_303 step %scan3A_304 iter_args(%scan3A_467 = %broadcast_in_dim3A_270, %scan3A_468 = %broadcast_in_dim3A_272, %scan3A_469 = %broadcast_in_dim3A_274, %scan3A_470 = %broadcast_in_dim3A_276, %scan3A_471 = %broadcast_in_dim3A_278, %scan3A_472 = %broadcast_in_dim3A_280, %scan3A_473 = %broadcast_in_dim3A_282, %scan3A_474 = %broadcast_in_dim3A_284, %scan3A_475 = %broadcast_in_dim3A_286, %scan3A_476 = %broadcast_in_dim3A_288, %scan3A_477 = %broadcast_in_dim3A_290, %scan3A_478 = %broadcast_in_dim3A_292, %scan3A_479 = %broadcast_in_dim3A_294, %scan3A_480 = %broadcast_in_dim3A_296, %scan3A_481 = %broadcast_in_dim3A_298, %scan3A_482 = %broadcast_in_dim3A_300) -> (vector<16xf32>, vector<16xf32>, vector<16xf32>, vector<16xf32>, vector<16xf32>, vector<16xf32>, vector<16xf32>, vector<16xf32>, vector<16xf32>, vector<16xf32>, vector<16xf32>, vector<16xf32>, vector<16xf32>, vector<16xf32>, vector<16xf32>, vector<16xf32>)  : i32 {
        %add3A_483 = arith.addi %mul3A_267, %scan3A_466 : i32
        %get3A_484 = arith.constant 1 : i32
        %get3A_485 = arith.index_cast %get3A_484 : i32 to index
        %get3A_486 = arith.index_cast %add3A_483 : i32 to index
        %get3A_487 = arith.constant 0 : index
        %get3A_488 = tpu.vector_load %arg6[%get3A_485, %get3A_486, %get3A_487] {strides = array<i32>} : memref<3x128x256xf32, #tpu.memory_space<vmem>>, vector<1x1x16xf32>,
        %get3A_489 = vector.shape_cast %get3A_488 : vector<1x1x16xf32> to vector<16xf32>
        %mul3A_490 = arith.constant 6.553700e+04 : f32
        %mul3A_491 = vector.broadcast %mul3A_490 : f32 to vector<16xf32>
        %mul3A_492 = arith.mulf %get3A_489, %mul3A_491 : vector<16xf32>
        %sub3A = arith.subf %get3A_489, %mul3A_492 : vector<16xf32>
        %add3A_493 = arith.addf %mul3A_492, %sub3A : vector<16xf32>
        %add3A_494 = arith.addf %scan3A_467, %add3A_493 : vector<16xf32>
        %get3A_495 = arith.constant 1 : i32
        %get3A_496 = arith.index_cast %get3A_495 : i32 to index
        %get3A_497 = arith.index_cast %add3A_483 : i32 to index
        %get3A_498 = arith.constant 16 : index
        %get3A_499 = tpu.vector_load %arg6[%get3A_496, %get3A_497, %get3A_498] {strides = array<i32>} : memref<3x128x256xf32, #tpu.memory_space<vmem>>, vector<1x1x16xf32>,
        %get3A_500 = vector.shape_cast %get3A_499 : vector<1x1x16xf32> to vector<16xf32>
        %mul3A_501 = arith.constant 6.553700e+04 : f32
        %mul3A_502 = vector.broadcast %mul3A_501 : f32 to vector<16xf32>
        %mul3A_503 = arith.mulf %get3A_500, %mul3A_502 : vector<16xf32>
        %sub3A_504 = arith.subf %get3A_500, %mul3A_503 : vector<16xf32>
        %add3A_505 = arith.addf %mul3A_503, %sub3A_504 : vector<16xf32>
        %add3A_506 = arith.addf %scan3A_468, %add3A_505 : vector<16xf32>
        %get3A_507 = arith.constant 1 : i32
        %get3A_508 = arith.index_cast %get3A_507 : i32 to index
        %get3A_509 = arith.index_cast %add3A_483 : i32 to index
        %get3A_510 = arith.constant 32 : index
        %get3A_511 = tpu.vector_load %arg6[%get3A_508, %get3A_509, %get3A_510] {strides = array<i32>} : memref<3x128x256xf32, #tpu.memory_space<vmem>>, vector<1x1x16xf32>,
        %get3A_512 = vector.shape_cast %get3A_511 : vector<1x1x16xf32> to vector<16xf32>
        %mul3A_513 = arith.constant 6.553700e+04 : f32
        %mul3A_514 = vector.broadcast %mul3A_513 : f32 to vector<16xf32>
        %mul3A_515 = arith.mulf %get3A_512, %mul3A_514 : vector<16xf32>
        %sub3A_516 = arith.subf %get3A_512, %mul3A_515 : vector<16xf32>
        %add3A_517 = arith.addf %mul3A_515, %sub3A_516 : vector<16xf32>
        %add3A_518 = arith.addf %scan3A_469, %add3A_517 : vector<16xf32>
        %get3A_519 = arith.constant 1 : i32
        %get3A_520 = arith.index_cast %get3A_519 : i32 to index
        %get3A_521 = arith.index_cast %add3A_483 : i32 to index
        %get3A_522 = arith.constant 48 : index
        %get3A_523 = tpu.vector_load %arg6[%get3A_520, %get3A_521, %get3A_522] {strides = array<i32>} : memref<3x128x256xf32, #tpu.memory_space<vmem>>, vector<1x1x16xf32>,
        %get3A_524 = vector.shape_cast %get3A_523 : vector<1x1x16xf32> to vector<16xf32>
        %mul3A_525 = arith.constant 6.553700e+04 : f32
        %mul3A_526 = vector.broadcast %mul3A_525 : f32 to vector<16xf32>
        %mul3A_527 = arith.mulf %get3A_524, %mul3A_526 : vector<16xf32>
        %sub3A_528 = arith.subf %get3A_524, %mul3A_527 : vector<16xf32>
        %add3A_529 = arith.addf %mul3A_527, %sub3A_528 : vector<16xf32>
        %add3A_530 = arith.addf %scan3A_470, %add3A_529 : vector<16xf32>
        %get3A_531 = arith.constant 1 : i32
        %get3A_532 = arith.index_cast %get3A_531 : i32 to index
        %get3A_533 = arith.index_cast %add3A_483 : i32 to index
        %get3A_534 = arith.constant 64 : index
        %get3A_535 = tpu.vector_load %arg6[%get3A_532, %get3A_533, %get3A_534] {strides = array<i32>} : memref<3x128x256xf32, #tpu.memory_space<vmem>>, vector<1x1x16xf32>,
        %get3A_536 = vector.shape_cast %get3A_535 : vector<1x1x16xf32> to vector<16xf32>
        %mul3A_537 = arith.constant 6.553700e+04 : f32
        %mul3A_538 = vector.broadcast %mul3A_537 : f32 to vector<16xf32>
        %mul3A_539 = arith.mulf %get3A_536, %mul3A_538 : vector<16xf32>
        %sub3A_540 = arith.subf %get3A_536, %mul3A_539 : vector<16xf32>
        %add3A_541 = arith.addf %mul3A_539, %sub3A_540 : vector<16xf32>
        %add3A_542 = arith.addf %scan3A_471, %add3A_541 : vector<16xf32>
        %get3A_543 = arith.constant 1 : i32
        %get3A_544 = arith.index_cast %get3A_543 : i32 to index
        %get3A_545 = arith.index_cast %add3A_483 : i32 to index
        %get3A_546 = arith.constant 80 : index
        %get3A_547 = tpu.vector_load %arg6[%get3A_544, %get3A_545, %get3A_546] {strides = array<i32>} : memref<3x128x256xf32, #tpu.memory_space<vmem>>, vector<1x1x16xf32>,
        %get3A_548 = vector.shape_cast %get3A_547 : vector<1x1x16xf32> to vector<16xf32>
        %mul3A_549 = arith.constant 6.553700e+04 : f32
        %mul3A_550 = vector.broadcast %mul3A_549 : f32 to vector<16xf32>
        %mul3A_551 = arith.mulf %get3A_548, %mul3A_550 : vector<16xf32>
        %sub3A_552 = arith.subf %get3A_548, %mul3A_551 : vector<16xf32>
        %add3A_553 = arith.addf %mul3A_551, %sub3A_552 : vector<16xf32>
        %add3A_554 = arith.addf %scan3A_472, %add3A_553 : vector<16xf32>
        %get3A_555 = arith.constant 1 : i32
        %get3A_556 = arith.index_cast %get3A_555 : i32 to index
        %get3A_557 = arith.index_cast %add3A_483 : i32 to index
        %get3A_558 = arith.constant 96 : index
        %get3A_559 = tpu.vector_load %arg6[%get3A_556, %get3A_557, %get3A_558] {strides = array<i32>} : memref<3x128x256xf32, #tpu.memory_space<vmem>>, vector<1x1x16xf32>,
        %get3A_560 = vector.shape_cast %get3A_559 : vector<1x1x16xf32> to vector<16xf32>
        %mul3A_561 = arith.constant 6.553700e+04 : f32
        %mul3A_562 = vector.broadcast %mul3A_561 : f32 to vector<16xf32>
        %mul3A_563 = arith.mulf %get3A_560, %mul3A_562 : vector<16xf32>
        %sub3A_564 = arith.subf %get3A_560, %mul3A_563 : vector<16xf32>
        %add3A_565 = arith.addf %mul3A_563, %sub3A_564 : vector<16xf32>
        %add3A_566 = arith.addf %scan3A_473, %add3A_565 : vector<16xf32>
        %get3A_567 = arith.constant 1 : i32
        %get3A_568 = arith.index_cast %get3A_567 : i32 to index
        %get3A_569 = arith.index_cast %add3A_483 : i32 to index
        %get3A_570 = arith.constant 112 : index
        %get3A_571 = tpu.vector_load %arg6[%get3A_568, %get3A_569, %get3A_570] {strides = array<i32>} : memref<3x128x256xf32, #tpu.memory_space<vmem>>, vector<1x1x16xf32>,
        %get3A_572 = vector.shape_cast %get3A_571 : vector<1x1x16xf32> to vector<16xf32>
        %mul3A_573 = arith.constant 6.553700e+04 : f32
        %mul3A_574 = vector.broadcast %mul3A_573 : f32 to vector<16xf32>
        %mul3A_575 = arith.mulf %get3A_572, %mul3A_574 : vector<16xf32>
        %sub3A_576 = arith.subf %get3A_572, %mul3A_575 : vector<16xf32>
        %add3A_577 = arith.addf %mul3A_575, %sub3A_576 : vector<16xf32>
        %add3A_578 = arith.addf %scan3A_474, %add3A_577 : vector<16xf32>
        %get3A_579 = arith.constant 1 : i32
        %get3A_580 = arith.index_cast %get3A_579 : i32 to index
        %get3A_581 = arith.index_cast %add3A_483 : i32 to index
        %get3A_582 = arith.constant 128 : index
        %get3A_583 = tpu.vector_load %arg6[%get3A_580, %get3A_581, %get3A_582] {strides = array<i32>} : memref<3x128x256xf32, #tpu.memory_space<vmem>>, vector<1x1x16xf32>,
        %get3A_584 = vector.shape_cast %get3A_583 : vector<1x1x16xf32> to vector<16xf32>
        %mul3A_585 = arith.constant 6.553700e+04 : f32
        %mul3A_586 = vector.broadcast %mul3A_585 : f32 to vector<16xf32>
        %mul3A_587 = arith.mulf %get3A_584, %mul3A_586 : vector<16xf32>
        %sub3A_588 = arith.subf %get3A_584, %mul3A_587 : vector<16xf32>
        %add3A_589 = arith.addf %mul3A_587, %sub3A_588 : vector<16xf32>
        %add3A_590 = arith.addf %scan3A_475, %add3A_589 : vector<16xf32>
        %get3A_591 = arith.constant 1 : i32
        %get3A_592 = arith.index_cast %get3A_591 : i32 to index
        %get3A_593 = arith.index_cast %add3A_483 : i32 to index
        %get3A_594 = arith.constant 144 : index
        %get3A_595 = tpu.vector_load %arg6[%get3A_592, %get3A_593, %get3A_594] {strides = array<i32>} : memref<3x128x256xf32, #tpu.memory_space<vmem>>, vector<1x1x16xf32>,
        %get3A_596 = vector.shape_cast %get3A_595 : vector<1x1x16xf32> to vector<16xf32>
        %mul3A_597 = arith.constant 6.553700e+04 : f32
        %mul3A_598 = vector.broadcast %mul3A_597 : f32 to vector<16xf32>
        %mul3A_599 = arith.mulf %get3A_596, %mul3A_598 : vector<16xf32>
        %sub3A_600 = arith.subf %get3A_596, %mul3A_599 : vector<16xf32>
        %add3A_601 = arith.addf %mul3A_599, %sub3A_600 : vector<16xf32>
        %add3A_602 = arith.addf %scan3A_476, %add3A_601 : vector<16xf32>
        %get3A_603 = arith.constant 1 : i32
        %get3A_604 = arith.index_cast %get3A_603 : i32 to index
        %get3A_605 = arith.index_cast %add3A_483 : i32 to index
        %get3A_606 = arith.constant 160 : index
        %get3A_607 = tpu.vector_load %arg6[%get3A_604, %get3A_605, %get3A_606] {strides = array<i32>} : memref<3x128x256xf32, #tpu.memory_space<vmem>>, vector<1x1x16xf32>,
        %get3A_608 = vector.shape_cast %get3A_607 : vector<1x1x16xf32> to vector<16xf32>
        %mul3A_609 = arith.constant 6.553700e+04 : f32
        %mul3A_610 = vector.broadcast %mul3A_609 : f32 to vector<16xf32>
        %mul3A_611 = arith.mulf %get3A_608, %mul3A_610 : vector<16xf32>
        %sub3A_612 = arith.subf %get3A_608, %mul3A_611 : vector<16xf32>
        %add3A_613 = arith.addf %mul3A_611, %sub3A_612 : vector<16xf32>
        %add3A_614 = arith.addf %scan3A_477, %add3A_613 : vector<16xf32>
        %get3A_615 = arith.constant 1 : i32
        %get3A_616 = arith.index_cast %get3A_615 : i32 to index
        %get3A_617 = arith.index_cast %add3A_483 : i32 to index
        %get3A_618 = arith.constant 176 : index
        %get3A_619 = tpu.vector_load %arg6[%get3A_616, %get3A_617, %get3A_618] {strides = array<i32>} : memref<3x128x256xf32, #tpu.memory_space<vmem>>, vector<1x1x16xf32>,
        %get3A_620 = vector.shape_cast %get3A_619 : vector<1x1x16xf32> to vector<16xf32>
        %mul3A_621 = arith.constant 6.553700e+04 : f32
        %mul3A_622 = vector.broadcast %mul3A_621 : f32 to vector<16xf32>
        %mul3A_623 = arith.mulf %get3A_620, %mul3A_622 : vector<16xf32>
        %sub3A_624 = arith.subf %get3A_620, %mul3A_623 : vector<16xf32>
        %add3A_625 = arith.addf %mul3A_623, %sub3A_624 : vector<16xf32>
        %add3A_626 = arith.addf %scan3A_478, %add3A_625 : vector<16xf32>
        %get3A_627 = arith.constant 1 : i32
        %get3A_628 = arith.index_cast %get3A_627 : i32 to index
        %get3A_629 = arith.index_cast %add3A_483 : i32 to index
        %get3A_630 = arith.constant 192 : index
        %get3A_631 = tpu.vector_load %arg6[%get3A_628, %get3A_629, %get3A_630] {strides = array<i32>} : memref<3x128x256xf32, #tpu.memory_space<vmem>>, vector<1x1x16xf32>,
        %get3A_632 = vector.shape_cast %get3A_631 : vector<1x1x16xf32> to vector<16xf32>
        %mul3A_633 = arith.constant 6.553700e+04 : f32
        %mul3A_634 = vector.broadcast %mul3A_633 : f32 to vector<16xf32>
        %mul3A_635 = arith.mulf %get3A_632, %mul3A_634 : vector<16xf32>
        %sub3A_636 = arith.subf %get3A_632, %mul3A_635 : vector<16xf32>
        %add3A_637 = arith.addf %mul3A_635, %sub3A_636 : vector<16xf32>
        %add3A_638 = arith.addf %scan3A_479, %add3A_637 : vector<16xf32>
        %get3A_639 = arith.constant 1 : i32
        %get3A_640 = arith.index_cast %get3A_639 : i32 to index
        %get3A_641 = arith.index_cast %add3A_483 : i32 to index
        %get3A_642 = arith.constant 208 : index
        %get3A_643 = tpu.vector_load %arg6[%get3A_640, %get3A_641, %get3A_642] {strides = array<i32>} : memref<3x128x256xf32, #tpu.memory_space<vmem>>, vector<1x1x16xf32>,
        %get3A_644 = vector.shape_cast %get3A_643 : vector<1x1x16xf32> to vector<16xf32>
        %mul3A_645 = arith.constant 6.553700e+04 : f32
        %mul3A_646 = vector.broadcast %mul3A_645 : f32 to vector<16xf32>
        %mul3A_647 = arith.mulf %get3A_644, %mul3A_646 : vector<16xf32>
        %sub3A_648 = arith.subf %get3A_644, %mul3A_647 : vector<16xf32>
        %add3A_649 = arith.addf %mul3A_647, %sub3A_648 : vector<16xf32>
        %add3A_650 = arith.addf %scan3A_480, %add3A_649 : vector<16xf32>
        %get3A_651 = arith.constant 1 : i32
        %get3A_652 = arith.index_cast %get3A_651 : i32 to index
        %get3A_653 = arith.index_cast %add3A_483 : i32 to index
        %get3A_654 = arith.constant 224 : index
        %get3A_655 = tpu.vector_load %arg6[%get3A_652, %get3A_653, %get3A_654] {strides = array<i32>} : memref<3x128x256xf32, #tpu.memory_space<vmem>>, vector<1x1x16xf32>,
        %get3A_656 = vector.shape_cast %get3A_655 : vector<1x1x16xf32> to vector<16xf32>
        %mul3A_657 = arith.constant 6.553700e+04 : f32
        %mul3A_658 = vector.broadcast %mul3A_657 : f32 to vector<16xf32>
        %mul3A_659 = arith.mulf %get3A_656, %mul3A_658 : vector<16xf32>
        %sub3A_660 = arith.subf %get3A_656, %mul3A_659 : vector<16xf32>
        %add3A_661 = arith.addf %mul3A_659, %sub3A_660 : vector<16xf32>
        %add3A_662 = arith.addf %scan3A_481, %add3A_661 : vector<16xf32>
        %get3A_663 = arith.constant 1 : i32
        %get3A_664 = arith.index_cast %get3A_663 : i32 to index
        %get3A_665 = arith.index_cast %add3A_483 : i32 to index
        %get3A_666 = arith.constant 240 : index
        %get3A_667 = tpu.vector_load %arg6[%get3A_664, %get3A_665, %get3A_666] {strides = array<i32>} : memref<3x128x256xf32, #tpu.memory_space<vmem>>, vector<1x1x16xf32>,
        %get3A_668 = vector.shape_cast %get3A_667 : vector<1x1x16xf32> to vector<16xf32>
        %mul3A_669 = arith.constant 6.553700e+04 : f32
        %mul3A_670 = vector.broadcast %mul3A_669 : f32 to vector<16xf32>
        %mul3A_671 = arith.mulf %get3A_668, %mul3A_670 : vector<16xf32>
        %sub3A_672 = arith.subf %get3A_668, %mul3A_671 : vector<16xf32>
        %add3A_673 = arith.addf %mul3A_671, %sub3A_672 : vector<16xf32>
        %add3A_674 = arith.addf %scan3A_482, %add3A_673 : vector<16xf32>
        scf.yield %add3A_494, %add3A_506, %add3A_518, %add3A_530, %add3A_542, %add3A_554, %add3A_566, %add3A_578, %add3A_590, %add3A_602, %add3A_614, %add3A_626, %add3A_638, %add3A_650, %add3A_662, %add3A_674 : vector<16xf32>, vector<16xf32>, vector<16xf32>, vector<16xf32>, vector<16xf32>, vector<16xf32>, vector<16xf32>, vector<16xf32>, vector<16xf32>, vector<16xf32>, vector<16xf32>, vector<16xf32>, vector<16xf32>, vector<16xf32>, vector<16xf32>, vector<16xf32>
      }
      %scan3A_306 = arith.constant 16 : i32
      %get3A = arith.index_cast %add3A_269 : i32 to index
      %get3A_307 = arith.constant 0 : index
      %get3A_308 = tpu.vector_load %arg7[%get3A, %get3A_307] {strides = array<i32>} : memref<16x256xf32, #tpu.memory_space<vmem>>, vector<1x16xf32>,
      %get3A_309 = vector.shape_cast %get3A_308 : vector<1x16xf32> to vector<16xf32>
      %add3A_310 = arith.addf %get3A_309, %scan3A_305#0 : vector<16xf32>
      %swap3A = arith.index_cast %add3A_269 : i32 to index
      %swap3A_311 = arith.constant 0 : index
      %swap3A_312 = tpu.vector_load %arg7[%swap3A, %swap3A_311] {strides = array<i32>} : memref<16x256xf32, #tpu.memory_space<vmem>>, vector<1x16xf32>,
      %swap3A_313 = vector.shape_cast %swap3A_312 : vector<1x16xf32> to vector<16xf32>
      %swap3A_314 = vector.shape_cast %add3A_310 : vector<16xf32> to vector<1x16xf32>
      tpu.vector_store %arg7[%swap3A, %swap3A_311], %swap3A_314 {strides = array<i32>} : memref<16x256xf32, #tpu.memory_space<vmem>>, vector<1x16xf32>,
      %get3A_315 = arith.index_cast %add3A_269 : i32 to index
      %get3A_316 = arith.constant 16 : index
      %get3A_317 = tpu.vector_load %arg7[%get3A_315, %get3A_316] {strides = array<i32>} : memref<16x256xf32, #tpu.memory_space<vmem>>, vector<1x16xf32>,
      %get3A_318 = vector.shape_cast %get3A_317 : vector<1x16xf32> to vector<16xf32>
      %add3A_319 = arith.addf %get3A_318, %scan3A_305#1 : vector<16xf32>
      %swap3A_320 = arith.index_cast %add3A_269 : i32 to index
      %swap3A_321 = arith.constant 16 : index
      %swap3A_322 = tpu.vector_load %arg7[%swap3A_320, %swap3A_321] {strides = array<i32>} : memref<16x256xf32, #tpu.memory_space<vmem>>, vector<1x16xf32>,
      %swap3A_323 = vector.shape_cast %swap3A_322 : vector<1x16xf32> to vector<16xf32>
      %swap3A_324 = vector.shape_cast %add3A_319 : vector<16xf32> to vector<1x16xf32>
      tpu.vector_store %arg7[%swap3A_320, %swap3A_321], %swap3A_324 {strides = array<i32>} : memref<16x256xf32, #tpu.memory_space<vmem>>, vector<1x16xf32>,
      %get3A_325 = arith.index_cast %add3A_269 : i32 to index
      %get3A_326 = arith.constant 32 : index
      %get3A_327 = tpu.vector_load %arg7[%get3A_325, %get3A_326] {strides = array<i32>} : memref<16x256xf32, #tpu.memory_space<vmem>>, vector<1x16xf32>,
      %get3A_328 = vector.shape_cast %get3A_327 : vector<1x16xf32> to vector<16xf32>
      %add3A_329 = arith.addf %get3A_328, %scan3A_305#2 : vector<16xf32>
      %swap3A_330 = arith.index_cast %add3A_269 : i32 to index
      %swap3A_331 = arith.constant 32 : index
      %swap3A_332 = tpu.vector_load %arg7[%swap3A_330, %swap3A_331] {strides = array<i32>} : memref<16x256xf32, #tpu.memory_space<vmem>>, vector<1x16xf32>,
      %swap3A_333 = vector.shape_cast %swap3A_332 : vector<1x16xf32> to vector<16xf32>
      %swap3A_334 = vector.shape_cast %add3A_329 : vector<16xf32> to vector<1x16xf32>
      tpu.vector_store %arg7[%swap3A_330, %swap3A_331], %swap3A_334 {strides = array<i32>} : memref<16x256xf32, #tpu.memory_space<vmem>>, vector<1x16xf32>,
      %get3A_335 = arith.index_cast %add3A_269 : i32 to index
      %get3A_336 = arith.constant 48 : index
      %get3A_337 = tpu.vector_load %arg7[%get3A_335, %get3A_336] {strides = array<i32>} : memref<16x256xf32, #tpu.memory_space<vmem>>, vector<1x16xf32>,
      %get3A_338 = vector.shape_cast %get3A_337 : vector<1x16xf32> to vector<16xf32>
      %add3A_339 = arith.addf %get3A_338, %scan3A_305#3 : vector<16xf32>
      %swap3A_340 = arith.index_cast %add3A_269 : i32 to index
      %swap3A_341 = arith.constant 48 : index
      %swap3A_342 = tpu.vector_load %arg7[%swap3A_340, %swap3A_341] {strides = array<i32>} : memref<16x256xf32, #tpu.memory_space<vmem>>, vector<1x16xf32>,
      %swap3A_343 = vector.shape_cast %swap3A_342 : vector<1x16xf32> to vector<16xf32>
      %swap3A_344 = vector.shape_cast %add3A_339 : vector<16xf32> to vector<1x16xf32>
      tpu.vector_store %arg7[%swap3A_340, %swap3A_341], %swap3A_344 {strides = array<i32>} : memref<16x256xf32, #tpu.memory_space<vmem>>, vector<1x16xf32>,
      %get3A_345 = arith.index_cast %add3A_269 : i32 to index
      %get3A_346 = arith.constant 64 : index
      %get3A_347 = tpu.vector_load %arg7[%get3A_345, %get3A_346] {strides = array<i32>} : memref<16x256xf32, #tpu.memory_space<vmem>>, vector<1x16xf32>,
      %get3A_348 = vector.shape_cast %get3A_347 : vector<1x16xf32> to vector<16xf32>
      %add3A_349 = arith.addf %get3A_348, %scan3A_305#4 : vector<16xf32>
      %swap3A_350 = arith.index_cast %add3A_269 : i32 to index
      %swap3A_351 = arith.constant 64 : index
      %swap3A_352 = tpu.vector_load %arg7[%swap3A_350, %swap3A_351] {strides = array<i32>} : memref<16x256xf32, #tpu.memory_space<vmem>>, vector<1x16xf32>,
      %swap3A_353 = vector.shape_cast %swap3A_352 : vector<1x16xf32> to vector<16xf32>
      %swap3A_354 = vector.shape_cast %add3A_349 : vector<16xf32> to vector<1x16xf32>
      tpu.vector_store %arg7[%swap3A_350, %swap3A_351], %swap3A_354 {strides = array<i32>} : memref<16x256xf32, #tpu.memory_space<vmem>>, vector<1x16xf32>,
      %get3A_355 = arith.index_cast %add3A_269 : i32 to index
      %get3A_356 = arith.constant 80 : index
      %get3A_357 = tpu.vector_load %arg7[%get3A_355, %get3A_356] {strides = array<i32>} : memref<16x256xf32, #tpu.memory_space<vmem>>, vector<1x16xf32>,
      %get3A_358 = vector.shape_cast %get3A_357 : vector<1x16xf32> to vector<16xf32>
      %add3A_359 = arith.addf %get3A_358, %scan3A_305#5 : vector<16xf32>
      %swap3A_360 = arith.index_cast %add3A_269 : i32 to index
      %swap3A_361 = arith.constant 80 : index
      %swap3A_362 = tpu.vector_load %arg7[%swap3A_360, %swap3A_361] {strides = array<i32>} : memref<16x256xf32, #tpu.memory_space<vmem>>, vector<1x16xf32>,
      %swap3A_363 = vector.shape_cast %swap3A_362 : vector<1x16xf32> to vector<16xf32>
      %swap3A_364 = vector.shape_cast %add3A_359 : vector<16xf32> to vector<1x16xf32>
      tpu.vector_store %arg7[%swap3A_360, %swap3A_361], %swap3A_364 {strides = array<i32>} : memref<16x256xf32, #tpu.memory_space<vmem>>, vector<1x16xf32>,
      %get3A_365 = arith.index_cast %add3A_269 : i32 to index
      %get3A_366 = arith.constant 96 : index
      %get3A_367 = tpu.vector_load %arg7[%get3A_365, %get3A_366] {strides = array<i32>} : memref<16x256xf32, #tpu.memory_space<vmem>>, vector<1x16xf32>,
      %get3A_368 = vector.shape_cast %get3A_367 : vector<1x16xf32> to vector<16xf32>
      %add3A_369 = arith.addf %get3A_368, %scan3A_305#6 : vector<16xf32>
      %swap3A_370 = arith.index_cast %add3A_269 : i32 to index
      %swap3A_371 = arith.constant 96 : index
      %swap3A_372 = tpu.vector_load %arg7[%swap3A_370, %swap3A_371] {strides = array<i32>} : memref<16x256xf32, #tpu.memory_space<vmem>>, vector<1x16xf32>,
      %swap3A_373 = vector.shape_cast %swap3A_372 : vector<1x16xf32> to vector<16xf32>
      %swap3A_374 = vector.shape_cast %add3A_369 : vector<16xf32> to vector<1x16xf32>
      tpu.vector_store %arg7[%swap3A_370, %swap3A_371], %swap3A_374 {strides = array<i32>} : memref<16x256xf32, #tpu.memory_space<vmem>>, vector<1x16xf32>,
      %get3A_375 = arith.index_cast %add3A_269 : i32 to index
      %get3A_376 = arith.constant 112 : index
      %get3A_377 = tpu.vector_load %arg7[%get3A_375, %get3A_376] {strides = array<i32>} : memref<16x256xf32, #tpu.memory_space<vmem>>, vector<1x16xf32>,
      %get3A_378 = vector.shape_cast %get3A_377 : vector<1x16xf32> to vector<16xf32>
      %add3A_379 = arith.addf %get3A_378, %scan3A_305#7 : vector<16xf32>
      %swap3A_380 = arith.index_cast %add3A_269 : i32 to index
      %swap3A_381 = arith.constant 112 : index
      %swap3A_382 = tpu.vector_load %arg7[%swap3A_380, %swap3A_381] {strides = array<i32>} : memref<16x256xf32, #tpu.memory_space<vmem>>, vector<1x16xf32>,
      %swap3A_383 = vector.shape_cast %swap3A_382 : vector<1x16xf32> to vector<16xf32>
      %swap3A_384 = vector.shape_cast %add3A_379 : vector<16xf32> to vector<1x16xf32>
      tpu.vector_store %arg7[%swap3A_380, %swap3A_381], %swap3A_384 {strides = array<i32>} : memref<16x256xf32, #tpu.memory_space<vmem>>, vector<1x16xf32>,
      %get3A_385 = arith.index_cast %add3A_269 : i32 to index
      %get3A_386 = arith.constant 128 : index
      %get3A_387 = tpu.vector_load %arg7[%get3A_385, %get3A_386] {strides = array<i32>} : memref<16x256xf32, #tpu.memory_space<vmem>>, vector<1x16xf32>,
      %get3A_388 = vector.shape_cast %get3A_387 : vector<1x16xf32> to vector<16xf32>
      %add3A_389 = arith.addf %get3A_388, %scan3A_305#8 : vector<16xf32>
      %swap3A_390 = arith.index_cast %add3A_269 : i32 to index
      %swap3A_391 = arith.constant 128 : index
      %swap3A_392 = tpu.vector_load %arg7[%swap3A_390, %swap3A_391] {strides = array<i32>} : memref<16x256xf32, #tpu.memory_space<vmem>>, vector<1x16xf32>,
      %swap3A_393 = vector.shape_cast %swap3A_392 : vector<1x16xf32> to vector<16xf32>
      %swap3A_394 = vector.shape_cast %add3A_389 : vector<16xf32> to vector<1x16xf32>
      tpu.vector_store %arg7[%swap3A_390, %swap3A_391], %swap3A_394 {strides = array<i32>} : memref<16x256xf32, #tpu.memory_space<vmem>>, vector<1x16xf32>,
      %get3A_395 = arith.index_cast %add3A_269 : i32 to index
      %get3A_396 = arith.constant 144 : index
      %get3A_397 = tpu.vector_load %arg7[%get3A_395, %get3A_396] {strides = array<i32>} : memref<16x256xf32, #tpu.memory_space<vmem>>, vector<1x16xf32>,
      %get3A_398 = vector.shape_cast %get3A_397 : vector<1x16xf32> to vector<16xf32>
      %add3A_399 = arith.addf %get3A_398, %scan3A_305#9 : vector<16xf32>
      %swap3A_400 = arith.index_cast %add3A_269 : i32 to index
      %swap3A_401 = arith.constant 144 : index
      %swap3A_402 = tpu.vector_load %arg7[%swap3A_400, %swap3A_401] {strides = array<i32>} : memref<16x256xf32, #tpu.memory_space<vmem>>, vector<1x16xf32>,
      %swap3A_403 = vector.shape_cast %swap3A_402 : vector<1x16xf32> to vector<16xf32>
      %swap3A_404 = vector.shape_cast %add3A_399 : vector<16xf32> to vector<1x16xf32>
      tpu.vector_store %arg7[%swap3A_400, %swap3A_401], %swap3A_404 {strides = array<i32>} : memref<16x256xf32, #tpu.memory_space<vmem>>, vector<1x16xf32>,
      %get3A_405 = arith.index_cast %add3A_269 : i32 to index
      %get3A_406 = arith.constant 160 : index
      %get3A_407 = tpu.vector_load %arg7[%get3A_405, %get3A_406] {strides = array<i32>} : memref<16x256xf32, #tpu.memory_space<vmem>>, vector<1x16xf32>,
      %get3A_408 = vector.shape_cast %get3A_407 : vector<1x16xf32> to vector<16xf32>
      %add3A_409 = arith.addf %get3A_408, %scan3A_305#10 : vector<16xf32>
      %swap3A_410 = arith.index_cast %add3A_269 : i32 to index
      %swap3A_411 = arith.constant 160 : index
      %swap3A_412 = tpu.vector_load %arg7[%swap3A_410, %swap3A_411] {strides = array<i32>} : memref<16x256xf32, #tpu.memory_space<vmem>>, vector<1x16xf32>,
      %swap3A_413 = vector.shape_cast %swap3A_412 : vector<1x16xf32> to vector<16xf32>
      %swap3A_414 = vector.shape_cast %add3A_409 : vector<16xf32> to vector<1x16xf32>
      tpu.vector_store %arg7[%swap3A_410, %swap3A_411], %swap3A_414 {strides = array<i32>} : memref<16x256xf32, #tpu.memory_space<vmem>>, vector<1x16xf32>,
      %get3A_415 = arith.index_cast %add3A_269 : i32 to index
      %get3A_416 = arith.constant 176 : index
      %get3A_417 = tpu.vector_load %arg7[%get3A_415, %get3A_416] {strides = array<i32>} : memref<16x256xf32, #tpu.memory_space<vmem>>, vector<1x16xf32>,
      %get3A_418 = vector.shape_cast %get3A_417 : vector<1x16xf32> to vector<16xf32>
      %add3A_419 = arith.addf %get3A_418, %scan3A_305#11 : vector<16xf32>
      %swap3A_420 = arith.index_cast %add3A_269 : i32 to index
      %swap3A_421 = arith.constant 176 : index
      %swap3A_422 = tpu.vector_load %arg7[%swap3A_420, %swap3A_421] {strides = array<i32>} : memref<16x256xf32, #tpu.memory_space<vmem>>, vector<1x16xf32>,
      %swap3A_423 = vector.shape_cast %swap3A_422 : vector<1x16xf32> to vector<16xf32>
      %swap3A_424 = vector.shape_cast %add3A_419 : vector<16xf32> to vector<1x16xf32>
      tpu.vector_store %arg7[%swap3A_420, %swap3A_421], %swap3A_424 {strides = array<i32>} : memref<16x256xf32, #tpu.memory_space<vmem>>, vector<1x16xf32>,
      %get3A_425 = arith.index_cast %add3A_269 : i32 to index
      %get3A_426 = arith.constant 192 : index
      %get3A_427 = tpu.vector_load %arg7[%get3A_425, %get3A_426] {strides = array<i32>} : memref<16x256xf32, #tpu.memory_space<vmem>>, vector<1x16xf32>,
      %get3A_428 = vector.shape_cast %get3A_427 : vector<1x16xf32> to vector<16xf32>
      %add3A_429 = arith.addf %get3A_428, %scan3A_305#12 : vector<16xf32>
      %swap3A_430 = arith.index_cast %add3A_269 : i32 to index
      %swap3A_431 = arith.constant 192 : index
      %swap3A_432 = tpu.vector_load %arg7[%swap3A_430, %swap3A_431] {strides = array<i32>} : memref<16x256xf32, #tpu.memory_space<vmem>>, vector<1x16xf32>,
      %swap3A_433 = vector.shape_cast %swap3A_432 : vector<1x16xf32> to vector<16xf32>
      %swap3A_434 = vector.shape_cast %add3A_429 : vector<16xf32> to vector<1x16xf32>
      tpu.vector_store %arg7[%swap3A_430, %swap3A_431], %swap3A_434 {strides = array<i32>} : memref<16x256xf32, #tpu.memory_space<vmem>>, vector<1x16xf32>,
      %get3A_435 = arith.index_cast %add3A_269 : i32 to index
      %get3A_436 = arith.constant 208 : index
      %get3A_437 = tpu.vector_load %arg7[%get3A_435, %get3A_436] {strides = array<i32>} : memref<16x256xf32, #tpu.memory_space<vmem>>, vector<1x16xf32>,
      %get3A_438 = vector.shape_cast %get3A_437 : vector<1x16xf32> to vector<16xf32>
      %add3A_439 = arith.addf %get3A_438, %scan3A_305#13 : vector<16xf32>
      %swap3A_440 = arith.index_cast %add3A_269 : i32 to index
      %swap3A_441 = arith.constant 208 : index
      %swap3A_442 = tpu.vector_load %arg7[%swap3A_440, %swap3A_441] {strides = array<i32>} : memref<16x256xf32, #tpu.memory_space<vmem>>, vector<1x16xf32>,
      %swap3A_443 = vector.shape_cast %swap3A_442 : vector<1x16xf32> to vector<16xf32>
      %swap3A_444 = vector.shape_cast %add3A_439 : vector<16xf32> to vector<1x16xf32>
      tpu.vector_store %arg7[%swap3A_440, %swap3A_441], %swap3A_444 {strides = array<i32>} : memref<16x256xf32, #tpu.memory_space<vmem>>, vector<1x16xf32>,
      %get3A_445 = arith.index_cast %add3A_269 : i32 to index
      %get3A_446 = arith.constant 224 : index
      %get3A_447 = tpu.vector_load %arg7[%get3A_445, %get3A_446] {strides = array<i32>} : memref<16x256xf32, #tpu.memory_space<vmem>>, vector<1x16xf32>,
      %get3A_448 = vector.shape_cast %get3A_447 : vector<1x16xf32> to vector<16xf32>
      %add3A_449 = arith.addf %get3A_448, %scan3A_305#14 : vector<16xf32>
      %swap3A_450 = arith.index_cast %add3A_269 : i32 to index
      %swap3A_451 = arith.constant 224 : index
      %swap3A_452 = tpu.vector_load %arg7[%swap3A_450, %swap3A_451] {strides = array<i32>} : memref<16x256xf32, #tpu.memory_space<vmem>>, vector<1x16xf32>,
      %swap3A_453 = vector.shape_cast %swap3A_452 : vector<1x16xf32> to vector<16xf32>
      %swap3A_454 = vector.shape_cast %add3A_449 : vector<16xf32> to vector<1x16xf32>
      tpu.vector_store %arg7[%swap3A_450, %swap3A_451], %swap3A_454 {strides = array<i32>} : memref<16x256xf32, #tpu.memory_space<vmem>>, vector<1x16xf32>,
      %get3A_455 = arith.index_cast %add3A_269 : i32 to index
      %get3A_456 = arith.constant 240 : index
      %get3A_457 = tpu.vector_load %arg7[%get3A_455, %get3A_456] {strides = array<i32>} : memref<16x256xf32, #tpu.memory_space<vmem>>, vector<1x16xf32>,
      %get3A_458 = vector.shape_cast %get3A_457 : vector<1x16xf32> to vector<16xf32>
      %add3A_459 = arith.addf %get3A_458, %scan3A_305#15 : vector<16xf32>
      %swap3A_460 = arith.index_cast %add3A_269 : i32 to index
      %swap3A_461 = arith.constant 240 : index
      %swap3A_462 = tpu.vector_load %arg7[%swap3A_460, %swap3A_461] {strides = array<i32>} : memref<16x256xf32, #tpu.memory_space<vmem>>, vector<1x16xf32>,
      %swap3A_463 = vector.shape_cast %swap3A_462 : vector<1x16xf32> to vector<16xf32>
      %swap3A_464 = vector.shape_cast %add3A_459 : vector<16xf32> to vector<1x16xf32>
      tpu.vector_store %arg7[%swap3A_460, %swap3A_461], %swap3A_464 {strides = array<i32>} : memref<16x256xf32, #tpu.memory_space<vmem>>, vector<1x16xf32>,
      %scan3A_465 = arith.constant 0 : i32
      scf.yield %scan3A_465 : i32
    }
    %scan3A_261 = arith.constant 8 : i32
    %mul3A_262 = arith.constant 16 : i32
    %mul3A_263 = arith.muli %add3A, %mul3A_262 : i32
    "tpu.region"() ({
      %run_scoped3A = tpu.sem_alloc : memref<!tpu.dma_semaphore, #tpu.memory_space<semaphore_mem>>
      %dma_start3A_264 = arith.constant 0 : i32
      %dma_start3A_265 = tpu.memref_slice %arg4[%mul3A_263, %dma_start3A_264] : memref<512x256xf32, #tpu.memory_space<hbm>> -> memref<16x256xf32, #tpu.memory_space<hbm>>
      %dma_start3A_266 = arith.constant 0 : i32
      %dma_start3A_267 = tpu.memref_slice %arg4[%mul3A_263, %dma_start3A_266] : memref<512x256xf32, #tpu.memory_space<hbm>> -> memref<16x256xf32, #tpu.memory_space<hbm>>
      tpu.enqueue_dma source(%arg7 : memref<16x256xf32, #tpu.memory_space<vmem>>) target(%dma_start3A_267 : memref<16x256xf32, #tpu.memory_space<hbm>>) target_semaphore(%run_scoped3A : memref<!tpu.dma_semaphore, #tpu.memory_space<semaphore_mem>>)
      %dma_wait3A_268 = arith.constant 0 : i32
      %dma_wait3A_269 = tpu.memref_slice %arg4[%mul3A_263, %dma_wait3A_268] : memref<512x256xf32, #tpu.memory_space<hbm>> -> memref<16x256xf32, #tpu.memory_space<hbm>>
      %dma_wait3A_270 = arith.constant 0 : i32
      %dma_wait3A_271 = tpu.memref_slice %arg4[%mul3A_263, %dma_wait3A_270] : memref<512x256xf32, #tpu.memory_space<hbm>> -> memref<16x256xf32, #tpu.memory_space<hbm>>
      tpu.wait_dma2 semaphore(%run_scoped3A : memref<!tpu.dma_semaphore, #tpu.memory_space<semaphore_mem>>) src(%arg7 : memref<16x256xf32, #tpu.memory_space<vmem>>) dst(%dma_wait3A_271 : memref<16x256xf32, #tpu.memory_space<hbm>>)
      tpu.yield
    }) : () -> ()
    return
  }
}

module attributes {stable_mosaic.version = 14 : i64} {
  func.func @_tc_body(%arg0: memref<512x256xf32, #tpu.memory_space<vmem>>, %arg1: memref<256x6xf32, #tpu.memory_space<vmem>>, %arg2: memref<1x6xf32, #tpu.memory_space<vmem>>, %arg3: memref<1x6xf32, #tpu.memory_space<vmem>>, %arg4: memref<1x1xf32, #tpu.memory_space<vmem>>, %arg5: memref<512x6xf32, #tpu.memory_space<vmem>>, %arg6: memref<512x6xf32, #tpu.memory_space<vmem>>, %arg7: memref<1x6xf32, #tpu.memory_space<vmem>>, %arg8: memref<1x128xf32, #tpu.memory_space<vmem>>, %arg9: memref<1x64xf32, #tpu.memory_space<vmem>>, %arg10: memref<1x64xi32, #tpu.memory_space<vmem>>) attributes {dimension_semantics = [], scalar_prefetch = 0 : i64, scratch_operands = 0 : i64, tpu.core_type = #tpu.core_type<tc>} {
    %get3A = arith.constant 0 : index
    %get3A_0 = arith.constant 0 : index
    %get3A_1 = vector.load %arg0[%get3A, %get3A_0] : memref<512x256xf32, #tpu.memory_space<vmem>>, vector<512x256xf32>
    %mul3A = arith.constant 1.562500e-02 : f32
    %mul3A_2 = vector.broadcast %mul3A : f32 to vector<512x256xf32>
    %mul3A_3 = arith.mulf %get3A_1, %mul3A_2 : vector<512x256xf32>
    %get3A_4 = arith.constant 0 : index
    %get3A_5 = arith.constant 0 : index
    %get3A_6 = vector.load %arg1[%get3A_4, %get3A_5] : memref<256x6xf32, #tpu.memory_space<vmem>>, vector<256x6xf32>
    %convert_element_type3A = arith.truncf %get3A_6 : vector<256x6xf32> to vector<256x6xbf16>
    %convert_element_type3A_7 = arith.extf %convert_element_type3A : vector<256x6xbf16> to vector<256x6xf32>
    %dot_general3A = arith.constant dense<0.000000e+00> : vector<512x6xf32>
    %dot_general3A_8 = tpu.matmul %mul3A_3, %convert_element_type3A_7, %dot_general3A {dimension_numbers = #tpu.dot_dimension_numbers<[1], [0], [0], [1], [0, 0, 1, 1], [], []>, precision = #tpu.contract_precision<fp32>, transpose_lhs_hint = false} : vector<512x256xf32>, vector<256x6xf32>, vector<512x6xf32> -> vector<512x6xf32>
    %get3A_9 = arith.constant 0 : index
    %get3A_10 = arith.constant 0 : index
    %get3A_11 = vector.load %arg2[%get3A_9, %get3A_10] : memref<1x6xf32, #tpu.memory_space<vmem>>, vector<1x6xf32>
    %add3A = vector.broadcast %get3A_11 : vector<1x6xf32> to vector<512x6xf32>
    %add3A_12 = arith.addf %dot_general3A_8, %add3A : vector<512x6xf32>
    %reduce_sum3A = arith.constant dense<0.000000e+00> : vector<6xf32>
    %reduce_sum3A_13 = vector.multi_reduction <add>, %add3A_12, %reduce_sum3A [0] : vector<512x6xf32> to vector<6xf32>
    %broadcast_in_dim3A = vector.shape_cast %reduce_sum3A_13 : vector<6xf32> to vector<1x6xf32>
    %div3A = arith.constant 5.120000e+02 : f32
    %div3A_14 = vector.broadcast %div3A : f32 to vector<1x6xf32>
    %div3A_15 = arith.divf %broadcast_in_dim3A, %div3A_14 : vector<1x6xf32>
    %convert_element_type3A_16 = arith.truncf %add3A_12 : vector<512x6xf32> to vector<512x6xbf16>
    %convert_element_type3A_17 = arith.extf %convert_element_type3A_16 : vector<512x6xbf16> to vector<512x6xf32>
    %convert_element_type3A_18 = arith.truncf %div3A_15 : vector<1x6xf32> to vector<1x6xbf16>
    %convert_element_type3A_19 = arith.extf %convert_element_type3A_18 : vector<1x6xbf16> to vector<1x6xf32>
    %mul3A_20 = vector.broadcast %convert_element_type3A_19 : vector<1x6xf32> to vector<512x6xf32>
    %mul3A_21 = arith.mulf %convert_element_type3A_17, %mul3A_20 : vector<512x6xf32>
    %reduce_sum3A_22 = arith.constant dense<0.000000e+00> : vector<512xf32>
    %reduce_sum3A_23 = vector.multi_reduction <add>, %mul3A_21, %reduce_sum3A_22 [1] : vector<512x6xf32> to vector<512xf32>
    %broadcast_in_dim3A_24 = vector.shape_cast %reduce_sum3A_23 : vector<512xf32> to vector<512x1xf32>
    %transpose3A = tpu.transpose %broadcast_in_dim3A_24, [1, 0] : vector<512x1xf32> -> vector<1x512xf32>
    %iota3A = tpu.iota {dimensions = array<i32: 0>} : vector<512x512xi32>
    %iota3A_25 = tpu.iota {dimensions = array<i32: 1>} : vector<512x512xi32>
    %gt3A = vector.broadcast %transpose3A : vector<1x512xf32> to vector<512x512xf32>
    %gt3A_26 = vector.broadcast %broadcast_in_dim3A_24 : vector<512x1xf32> to vector<512x512xf32>
    %gt3A_27 = arith.cmpf ogt, %gt3A, %gt3A_26 : vector<512x512xf32>
    %eq3A = vector.broadcast %transpose3A : vector<1x512xf32> to vector<512x512xf32>
    %eq3A_28 = vector.broadcast %broadcast_in_dim3A_24 : vector<512x1xf32> to vector<512x512xf32>
    %eq3A_29 = arith.cmpf oeq, %eq3A, %eq3A_28 : vector<512x512xf32>
    %lt3A = arith.cmpi slt, %iota3A_25, %iota3A : vector<512x512xi32>
    %and3A = arith.andi %eq3A_29, %lt3A : vector<512x512xi1>
    %or3A = arith.ori %gt3A_27, %and3A : vector<512x512xi1>
    %convert_element_type3A_30 = arith.extui %or3A : vector<512x512xi1> to vector<512x512xi32>
    %convert_element_type3A_31 = arith.sitofp %convert_element_type3A_30 : vector<512x512xi32> to vector<512x512xf32>
    %reduce_sum3A_32 = arith.constant dense<0.000000e+00> : vector<512xf32>
    %reduce_sum3A_33 = vector.multi_reduction <add>, %convert_element_type3A_31, %reduce_sum3A_32 [1] : vector<512x512xf32> to vector<512xf32>
    %broadcast_in_dim3A_34 = vector.shape_cast %reduce_sum3A_33 : vector<512xf32> to vector<512x1xf32>
    %get3A_35 = arith.constant 0 : index
    %get3A_36 = arith.constant 0 : index
    %get3A_37 = vector.load %arg3[%get3A_35, %get3A_36] : memref<1x6xf32, #tpu.memory_space<vmem>>, vector<1x6xf32>
    %convert_element_type3A_38 = arith.truncf %get3A_37 : vector<1x6xf32> to vector<1x6xbf16>
    %convert_element_type3A_39 = arith.extf %convert_element_type3A_38 : vector<1x6xbf16> to vector<1x6xf32>
    %mul3A_40 = vector.broadcast %convert_element_type3A_39 : vector<1x6xf32> to vector<512x6xf32>
    %mul3A_41 = arith.mulf %convert_element_type3A_17, %mul3A_40 : vector<512x6xf32>
    %reduce_sum3A_42 = arith.constant dense<0.000000e+00> : vector<512xf32>
    %reduce_sum3A_43 = vector.multi_reduction <add>, %mul3A_41, %reduce_sum3A_42 [1] : vector<512x6xf32> to vector<512xf32>
    %broadcast_in_dim3A_44 = vector.shape_cast %reduce_sum3A_43 : vector<512xf32> to vector<512x1xf32>
    %get3A_45 = arith.constant 0 : index
    %get3A_46 = arith.constant 0 : index
    %get3A_47 = vector.load %arg4[%get3A_45, %get3A_46] : memref<1x1xf32, #tpu.memory_space<vmem>>, vector<1x1xf32>
    %get3A_48 = vector.extract %get3A_47[0, 0] : f32 from vector<1x1xf32>
    %add3A_49 = vector.broadcast %get3A_48 : f32 to vector<512x1xf32>
    %add3A_50 = arith.addf %broadcast_in_dim3A_44, %add3A_49 : vector<512x1xf32>
    %get3A_51 = arith.constant 0 : index
    %get3A_52 = arith.constant 0 : index
    %get3A_53 = vector.load %arg5[%get3A_51, %get3A_52] : memref<512x6xf32, #tpu.memory_space<vmem>>, vector<512x6xf32>
    %convert_element_type3A_54 = arith.truncf %get3A_53 : vector<512x6xf32> to vector<512x6xbf16>
    %convert_element_type3A_55 = arith.extf %convert_element_type3A_54 : vector<512x6xbf16> to vector<512x6xf32>
    %mul3A_56 = vector.broadcast %convert_element_type3A_19 : vector<1x6xf32> to vector<512x6xf32>
    %mul3A_57 = arith.mulf %convert_element_type3A_55, %mul3A_56 : vector<512x6xf32>
    %reduce_sum3A_58 = arith.constant dense<0.000000e+00> : vector<512xf32>
    %reduce_sum3A_59 = vector.multi_reduction <add>, %mul3A_57, %reduce_sum3A_58 [1] : vector<512x6xf32> to vector<512xf32>
    %broadcast_in_dim3A_60 = vector.shape_cast %reduce_sum3A_59 : vector<512xf32> to vector<512x1xf32>
    %iota3A_61 = tpu.iota {dimensions = array<i32: 1>} : vector<512x128xi32>
    %convert_element_type3A_62 = arith.sitofp %iota3A_61 : vector<512x128xi32> to vector<512x128xf32>
    %eq3A_63 = vector.broadcast %broadcast_in_dim3A_34 : vector<512x1xf32> to vector<512x128xf32>
    %eq3A_64 = arith.cmpf oeq, %eq3A_63, %convert_element_type3A_62 : vector<512x128xf32>
    %convert_element_type3A_65 = arith.extui %eq3A_64 : vector<512x128xi1> to vector<512x128xi32>
    %convert_element_type3A_66 = arith.sitofp %convert_element_type3A_65 : vector<512x128xi32> to vector<512x128xf32>
    %iota3A_67 = tpu.iota {dimensions = array<i32: 0>} : vector<512x128xi32>
    %convert_element_type3A_68 = arith.sitofp %iota3A_67 : vector<512x128xi32> to vector<512x128xf32>
    %mul3A_69 = vector.broadcast %add3A_50 : vector<512x1xf32> to vector<512x128xf32>
    %mul3A_70 = arith.mulf %convert_element_type3A_66, %mul3A_69 : vector<512x128xf32>
    %reduce_sum3A_71 = arith.constant dense<0.000000e+00> : vector<128xf32>
    %reduce_sum3A_72 = vector.multi_reduction <add>, %mul3A_70, %reduce_sum3A_71 [0] : vector<512x128xf32> to vector<128xf32>
    %broadcast_in_dim3A_73 = vector.shape_cast %reduce_sum3A_72 : vector<128xf32> to vector<1x128xf32>
    %mul3A_74 = vector.broadcast %broadcast_in_dim3A_60 : vector<512x1xf32> to vector<512x128xf32>
    %mul3A_75 = arith.mulf %convert_element_type3A_66, %mul3A_74 : vector<512x128xf32>
    %reduce_sum3A_76 = arith.constant dense<0.000000e+00> : vector<128xf32>
    %reduce_sum3A_77 = vector.multi_reduction <add>, %mul3A_75, %reduce_sum3A_76 [0] : vector<512x128xf32> to vector<128xf32>
    %broadcast_in_dim3A_78 = vector.shape_cast %reduce_sum3A_77 : vector<128xf32> to vector<1x128xf32>
    %mul3A_79 = arith.mulf %convert_element_type3A_66, %convert_element_type3A_68 : vector<512x128xf32>
    %reduce_sum3A_80 = arith.constant dense<0.000000e+00> : vector<128xf32>
    %reduce_sum3A_81 = vector.multi_reduction <add>, %mul3A_79, %reduce_sum3A_80 [0] : vector<512x128xf32> to vector<128xf32>
    %broadcast_in_dim3A_82 = vector.shape_cast %reduce_sum3A_81 : vector<128xf32> to vector<1x128xf32>
    %iota3A_83 = tpu.iota {dimensions = array<i32: 1>} : vector<1x128xi32>
    %lt3A_84 = arith.constant 64 : i32
    %lt3A_85 = vector.broadcast %lt3A_84 : i32 to vector<1x128xi32>
    %lt3A_86 = arith.cmpi slt, %iota3A_83, %lt3A_85 : vector<1x128xi32>
    %jit3A = arith.constant -1.000000e+30 : f32
    %broadcast_in_dim3A_87 = vector.broadcast %jit3A : f32 to vector<1x128xf32>
    %select_n3A = arith.select %lt3A_86, %broadcast_in_dim3A_78, %broadcast_in_dim3A_87 : vector<1x128xi1>, vector<1x128xf32>
    %reduce_max3A = arith.constant dense<0xFF800000> : vector<1xf32>
    %reduce_max3A_88 = vector.multi_reduction <maximumf>, %select_n3A, %reduce_max3A [1] : vector<1x128xf32> to vector<1xf32>
    %broadcast_in_dim3A_89 = vector.shape_cast %reduce_max3A_88 : vector<1xf32> to vector<1x1xf32>
    %sub3A = vector.broadcast %broadcast_in_dim3A_89 : vector<1x1xf32> to vector<1x128xf32>
    %sub3A_90 = arith.subf %select_n3A, %sub3A : vector<1x128xf32>
    %exp3A = math.exp %sub3A_90 : vector<1x128xf32>
    %jit3A_91 = arith.constant 0.000000e+00 : f32
    %broadcast_in_dim3A_92 = vector.broadcast %jit3A_91 : f32 to vector<1x128xf32>
    %select_n3A_93 = arith.select %lt3A_86, %exp3A, %broadcast_in_dim3A_92 : vector<1x128xi1>, vector<1x128xf32>
    %reduce_sum3A_94 = arith.constant dense<0.000000e+00> : vector<1xf32>
    %reduce_sum3A_95 = vector.multi_reduction <add>, %select_n3A_93, %reduce_sum3A_94 [1] : vector<1x128xf32> to vector<1xf32>
    %broadcast_in_dim3A_96 = vector.shape_cast %reduce_sum3A_95 : vector<1xf32> to vector<1x1xf32>
    %div3A_97 = vector.broadcast %broadcast_in_dim3A_96 : vector<1x1xf32> to vector<1x128xf32>
    %div3A_98 = arith.divf %select_n3A_93, %div3A_97 : vector<1x128xf32>
    %swap3A = arith.constant 0 : index
    %swap3A_99 = arith.constant 0 : index
    %swap3A_100 = vector.load %arg6[%swap3A, %swap3A_99] : memref<512x6xf32, #tpu.memory_space<vmem>>, vector<512x6xf32>
    tpu.vector_store %arg6[%swap3A, %swap3A_99], %add3A_12 {strides = array<i32>} : memref<512x6xf32, #tpu.memory_space<vmem>>, vector<512x6xf32>,
    %swap3A_101 = arith.constant 0 : index
    %swap3A_102 = arith.constant 0 : index
    %swap3A_103 = vector.load %arg7[%swap3A_101, %swap3A_102] : memref<1x6xf32, #tpu.memory_space<vmem>>, vector<1x6xf32>
    tpu.vector_store %arg7[%swap3A_101, %swap3A_102], %div3A_15 {strides = array<i32>} : memref<1x6xf32, #tpu.memory_space<vmem>>, vector<1x6xf32>,
    %swap3A_104 = arith.constant 0 : index
    %swap3A_105 = arith.constant 0 : index
    %swap3A_106 = vector.load %arg8[%swap3A_104, %swap3A_105] : memref<1x128xf32, #tpu.memory_space<vmem>>, vector<1x128xf32>
    tpu.vector_store %arg8[%swap3A_104, %swap3A_105], %broadcast_in_dim3A_73 {strides = array<i32>} : memref<1x128xf32, #tpu.memory_space<vmem>>, vector<1x128xf32>,
    %slice3A = vector.extract_strided_slice %div3A_98 {offsets = [0, 0], sizes = [1, 64], strides = [1, 1]} : vector<1x128xf32> to vector<1x64xf32>
    %swap3A_107 = arith.constant 0 : index
    %swap3A_108 = arith.constant 0 : index
    %swap3A_109 = vector.load %arg9[%swap3A_107, %swap3A_108] : memref<1x64xf32, #tpu.memory_space<vmem>>, vector<1x64xf32>
    tpu.vector_store %arg9[%swap3A_107, %swap3A_108], %slice3A {strides = array<i32>} : memref<1x64xf32, #tpu.memory_space<vmem>>, vector<1x64xf32>,
    %slice3A_110 = vector.extract_strided_slice %broadcast_in_dim3A_82 {offsets = [0, 0], sizes = [1, 64], strides = [1, 1]} : vector<1x128xf32> to vector<1x64xf32>
    %convert_element_type3A_111 = arith.fptosi %slice3A_110 : vector<1x64xf32> to vector<1x64xi32>
    %swap3A_112 = arith.constant 0 : index
    %swap3A_113 = arith.constant 0 : index
    %swap3A_114 = vector.load %arg10[%swap3A_112, %swap3A_113] : memref<1x64xi32, #tpu.memory_space<vmem>>, vector<1x64xi32>
    tpu.vector_store %arg10[%swap3A_112, %swap3A_113], %convert_element_type3A_111 {strides = array<i32>} : memref<1x64xi32, #tpu.memory_space<vmem>>, vector<1x64xi32>,
    return
  }
}

</mosaic_0001>

<sc_bundles>
// kernel: kernel.4.cloned.1.call-start
scs
__scs_entry_jumppad:
0x0: {  	(pc) =	sbr.rel $0x88, $3  }
0x1: {  	(tag) =	ssettag $0x0;
	lr =	simm.s32 $0x1  }
0x2: {  	[smem:$0x3F9A] =	sst lr;
	_ =	strace $0xD0000000  }
0x3: {  	_ = 	snop  }
0x4: {  	_ = 	snop  }
0x5: {  	_ = 	snop  }
0x6: {  	_ = 	snop  }
0x7: {  	_ = 	snop  }
__scs_overlays_trampoline_lowered:
0x8: {  	[smem:$0x3FA9] =	sst s0  }
0x9: {  	[smem:$0x3FAA] =	sst s1  }
0xa: {  	[smem:$0x3FAB] =	sst s2  }
0xb: {  	[smem:$0x3FAC] =	sst s3  }
0xc: {  	[smem:$0x3FAD] =	sst s4  }
0xd: {  	[smem:$0x3FAE] =	sst s5  }
0xe: {  	[smem:$0x3FAF] =	sst s6  }
0xf: {  	[smem:$0x3FB0] =	sst s7  }
0x10: {  	[smem:$0x3FB1] =	sst s8  }
0x11: {  	[smem:$0x3FB2] =	sst s9;
	s0 =	simm.s32 @!p0 $0x0  }
0x12: {  	s1 =	sld [smem:$0x3F98];
	s0 =	simm.s32 @p0 $0x1  }
0x13: {  	[smem:$0x3FB3] =	sst s0;
	s0 =	simm.s32 @!p1 $0x0  }
0x14: {  	s2 =	sld [smem:$0x3F97];
	s0 =	simm.s32 @p1 $0x1  }
0x15: {  	[smem:$0x3FB4] =	sst s0;
	s0 =	simm.s32 @!p2 $0x0  }
0x16: {  	s3 =	sld [smem:$0x3FDB];
	s0 =	simm.s32 @p2 $0x1  }
0x17: {  	s4 =	simm.s32 $0x1BF5;
	[smem:$0x3FB6] =	sst s0  }
0x18: {  	s0 =	sld [smem:$0x3F99];
	_ =	swait.ge [sflag:s4], $0x0  }
0x19: {  	s7 =	sld [smem:$0x3F9A]  }
0x1a: {  	s8 =	sadd.s32 $0xFFFFE003, lr  }
0x1b: {  	s9 =	sadd.s32 $0xFFFFFEF7, lr;
	s5 =	simm.s32 $0xFFFFFFFF;
	p2 =	slt.u32 s8, $0xFFFFF086  }
0x1c: {  	p1 =	slt.u32 s9, $0xF7A;
	s5 =	simm.s32 @!p2 $0x0  }
0x1d: {  	s5 =	simm.s32 @p1 $0x1;
	p0 =	seq.s32 s7, s2  }
0x1e: {  	s7 =	smul.u32 @!p0 $0xF7A, s2;
	p2 =	seq.s32 @!p0 s5, $0x0  }
0x1f: {  	s9 =	smul.u32 $0xF7A, s1;
	s8 =	simm.s32 @!p0 $0x1BF5;
	p2 =	por !p2, p0  }
0x20: {  	[sflag:s8] =	ssyncset.s32 @!p0 $0xFFFFF086;
	s6 =	sadd.s32 @!p0 s3, s7;
	s7 =	simm.s32 @!p0 $0x108  }
0x21: {  	s3 =	sadd.s32 s3, s9;
	s6 =	sadd.s32 @!p0 $0x88, s6;
	s7 =	simm.s32 @p2 $0x1082  }
0x22: {  	[simem:s7], [sflag:s8] =	dma.local @!p0 [hbm:s6], $0xF7A  }
0x23: {  	s9 =	sor.u32 $0xD0000000, s2;
	s6 =	simm.s32 $0x108;
	_ =	swait.ge @!p0 [sflag:s8], $0x0  }
0x24: {  	s3 =	sadd.s32 $0x88, s3;
	s6 =	simm.s32 @!p1 $0x1082;
	[sflag:s4] =	ssyncset.s32 $0xFFFFF086  }
0x25: {  	[simem:s6], [sflag:s4] =	dma.local [hbm:s3], $0xF7A  }
0x26: {  	[smem:$0x3F9A] =	sst s1;
	(tag) =	ssettag s2;
	_ =	strace s9  }
0x27: {  	s1 =	sld [smem:$0x3FAA]  }
0x28: {  	s2 =	sld [smem:$0x3FAB]  }
0x29: {  	s4 =	sld [smem:$0x3FAD]  }
0x2a: {  	p0 =	seq.s32 s5, $0x0;
	s5 =	sld [smem:$0x3FAE]  }
0x2b: {  	s6 =	sld [smem:$0x3FAF]  }
0x2c: {  	s7 =	sld [smem:$0x3FB0]  }
0x2d: {  	s3 =	simm.s32 $0x108;
	s8 =	sld [smem:$0x3FB1]  }
0x2e: {  	s3 =	simm.s32 @!p0 $0x1082;
	s9 =	sld [smem:$0x3FB2]  }
0x2f: {  	lr =	sadd.s32 s0, s3;
	s0 =	sld [smem:$0x3FA9]  }
0x30: {  	s3 =	sld [smem:$0x3FAC]  }
0x31: {  	[smem:$0x3FB5] =	sst s10  }
0x32: {  	s10 =	sld [smem:$0x3FB3];
	_ =	sdelay $0x3  }
0x33: {  	p0 =	seq.s32 s10, $0x1;
	s10 =	sld [smem:$0x3FB5];
	_ =	sdelay $0x3  }
0x34: {  	[smem:$0x3FB5] =	sst s10  }
0x35: {  	s10 =	sld [smem:$0x3FB4];
	_ =	sdelay $0x3  }
0x36: {  	p1 =	seq.s32 s10, $0x1;
	s10 =	sld [smem:$0x3FB5];
	_ =	sdelay $0x3  }
0x37: {  	[smem:$0x3FB5] =	sst s10  }
0x38: {  	s10 =	sld [smem:$0x3FB6]  }
0x39: {  	_ = 	snop;
	(pc) =	sbr.ind lr, $3  }
0x3a: {  	_ = 	snop  }
0x3b: {  	_ = 	snop  }
0x3c: {  	p2 =	seq.s32 s10, $0x1;
	s10 =	sld [smem:$0x3FB5]  }
0x3d: {  	_ =	shalt  }
0x3e: {  	_ =	shalt  }
0x3f: {  	_ =	shalt  }
0x40: {  	_ =	shalt  }
0x41: {  	_ =	shalt  }
0x42: {  	_ =	shalt  }
0x43: {  	_ =	shalt  }
0x44: {  	_ =	shalt  }
0x45: {  	_ =	shalt  }
0x46: {  	_ =	shalt  }
0x47: {  	_ =	shalt  }
0x48: {  	_ =	shalt  }
0x49: {  	_ =	shalt  }
0x4a: {  	_ =	shalt  }
0x4b: {  	_ =	shalt  }
0x4c: {  	_ =	shalt  }
0x4d: {  	_ =	shalt  }
0x4e: {  	_ =	shalt  }
0x4f: {  	_ =	shalt  }
0x50: {  	_ =	shalt  }
0x51: {  	_ =	shalt  }
0x52: {  	_ =	shalt  }
0x53: {  	_ =	shalt  }
0x54: {  	_ =	shalt  }
0x55: {  	_ =	shalt  }
0x56: {  	_ =	shalt  }
0x57: {  	_ =	shalt  }
0x58: {  	_ =	shalt  }
0x59: {  	_ =	shalt  }
0x5a: {  	_ =	shalt  }
0x5b: {  	_ =	shalt  }
0x5c: {  	_ =	shalt  }
0x5d: {  	_ =	shalt  }
0x5e: {  	_ =	shalt  }
0x5f: {  	_ =	shalt  }
0x60: {  	_ =	shalt  }
0x61: {  	_ =	shalt  }
0x62: {  	_ =	shalt  }
0x63: {  	_ =	shalt  }
0x64: {  	_ =	shalt  }
0x65: {  	_ =	shalt  }
0x66: {  	_ =	shalt  }
0x67: {  	_ =	shalt  }
0x68: {  	_ =	shalt  }
0x69: {  	_ =	shalt  }
0x6a: {  	_ =	shalt  }
0x6b: {  	_ =	shalt  }
0x6c: {  	_ =	shalt  }
0x6d: {  	_ =	shalt  }
0x6e: {  	_ =	shalt  }
0x6f: {  	_ =	shalt  }
0x70: {  	_ =	shalt  }
0x71: {  	_ =	shalt  }
0x72: {  	_ =	shalt  }
0x73: {  	_ =	shalt  }
0x74: {  	_ =	shalt  }
0x75: {  	_ =	shalt  }
0x76: {  	_ =	shalt  }
0x77: {  	_ =	shalt  }
0x78: {  	_ =	shalt  }
0x79: {  	_ =	shalt  }
0x7a: {  	_ =	shalt  }
0x7b: {  	_ =	shalt  }
0x7c: {  	_ =	shalt  }
0x7d: {  	_ =	shalt  }
0x7e: {  	_ =	shalt  }
0x7f: {  	_ =	shalt  }
0x80: {  	_ =	shalt  }
0x81: {  	_ =	shalt  }
0x82: {  	_ =	shalt  }
0x83: {  	_ =	shalt  }
0x84: {  	_ =	shalt  }
0x85: {  	_ =	shalt  }
0x86: {  	_ =	shalt  }
0x87: {  	_ =	shalt  }
.Lfunc_end0:
.L_simem_size_0:
called_computation_lowered:
.L_overlay_start_0:
0x88: {  	s2 =	sld [smem:$0x3FD9]  }
0x89: {  	s3 =	sld [smem:$0x3FFE];
	_ =	sdelay $0x1  }
0x8a: {  	s1 =	srdreg.scid  }
0x8b: {  	s0 =	sand.u32 $0x1, s1  }
0x8c: {  	s17 =	sshll.u32 s0, $0xA;
	s2 =	sadd.s32 s3, s2  }
0x8d: {  	s2 =	sadd.s32 s2, s17  }
0x8e: {  	[smem:$0x3FC1] =	sst s2  }
0x8f: {  	_ = 	snop  }
0x90: {  	s2 =	sld [smem:$0x3FC8];
	(tm) =	ssettm $0x1  }
0x91: {  	s18 =	sld [smem:$0x3FFB];
	_ =	sdelay $0x3  }
0x92: {  	_ =	strace s18  }
0x93: {  	s3 =	sld [smem:$0x3FFC];
	_ =	sdelay $0x3  }
0x94: {  	_ =	strace s3  }
0x95: {  	s3 =	sld [smem:$0x3FFD];
	_ =	sdelay $0x3  }
0x96: {  	_ =	strace s3  }
0x97: {  	_ =	strace $0x8FFFFFFF  }
0x98: {  	s19 =	sld [smem:$0x3FDB];
	_ =	sdelay $0x1  }
0x99: {  	s4 =	simm.s32 $_scs_section_size  }
0x9a: {  	s5 =	simm.s32 $_size__tile_overlayer_lowered;
	s6 =	simm.s32 $_tile_overlayer_lowered  }
0x9b: {  	s22 =	simm.s32 $0x1BFF;
	s21 =	sshll.u32 s6, $0x1;
	s3 =	sadd.s32 s4, s19  }
0x9c: {  	s7 =	simm.s32 $0x0;
	s20 =	sshll.u32 s5, $0x1;
	s5 =	sadd.s32 s21, s3  }
0x9d: {  	[timem:s7], [sflag:s22] =	dma.local [hbm:s5], s20  }
0x9e: {  	_ =	swait.ge [sflag:s22], s20  }
0x9f: {  	s4 =	ssub.s32 $0x0, s20;
	[sflag:s22] =	ssyncset.done $0x0  }
0xa0: {  	[sflag:s22] =	ssyncadd.s32 s4;
	_ =	sdelay $0x1  }
0xa1: {  	s23 =	simm.s32 $0x1B8B  }
0xa2: {  	_ =	swait.ge [sflag:s23], $0x1  }
0xa3: {  	[sflag:s23] =	ssyncset.done $0x0  }
0xa4: {  	s25 =	simm.s32 $0x1B8E;
	s24 =	sld [smem:$0x3FFE];
	[sflag:s23] =	ssyncadd.s32 $0xFFFFFFFF  }
0xa5: {  	s26 =	simm.s32 $execute0_lowered;
	[smem:$0x3FD2] =	sst s25  }
0xa6: {  	s5 =	sshll.u32 s26, $0x1;
	_ =	strace $0x80000046;
	[dreg:$0x1] =	wrdreg $0xFFFFFFFF  }
0xa7: {  	s28 =	simm.s32 $_size_execute0_lowered;
	s3 =	sadd.s32 s3, s5;
	[dreg:$0x0] =	wrdreg $0x0  }
0xa8: {  	s5 =	sshll.u32 s28, $0x1;
	[dreg:$0x2] =	wrdreg s3  }
0xa9: {  	[dreg:$0x3] =	wrdreg s5  }
0xaa: {  	[dreg:$0x4] =	wrdreg $0xC0  }
0xab: {  	_ =	task [dreg:s7], $0x5FFFF  }
0xac: {  	[dreg:$0x1] =	wrdreg $0xFFFFFFFF  }
0xad: {  	[dreg:$0x0] =	wrdreg $0x60  }
0xae: {  	[dreg:$0x2] =	wrdreg s24  }
0xaf: {  	[dreg:$0x3] =	wrdreg s2  }
0xb0: {  	[dreg:$0x4] =	wrdreg $0x9  }
0xb1: {  	_ =	task.clear_ibuf [dreg:s7], $0x5FFFF;
	_ =	strace $0x90000046  }
0xb2: {  	s29 =	simm.s32 $0x9;
	_ =	strace $0x80000048  }
0xb3: {  	_ =	swait.ge [sflag:s29], $0x1  }
0xb4: {  	[sflag:s29] =	ssyncadd.s32 $0xFFFFFFFF  }
0xb5: {  	_ =	strace $0x90000048  }
0xb6: {  	_ =	sfence  }
0xb7: {  	s30 =	sld [smem:$0x0];
	_ =	sdelay $0x2  }
0xb8: {  	s31 =	sshll.u32 s1, $0xD;
	s1 =	sshrl.u32 s1, $0x2  }
0xb9: {  	s3 =	sand.u32 $0x4000, s31;
	s1 =	sadd.s32 s1, s30  }
0xba: {  	s0 =	sor.u32 s3, s0;
	s1 =	sshll.u32 s1, $0x11  }
0xbb: {  	s0 =	sor.u32 s1, s0  }
0xbc: {  	s0 =	sadd.s32 $0x8F2B, s0  }
0xbd: {  	[sflag:s0] =	ssyncadd.remote.s32 $0x1  }
0xbe: {  	_ =	sfence.sel $0xFFFF  }
0xbf: {  	[dreg:$0x0] =	wrdreg $0xFFFFFFFF;
	(pc) =	sbr.abs _section_cstart, $3  }
0xc0: {  	[dreg:$0x1] =	wrdreg $0xFFFFFFFF  }
0xc1: {  	_ =	task.clear_ibuf [dreg:s7], $0x2FFFF;
	_ =	strace $0x9FFFFFFF  }
0xc2: {  	(tm) =	ssettm $0x7FFFFFFF  }
0xc3: {  	_ =	shalt  }
tec
execute0_lowered:
.L_overlay_start_1:
0x0: {  	(tag) =	ssettag $0x1  }
0x1: {  	s0 =	rddreg [dreg:$0x0]  }
0x2: {  	s1 =	rddreg [dreg:$0x1]  }
0x3: {  	s2 =	srdreg.scid;
	s3 =	simm.s32 $0x0;
	s5 =	stileid.u32  }
0x4: {  	s9 =	simm.s32 $0x4;
	s28 =	simm.s32 $0x8C00;
	s29 =	simm.s32 $0x9400  }
0x5: {  	s30 =	simm.s32 $0x9C00;
	s31 =	simm.s32 $0xA400;
	s7 =	simm.s32 $0xBC00  }
0x6: {  	s8 =	simm.s32 $0xC400;
	s6 =	simm.s32 $0xDC00;
	s10 =	simm.s32 $0xE400  }
0x7: {  	s11 =	simm.s32 $0xEC00;
	s12 =	simm.s32 $0xF400;
	s13 =	simm.s32 $0xFC00  }
0x8: {  	s14 =	simm.s32 $0x1;
	s15 =	simm.s32 $0x2;
	s2 =	sand.u32 $0x1, s2  }
0x9: {  	s16 =	simm.s32 $0x3;
	s17 =	simm.s32 $0x0;
	s4 =	sshll.u32 s2, $0x4  }
0xa: {  	[smem:$0x7FF] =	sst s3;
	s2 =	ssub.s32 $0x2, s2;
	s4 =	sor.u32 s5, s4  }
0xb: {  	_ =	strace $0x80000047;
	s24 =	sshrl.u32 s2, $0x1;
	s5 =	sshll.u32 s4, $0x5  }
0xc: {  	s4 =	sshll.u32 s4, $0x9;
	s2 =	ssub.s32 s2, s24;
	s5 =	sadd.s32 s5, s0  }
0xd: {  	s0 =	sadd.s32 s4, s0;
	s26 =	smax.u32 s2, $0x1;
	s2 =	simm.s32 $0xB400  }
0xe: {  	v2 =	vlaneseq.u32;
	s4 =	simm.s32 $0xCC00;
	s25 =	sadd.s32 $0x1000, s5;
	[dreg:$0x5] =	wrdreg s26  }
0xf: {  	vm0 =	vmmov $0xffff;
	v1 =	vshrl.u32 v2, $0x3;
	s0 =	sadd.s32 $0x2000, s0;
	s26 =	simm.s32 $0x8400;
	[dreg:$0x3] =	wrdreg s25  }
0x10: {  	v0 =	vand.u32 $0x7, v2;
	v2 =	vor.u32 $0x8, v2;
	v1 =	vmul.u32 $0x8, v1;
	s5 =	simm.s32 $0xD400;
	[dreg:$0x4] =	wrdreg s0;
	s0 =	simm.s32 $0xAC00  }
.LBB2_1:
0x11: {  	s18 =	rddreg [dreg:$0x3];
	s19 =	simm.s32 $0x100;
	s20 =	simm.s32 $0x2000  }
0x12: {  	[tilespmem:s3], [sflag:$0x4] =	stream.strided.gather [hbm4b:s18+s19], $0x400, s20, s19, $0x38;
	[tilespmem:$0x19400] =	vst v63  }
0x13: {  	_ =	swait.ge [sflag:s9], $0x400  }
0x14: {  	[sflag:s9] =	ssyncset.done $0x0  }
0x15: {  	[sflag:s9] =	ssyncadd.s32 $0xFFFFFC00  }
0x16: {  	v3 =	vld [tilespmem:$0x0];
	_ =	sdelay $0x4  }
0x17: {  	v4 =	vshll.u32 v3, $0x1  }
0x18: {  	v3 =	vand.u32 $0x7, v3;
	v4 =	vand.u32 $0xFFFFFFF0, v4  }
0x19: {  	v3 =	vor.u32 v3, v4  }
0x1a: {  	v4 =	vperm.xlane v3, v0;
	_ =	sdelay $0x1  }
0x1b: {  	v3 =	vperm.xlane v3, v2;
	v4 =	vadd.s32 v1, v4;
	_ =	sdelay $0x1  }
0x1c: {  	v3 =	vadd.s32 v1, v3;
	_ =	sdelay $0x1  }
0x1d: {  	s22 =	simm.s32 $0x400  }
0x1e: {  	[tilespmem:s22], [sflag:$0x1] =	stream.indirect_vreg.gather [hbm4b:s1+s3], $0x80, v4, vm0, $0xb8;
	[tilespmem:$0x19400] =	vst v63  }
0x1f: {  	s23 =	simm.s32 $0xC00  }
0x20: {  	[tilespmem:s23], [sflag:$0x1] =	stream.indirect_vreg.gather [hbm4b:s1+s3], $0x80, v3, vm0, $0xb8;
	[tilespmem:$0x19400] =	vst v63  }
0x21: {  	v3 =	vld [tilespmem:$0x10];
	_ =	sdelay $0x4  }
0x22: {  	v41 =	vshll.u32 v3, $0x1  }
0x23: {  	v3 =	vand.u32 $0x7, v3;
	v4 =	vand.u32 $0xFFFFFFF0, v41  }
0x24: {  	v3 =	vor.u32 v3, v4  }
0x25: {  	v4 =	vperm.xlane v3, v0;
	_ =	sdelay $0x1  }
0x26: {  	v3 =	vperm.xlane v3, v2;
	v4 =	vadd.s32 v1, v4;
	_ =	sdelay $0x1  }
0x27: {  	v3 =	vadd.s32 v1, v3;
	_ =	sdelay $0x1  }
0x28: {  	s24 =	simm.s32 $0x1400  }
0x29: {  	[tilespmem:s24], [sflag:$0x1] =	stream.indirect_vreg.gather [hbm4b:s1+s3], $0x80, v4, vm0, $0xb8;
	[tilespmem:$0x19400] =	vst v63  }
0x2a: {  	s25 =	simm.s32 $0x1C00  }
0x2b: {  	[tilespmem:s25], [sflag:$0x1] =	stream.indirect_vreg.gather [hbm4b:s1+s3], $0x80, v3, vm0, $0xb8;
	[tilespmem:$0x19400] =	vst v63  }
0x2c: {  	v3 =	vld [tilespmem:$0x20];
	_ =	sdelay $0x4  }
0x2d: {  	v42 =	vshll.u32 v3, $0x1  }
0x2e: {  	v3 =	vand.u32 $0x7, v3;
	v4 =	vand.u32 $0xFFFFFFF0, v42  }
0x2f: {  	v3 =	vor.u32 v3, v4  }
0x30: {  	v4 =	vperm.xlane v3, v0;
	_ =	sdelay $0x1  }
0x31: {  	v3 =	vperm.xlane v3, v2;
	v4 =	vadd.s32 v1, v4;
	_ =	sdelay $0x1  }
0x32: {  	v3 =	vadd.s32 v1, v3;
	_ =	sdelay $0x1  }
0x33: {  	s19 =	simm.s32 $0x2400  }
0x34: {  	[tilespmem:s19], [sflag:$0x1] =	stream.indirect_vreg.gather [hbm4b:s1+s3], $0x80, v4, vm0, $0xb8;
	[tilespmem:$0x19400] =	vst v63  }
0x35: {  	s20 =	simm.s32 $0x2C00  }
0x36: {  	[tilespmem:s20], [sflag:$0x1] =	stream.indirect_vreg.gather [hbm4b:s1+s3], $0x80, v3, vm0, $0xb8;
	[tilespmem:$0x19400] =	vst v63  }
0x37: {  	v3 =	vld [tilespmem:$0x30];
	_ =	sdelay $0x4  }
0x38: {  	v43 =	vshll.u32 v3, $0x1  }
0x39: {  	v3 =	vand.u32 $0x7, v3;
	v4 =	vand.u32 $0xFFFFFFF0, v43  }
0x3a: {  	v3 =	vor.u32 v3, v4  }
0x3b: {  	v4 =	vperm.xlane v3, v0;
	_ =	sdelay $0x1  }
0x3c: {  	v3 =	vperm.xlane v3, v2;
	v4 =	vadd.s32 v1, v4;
	_ =	sdelay $0x1  }
0x3d: {  	v3 =	vadd.s32 v1, v3;
	_ =	sdelay $0x1  }
0x3e: {  	s21 =	simm.s32 $0x3400  }
0x3f: {  	[tilespmem:s21], [sflag:$0x1] =	stream.indirect_vreg.gather [hbm4b:s1+s3], $0x80, v4, vm0, $0xb8;
	[tilespmem:$0x19400] =	vst v63  }
0x40: {  	s22 =	simm.s32 $0x3C00  }
0x41: {  	[tilespmem:s22], [sflag:$0x1] =	stream.indirect_vreg.gather [hbm4b:s1+s3], $0x80, v3, vm0, $0xb8;
	[tilespmem:$0x19400] =	vst v63  }
0x42: {  	v3 =	vld [tilespmem:$0x40];
	_ =	sdelay $0x4  }
0x43: {  	v44 =	vshll.u32 v3, $0x1  }
0x44: {  	v3 =	vand.u32 $0x7, v3;
	v4 =	vand.u32 $0xFFFFFFF0, v44  }
0x45: {  	v3 =	vor.u32 v3, v4  }
0x46: {  	v4 =	vperm.xlane v3, v0;
	_ =	sdelay $0x1  }
0x47: {  	v3 =	vperm.xlane v3, v2;
	v4 =	vadd.s32 v1, v4;
	_ =	sdelay $0x1  }
0x48: {  	v3 =	vadd.s32 v1, v3;
	_ =	sdelay $0x1  }
0x49: {  	s23 =	simm.s32 $0x4400  }
0x4a: {  	[tilespmem:s23], [sflag:$0x1] =	stream.indirect_vreg.gather [hbm4b:s1+s3], $0x80, v4, vm0, $0xb8;
	[tilespmem:$0x19400] =	vst v63  }
0x4b: {  	s24 =	simm.s32 $0x4C00  }
0x4c: {  	[tilespmem:s24], [sflag:$0x1] =	stream.indirect_vreg.gather [hbm4b:s1+s3], $0x80, v3, vm0, $0xb8;
	[tilespmem:$0x19400] =	vst v63  }
0x4d: {  	v3 =	vld [tilespmem:$0x50];
	_ =	sdelay $0x4  }
0x4e: {  	v45 =	vshll.u32 v3, $0x1  }
0x4f: {  	v3 =	vand.u32 $0x7, v3;
	v4 =	vand.u32 $0xFFFFFFF0, v45  }
0x50: {  	v3 =	vor.u32 v3, v4  }
0x51: {  	v4 =	vperm.xlane v3, v0;
	_ =	sdelay $0x1  }
0x52: {  	v3 =	vperm.xlane v3, v2;
	v4 =	vadd.s32 v1, v4;
	_ =	sdelay $0x1  }
0x53: {  	v3 =	vadd.s32 v1, v3;
	_ =	sdelay $0x1  }
0x54: {  	s25 =	simm.s32 $0x5400  }
0x55: {  	[tilespmem:s25], [sflag:$0x1] =	stream.indirect_vreg.gather [hbm4b:s1+s3], $0x80, v4, vm0, $0xb8;
	[tilespmem:$0x19400] =	vst v63  }
0x56: {  	s19 =	simm.s32 $0x5C00  }
0x57: {  	[tilespmem:s19], [sflag:$0x1] =	stream.indirect_vreg.gather [hbm4b:s1+s3], $0x80, v3, vm0, $0xb8;
	[tilespmem:$0x19400] =	vst v63  }
0x58: {  	v3 =	vld [tilespmem:$0x60];
	_ =	sdelay $0x4  }
0x59: {  	v46 =	vshll.u32 v3, $0x1  }
0x5a: {  	v3 =	vand.u32 $0x7, v3;
	v4 =	vand.u32 $0xFFFFFFF0, v46  }
0x5b: {  	v3 =	vor.u32 v3, v4  }
0x5c: {  	v4 =	vperm.xlane v3, v0;
	_ =	sdelay $0x1  }
0x5d: {  	v3 =	vperm.xlane v3, v2;
	v4 =	vadd.s32 v1, v4;
	_ =	sdelay $0x1  }
0x5e: {  	v3 =	vadd.s32 v1, v3;
	_ =	sdelay $0x1  }
0x5f: {  	s20 =	simm.s32 $0x6400  }
0x60: {  	[tilespmem:s20], [sflag:$0x1] =	stream.indirect_vreg.gather [hbm4b:s1+s3], $0x80, v4, vm0, $0xb8;
	[tilespmem:$0x19400] =	vst v63  }
0x61: {  	s21 =	simm.s32 $0x6C00  }
0x62: {  	[tilespmem:s21], [sflag:$0x1] =	stream.indirect_vreg.gather [hbm4b:s1+s3], $0x80, v3, vm0, $0xb8;
	[tilespmem:$0x19400] =	vst v63  }
0x63: {  	v3 =	vld [tilespmem:$0x70];
	_ =	sdelay $0x4  }
0x64: {  	v47 =	vshll.u32 v3, $0x1  }
0x65: {  	v3 =	vand.u32 $0x7, v3;
	v4 =	vand.u32 $0xFFFFFFF0, v47  }
0x66: {  	v3 =	vor.u32 v3, v4  }
0x67: {  	v4 =	vperm.xlane v3, v0;
	_ =	sdelay $0x1  }
0x68: {  	v3 =	vperm.xlane v3, v2;
	v4 =	vadd.s32 v1, v4;
	_ =	sdelay $0x1  }
0x69: {  	v3 =	vadd.s32 v1, v3;
	_ =	sdelay $0x1  }
0x6a: {  	s22 =	simm.s32 $0x7400  }
0x6b: {  	[tilespmem:s22], [sflag:$0x1] =	stream.indirect_vreg.gather [hbm4b:s1+s3], $0x80, v4, vm0, $0xb8;
	[tilespmem:$0x19400] =	vst v63  }
0x6c: {  	s23 =	simm.s32 $0x7C00  }
0x6d: {  	[tilespmem:s23], [sflag:$0x1] =	stream.indirect_vreg.gather [hbm4b:s1+s3], $0x80, v3, vm0, $0xb8;
	[tilespmem:$0x19400] =	vst v63  }
0x6e: {  	v3 =	vld [tilespmem:$0x80];
	_ =	sdelay $0x4  }
0x6f: {  	v48 =	vshll.u32 v3, $0x1  }
0x70: {  	v3 =	vand.u32 $0x7, v3;
	v4 =	vand.u32 $0xFFFFFFF0, v48  }
0x71: {  	v3 =	vor.u32 v3, v4  }
0x72: {  	v4 =	vperm.xlane v3, v0;
	_ =	sdelay $0x1  }
0x73: {  	v3 =	vperm.xlane v3, v2;
	v4 =	vadd.s32 v1, v4;
	_ =	sdelay $0x1  }
0x74: {  	v3 =	vadd.s32 v1, v3;
	_ =	sdelay $0x2  }
0x75: {  	[tilespmem:s26], [sflag:$0x2] =	stream.indirect_vreg.gather [hbm4b:s1+s3], $0x80, v4, vm0, $0xb8;
	[tilespmem:$0x19400] =	vst v63  }
0x76: {  	_ = 	snop  }
0x77: {  	[tilespmem:s28], [sflag:$0x2] =	stream.indirect_vreg.gather [hbm4b:s1+s3], $0x80, v3, vm0, $0xb8;
	[tilespmem:$0x19400] =	vst v63  }
0x78: {  	v3 =	vld [tilespmem:$0x90];
	_ =	sdelay $0x4  }
0x79: {  	v49 =	vshll.u32 v3, $0x1  }
0x7a: {  	v3 =	vand.u32 $0x7, v3;
	v4 =	vand.u32 $0xFFFFFFF0, v49  }
0x7b: {  	v3 =	vor.u32 v3, v4  }
0x7c: {  	v4 =	vperm.xlane v3, v0;
	_ =	sdelay $0x1  }
0x7d: {  	v3 =	vperm.xlane v3, v2;
	v4 =	vadd.s32 v1, v4;
	_ =	sdelay $0x1  }
0x7e: {  	v3 =	vadd.s32 v1, v3;
	_ =	sdelay $0x2  }
0x7f: {  	[tilespmem:s29], [sflag:$0x2] =	stream.indirect_vreg.gather [hbm4b:s1+s3], $0x80, v4, vm0, $0xb8;
	[tilespmem:$0x19400] =	vst v63  }
0x80: {  	_ = 	snop  }
0x81: {  	[tilespmem:s30], [sflag:$0x2] =	stream.indirect_vreg.gather [hbm4b:s1+s3], $0x80, v3, vm0, $0xb8;
	[tilespmem:$0x19400] =	vst v63  }
0x82: {  	v3 =	vld [tilespmem:$0xA0];
	_ =	sdelay $0x4  }
0x83: {  	v50 =	vshll.u32 v3, $0x1  }
0x84: {  	v3 =	vand.u32 $0x7, v3;
	v4 =	vand.u32 $0xFFFFFFF0, v50  }
0x85: {  	v3 =	vor.u32 v3, v4  }
0x86: {  	v4 =	vperm.xlane v3, v0;
	_ =	sdelay $0x1  }
0x87: {  	v3 =	vperm.xlane v3, v2;
	v4 =	vadd.s32 v1, v4;
	_ =	sdelay $0x1  }
0x88: {  	v3 =	vadd.s32 v1, v3;
	_ =	sdelay $0x2  }
0x89: {  	[tilespmem:s31], [sflag:$0x2] =	stream.indirect_vreg.gather [hbm4b:s1+s3], $0x80, v4, vm0, $0xb8;
	[tilespmem:$0x19400] =	vst v63  }
0x8a: {  	_ = 	snop  }
0x8b: {  	[tilespmem:s0], [sflag:$0x2] =	stream.indirect_vreg.gather [hbm4b:s1+s3], $0x80, v3, vm0, $0xb8;
	[tilespmem:$0x19400] =	vst v63  }
0x8c: {  	v3 =	vld [tilespmem:$0xB0];
	_ =	sdelay $0x4  }
0x8d: {  	v51 =	vshll.u32 v3, $0x1  }
0x8e: {  	v3 =	vand.u32 $0x7, v3;
	v4 =	vand.u32 $0xFFFFFFF0, v51  }
0x8f: {  	v3 =	vor.u32 v3, v4  }
0x90: {  	v4 =	vperm.xlane v3, v0;
	_ =	sdelay $0x1  }
0x91: {  	v3 =	vperm.xlane v3, v2;
	v4 =	vadd.s32 v1, v4;
	_ =	sdelay $0x1  }
0x92: {  	v3 =	vadd.s32 v1, v3;
	_ =	sdelay $0x2  }
0x93: {  	[tilespmem:s2], [sflag:$0x2] =	stream.indirect_vreg.gather [hbm4b:s1+s3], $0x80, v4, vm0, $0xb8;
	[tilespmem:$0x19400] =	vst v63  }
0x94: {  	_ = 	snop  }
0x95: {  	[tilespmem:s7], [sflag:$0x2] =	stream.indirect_vreg.gather [hbm4b:s1+s3], $0x80, v3, vm0, $0xb8;
	[tilespmem:$0x19400] =	vst v63  }
0x96: {  	v3 =	vld [tilespmem:$0xC0];
	_ =	sdelay $0x4  }
0x97: {  	v52 =	vshll.u32 v3, $0x1  }
0x98: {  	v3 =	vand.u32 $0x7, v3;
	v4 =	vand.u32 $0xFFFFFFF0, v52  }
0x99: {  	v3 =	vor.u32 v3, v4  }
0x9a: {  	v4 =	vperm.xlane v3, v0;
	_ =	sdelay $0x1  }
0x9b: {  	v3 =	vperm.xlane v3, v2;
	v4 =	vadd.s32 v1, v4;
	_ =	sdelay $0x1  }
0x9c: {  	v3 =	vadd.s32 v1, v3;
	_ =	sdelay $0x2  }
0x9d: {  	[tilespmem:s8], [sflag:$0x2] =	stream.indirect_vreg.gather [hbm4b:s1+s3], $0x80, v4, vm0, $0xb8;
	[tilespmem:$0x19400] =	vst v63  }
0x9e: {  	_ = 	snop  }
0x9f: {  	[tilespmem:s4], [sflag:$0x2] =	stream.indirect_vreg.gather [hbm4b:s1+s3], $0x80, v3, vm0, $0xb8;
	[tilespmem:$0x19400] =	vst v63  }
0xa0: {  	v3 =	vld [tilespmem:$0xD0];
	_ =	sdelay $0x4  }
0xa1: {  	v53 =	vshll.u32 v3, $0x1  }
0xa2: {  	v3 =	vand.u32 $0x7, v3;
	v4 =	vand.u32 $0xFFFFFFF0, v53  }
0xa3: {  	v3 =	vor.u32 v3, v4  }
0xa4: {  	v4 =	vperm.xlane v3, v0;
	_ =	sdelay $0x1  }
0xa5: {  	v3 =	vperm.xlane v3, v2;
	v4 =	vadd.s32 v1, v4;
	_ =	sdelay $0x1  }
0xa6: {  	v3 =	vadd.s32 v1, v3;
	_ =	sdelay $0x2  }
0xa7: {  	[tilespmem:s5], [sflag:$0x2] =	stream.indirect_vreg.gather [hbm4b:s1+s3], $0x80, v4, vm0, $0xb8;
	[tilespmem:$0x19400] =	vst v63  }
0xa8: {  	_ = 	snop  }
0xa9: {  	[tilespmem:s6], [sflag:$0x2] =	stream.indirect_vreg.gather [hbm4b:s1+s3], $0x80, v3, vm0, $0xb8;
	[tilespmem:$0x19400] =	vst v63  }
0xaa: {  	v3 =	vld [tilespmem:$0xE0];
	_ =	sdelay $0x4  }
0xab: {  	v54 =	vshll.u32 v3, $0x1  }
0xac: {  	v3 =	vand.u32 $0x7, v3;
	v4 =	vand.u32 $0xFFFFFFF0, v54  }
0xad: {  	v3 =	vor.u32 v3, v4  }
0xae: {  	v4 =	vperm.xlane v3, v0;
	_ =	sdelay $0x1  }
0xaf: {  	v3 =	vperm.xlane v3, v2;
	v4 =	vadd.s32 v1, v4;
	_ =	sdelay $0x1  }
0xb0: {  	v3 =	vadd.s32 v1, v3;
	_ =	sdelay $0x2  }
0xb1: {  	[tilespmem:s10], [sflag:$0x2] =	stream.indirect_vreg.gather [hbm4b:s1+s3], $0x80, v4, vm0, $0xb8;
	[tilespmem:$0x19400] =	vst v63  }
0xb2: {  	_ = 	snop  }
0xb3: {  	[tilespmem:s11], [sflag:$0x2] =	stream.indirect_vreg.gather [hbm4b:s1+s3], $0x80, v3, vm0, $0xb8;
	[tilespmem:$0x19400] =	vst v63  }
0xb4: {  	v3 =	vld [tilespmem:$0xF0];
	_ =	sdelay $0x4  }
0xb5: {  	v55 =	vshll.u32 v3, $0x1  }
0xb6: {  	v3 =	vand.u32 $0x7, v3;
	v4 =	vand.u32 $0xFFFFFFF0, v55  }
0xb7: {  	v3 =	vor.u32 v3, v4  }
0xb8: {  	v4 =	vperm.xlane v3, v0;
	_ =	sdelay $0x1  }
0xb9: {  	v3 =	vperm.xlane v3, v2;
	v4 =	vadd.s32 v1, v4;
	_ =	sdelay $0x1  }
0xba: {  	v3 =	vadd.s32 v1, v3;
	_ =	sdelay $0x2  }
0xbb: {  	[tilespmem:s12], [sflag:$0x2] =	stream.indirect_vreg.gather [hbm4b:s1+s3], $0x80, v4, vm0, $0xb8;
	[tilespmem:$0x19400] =	vst v63  }
0xbc: {  	_ = 	snop  }
0xbd: {  	[tilespmem:s13], [sflag:$0x2] =	stream.indirect_vreg.gather [hbm4b:s1+s3], $0x80, v3, vm0, $0xb8;
	[tilespmem:$0x19400] =	vst v63  }
0xbe: {  	v3 =	vld [tilespmem:$0x100];
	_ =	sdelay $0x4  }
0xbf: {  	v56 =	vshll.u32 v3, $0x1  }
0xc0: {  	v3 =	vand.u32 $0x7, v3;
	v4 =	vand.u32 $0xFFFFFFF0, v56  }
0xc1: {  	v3 =	vor.u32 v3, v4  }
0xc2: {  	v4 =	vperm.xlane v3, v0;
	_ =	sdelay $0x1  }
0xc3: {  	v3 =	vperm.xlane v3, v2;
	v4 =	vadd.s32 v1, v4;
	_ =	sdelay $0x1  }
0xc4: {  	v3 =	vadd.s32 v1, v3;
	_ =	sdelay $0x1  }
0xc5: {  	s24 =	simm.s32 $0x10400  }
0xc6: {  	[tilespmem:s24], [sflag:$0x3] =	stream.indirect_vreg.gather [hbm4b:s1+s3], $0x80, v4, vm0, $0xb8;
	[tilespmem:$0x19400] =	vst v63  }
0xc7: {  	s25 =	simm.s32 $0x10C00  }
0xc8: {  	[tilespmem:s25], [sflag:$0x3] =	stream.indirect_vreg.gather [hbm4b:s1+s3], $0x80, v3, vm0, $0xb8;
	[tilespmem:$0x19400] =	vst v63  }
0xc9: {  	v3 =	vld [tilespmem:$0x110];
	_ =	sdelay $0x4  }
0xca: {  	v57 =	vshll.u32 v3, $0x1  }
0xcb: {  	v3 =	vand.u32 $0x7, v3;
	v4 =	vand.u32 $0xFFFFFFF0, v57  }
0xcc: {  	v3 =	vor.u32 v3, v4  }
0xcd: {  	v4 =	vperm.xlane v3, v0;
	_ =	sdelay $0x1  }
0xce: {  	v3 =	vperm.xlane v3, v2;
	v4 =	vadd.s32 v1, v4;
	_ =	sdelay $0x1  }
0xcf: {  	v3 =	vadd.s32 v1, v3;
	_ =	sdelay $0x1  }
0xd0: {  	s19 =	simm.s32 $0x11400  }
0xd1: {  	[tilespmem:s19], [sflag:$0x3] =	stream.indirect_vreg.gather [hbm4b:s1+s3], $0x80, v4, vm0, $0xb8;
	[tilespmem:$0x19400] =	vst v63  }
0xd2: {  	s20 =	simm.s32 $0x11C00  }
0xd3: {  	[tilespmem:s20], [sflag:$0x3] =	stream.indirect_vreg.gather [hbm4b:s1+s3], $0x80, v3, vm0, $0xb8;
	[tilespmem:$0x19400] =	vst v63  }
0xd4: {  	v3 =	vld [tilespmem:$0x120];
	_ =	sdelay $0x4  }
0xd5: {  	v58 =	vshll.u32 v3, $0x1  }
0xd6: {  	v3 =	vand.u32 $0x7, v3;
	v4 =	vand.u32 $0xFFFFFFF0, v58  }
0xd7: {  	v3 =	vor.u32 v3, v4  }
0xd8: {  	v4 =	vperm.xlane v3, v0;
	_ =	sdelay $0x1  }
0xd9: {  	v3 =	vperm.xlane v3, v2;
	v4 =	vadd.s32 v1, v4;
	_ =	sdelay $0x1  }
0xda: {  	v3 =	vadd.s32 v1, v3;
	_ =	sdelay $0x1  }
0xdb: {  	s21 =	simm.s32 $0x12400  }
0xdc: {  	[tilespmem:s21], [sflag:$0x3] =	stream.indirect_vreg.gather [hbm4b:s1+s3], $0x80, v4, vm0, $0xb8;
	[tilespmem:$0x19400] =	vst v63  }
0xdd: {  	s22 =	simm.s32 $0x12C00  }
0xde: {  	[tilespmem:s22], [sflag:$0x3] =	stream.indirect_vreg.gather [hbm4b:s1+s3], $0x80, v3, vm0, $0xb8;
	[tilespmem:$0x19400] =	vst v63  }
0xdf: {  	v3 =	vld [tilespmem:$0x130];
	_ =	sdelay $0x4  }
0xe0: {  	v59 =	vshll.u32 v3, $0x1  }
0xe1: {  	v3 =	vand.u32 $0x7, v3;
	v4 =	vand.u32 $0xFFFFFFF0, v59  }
0xe2: {  	v3 =	vor.u32 v3, v4  }
0xe3: {  	v4 =	vperm.xlane v3, v0;
	_ =	sdelay $0x1  }
0xe4: {  	v3 =	vperm.xlane v3, v2;
	v4 =	vadd.s32 v1, v4;
	_ =	sdelay $0x1  }
0xe5: {  	v3 =	vadd.s32 v1, v3;
	_ =	sdelay $0x1  }
0xe6: {  	s23 =	simm.s32 $0x13400  }
0xe7: {  	[tilespmem:s23], [sflag:$0x3] =	stream.indirect_vreg.gather [hbm4b:s1+s3], $0x80, v4, vm0, $0xb8;
	[tilespmem:$0x19400] =	vst v63  }
0xe8: {  	s24 =	simm.s32 $0x13C00  }
0xe9: {  	[tilespmem:s24], [sflag:$0x3] =	stream.indirect_vreg.gather [hbm4b:s1+s3], $0x80, v3, vm0, $0xb8;
	[tilespmem:$0x19400] =	vst v63  }
0xea: {  	v3 =	vld [tilespmem:$0x140];
	_ =	sdelay $0x4  }
0xeb: {  	v60 =	vshll.u32 v3, $0x1  }
0xec: {  	v3 =	vand.u32 $0x7, v3;
	v4 =	vand.u32 $0xFFFFFFF0, v60  }
0xed: {  	v3 =	vor.u32 v3, v4  }
0xee: {  	v4 =	vperm.xlane v3, v0;
	_ =	sdelay $0x1  }
0xef: {  	v3 =	vperm.xlane v3, v2;
	v4 =	vadd.s32 v1, v4;
	_ =	sdelay $0x1  }
0xf0: {  	v3 =	vadd.s32 v1, v3;
	_ =	sdelay $0x1  }
0xf1: {  	s25 =	simm.s32 $0x14400  }
0xf2: {  	[tilespmem:s25], [sflag:$0x3] =	stream.indirect_vreg.gather [hbm4b:s1+s3], $0x80, v4, vm0, $0xb8;
	[tilespmem:$0x19400] =	vst v63  }
0xf3: {  	s19 =	simm.s32 $0x14C00  }
0xf4: {  	[tilespmem:s19], [sflag:$0x3] =	stream.indirect_vreg.gather [hbm4b:s1+s3], $0x80, v3, vm0, $0xb8;
	[tilespmem:$0x19400] =	vst v63  }
0xf5: {  	v3 =	vld [tilespmem:$0x150];
	_ =	sdelay $0x4  }
0xf6: {  	v61 =	vshll.u32 v3, $0x1  }
0xf7: {  	v3 =	vand.u32 $0x7, v3;
	v4 =	vand.u32 $0xFFFFFFF0, v61  }
0xf8: {  	v3 =	vor.u32 v3, v4  }
0xf9: {  	v4 =	vperm.xlane v3, v0;
	_ =	sdelay $0x1  }
0xfa: {  	v3 =	vperm.xlane v3, v2;
	v4 =	vadd.s32 v1, v4;
	_ =	sdelay $0x1  }
0xfb: {  	v3 =	vadd.s32 v1, v3;
	_ =	sdelay $0x1  }
0xfc: {  	s20 =	simm.s32 $0x15400  }
0xfd: {  	[tilespmem:s20], [sflag:$0x3] =	stream.indirect_vreg.gather [hbm4b:s1+s3], $0x80, v4, vm0, $0xb8;
	[tilespmem:$0x19400] =	vst v63  }
0xfe: {  	s21 =	simm.s32 $0x15C00  }
0xff: {  	[tilespmem:s21], [sflag:$0x3] =	stream.indirect_vreg.gather [hbm4b:s1+s3], $0x80, v3, vm0, $0xb8;
	[tilespmem:$0x19400] =	vst v63  }
0x100: {  	v3 =	vld [tilespmem:$0x160];
	_ =	sdelay $0x4  }
0x101: {  	v62 =	vshll.u32 v3, $0x1  }
0x102: {  	v3 =	vand.u32 $0x7, v3;
	v4 =	vand.u32 $0xFFFFFFF0, v62  }
0x103: {  	v3 =	vor.u32 v3, v4  }
0x104: {  	v4 =	vperm.xlane v3, v0;
	_ =	sdelay $0x1  }
0x105: {  	v3 =	vperm.xlane v3, v2;
	v4 =	vadd.s32 v1, v4;
	_ =	sdelay $0x1  }
0x106: {  	v3 =	vadd.s32 v1, v3;
	_ =	sdelay $0x1  }
0x107: {  	s22 =	simm.s32 $0x16400  }
0x108: {  	[tilespmem:s22], [sflag:$0x3] =	stream.indirect_vreg.gather [hbm4b:s1+s3], $0x80, v4, vm0, $0xb8;
	[tilespmem:$0x19400] =	vst v63  }
0x109: {  	s23 =	simm.s32 $0x16C00  }
0x10a: {  	[tilespmem:s23], [sflag:$0x3] =	stream.indirect_vreg.gather [hbm4b:s1+s3], $0x80, v3, vm0, $0xb8;
	[tilespmem:$0x19400] =	vst v63  }
0x10b: {  	v3 =	vld [tilespmem:$0x170];
	_ =	sdelay $0x4  }
0x10c: {  	v63 =	vshll.u32 v3, $0x1  }
0x10d: {  	v3 =	vand.u32 $0x7, v3;
	v4 =	vand.u32 $0xFFFFFFF0, v63  }
0x10e: {  	v3 =	vor.u32 v3, v4  }
0x10f: {  	v4 =	vperm.xlane v3, v0;
	_ =	sdelay $0x1  }
0x110: {  	v3 =	vperm.xlane v3, v2;
	v4 =	vadd.s32 v1, v4;
	_ =	sdelay $0x1  }
0x111: {  	v3 =	vadd.s32 v1, v3;
	_ =	sdelay $0x1  }
0x112: {  	s24 =	simm.s32 $0x17400  }
0x113: {  	[tilespmem:s24], [sflag:$0x3] =	stream.indirect_vreg.gather [hbm4b:s1+s3], $0x80, v4, vm0, $0xb8;
	[tilespmem:$0x19400] =	vst v63  }
0x114: {  	s25 =	simm.s32 $0x17C00  }
0x115: {  	[tilespmem:s25], [sflag:$0x3] =	stream.indirect_vreg.gather [hbm4b:s1+s3], $0x80, v3, vm0, $0xb8;
	[tilespmem:$0x19400] =	vst v63  }
0x116: {  	_ =	swait.ge [sflag:s14], $0x8000  }
0x117: {  	[sflag:s14] =	ssyncset.done $0x0  }
0x118: {  	s18 =	simm.s32 $0x0;
	[sflag:s14] =	ssyncadd.s32 $0xFFFF8000  }
.LBB2_2:
0x119: {  	s19 =	sshll.u32 s18, $0xC  }
0x11a: {  	s20 =	simm.s32 $0x0;
	s19 =	sand.u32 $0x3FFFF000, s19  }
0x11b: {  	s21 =	sand.u32 $0x800, s20;
	s19 =	sor.u32 $0x400, s19  }
0x11c: {  	s20 =	sand.u32 $0x380, s20;
	s21 =	sadd.s32 s21, s19  }
0x11d: {  	s20 =	sadd.s32 s20, s21  }
0x11e: {  	v3 =	vld [tilespmem:s20+$0x470]  }
0x11f: {  	v4 =	vld [tilespmem:s20+$0x0]  }
0x120: {  	v5 =	vld [tilespmem:s20+$0x10]  }
0x121: {  	v6 =	vld [tilespmem:s20+$0x20]  }
0x122: {  	v7 =	vld [tilespmem:s20+$0x30]  }
0x123: {  	v8 =	vld [tilespmem:s20+$0x40]  }
0x124: {  	v11 =	vld [tilespmem:s20+$0x50]  }
0x125: {  	v13 =	vld [tilespmem:s20+$0x60];
	v9 =	vmul.f32 $6.553700000e+04, v3  }
0x126: {  	v16 =	vld [tilespmem:s20+$0x70];
	v10 =	vmul.f32 $6.553700000e+04, v4;
	v12 =	vmul.f32 $6.553700000e+04, v5  }
0x127: {  	v18 =	vld [tilespmem:s20+$0x400];
	v15 =	vmul.f32 $6.553700000e+04, v6;
	v17 =	vmul.f32 $6.553700000e+04, v7;
	v3 =	vsub.f32 v3, v9  }
0x128: {  	v27 =	vld [tilespmem:s20+$0x420];
	v14 =	vsub.f32 v4, v10;
	v5 =	vsub.f32 v5, v12  }
0x129: {  	v30 =	vld [tilespmem:s20+$0x460];
	v4 =	vimm.f32 $0.0e+00;
	v6 =	vsub.f32 v6, v15;
	v7 =	vsub.f32 v7, v17  }
0x12a: {  	v3 =	vadd.f32 v3, v9;
	v19 =	vadd.f32 v14, v10;
	v9 =	vmul.f32 $6.553700000e+04, v8;
	v10 =	vld [tilespmem:s20+$0x410]  }
0x12b: {  	v14 =	vmul.f32 $6.553700000e+04, v11;
	v20 =	vadd.f32 v5, v12;
	v12 =	vld [tilespmem:s20+$0x430];
	v21 =	vadd.f32 v6, v15  }
0x12c: {  	v15 =	vld [tilespmem:s20+$0x440];
	v22 =	vadd.f32 v7, v17;
	v5 =	vsub.f32 v8, v9;
	v8 =	vmul.f32 $6.553700000e+04, v13  }
0x12d: {  	v17 =	vld [tilespmem:s20+$0x450];
	v3 =	vadd.f32 v3, v4;
	v6 =	vsub.f32 v11, v14;
	v11 =	vmul.f32 $6.553700000e+04, v16  }
0x12e: {  	v33 =	vmul.f32 $6.553700000e+04, v30;
	v7 =	vsub.f32 v13, v8;
	v23 =	vadd.f32 v5, v9  }
0x12f: {  	v13 =	vmul.f32 $6.553700000e+04, v18;
	v5 =	vsub.f32 v16, v11;
	v24 =	vadd.f32 v6, v14  }
0x130: {  	v14 =	vmul.f32 $6.553700000e+04, v27;
	v16 =	vimm.f32 $0.0e+00;
	v9 =	vmul.f32 $6.553700000e+04, v10  }
0x131: {  	v31 =	vmul.f32 $6.553700000e+04, v12;
	v32 =	vmul.f32 $6.553700000e+04, v15;
	v6 =	vsub.f32 v18, v13  }
0x132: {  	v34 =	vmul.f32 $6.553700000e+04, v17;
	v25 =	vadd.f32 v7, v8;
	v26 =	vadd.f32 v5, v11  }
0x133: {  	v5 =	vsub.f32 v27, v14;
	v18 =	vimm.f32 $0.0e+00;
	v11 =	vimm.f32 $0.0e+00  }
0x134: {  	v8 =	vimm.f32 $0.0e+00;
	v7 =	vsub.f32 v10, v9;
	v35 =	vsub.f32 v12, v31  }
0x135: {  	v36 =	vsub.f32 v15, v32;
	v37 =	vsub.f32 v17, v34;
	v17 =	vimm.f32 $0.0e+00  }
0x136: {  	v15 =	vimm.f32 $0.0e+00;
	v10 =	vimm.f32 $0.0e+00;
	v12 =	vimm.f32 $0.0e+00  }
0x137: {  	v27 =	vadd.f32 v6, v13;
	v29 =	vadd.f32 v5, v14;
	v13 =	vimm.f32 $0.0e+00  }
0x138: {  	s25 =	simm.s32 $0x100;
	v14 =	vimm.f32 $0.0e+00;
	v6 =	vimm.f32 $0.0e+00;
	v5 =	vimm.f32 $0.0e+00  }
0x139: {  	s22 =	sand.u32 $0x800, s25;
	s21 =	simm.s32 $0x200;
	s20 =	simm.s32 $0x80;
	v28 =	vadd.f32 v7, v9;
	v9 =	vimm.f32 $0.0e+00;
	v7 =	vimm.f32 $0.0e+00  }
.LBB2_3:
0x13a: {  	p0 =	sne.s32 s21, $0xF00;
	s23 =	sand.u32 $0x380, s20;
	s22 =	sadd.s32 s22, s19;
	v31 =	vadd.f32 v35, v31;
	v30 =	vsub.f32 v30, v33  }
0x13b: {  	v32 =	vadd.f32 v36, v32;
	s22 =	sadd.s32 s23, s22;
	v34 =	vadd.f32 v37, v34  }
0x13c: {  	v4 =	vadd.f32 v19, v4;
	v35 =	vld [tilespmem:s22+$0x470];
	v19 =	vadd.f32 v30, v33  }
0x13d: {  	v17 =	vadd.f32 v20, v17;
	v18 =	vadd.f32 v21, v18;
	v30 =	vld [tilespmem:s22+$0x0]  }
0x13e: {  	v15 =	vadd.f32 v22, v15;
	v16 =	vadd.f32 v23, v16;
	v20 =	vld [tilespmem:s22+$0x10]  }
0x13f: {  	v13 =	vadd.f32 v24, v13;
	v14 =	vadd.f32 v25, v14;
	v21 =	vld [tilespmem:s22+$0x20]  }
0x140: {  	v10 =	vadd.f32 v26, v10;
	v11 =	vadd.f32 v27, v11;
	v22 =	vld [tilespmem:s22+$0x30]  }
0x141: {  	v8 =	vadd.f32 v28, v8;
	v9 =	vadd.f32 v29, v9;
	v23 =	vld [tilespmem:s22+$0x40];
	v24 =	vmul.f32 $6.553700000e+04, v35  }
0x142: {  	v6 =	vadd.f32 v31, v6;
	v12 =	vadd.f32 v32, v12;
	v25 =	vmul.f32 $6.553700000e+04, v30;
	v26 =	vld [tilespmem:s22+$0x50]  }
0x143: {  	v7 =	vadd.f32 v34, v7;
	v27 =	vmul.f32 $6.553700000e+04, v20;
	v28 =	vld [tilespmem:s22+$0x60];
	v29 =	vsub.f32 v35, v24  }
0x144: {  	v5 =	vadd.f32 v19, v5;
	v30 =	vsub.f32 v30, v25;
	v31 =	vmul.f32 $6.553700000e+04, v21;
	v32 =	vld [tilespmem:s22+$0x70]  }
0x145: {  	v20 =	vsub.f32 v20, v27;
	v33 =	vmul.f32 $6.553700000e+04, v22;
	v34 =	vld [tilespmem:s22+$0x400];
	v24 =	vadd.f32 v29, v24  }
0x146: {  	v19 =	vadd.f32 v30, v25;
	v21 =	vsub.f32 v21, v31;
	v25 =	vmul.f32 $6.553700000e+04, v23;
	v29 =	vld [tilespmem:s22+$0x410]  }
0x147: {  	v22 =	vsub.f32 v22, v33;
	v35 =	vmul.f32 $6.553700000e+04, v26;
	v36 =	vld [tilespmem:s22+$0x420];
	v3 =	vadd.f32 v24, v3  }
0x148: {  	v20 =	vadd.f32 v20, v27;
	v23 =	vsub.f32 v23, v25;
	v27 =	vmul.f32 $6.553700000e+04, v28;
	v37 =	vld [tilespmem:s22+$0x430]  }
0x149: {  	v21 =	vadd.f32 v21, v31;
	v24 =	vsub.f32 v26, v35;
	v26 =	vmul.f32 $6.553700000e+04, v32;
	v38 =	vld [tilespmem:s22+$0x440]  }
0x14a: {  	v22 =	vadd.f32 v22, v33;
	v28 =	vsub.f32 v28, v27;
	v33 =	vmul.f32 $6.553700000e+04, v34;
	v39 =	vld [tilespmem:s22+$0x450]  }
0x14b: {  	v23 =	vadd.f32 v23, v25;
	v32 =	vsub.f32 v32, v26;
	v40 =	vmul.f32 $6.553700000e+04, v29;
	v30 =	vld [tilespmem:s22+$0x460]  }
0x14c: {  	v24 =	vadd.f32 v24, v35;
	v34 =	vsub.f32 v34, v33;
	v41 =	vmul.f32 $6.553700000e+04, v36  }
.Ltmp0:
0x14d: {  	v25 =	vadd.f32 v28, v27;
	v28 =	vsub.f32 v29, v40;
	v31 =	vmul.f32 $6.553700000e+04, v37;
	(pc) =	sbr.rel @p0 .LBB2_3-.Ltmp0, $4  }
0x14e: {  	v26 =	vadd.f32 v32, v26;
	v29 =	vsub.f32 v36, v41;
	v32 =	vmul.f32 $6.553700000e+04, v38  }
0x14f: {  	v27 =	vadd.f32 v34, v33;
	v35 =	vsub.f32 v37, v31;
	v34 =	vmul.f32 $6.553700000e+04, v39  }
0x150: {  	v28 =	vadd.f32 v28, v40;
	v36 =	vsub.f32 v38, v32;
	v33 =	vmul.f32 $6.553700000e+04, v30  }
0x151: {  	s20 =	sadd.s32 $0x80, s20;
	s22 =	sand.u32 $0x800, s21;
	s21 =	sadd.s32 $0x100, s21;
	v29 =	vadd.f32 v29, v41;
	v37 =	vsub.f32 v39, v34  }
0x152: {  	s20 =	sand.u32 $0x380, s20;
	s19 =	sadd.s32 s22, s19  }
0x153: {  	s19 =	sadd.s32 s20, s19  }
0x154: {  	v31 =	vadd.f32 v35, v31;
	v43 =	vld [tilespmem:s19+$0x470]  }
0x155: {  	v30 =	vsub.f32 v30, v33;
	v32 =	vadd.f32 v36, v32;
	v45 =	vld [tilespmem:s19+$0x0]  }
0x156: {  	v4 =	vadd.f32 v19, v4;
	v17 =	vadd.f32 v20, v17;
	v46 =	vld [tilespmem:s19+$0x10]  }
0x157: {  	v18 =	vadd.f32 v21, v18;
	v15 =	vadd.f32 v22, v15;
	v47 =	vld [tilespmem:s19+$0x20]  }
0x158: {  	v16 =	vadd.f32 v23, v16;
	v13 =	vadd.f32 v24, v13;
	v48 =	vld [tilespmem:s19+$0x30]  }
0x159: {  	v14 =	vadd.f32 v25, v14;
	v10 =	vadd.f32 v26, v10;
	v49 =	vld [tilespmem:s19+$0x40]  }
0x15a: {  	v11 =	vadd.f32 v27, v11;
	v8 =	vadd.f32 v28, v8;
	v51 =	vld [tilespmem:s19+$0x50]  }
0x15b: {  	v34 =	vadd.f32 v37, v34;
	v9 =	vadd.f32 v29, v9;
	v52 =	vld [tilespmem:s19+$0x60]  }
0x15c: {  	v44 =	vadd.f32 v30, v33;
	v6 =	vadd.f32 v31, v6;
	v54 =	vld [tilespmem:s19+$0x70];
	v24 =	vmul.f32 $6.553700000e+04, v43  }
0x15d: {  	v12 =	vadd.f32 v32, v12;
	v57 =	vld [tilespmem:s19+$0x400];
	v50 =	vmul.f32 $6.553700000e+04, v45;
	v53 =	vmul.f32 $6.553700000e+04, v46  }
0x15e: {  	v59 =	vld [tilespmem:s19+$0x410];
	v7 =	vadd.f32 v34, v7;
	v55 =	vmul.f32 $6.553700000e+04, v47;
	v56 =	vmul.f32 $6.553700000e+04, v48  }
0x15f: {  	v5 =	vadd.f32 v44, v5;
	v58 =	vmul.f32 $6.553700000e+04, v49;
	v60 =	vmul.f32 $6.553700000e+04, v51  }
0x160: {  	v62 =	vmul.f32 $6.553700000e+04, v52;
	v28 =	vsub.f32 v43, v24;
	v30 =	vsub.f32 v45, v50  }
0x161: {  	v63 =	vmul.f32 $6.553700000e+04, v54;
	v20 =	vsub.f32 v46, v53;
	v21 =	vsub.f32 v47, v55  }
0x162: {  	v42 =	vmul.f32 $6.553700000e+04, v57;
	v22 =	vsub.f32 v48, v56;
	v23 =	vsub.f32 v49, v58  }
0x163: {  	v61 =	vld [tilespmem:s19+$0x420];
	v44 =	vmul.f32 $6.553700000e+04, v59;
	v26 =	vsub.f32 v51, v60;
	v41 =	vsub.f32 v52, v62  }
0x164: {  	v43 =	vsub.f32 v54, v63;
	v33 =	vsub.f32 v57, v42  }
0x165: {  	v40 =	vld [tilespmem:s19+$0x430];
	v46 =	vsub.f32 v59, v44;
	v25 =	vadd.f32 v30, v50  }
0x166: {  	v20 =	vadd.f32 v20, v53;
	v21 =	vadd.f32 v21, v55  }
0x167: {  	v38 =	vld [tilespmem:s19+$0x440];
	v19 =	vadd.f32 v22, v56;
	v23 =	vadd.f32 v23, v58  }
0x168: {  	v45 =	vmul.f32 $6.553700000e+04, v61;
	v26 =	vadd.f32 v26, v60;
	v22 =	vadd.f32 v41, v62  }
0x169: {  	s24 =	sshll.u32 s18, $0x7;
	v30 =	vadd.f32 v43, v63;
	v4 =	vadd.f32 v25, v4  }
0x16a: {  	s25 =	sand.u32 $0x3FFFFF80, s24;
	v47 =	vld [tilespmem:s19+$0x450];
	v49 =	vmul.f32 $6.553700000e+04, v40;
	v36 =	vsub.f32 v61, v45;
	v17 =	vadd.f32 v20, v17  }
0x16b: {  	v48 =	vld [tilespmem:s19+$0x460];
	v50 =	vadd.f32 v33, v42;
	v18 =	vadd.f32 v21, v18;
	[tilespmem:s25+$0x18400] =	vst v4  }
0x16c: {  	v51 =	vmul.f32 $6.553700000e+04, v38;
	v52 =	vsub.f32 v40, v49;
	v15 =	vadd.f32 v19, v15;
	[tilespmem:s25+$0x18410] =	vst v17  }
0x16d: {  	v53 =	vadd.f32 v46, v44;
	v16 =	vadd.f32 v23, v16;
	[tilespmem:s25+$0x18420] =	vst v18  }
0x16e: {  	v55 =	vsub.f32 v38, v51;
	v13 =	vadd.f32 v26, v13;
	[tilespmem:s25+$0x18430] =	vst v15  }
0x16f: {  	v63 =	vadd.f32 v28, v24;
	v14 =	vadd.f32 v22, v14;
	[tilespmem:s25+$0x18440] =	vst v16  }
0x170: {  	v56 =	vadd.f32 v36, v45;
	v10 =	vadd.f32 v30, v10;
	[tilespmem:s25+$0x18450] =	vst v13  }
0x171: {  	v59 =	vadd.f32 v52, v49;
	v11 =	vadd.f32 v50, v11;
	v54 =	vmul.f32 $6.553700000e+04, v47;
	[tilespmem:s25+$0x18460] =	vst v14  }
0x172: {  	v8 =	vadd.f32 v53, v8;
	v3 =	vadd.f32 v63, v3;
	v57 =	vmul.f32 $6.553700000e+04, v48;
	[tilespmem:s25+$0x18470] =	vst v10  }
0x173: {  	v4 =	vadd.f32 v55, v51;
	[tilespmem:s25+$0x18800] =	vst v11;
	v58 =	vsub.f32 v47, v54  }
0x174: {  	s18 =	sadd.s32 $0x1, s18;
	v9 =	vadd.f32 v56, v9;
	[tilespmem:s25+$0x18810] =	vst v8;
	v60 =	vsub.f32 v48, v57  }
0x175: {  	p0 =	sne.s32 s18, $0x8;
	v6 =	vadd.f32 v59, v6;
	[tilespmem:s25+$0x18870] =	vst v3;
	v61 =	vadd.f32 v58, v54  }
.Ltmp1:
0x176: {  	v4 =	vadd.f32 v4, v12;
	[tilespmem:s25+$0x18820] =	vst v9;
	v62 =	vadd.f32 v60, v57;
	(pc) =	sbr.rel @p0 .LBB2_2-.Ltmp1, $4  }
0x177: {  	[tilespmem:s25+$0x18830] =	vst v6;
	v7 =	vadd.f32 v61, v7  }
0x178: {  	[tilespmem:s25+$0x18840] =	vst v4;
	v5 =	vadd.f32 v62, v5  }
0x179: {  	[tilespmem:s25+$0x18850] =	vst v7  }
0x17a: {  	[tilespmem:s25+$0x18860] =	vst v5  }
0x17b: {  	v3 =	vld [tilespmem:$0x180];
	_ =	sdelay $0x4  }
0x17c: {  	v4 =	vshll.u32 v3, $0x1  }
0x17d: {  	v3 =	vand.u32 $0x7, v3;
	v4 =	vand.u32 $0xFFFFFFF0, v4  }
0x17e: {  	v3 =	vor.u32 v3, v4  }
0x17f: {  	v4 =	vperm.xlane v3, v0;
	_ =	sdelay $0x1  }
0x180: {  	v3 =	vperm.xlane v3, v2;
	v4 =	vadd.s32 v1, v4;
	_ =	sdelay $0x1  }
0x181: {  	v3 =	vadd.s32 v1, v3;
	_ =	sdelay $0x1  }
0x182: {  	s18 =	simm.s32 $0x0;
	s19 =	simm.s32 $0x400  }
0x183: {  	[tilespmem:s19], [sflag:$0x1] =	stream.indirect_vreg.gather [hbm4b:s1+s18], $0x80, v4, vm0, $0xb8;
	[tilespmem:$0x19400] =	vst v63  }
0x184: {  	s23 =	simm.s32 $0xC00  }
0x185: {  	[tilespmem:s23], [sflag:$0x1] =	stream.indirect_vreg.gather [hbm4b:s1+s18], $0x80, v3, vm0, $0xb8;
	[tilespmem:$0x19400] =	vst v63  }
0x186: {  	v3 =	vld [tilespmem:$0x190];
	_ =	sdelay $0x4  }
0x187: {  	v57 =	vshll.u32 v3, $0x1  }
0x188: {  	v3 =	vand.u32 $0x7, v3;
	v4 =	vand.u32 $0xFFFFFFF0, v57  }
0x189: {  	v3 =	vor.u32 v3, v4  }
0x18a: {  	v4 =	vperm.xlane v3, v0;
	_ =	sdelay $0x1  }
0x18b: {  	v3 =	vperm.xlane v3, v2;
	v4 =	vadd.s32 v1, v4;
	_ =	sdelay $0x1  }
0x18c: {  	v3 =	vadd.s32 v1, v3;
	_ =	sdelay $0x1  }
0x18d: {  	s24 =	simm.s32 $0x1400  }
0x18e: {  	[tilespmem:s24], [sflag:$0x1] =	stream.indirect_vreg.gather [hbm4b:s1+s18], $0x80, v4, vm0, $0xb8;
	[tilespmem:$0x19400] =	vst v63  }
0x18f: {  	s25 =	simm.s32 $0x1C00  }
0x190: {  	[tilespmem:s25], [sflag:$0x1] =	stream.indirect_vreg.gather [hbm4b:s1+s18], $0x80, v3, vm0, $0xb8;
	[tilespmem:$0x19400] =	vst v63  }
0x191: {  	v3 =	vld [tilespmem:$0x1A0];
	_ =	sdelay $0x4  }
0x192: {  	v58 =	vshll.u32 v3, $0x1  }
0x193: {  	v3 =	vand.u32 $0x7, v3;
	v4 =	vand.u32 $0xFFFFFFF0, v58  }
0x194: {  	v3 =	vor.u32 v3, v4  }
0x195: {  	v4 =	vperm.xlane v3, v0;
	_ =	sdelay $0x1  }
0x196: {  	v3 =	vperm.xlane v3, v2;
	v4 =	vadd.s32 v1, v4;
	_ =	sdelay $0x1  }
0x197: {  	v3 =	vadd.s32 v1, v3;
	_ =	sdelay $0x1  }
0x198: {  	s20 =	simm.s32 $0x2400  }
0x199: {  	[tilespmem:s20], [sflag:$0x1] =	stream.indirect_vreg.gather [hbm4b:s1+s18], $0x80, v4, vm0, $0xb8;
	[tilespmem:$0x19400] =	vst v63  }
0x19a: {  	s21 =	simm.s32 $0x2C00  }
0x19b: {  	[tilespmem:s21], [sflag:$0x1] =	stream.indirect_vreg.gather [hbm4b:s1+s18], $0x80, v3, vm0, $0xb8;
	[tilespmem:$0x19400] =	vst v63  }
0x19c: {  	v3 =	vld [tilespmem:$0x1B0];
	_ =	sdelay $0x4  }
0x19d: {  	v59 =	vshll.u32 v3, $0x1  }
0x19e: {  	v3 =	vand.u32 $0x7, v3;
	v4 =	vand.u32 $0xFFFFFFF0, v59  }
0x19f: {  	v3 =	vor.u32 v3, v4  }
0x1a0: {  	v4 =	vperm.xlane v3, v0;
	_ =	sdelay $0x1  }
0x1a1: {  	v3 =	vperm.xlane v3, v2;
	v4 =	vadd.s32 v1, v4;
	_ =	sdelay $0x1  }
0x1a2: {  	v3 =	vadd.s32 v1, v3;
	_ =	sdelay $0x1  }
0x1a3: {  	s22 =	simm.s32 $0x3400  }
0x1a4: {  	[tilespmem:s22], [sflag:$0x1] =	stream.indirect_vreg.gather [hbm4b:s1+s18], $0x80, v4, vm0, $0xb8;
	[tilespmem:$0x19400] =	vst v63  }
0x1a5: {  	s23 =	simm.s32 $0x3C00  }
0x1a6: {  	[tilespmem:s23], [sflag:$0x1] =	stream.indirect_vreg.gather [hbm4b:s1+s18], $0x80, v3, vm0, $0xb8;
	[tilespmem:$0x19400] =	vst v63  }
0x1a7: {  	v3 =	vld [tilespmem:$0x1C0];
	_ =	sdelay $0x4  }
0x1a8: {  	v60 =	vshll.u32 v3, $0x1  }
0x1a9: {  	v3 =	vand.u32 $0x7, v3;
	v4 =	vand.u32 $0xFFFFFFF0, v60  }
0x1aa: {  	v3 =	vor.u32 v3, v4  }
0x1ab: {  	v4 =	vperm.xlane v3, v0;
	_ =	sdelay $0x1  }
0x1ac: {  	v3 =	vperm.xlane v3, v2;
	v4 =	vadd.s32 v1, v4;
	_ =	sdelay $0x1  }
0x1ad: {  	v3 =	vadd.s32 v1, v3;
	_ =	sdelay $0x1  }
0x1ae: {  	s24 =	simm.s32 $0x4400  }
0x1af: {  	[tilespmem:s24], [sflag:$0x1] =	stream.indirect_vreg.gather [hbm4b:s1+s18], $0x80, v4, vm0, $0xb8;
	[tilespmem:$0x19400] =	vst v63  }
0x1b0: {  	s25 =	simm.s32 $0x4C00  }
0x1b1: {  	[tilespmem:s25], [sflag:$0x1] =	stream.indirect_vreg.gather [hbm4b:s1+s18], $0x80, v3, vm0, $0xb8;
	[tilespmem:$0x19400] =	vst v63  }
0x1b2: {  	v3 =	vld [tilespmem:$0x1D0];
	_ =	sdelay $0x4  }
0x1b3: {  	v61 =	vshll.u32 v3, $0x1  }
0x1b4: {  	v3 =	vand.u32 $0x7, v3;
	v4 =	vand.u32 $0xFFFFFFF0, v61  }
0x1b5: {  	v3 =	vor.u32 v3, v4  }
0x1b6: {  	v4 =	vperm.xlane v3, v0;
	_ =	sdelay $0x1  }
0x1b7: {  	v3 =	vperm.xlane v3, v2;
	v4 =	vadd.s32 v1, v4;
	_ =	sdelay $0x1  }
0x1b8: {  	v3 =	vadd.s32 v1, v3;
	_ =	sdelay $0x1  }
0x1b9: {  	s20 =	simm.s32 $0x5400  }
0x1ba: {  	[tilespmem:s20], [sflag:$0x1] =	stream.indirect_vreg.gather [hbm4b:s1+s18], $0x80, v4, vm0, $0xb8;
	[tilespmem:$0x19400] =	vst v63  }
0x1bb: {  	s21 =	simm.s32 $0x5C00  }
0x1bc: {  	[tilespmem:s21], [sflag:$0x1] =	stream.indirect_vreg.gather [hbm4b:s1+s18], $0x80, v3, vm0, $0xb8;
	[tilespmem:$0x19400] =	vst v63  }
0x1bd: {  	v3 =	vld [tilespmem:$0x1E0];
	_ =	sdelay $0x4  }
0x1be: {  	v62 =	vshll.u32 v3, $0x1  }
0x1bf: {  	v3 =	vand.u32 $0x7, v3;
	v4 =	vand.u32 $0xFFFFFFF0, v62  }
0x1c0: {  	v3 =	vor.u32 v3, v4  }
0x1c1: {  	v4 =	vperm.xlane v3, v0;
	_ =	sdelay $0x1  }
0x1c2: {  	v3 =	vperm.xlane v3, v2;
	v4 =	vadd.s32 v1, v4;
	_ =	sdelay $0x1  }
0x1c3: {  	v3 =	vadd.s32 v1, v3;
	_ =	sdelay $0x1  }
0x1c4: {  	s22 =	simm.s32 $0x6400  }
0x1c5: {  	[tilespmem:s22], [sflag:$0x1] =	stream.indirect_vreg.gather [hbm4b:s1+s18], $0x80, v4, vm0, $0xb8;
	[tilespmem:$0x19400] =	vst v63  }
0x1c6: {  	s23 =	simm.s32 $0x6C00  }
0x1c7: {  	[tilespmem:s23], [sflag:$0x1] =	stream.indirect_vreg.gather [hbm4b:s1+s18], $0x80, v3, vm0, $0xb8;
	[tilespmem:$0x19400] =	vst v63  }
0x1c8: {  	v3 =	vld [tilespmem:$0x1F0];
	_ =	sdelay $0x4  }
0x1c9: {  	v63 =	vshll.u32 v3, $0x1  }
0x1ca: {  	v3 =	vand.u32 $0x7, v3;
	v4 =	vand.u32 $0xFFFFFFF0, v63  }
0x1cb: {  	v3 =	vor.u32 v3, v4  }
0x1cc: {  	v4 =	vperm.xlane v3, v0;
	_ =	sdelay $0x1  }
0x1cd: {  	v3 =	vperm.xlane v3, v2;
	v4 =	vadd.s32 v1, v4;
	_ =	sdelay $0x1  }
0x1ce: {  	v3 =	vadd.s32 v1, v3;
	_ =	sdelay $0x1  }
0x1cf: {  	s24 =	simm.s32 $0x7400  }
0x1d0: {  	[tilespmem:s24], [sflag:$0x1] =	stream.indirect_vreg.gather [hbm4b:s1+s18], $0x80, v4, vm0, $0xb8;
	[tilespmem:$0x19400] =	vst v63  }
0x1d1: {  	s25 =	simm.s32 $0x7C00  }
0x1d2: {  	[tilespmem:s25], [sflag:$0x1] =	stream.indirect_vreg.gather [hbm4b:s1+s18], $0x80, v3, vm0, $0xb8;
	[tilespmem:$0x19400] =	vst v63  }
0x1d3: {  	_ =	swait.ge [sflag:s15], $0x8000  }
0x1d4: {  	[sflag:s15] =	ssyncset.done $0x0  }
0x1d5: {  	s19 =	simm.s32 $0x0;
	[sflag:s15] =	ssyncadd.s32 $0xFFFF8000  }
.LBB2_6:
0x1d6: {  	s20 =	sshll.u32 s19, $0xC;
	s21 =	sand.u32 $0x800, s18  }
0x1d7: {  	s23 =	sand.u32 $0x380, s18;
	s21 =	sor.u32 s20, s21  }
0x1d8: {  	s22 =	sor.u32 s21, s18;
	s21 =	sadd.s32 s23, s21  }
0x1d9: {  	v28 =	vld [tilespmem:s21+$0x8440]  }
0x1da: {  	v35 =	vld [tilespmem:s21+$0x8450]  }
0x1db: {  	s22 =	sor.u32 $0x8400, s22;
	v29 =	vld [tilespmem:s21+$0x8460]  }
0x1dc: {  	v3 =	vld [tilespmem:s22+$0x470]  }
0x1dd: {  	v5 =	vld [tilespmem:s22+$0x400]  }
0x1de: {  	v6 =	vld [tilespmem:s22+$0x410]  }
0x1df: {  	v7 =	vld [tilespmem:s22+$0x420]  }
0x1e0: {  	v8 =	vld [tilespmem:s22+$0x430]  }
0x1e1: {  	v12 =	vld [tilespmem:s22+$0x450];
	v31 =	vmul.f32 $6.553700000e+04, v28  }
0x1e2: {  	v30 =	vld [tilespmem:s21+$0x8470];
	v32 =	vmul.f32 $6.553700000e+04, v35;
	v34 =	vmul.f32 $6.553700000e+04, v29  }
0x1e3: {  	v4 =	vimm.f32 $0.0e+00;
	v9 =	vld [tilespmem:s22+$0x440];
	v10 =	vmul.f32 $6.553700000e+04, v3;
	v11 =	vmul.f32 $6.553700000e+04, v5  }
0x1e4: {  	v15 =	vld [tilespmem:s21+$0x8400];
	v13 =	vmul.f32 $6.553700000e+04, v6;
	v16 =	vmul.f32 $6.553700000e+04, v7;
	v36 =	vsub.f32 v28, v31  }
0x1e5: {  	v14 =	vld [tilespmem:s22+$0x460];
	v18 =	vmul.f32 $6.553700000e+04, v8;
	v37 =	vsub.f32 v35, v32;
	v3 =	vsub.f32 v3, v10  }
0x1e6: {  	v17 =	vld [tilespmem:s21+$0x8410];
	v24 =	vmul.f32 $6.553700000e+04, v12;
	v5 =	vsub.f32 v5, v11;
	v6 =	vsub.f32 v6, v13  }
0x1e7: {  	v35 =	vmul.f32 $6.553700000e+04, v30;
	v8 =	vsub.f32 v8, v18;
	v3 =	vadd.f32 v3, v10  }
0x1e8: {  	v19 =	vadd.f32 v5, v11;
	v5 =	vsub.f32 v7, v16;
	v7 =	vmul.f32 $6.553700000e+04, v9  }
0x1e9: {  	v10 =	vld [tilespmem:s21+$0x8420];
	v20 =	vadd.f32 v6, v13;
	v13 =	vmul.f32 $6.553700000e+04, v15;
	v22 =	vadd.f32 v8, v18  }
0x1ea: {  	v11 =	vld [tilespmem:s21+$0x8430];
	v3 =	vadd.f32 v3, v4;
	v6 =	vsub.f32 v9, v7;
	v9 =	vmul.f32 $6.553700000e+04, v14  }
0x1eb: {  	v21 =	vadd.f32 v5, v16;
	v5 =	vsub.f32 v12, v24;
	v12 =	vmul.f32 $6.553700000e+04, v17  }
0x1ec: {  	v18 =	vimm.f32 $0.0e+00;
	v8 =	vsub.f32 v14, v9;
	v14 =	vsub.f32 v15, v13  }
0x1ed: {  	v16 =	vimm.f32 $0.0e+00;
	v23 =	vadd.f32 v6, v7;
	v6 =	vsub.f32 v17, v12  }
0x1ee: {  	v24 =	vadd.f32 v5, v24;
	v17 =	vimm.f32 $0.0e+00;
	v7 =	vimm.f32 $0.0e+00  }
0x1ef: {  	v15 =	vmul.f32 $6.553700000e+04, v10;
	v33 =	vmul.f32 $6.553700000e+04, v11;
	v26 =	vadd.f32 v8, v9  }
0x1f0: {  	v25 =	vadd.f32 v14, v13;
	v27 =	vadd.f32 v6, v12;
	v13 =	vimm.f32 $0.0e+00  }
0x1f1: {  	v14 =	vimm.f32 $0.0e+00;
	v8 =	vimm.f32 $0.0e+00;
	v9 =	vimm.f32 $0.0e+00  }
0x1f2: {  	v6 =	vimm.f32 $0.0e+00;
	v12 =	vimm.f32 $0.0e+00;
	v5 =	vsub.f32 v10, v15  }
0x1f3: {  	s25 =	simm.s32 $0x100;
	v38 =	vsub.f32 v11, v33;
	v10 =	vimm.f32 $0.0e+00;
	v11 =	vimm.f32 $0.0e+00  }
0x1f4: {  	s23 =	sand.u32 $0x800, s25;
	s22 =	simm.s32 $0x200;
	s21 =	simm.s32 $0x0;
	v28 =	vadd.f32 v5, v15;
	v15 =	vimm.f32 $0.0e+00;
	v5 =	vimm.f32 $0.0e+00  }
.LBB2_7:
0x1f5: {  	p0 =	sne.s32 s22, $0xF00;
	s23 =	sor.u32 s20, s23;
	v33 =	vadd.f32 v38, v33;
	v29 =	vsub.f32 v29, v34;
	s21 =	sadd.s32 $0x80, s21  }
0x1f6: {  	v31 =	vadd.f32 v36, v31;
	s24 =	sand.u32 $0x380, s21;
	s25 =	sor.u32 s23, s21;
	v30 =	vsub.f32 v30, v35  }
0x1f7: {  	v32 =	vadd.f32 v37, v32;
	s23 =	sadd.s32 s24, s23;
	s24 =	sor.u32 $0x8400, s25;
	v29 =	vadd.f32 v29, v34  }
0x1f8: {  	v4 =	vadd.f32 v19, v4;
	v34 =	vld [tilespmem:s24+$0x470];
	v30 =	vadd.f32 v30, v35  }
0x1f9: {  	v17 =	vadd.f32 v20, v17;
	v18 =	vadd.f32 v21, v18;
	v19 =	vld [tilespmem:s24+$0x400]  }
0x1fa: {  	v15 =	vadd.f32 v22, v15;
	v16 =	vadd.f32 v23, v16;
	v20 =	vld [tilespmem:s24+$0x410]  }
0x1fb: {  	v13 =	vadd.f32 v24, v13;
	v14 =	vadd.f32 v26, v14;
	v21 =	vld [tilespmem:s24+$0x420]  }
0x1fc: {  	v10 =	vadd.f32 v25, v10;
	v11 =	vadd.f32 v27, v11;
	v22 =	vld [tilespmem:s24+$0x430]  }
0x1fd: {  	v8 =	vadd.f32 v28, v8;
	v9 =	vadd.f32 v33, v9;
	v23 =	vld [tilespmem:s24+$0x440];
	v24 =	vmul.f32 $6.553700000e+04, v34  }
0x1fe: {  	v6 =	vadd.f32 v31, v6;
	v12 =	vadd.f32 v32, v12;
	v25 =	vmul.f32 $6.553700000e+04, v19;
	v26 =	vld [tilespmem:s24+$0x450]  }
0x1ff: {  	v7 =	vadd.f32 v29, v7;
	v27 =	vmul.f32 $6.553700000e+04, v20;
	v28 =	vld [tilespmem:s24+$0x460];
	v31 =	vsub.f32 v34, v24  }
0x200: {  	v5 =	vadd.f32 v30, v5;
	v32 =	vld [tilespmem:s23+$0x8400];
	v19 =	vsub.f32 v19, v25;
	v29 =	vmul.f32 $6.553700000e+04, v21  }
0x201: {  	v33 =	vld [tilespmem:s23+$0x8410];
	v20 =	vsub.f32 v20, v27;
	v30 =	vmul.f32 $6.553700000e+04, v22;
	v24 =	vadd.f32 v31, v24  }
0x202: {  	v31 =	vld [tilespmem:s23+$0x8420];
	v19 =	vadd.f32 v19, v25;
	v21 =	vsub.f32 v21, v29;
	v25 =	vmul.f32 $6.553700000e+04, v23  }
0x203: {  	v34 =	vld [tilespmem:s23+$0x8430];
	v22 =	vsub.f32 v22, v30;
	v35 =	vmul.f32 $6.553700000e+04, v26;
	v3 =	vadd.f32 v24, v3  }
0x204: {  	v20 =	vadd.f32 v20, v27;
	v36 =	vld [tilespmem:s23+$0x8440];
	v23 =	vsub.f32 v23, v25;
	v27 =	vmul.f32 $6.553700000e+04, v28  }
0x205: {  	v21 =	vadd.f32 v21, v29;
	v37 =	vmul.f32 $6.553700000e+04, v32;
	v39 =	vld [tilespmem:s23+$0x8450];
	v24 =	vsub.f32 v26, v35  }
0x206: {  	v22 =	vadd.f32 v22, v30;
	v40 =	vmul.f32 $6.553700000e+04, v33;
	v29 =	vld [tilespmem:s23+$0x8460];
	v26 =	vsub.f32 v28, v27  }
0x207: {  	v23 =	vadd.f32 v23, v25;
	v28 =	vsub.f32 v32, v37;
	v41 =	vmul.f32 $6.553700000e+04, v31;
	v30 =	vld [tilespmem:s23+$0x8470]  }
.Ltmp2:
0x208: {  	v24 =	vadd.f32 v24, v35;
	v42 =	vsub.f32 v33, v40;
	v33 =	vmul.f32 $6.553700000e+04, v34;
	(pc) =	sbr.rel @p0 .LBB2_7-.Ltmp2, $4  }
0x209: {  	v26 =	vadd.f32 v26, v27;
	v35 =	vsub.f32 v31, v41;
	v31 =	vmul.f32 $6.553700000e+04, v36  }
0x20a: {  	v25 =	vadd.f32 v28, v37;
	v38 =	vsub.f32 v34, v33;
	v32 =	vmul.f32 $6.553700000e+04, v39  }
0x20b: {  	v27 =	vadd.f32 v42, v40;
	v36 =	vsub.f32 v36, v31;
	v34 =	vmul.f32 $6.553700000e+04, v29  }
0x20c: {  	s23 =	sand.u32 $0x800, s22;
	s22 =	sadd.s32 $0x100, s22;
	v28 =	vadd.f32 v35, v41;
	v37 =	vsub.f32 v39, v32;
	v35 =	vmul.f32 $6.553700000e+04, v30  }
0x20d: {  	s22 =	sor.u32 s20, s23;
	s21 =	sadd.s32 $0x80, s21  }
0x20e: {  	s20 =	sor.u32 s22, s21  }
0x20f: {  	v33 =	vadd.f32 v38, v33;
	s20 =	sor.u32 $0x8400, s20  }
0x210: {  	v29 =	vsub.f32 v29, v34;
	v31 =	vadd.f32 v36, v31;
	v45 =	vld [tilespmem:s20+$0x470]  }
0x211: {  	v4 =	vadd.f32 v19, v4;
	v17 =	vadd.f32 v20, v17;
	v46 =	vld [tilespmem:s20+$0x400]  }
0x212: {  	v18 =	vadd.f32 v21, v18;
	v15 =	vadd.f32 v22, v15;
	s21 =	sand.u32 $0x380, s21;
	v47 =	vld [tilespmem:s20+$0x410]  }
0x213: {  	v16 =	vadd.f32 v23, v16;
	v13 =	vadd.f32 v24, v13;
	s21 =	sadd.s32 s21, s22;
	v48 =	vld [tilespmem:s20+$0x420]  }
0x214: {  	v14 =	vadd.f32 v26, v14;
	v10 =	vadd.f32 v25, v10;
	v49 =	vld [tilespmem:s21+$0x8400]  }
0x215: {  	v11 =	vadd.f32 v27, v11;
	v30 =	vsub.f32 v30, v35;
	v50 =	vld [tilespmem:s21+$0x8410]  }
0x216: {  	v32 =	vadd.f32 v37, v32;
	v8 =	vadd.f32 v28, v8;
	v51 =	vld [tilespmem:s20+$0x430]  }
0x217: {  	v29 =	vadd.f32 v29, v34;
	v9 =	vadd.f32 v33, v9;
	v53 =	vld [tilespmem:s21+$0x8420]  }
0x218: {  	v6 =	vadd.f32 v31, v6;
	v30 =	vadd.f32 v30, v35;
	v55 =	vld [tilespmem:s21+$0x8430];
	v25 =	vmul.f32 $6.553700000e+04, v45  }
0x219: {  	v12 =	vadd.f32 v32, v12;
	v57 =	vld [tilespmem:s21+$0x8440];
	v52 =	vmul.f32 $6.553700000e+04, v46;
	v54 =	vmul.f32 $6.553700000e+04, v47  }
0x21a: {  	v7 =	vadd.f32 v29, v7;
	v56 =	vmul.f32 $6.553700000e+04, v48;
	v59 =	vmul.f32 $6.553700000e+04, v49  }
0x21b: {  	v5 =	vadd.f32 v30, v5;
	v60 =	vmul.f32 $6.553700000e+04, v50;
	v61 =	vmul.f32 $6.553700000e+04, v51  }
0x21c: {  	v58 =	vld [tilespmem:s20+$0x440];
	v42 =	vmul.f32 $6.553700000e+04, v53;
	v31 =	vsub.f32 v45, v25;
	v19 =	vsub.f32 v46, v52  }
0x21d: {  	v43 =	vmul.f32 $6.553700000e+04, v55;
	v20 =	vsub.f32 v47, v54;
	v21 =	vsub.f32 v48, v56  }
0x21e: {  	v62 =	vld [tilespmem:s21+$0x8450];
	v44 =	vmul.f32 $6.553700000e+04, v57;
	v22 =	vsub.f32 v49, v59;
	v23 =	vsub.f32 v50, v60  }
0x21f: {  	v63 =	vld [tilespmem:s21+$0x8460];
	v24 =	vsub.f32 v51, v61;
	v27 =	vsub.f32 v53, v42  }
0x220: {  	v39 =	vld [tilespmem:s21+$0x8470];
	v29 =	vsub.f32 v55, v43;
	v30 =	vsub.f32 v57, v44  }
0x221: {  	v45 =	vmul.f32 $6.553700000e+04, v58;
	v19 =	vadd.f32 v19, v52;
	v20 =	vadd.f32 v20, v54  }
0x222: {  	v22 =	vadd.f32 v22, v59;
	v23 =	vadd.f32 v23, v60  }
0x223: {  	v46 =	vmul.f32 $6.553700000e+04, v62;
	v33 =	vsub.f32 v58, v45;
	v27 =	vadd.f32 v27, v42  }
0x224: {  	v47 =	vmul.f32 $6.553700000e+04, v63;
	v29 =	vadd.f32 v29, v43;
	v30 =	vadd.f32 v30, v44  }
0x225: {  	s24 =	sshll.u32 s19, $0x9;
	v49 =	vmul.f32 $6.553700000e+04, v39;
	v36 =	vsub.f32 v62, v46;
	v10 =	vadd.f32 v22, v10  }
0x226: {  	s25 =	sshra.s32 s24, $0x2;
	v48 =	vld [tilespmem:s20+$0x450];
	v28 =	vsub.f32 v63, v47;
	v11 =	vadd.f32 v23, v11  }
0x227: {  	v50 =	vld [tilespmem:s20+$0x460];
	v39 =	vsub.f32 v39, v49;
	v8 =	vadd.f32 v27, v8;
	[tilespmem:s25+$0x18C00] =	vst v10  }
0x228: {  	v54 =	vadd.f32 v21, v56;
	v9 =	vadd.f32 v29, v9;
	[tilespmem:s25+$0x18C10] =	vst v11  }
0x229: {  	v57 =	vadd.f32 v24, v61;
	v6 =	vadd.f32 v30, v6;
	[tilespmem:s25+$0x18C20] =	vst v8  }
0x22a: {  	v63 =	vadd.f32 v31, v25;
	v4 =	vadd.f32 v19, v4;
	[tilespmem:s25+$0x18C30] =	vst v9  }
0x22b: {  	v51 =	vadd.f32 v36, v46;
	v59 =	vadd.f32 v20, v17;
	[tilespmem:s25+$0x18C40] =	vst v6  }
0x22c: {  	v52 =	vadd.f32 v28, v47;
	v62 =	vadd.f32 v57, v15;
	[tilespmem:s25+$0x19000] =	vst v4  }
0x22d: {  	v22 =	vadd.f32 v39, v49;
	v3 =	vadd.f32 v63, v3;
	v53 =	vmul.f32 $6.553700000e+04, v48;
	[tilespmem:s25+$0x19010] =	vst v59  }
0x22e: {  	v60 =	vadd.f32 v33, v45;
	v55 =	vmul.f32 $6.553700000e+04, v50;
	v10 =	vadd.f32 v51, v12;
	[tilespmem:s25+$0x19030] =	vst v62  }
0x22f: {  	v7 =	vadd.f32 v52, v7;
	[tilespmem:s25+$0x19070] =	vst v3;
	v56 =	vsub.f32 v48, v53  }
0x230: {  	s19 =	sadd.s32 $0x1, s19;
	v5 =	vadd.f32 v22, v5;
	v58 =	vsub.f32 v50, v55;
	[tilespmem:s25+$0x18C50] =	vst v10  }
0x231: {  	p0 =	sne.s32 s19, $0x8;
	v9 =	vadd.f32 v54, v18;
	[tilespmem:s25+$0x18C60] =	vst v7;
	v61 =	vadd.f32 v56, v53  }
.Ltmp3:
0x232: {  	[tilespmem:s25+$0x18C70] =	vst v5;
	v5 =	vadd.f32 v60, v16;
	v6 =	vadd.f32 v58, v55;
	(pc) =	sbr.rel @p0 .LBB2_6-.Ltmp3, $4  }
0x233: {  	[tilespmem:s25+$0x19020] =	vst v9;
	v4 =	vadd.f32 v61, v13  }
0x234: {  	[tilespmem:s25+$0x19040] =	vst v5;
	v6 =	vadd.f32 v6, v14  }
0x235: {  	[tilespmem:s25+$0x19050] =	vst v4  }
0x236: {  	[tilespmem:s25+$0x19060] =	vst v6  }
0x237: {  	v3 =	vld [tilespmem:$0x200];
	_ =	sdelay $0x4  }
0x238: {  	v4 =	vshll.u32 v3, $0x1  }
0x239: {  	v3 =	vand.u32 $0x7, v3;
	v4 =	vand.u32 $0xFFFFFFF0, v4  }
0x23a: {  	v3 =	vor.u32 v3, v4  }
0x23b: {  	v4 =	vperm.xlane v3, v0;
	_ =	sdelay $0x1  }
0x23c: {  	v3 =	vperm.xlane v3, v2;
	v4 =	vadd.s32 v1, v4;
	_ =	sdelay $0x1  }
0x23d: {  	v3 =	vadd.s32 v1, v3;
	_ =	sdelay $0x1  }
0x23e: {  	s18 =	simm.s32 $0x0  }
0x23f: {  	[tilespmem:s26], [sflag:$0x2] =	stream.indirect_vreg.gather [hbm4b:s1+s18], $0x80, v4, vm0, $0xb8;
	[tilespmem:$0x19400] =	vst v63  }
0x240: {  	_ = 	snop  }
0x241: {  	[tilespmem:s28], [sflag:$0x2] =	stream.indirect_vreg.gather [hbm4b:s1+s18], $0x80, v3, vm0, $0xb8;
	[tilespmem:$0x19400] =	vst v63  }
0x242: {  	v3 =	vld [tilespmem:$0x210];
	_ =	sdelay $0x4  }
0x243: {  	v57 =	vshll.u32 v3, $0x1  }
0x244: {  	v3 =	vand.u32 $0x7, v3;
	v4 =	vand.u32 $0xFFFFFFF0, v57  }
0x245: {  	v3 =	vor.u32 v3, v4  }
0x246: {  	v4 =	vperm.xlane v3, v0;
	_ =	sdelay $0x1  }
0x247: {  	v3 =	vperm.xlane v3, v2;
	v4 =	vadd.s32 v1, v4;
	_ =	sdelay $0x1  }
0x248: {  	v3 =	vadd.s32 v1, v3;
	_ =	sdelay $0x2  }
0x249: {  	[tilespmem:s29], [sflag:$0x2] =	stream.indirect_vreg.gather [hbm4b:s1+s18], $0x80, v4, vm0, $0xb8;
	[tilespmem:$0x19400] =	vst v63  }
0x24a: {  	_ = 	snop  }
0x24b: {  	[tilespmem:s30], [sflag:$0x2] =	stream.indirect_vreg.gather [hbm4b:s1+s18], $0x80, v3, vm0, $0xb8;
	[tilespmem:$0x19400] =	vst v63  }
0x24c: {  	v3 =	vld [tilespmem:$0x220];
	_ =	sdelay $0x4  }
0x24d: {  	v58 =	vshll.u32 v3, $0x1  }
0x24e: {  	v3 =	vand.u32 $0x7, v3;
	v4 =	vand.u32 $0xFFFFFFF0, v58  }
0x24f: {  	v3 =	vor.u32 v3, v4  }
0x250: {  	v4 =	vperm.xlane v3, v0;
	_ =	sdelay $0x1  }
0x251: {  	v3 =	vperm.xlane v3, v2;
	v4 =	vadd.s32 v1, v4;
	_ =	sdelay $0x1  }
0x252: {  	v3 =	vadd.s32 v1, v3;
	_ =	sdelay $0x2  }
0x253: {  	[tilespmem:s31], [sflag:$0x2] =	stream.indirect_vreg.gather [hbm4b:s1+s18], $0x80, v4, vm0, $0xb8;
	[tilespmem:$0x19400] =	vst v63  }
0x254: {  	_ = 	snop  }
0x255: {  	[tilespmem:s0], [sflag:$0x2] =	stream.indirect_vreg.gather [hbm4b:s1+s18], $0x80, v3, vm0, $0xb8;
	[tilespmem:$0x19400] =	vst v63  }
0x256: {  	v3 =	vld [tilespmem:$0x230];
	_ =	sdelay $0x4  }
0x257: {  	v59 =	vshll.u32 v3, $0x1  }
0x258: {  	v3 =	vand.u32 $0x7, v3;
	v4 =	vand.u32 $0xFFFFFFF0, v59  }
0x259: {  	v3 =	vor.u32 v3, v4  }
0x25a: {  	v4 =	vperm.xlane v3, v0;
	_ =	sdelay $0x1  }
0x25b: {  	v3 =	vperm.xlane v3, v2;
	v4 =	vadd.s32 v1, v4;
	_ =	sdelay $0x1  }
0x25c: {  	v3 =	vadd.s32 v1, v3;
	_ =	sdelay $0x2  }
0x25d: {  	[tilespmem:s2], [sflag:$0x2] =	stream.indirect_vreg.gather [hbm4b:s1+s18], $0x80, v4, vm0, $0xb8;
	[tilespmem:$0x19400] =	vst v63  }
0x25e: {  	_ = 	snop  }
0x25f: {  	[tilespmem:s7], [sflag:$0x2] =	stream.indirect_vreg.gather [hbm4b:s1+s18], $0x80, v3, vm0, $0xb8;
	[tilespmem:$0x19400] =	vst v63  }
0x260: {  	v3 =	vld [tilespmem:$0x240];
	_ =	sdelay $0x4  }
0x261: {  	v60 =	vshll.u32 v3, $0x1  }
0x262: {  	v3 =	vand.u32 $0x7, v3;
	v4 =	vand.u32 $0xFFFFFFF0, v60  }
0x263: {  	v3 =	vor.u32 v3, v4  }
0x264: {  	v4 =	vperm.xlane v3, v0;
	_ =	sdelay $0x1  }
0x265: {  	v3 =	vperm.xlane v3, v2;
	v4 =	vadd.s32 v1, v4;
	_ =	sdelay $0x1  }
0x266: {  	v3 =	vadd.s32 v1, v3;
	_ =	sdelay $0x2  }
0x267: {  	[tilespmem:s8], [sflag:$0x2] =	stream.indirect_vreg.gather [hbm4b:s1+s18], $0x80, v4, vm0, $0xb8;
	[tilespmem:$0x19400] =	vst v63  }
0x268: {  	_ = 	snop  }
0x269: {  	[tilespmem:s4], [sflag:$0x2] =	stream.indirect_vreg.gather [hbm4b:s1+s18], $0x80, v3, vm0, $0xb8;
	[tilespmem:$0x19400] =	vst v63  }
0x26a: {  	v3 =	vld [tilespmem:$0x250];
	_ =	sdelay $0x4  }
0x26b: {  	v61 =	vshll.u32 v3, $0x1  }
0x26c: {  	v3 =	vand.u32 $0x7, v3;
	v4 =	vand.u32 $0xFFFFFFF0, v61  }
0x26d: {  	v3 =	vor.u32 v3, v4  }
0x26e: {  	v4 =	vperm.xlane v3, v0;
	_ =	sdelay $0x1  }
0x26f: {  	v3 =	vperm.xlane v3, v2;
	v4 =	vadd.s32 v1, v4;
	_ =	sdelay $0x1  }
0x270: {  	v3 =	vadd.s32 v1, v3;
	_ =	sdelay $0x2  }
0x271: {  	[tilespmem:s5], [sflag:$0x2] =	stream.indirect_vreg.gather [hbm4b:s1+s18], $0x80, v4, vm0, $0xb8;
	[tilespmem:$0x19400] =	vst v63  }
0x272: {  	_ = 	snop  }
0x273: {  	[tilespmem:s6], [sflag:$0x2] =	stream.indirect_vreg.gather [hbm4b:s1+s18], $0x80, v3, vm0, $0xb8;
	[tilespmem:$0x19400] =	vst v63  }
0x274: {  	v3 =	vld [tilespmem:$0x260];
	_ =	sdelay $0x4  }
0x275: {  	v62 =	vshll.u32 v3, $0x1  }
0x276: {  	v3 =	vand.u32 $0x7, v3;
	v4 =	vand.u32 $0xFFFFFFF0, v62  }
0x277: {  	v3 =	vor.u32 v3, v4  }
0x278: {  	v4 =	vperm.xlane v3, v0;
	_ =	sdelay $0x1  }
0x279: {  	v3 =	vperm.xlane v3, v2;
	v4 =	vadd.s32 v1, v4;
	_ =	sdelay $0x1  }
0x27a: {  	v3 =	vadd.s32 v1, v3;
	_ =	sdelay $0x2  }
0x27b: {  	[tilespmem:s10], [sflag:$0x2] =	stream.indirect_vreg.gather [hbm4b:s1+s18], $0x80, v4, vm0, $0xb8;
	[tilespmem:$0x19400] =	vst v63  }
0x27c: {  	_ = 	snop  }
0x27d: {  	[tilespmem:s11], [sflag:$0x2] =	stream.indirect_vreg.gather [hbm4b:s1+s18], $0x80, v3, vm0, $0xb8;
	[tilespmem:$0x19400] =	vst v63  }
0x27e: {  	v3 =	vld [tilespmem:$0x270];
	_ =	sdelay $0x4  }
0x27f: {  	v63 =	vshll.u32 v3, $0x1  }
0x280: {  	v3 =	vand.u32 $0x7, v3;
	v4 =	vand.u32 $0xFFFFFFF0, v63  }
0x281: {  	v3 =	vor.u32 v3, v4  }
0x282: {  	v4 =	vperm.xlane v3, v0;
	_ =	sdelay $0x1  }
0x283: {  	v3 =	vperm.xlane v3, v2;
	v4 =	vadd.s32 v1, v4;
	_ =	sdelay $0x1  }
0x284: {  	v3 =	vadd.s32 v1, v3;
	_ =	sdelay $0x2  }
0x285: {  	[tilespmem:s12], [sflag:$0x2] =	stream.indirect_vreg.gather [hbm4b:s1+s18], $0x80, v4, vm0, $0xb8;
	[tilespmem:$0x19400] =	vst v63  }
0x286: {  	_ = 	snop  }
0x287: {  	[tilespmem:s13], [sflag:$0x2] =	stream.indirect_vreg.gather [hbm4b:s1+s18], $0x80, v3, vm0, $0xb8;
	[tilespmem:$0x19400] =	vst v63  }
0x288: {  	_ =	swait.ge [sflag:s16], $0x8000  }
0x289: {  	[sflag:s16] =	ssyncset.done $0x0  }
0x28a: {  	s19 =	simm.s32 $0x0;
	[sflag:s16] =	ssyncadd.s32 $0xFFFF8000  }
.LBB2_10:
0x28b: {  	s20 =	sshll.u32 s19, $0xC;
	s21 =	sand.u32 $0x800, s18  }
0x28c: {  	s23 =	sand.u32 $0x380, s18;
	s21 =	sor.u32 s20, s21  }
0x28d: {  	s22 =	sor.u32 s21, s18;
	s21 =	sadd.s32 s23, s21  }
0x28e: {  	v28 =	vld [tilespmem:s21+$0x10440]  }
0x28f: {  	v35 =	vld [tilespmem:s21+$0x10450]  }
0x290: {  	s22 =	sor.u32 $0x10400, s22;
	v29 =	vld [tilespmem:s21+$0x10460]  }
0x291: {  	v3 =	vld [tilespmem:s22+$0x470]  }
0x292: {  	v5 =	vld [tilespmem:s22+$0x400]  }
0x293: {  	v6 =	vld [tilespmem:s22+$0x410]  }
0x294: {  	v7 =	vld [tilespmem:s22+$0x420]  }
0x295: {  	v8 =	vld [tilespmem:s22+$0x430]  }
0x296: {  	v12 =	vld [tilespmem:s22+$0x450];
	v31 =	vmul.f32 $6.553700000e+04, v28  }
0x297: {  	v30 =	vld [tilespmem:s21+$0x10470];
	v32 =	vmul.f32 $6.553700000e+04, v35;
	v34 =	vmul.f32 $6.553700000e+04, v29  }
0x298: {  	v4 =	vimm.f32 $0.0e+00;
	v9 =	vld [tilespmem:s22+$0x440];
	v10 =	vmul.f32 $6.553700000e+04, v3;
	v11 =	vmul.f32 $6.553700000e+04, v5  }
0x299: {  	v15 =	vld [tilespmem:s21+$0x10400];
	v13 =	vmul.f32 $6.553700000e+04, v6;
	v16 =	vmul.f32 $6.553700000e+04, v7;
	v36 =	vsub.f32 v28, v31  }
0x29a: {  	v14 =	vld [tilespmem:s22+$0x460];
	v18 =	vmul.f32 $6.553700000e+04, v8;
	v37 =	vsub.f32 v35, v32;
	v3 =	vsub.f32 v3, v10  }
0x29b: {  	v17 =	vld [tilespmem:s21+$0x10410];
	v24 =	vmul.f32 $6.553700000e+04, v12;
	v5 =	vsub.f32 v5, v11;
	v6 =	vsub.f32 v6, v13  }
0x29c: {  	v35 =	vmul.f32 $6.553700000e+04, v30;
	v8 =	vsub.f32 v8, v18;
	v3 =	vadd.f32 v3, v10  }
0x29d: {  	v19 =	vadd.f32 v5, v11;
	v5 =	vsub.f32 v7, v16;
	v7 =	vmul.f32 $6.553700000e+04, v9  }
0x29e: {  	v10 =	vld [tilespmem:s21+$0x10420];
	v20 =	vadd.f32 v6, v13;
	v13 =	vmul.f32 $6.553700000e+04, v15;
	v22 =	vadd.f32 v8, v18  }
0x29f: {  	v11 =	vld [tilespmem:s21+$0x10430];
	v3 =	vadd.f32 v3, v4;
	v6 =	vsub.f32 v9, v7;
	v9 =	vmul.f32 $6.553700000e+04, v14  }
0x2a0: {  	v21 =	vadd.f32 v5, v16;
	v5 =	vsub.f32 v12, v24;
	v12 =	vmul.f32 $6.553700000e+04, v17  }
0x2a1: {  	v18 =	vimm.f32 $0.0e+00;
	v8 =	vsub.f32 v14, v9;
	v14 =	vsub.f32 v15, v13  }
0x2a2: {  	v16 =	vimm.f32 $0.0e+00;
	v23 =	vadd.f32 v6, v7;
	v6 =	vsub.f32 v17, v12  }
0x2a3: {  	v24 =	vadd.f32 v5, v24;
	v17 =	vimm.f32 $0.0e+00;
	v7 =	vimm.f32 $0.0e+00  }
0x2a4: {  	v15 =	vmul.f32 $6.553700000e+04, v10;
	v33 =	vmul.f32 $6.553700000e+04, v11;
	v26 =	vadd.f32 v8, v9  }
0x2a5: {  	v25 =	vadd.f32 v14, v13;
	v27 =	vadd.f32 v6, v12;
	v13 =	vimm.f32 $0.0e+00  }
0x2a6: {  	v14 =	vimm.f32 $0.0e+00;
	v12 =	vimm.f32 $0.0e+00;
	v8 =	vimm.f32 $0.0e+00  }
0x2a7: {  	v9 =	vimm.f32 $0.0e+00;
	v6 =	vimm.f32 $0.0e+00;
	v5 =	vsub.f32 v10, v15  }
0x2a8: {  	s25 =	simm.s32 $0x100;
	v38 =	vsub.f32 v11, v33;
	v11 =	vimm.f32 $0.0e+00;
	v10 =	vimm.f32 $0.0e+00  }
0x2a9: {  	s23 =	sand.u32 $0x800, s25;
	s22 =	simm.s32 $0x200;
	s21 =	simm.s32 $0x0;
	v28 =	vadd.f32 v5, v15;
	v15 =	vimm.f32 $0.0e+00;
	v5 =	vimm.f32 $0.0e+00  }
.LBB2_11:
0x2aa: {  	p0 =	sne.s32 s22, $0xF00;
	s23 =	sor.u32 s20, s23;
	v33 =	vadd.f32 v38, v33;
	v29 =	vsub.f32 v29, v34;
	s21 =	sadd.s32 $0x80, s21  }
0x2ab: {  	v31 =	vadd.f32 v36, v31;
	s24 =	sand.u32 $0x380, s21;
	s25 =	sor.u32 s23, s21;
	v30 =	vsub.f32 v30, v35  }
0x2ac: {  	v32 =	vadd.f32 v37, v32;
	s23 =	sadd.s32 s24, s23;
	s24 =	sor.u32 $0x10400, s25;
	v29 =	vadd.f32 v29, v34  }
0x2ad: {  	v4 =	vadd.f32 v19, v4;
	v34 =	vld [tilespmem:s24+$0x470];
	v30 =	vadd.f32 v30, v35  }
0x2ae: {  	v17 =	vadd.f32 v20, v17;
	v18 =	vadd.f32 v21, v18;
	v19 =	vld [tilespmem:s24+$0x400]  }
0x2af: {  	v15 =	vadd.f32 v22, v15;
	v16 =	vadd.f32 v23, v16;
	v20 =	vld [tilespmem:s24+$0x410]  }
0x2b0: {  	v13 =	vadd.f32 v24, v13;
	v14 =	vadd.f32 v26, v14;
	v21 =	vld [tilespmem:s24+$0x420]  }
0x2b1: {  	v11 =	vadd.f32 v25, v11;
	v12 =	vadd.f32 v27, v12;
	v22 =	vld [tilespmem:s24+$0x430]  }
0x2b2: {  	v10 =	vadd.f32 v28, v10;
	v8 =	vadd.f32 v33, v8;
	v23 =	vld [tilespmem:s24+$0x440];
	v24 =	vmul.f32 $6.553700000e+04, v34  }
0x2b3: {  	v7 =	vadd.f32 v31, v7;
	v9 =	vadd.f32 v32, v9;
	v25 =	vmul.f32 $6.553700000e+04, v19;
	v26 =	vld [tilespmem:s24+$0x450]  }
0x2b4: {  	v6 =	vadd.f32 v29, v6;
	v27 =	vmul.f32 $6.553700000e+04, v20;
	v28 =	vld [tilespmem:s24+$0x460];
	v31 =	vsub.f32 v34, v24  }
0x2b5: {  	v5 =	vadd.f32 v30, v5;
	v32 =	vld [tilespmem:s23+$0x10400];
	v19 =	vsub.f32 v19, v25;
	v29 =	vmul.f32 $6.553700000e+04, v21  }
0x2b6: {  	v33 =	vld [tilespmem:s23+$0x10410];
	v20 =	vsub.f32 v20, v27;
	v30 =	vmul.f32 $6.553700000e+04, v22;
	v24 =	vadd.f32 v31, v24  }
0x2b7: {  	v31 =	vld [tilespmem:s23+$0x10420];
	v19 =	vadd.f32 v19, v25;
	v21 =	vsub.f32 v21, v29;
	v25 =	vmul.f32 $6.553700000e+04, v23  }
0x2b8: {  	v34 =	vld [tilespmem:s23+$0x10430];
	v22 =	vsub.f32 v22, v30;
	v35 =	vmul.f32 $6.553700000e+04, v26;
	v3 =	vadd.f32 v24, v3  }
0x2b9: {  	v20 =	vadd.f32 v20, v27;
	v36 =	vld [tilespmem:s23+$0x10440];
	v23 =	vsub.f32 v23, v25;
	v27 =	vmul.f32 $6.553700000e+04, v28  }
0x2ba: {  	v21 =	vadd.f32 v21, v29;
	v37 =	vmul.f32 $6.553700000e+04, v32;
	v39 =	vld [tilespmem:s23+$0x10450];
	v24 =	vsub.f32 v26, v35  }
0x2bb: {  	v22 =	vadd.f32 v22, v30;
	v40 =	vmul.f32 $6.553700000e+04, v33;
	v29 =	vld [tilespmem:s23+$0x10460];
	v26 =	vsub.f32 v28, v27  }
0x2bc: {  	v23 =	vadd.f32 v23, v25;
	v28 =	vsub.f32 v32, v37;
	v41 =	vmul.f32 $6.553700000e+04, v31;
	v30 =	vld [tilespmem:s23+$0x10470]  }
.Ltmp4:
0x2bd: {  	v24 =	vadd.f32 v24, v35;
	v42 =	vsub.f32 v33, v40;
	v33 =	vmul.f32 $6.553700000e+04, v34;
	(pc) =	sbr.rel @p0 .LBB2_11-.Ltmp4, $4  }
0x2be: {  	v26 =	vadd.f32 v26, v27;
	v35 =	vsub.f32 v31, v41;
	v31 =	vmul.f32 $6.553700000e+04, v36  }
0x2bf: {  	v25 =	vadd.f32 v28, v37;
	v38 =	vsub.f32 v34, v33;
	v32 =	vmul.f32 $6.553700000e+04, v39  }
0x2c0: {  	v27 =	vadd.f32 v42, v40;
	v36 =	vsub.f32 v36, v31;
	v34 =	vmul.f32 $6.553700000e+04, v29  }
0x2c1: {  	s23 =	sand.u32 $0x800, s22;
	s22 =	sadd.s32 $0x100, s22;
	v28 =	vadd.f32 v35, v41;
	v37 =	vsub.f32 v39, v32;
	v35 =	vmul.f32 $6.553700000e+04, v30  }
0x2c2: {  	s20 =	sor.u32 s20, s23;
	s21 =	sadd.s32 $0x80, s21  }
0x2c3: {  	s22 =	sor.u32 s20, s21  }
0x2c4: {  	v33 =	vadd.f32 v38, v33;
	s22 =	sor.u32 $0x10400, s22  }
0x2c5: {  	v29 =	vsub.f32 v29, v34;
	v31 =	vadd.f32 v36, v31;
	v53 =	vld [tilespmem:s22+$0x470]  }
0x2c6: {  	v4 =	vadd.f32 v19, v4;
	v17 =	vadd.f32 v20, v17;
	v54 =	vld [tilespmem:s22+$0x400]  }
0x2c7: {  	v18 =	vadd.f32 v21, v18;
	v15 =	vadd.f32 v22, v15;
	v55 =	vld [tilespmem:s22+$0x410]  }
0x2c8: {  	v16 =	vadd.f32 v23, v16;
	v13 =	vadd.f32 v24, v13;
	v56 =	vld [tilespmem:s22+$0x420]  }
0x2c9: {  	v14 =	vadd.f32 v26, v14;
	v11 =	vadd.f32 v25, v11;
	v57 =	vld [tilespmem:s22+$0x430]  }
0x2ca: {  	v12 =	vadd.f32 v27, v12;
	v30 =	vsub.f32 v30, v35;
	v58 =	vld [tilespmem:s22+$0x440]  }
0x2cb: {  	v32 =	vadd.f32 v37, v32;
	v10 =	vadd.f32 v28, v10;
	s21 =	sand.u32 $0x380, s21;
	v61 =	vld [tilespmem:s22+$0x450]  }
0x2cc: {  	v29 =	vadd.f32 v29, v34;
	v8 =	vadd.f32 v33, v8;
	s20 =	sadd.s32 s21, s20;
	v63 =	vld [tilespmem:s22+$0x460]  }
0x2cd: {  	v7 =	vadd.f32 v31, v7;
	v30 =	vadd.f32 v30, v35;
	v41 =	vld [tilespmem:s20+$0x10400];
	v59 =	vmul.f32 $6.553700000e+04, v53  }
0x2ce: {  	v9 =	vadd.f32 v32, v9;
	v45 =	vld [tilespmem:s20+$0x10420];
	v60 =	vmul.f32 $6.553700000e+04, v54;
	v62 =	vmul.f32 $6.553700000e+04, v55  }
0x2cf: {  	v6 =	vadd.f32 v29, v6;
	v42 =	vmul.f32 $6.553700000e+04, v56;
	v44 =	vmul.f32 $6.553700000e+04, v57  }
0x2d0: {  	v5 =	vadd.f32 v30, v5;
	v46 =	vmul.f32 $6.553700000e+04, v58;
	v48 =	vmul.f32 $6.553700000e+04, v61  }
0x2d1: {  	v50 =	vmul.f32 $6.553700000e+04, v63;
	v40 =	vsub.f32 v53, v59;
	v19 =	vsub.f32 v54, v60  }
0x2d2: {  	v43 =	vld [tilespmem:s20+$0x10410];
	v51 =	vmul.f32 $6.553700000e+04, v41;
	v20 =	vsub.f32 v55, v62;
	v21 =	vsub.f32 v56, v42  }
0x2d3: {  	v47 =	vld [tilespmem:s20+$0x10430];
	v39 =	vmul.f32 $6.553700000e+04, v45;
	v22 =	vsub.f32 v57, v44;
	v23 =	vsub.f32 v58, v46  }
0x2d4: {  	v49 =	vld [tilespmem:s20+$0x10440];
	v26 =	vsub.f32 v61, v48;
	v28 =	vsub.f32 v63, v50  }
0x2d5: {  	v52 =	vld [tilespmem:s20+$0x10450];
	v29 =	vsub.f32 v41, v51;
	v31 =	vsub.f32 v45, v39  }
0x2d6: {  	v24 =	vadd.f32 v40, v59;
	v19 =	vadd.f32 v19, v60  }
0x2d7: {  	v53 =	vmul.f32 $6.553700000e+04, v43;
	v20 =	vadd.f32 v20, v62;
	v21 =	vadd.f32 v21, v42  }
0x2d8: {  	v56 =	vmul.f32 $6.553700000e+04, v47;
	v22 =	vadd.f32 v22, v44;
	v23 =	vadd.f32 v23, v46  }
0x2d9: {  	v57 =	vmul.f32 $6.553700000e+04, v49;
	v30 =	vsub.f32 v43, v53;
	v26 =	vadd.f32 v26, v48  }
0x2da: {  	v58 =	vmul.f32 $6.553700000e+04, v52;
	v28 =	vadd.f32 v28, v50;
	v29 =	vadd.f32 v29, v51  }
0x2db: {  	s25 =	sshll.u32 s19, $0x7;
	v54 =	vld [tilespmem:s20+$0x10460];
	v34 =	vsub.f32 v47, v56;
	v27 =	vsub.f32 v49, v57  }
0x2dc: {  	v55 =	vld [tilespmem:s20+$0x10470];
	s20 =	sand.u32 $0x3FFFFF80, s25;
	v31 =	vadd.f32 v31, v39;
	v32 =	vsub.f32 v52, v58  }
0x2dd: {  	v61 =	vld [tilespmem:s20+$0x18400];
	v30 =	vadd.f32 v30, v53;
	v34 =	vadd.f32 v34, v56  }
0x2de: {  	v63 =	vld [tilespmem:s20+$0x18420];
	v27 =	vadd.f32 v27, v57;
	v32 =	vadd.f32 v32, v58  }
0x2df: {  	v45 =	vld [tilespmem:s20+$0x18810];
	v11 =	vadd.f32 v29, v11;
	v10 =	vadd.f32 v31, v10  }
0x2e0: {  	v44 =	vld [tilespmem:s20+$0x18800];
	v4 =	vadd.f32 v19, v4;
	v17 =	vadd.f32 v20, v17  }
0x2e1: {  	v47 =	vld [tilespmem:s20+$0x18820];
	v50 =	vadd.f32 v21, v18;
	v52 =	vadd.f32 v22, v15  }
0x2e2: {  	v62 =	vld [tilespmem:s20+$0x18410];
	v58 =	vadd.f32 v26, v13;
	v11 =	vadd.f32 v61, v11  }
0x2e3: {  	v38 =	vld [tilespmem:s20+$0x18430];
	v3 =	vadd.f32 v24, v3;
	v10 =	vadd.f32 v63, v10  }
0x2e4: {  	v40 =	vld [tilespmem:s20+$0x18440];
	v12 =	vadd.f32 v30, v12;
	v53 =	vadd.f32 v45, v17;
	[tilespmem:s20+$0x18400] =	vst v11  }
0x2e5: {  	v41 =	vld [tilespmem:s20+$0x18450];
	v8 =	vadd.f32 v34, v8;
	v4 =	vadd.f32 v44, v4;
	[tilespmem:s20+$0x18420] =	vst v10  }
0x2e6: {  	v51 =	vld [tilespmem:s20+$0x18850];
	v59 =	vmul.f32 $6.553700000e+04, v54;
	v7 =	vadd.f32 v27, v7;
	v56 =	vadd.f32 v47, v50;
	[tilespmem:s20+$0x18810] =	vst v53  }
0x2e7: {  	v48 =	vld [tilespmem:s20+$0x18830];
	v60 =	vmul.f32 $6.553700000e+04, v55;
	v9 =	vadd.f32 v32, v9;
	v12 =	vadd.f32 v62, v12;
	[tilespmem:s20+$0x18800] =	vst v4  }
0x2e8: {  	v49 =	vld [tilespmem:s20+$0x18840];
	v33 =	vsub.f32 v54, v59;
	v8 =	vadd.f32 v38, v8;
	[tilespmem:s20+$0x18820] =	vst v56  }
0x2e9: {  	v57 =	vld [tilespmem:s20+$0x18870];
	v25 =	vsub.f32 v55, v60;
	v7 =	vadd.f32 v40, v7;
	[tilespmem:s20+$0x18410] =	vst v12  }
0x2ea: {  	v54 =	vld [tilespmem:s20+$0x18860];
	v55 =	vadd.f32 v23, v16;
	v46 =	vadd.f32 v41, v9;
	[tilespmem:s20+$0x18430] =	vst v8  }
0x2eb: {  	v42 =	vld [tilespmem:s20+$0x18460];
	v62 =	vadd.f32 v51, v58;
	v33 =	vadd.f32 v33, v59;
	[tilespmem:s20+$0x18440] =	vst v7  }
0x2ec: {  	v43 =	vld [tilespmem:s20+$0x18470];
	v25 =	vadd.f32 v25, v60;
	v59 =	vadd.f32 v48, v52;
	[tilespmem:s20+$0x18450] =	vst v46  }
0x2ed: {  	s19 =	sadd.s32 $0x1, s19;
	v60 =	vadd.f32 v28, v14;
	v61 =	vadd.f32 v49, v55;
	[tilespmem:s20+$0x18850] =	vst v62  }
0x2ee: {  	p0 =	sne.s32 s19, $0x8;
	v3 =	vadd.f32 v57, v3;
	v6 =	vadd.f32 v33, v6;
	[tilespmem:s20+$0x18830] =	vst v59  }
.Ltmp5:
0x2ef: {  	v5 =	vadd.f32 v25, v5;
	[tilespmem:s20+$0x18840] =	vst v61;
	v63 =	vadd.f32 v54, v60;
	(pc) =	sbr.rel @p0 .LBB2_10-.Ltmp5, $4  }
0x2f0: {  	[tilespmem:s20+$0x18870] =	vst v3;
	v6 =	vadd.f32 v42, v6  }
0x2f1: {  	v5 =	vadd.f32 v43, v5;
	[tilespmem:s20+$0x18860] =	vst v63  }
0x2f2: {  	[tilespmem:s20+$0x18460] =	vst v6  }
0x2f3: {  	[tilespmem:s20+$0x18470] =	vst v5  }
0x2f4: {  	v3 =	vld [tilespmem:$0x280];
	_ =	sdelay $0x4  }
0x2f5: {  	v4 =	vshll.u32 v3, $0x1  }
0x2f6: {  	v3 =	vand.u32 $0x7, v3;
	v4 =	vand.u32 $0xFFFFFFF0, v4  }
0x2f7: {  	v3 =	vor.u32 v3, v4  }
0x2f8: {  	v4 =	vperm.xlane v3, v0;
	_ =	sdelay $0x1  }
0x2f9: {  	v3 =	vperm.xlane v3, v2;
	v4 =	vadd.s32 v1, v4;
	_ =	sdelay $0x1  }
0x2fa: {  	v3 =	vadd.s32 v1, v3;
	_ =	sdelay $0x1  }
0x2fb: {  	s18 =	simm.s32 $0x0;
	s19 =	simm.s32 $0x10400  }
0x2fc: {  	[tilespmem:s19], [sflag:$0x3] =	stream.indirect_vreg.gather [hbm4b:s1+s18], $0x80, v4, vm0, $0xb8;
	[tilespmem:$0x19400] =	vst v63  }
0x2fd: {  	s23 =	simm.s32 $0x10C00  }
0x2fe: {  	[tilespmem:s23], [sflag:$0x3] =	stream.indirect_vreg.gather [hbm4b:s1+s18], $0x80, v3, vm0, $0xb8;
	[tilespmem:$0x19400] =	vst v63  }
0x2ff: {  	v3 =	vld [tilespmem:$0x290];
	_ =	sdelay $0x4  }
0x300: {  	v57 =	vshll.u32 v3, $0x1  }
0x301: {  	v3 =	vand.u32 $0x7, v3;
	v4 =	vand.u32 $0xFFFFFFF0, v57  }
0x302: {  	v3 =	vor.u32 v3, v4  }
0x303: {  	v4 =	vperm.xlane v3, v0;
	_ =	sdelay $0x1  }
0x304: {  	v3 =	vperm.xlane v3, v2;
	v4 =	vadd.s32 v1, v4;
	_ =	sdelay $0x1  }
0x305: {  	v3 =	vadd.s32 v1, v3;
	_ =	sdelay $0x1  }
0x306: {  	s24 =	simm.s32 $0x11400  }
0x307: {  	[tilespmem:s24], [sflag:$0x3] =	stream.indirect_vreg.gather [hbm4b:s1+s18], $0x80, v4, vm0, $0xb8;
	[tilespmem:$0x19400] =	vst v63  }
0x308: {  	s25 =	simm.s32 $0x11C00  }
0x309: {  	[tilespmem:s25], [sflag:$0x3] =	stream.indirect_vreg.gather [hbm4b:s1+s18], $0x80, v3, vm0, $0xb8;
	[tilespmem:$0x19400] =	vst v63  }
0x30a: {  	v3 =	vld [tilespmem:$0x2A0];
	_ =	sdelay $0x4  }
0x30b: {  	v58 =	vshll.u32 v3, $0x1  }
0x30c: {  	v3 =	vand.u32 $0x7, v3;
	v4 =	vand.u32 $0xFFFFFFF0, v58  }
0x30d: {  	v3 =	vor.u32 v3, v4  }
0x30e: {  	v4 =	vperm.xlane v3, v0;
	_ =	sdelay $0x1  }
0x30f: {  	v3 =	vperm.xlane v3, v2;
	v4 =	vadd.s32 v1, v4;
	_ =	sdelay $0x1  }
0x310: {  	v3 =	vadd.s32 v1, v3;
	_ =	sdelay $0x1  }
0x311: {  	s20 =	simm.s32 $0x12400  }
0x312: {  	[tilespmem:s20], [sflag:$0x3] =	stream.indirect_vreg.gather [hbm4b:s1+s18], $0x80, v4, vm0, $0xb8;
	[tilespmem:$0x19400] =	vst v63  }
0x313: {  	s21 =	simm.s32 $0x12C00  }
0x314: {  	[tilespmem:s21], [sflag:$0x3] =	stream.indirect_vreg.gather [hbm4b:s1+s18], $0x80, v3, vm0, $0xb8;
	[tilespmem:$0x19400] =	vst v63  }
0x315: {  	v3 =	vld [tilespmem:$0x2B0];
	_ =	sdelay $0x4  }
0x316: {  	v59 =	vshll.u32 v3, $0x1  }
0x317: {  	v3 =	vand.u32 $0x7, v3;
	v4 =	vand.u32 $0xFFFFFFF0, v59  }
0x318: {  	v3 =	vor.u32 v3, v4  }
0x319: {  	v4 =	vperm.xlane v3, v0;
	_ =	sdelay $0x1  }
0x31a: {  	v3 =	vperm.xlane v3, v2;
	v4 =	vadd.s32 v1, v4;
	_ =	sdelay $0x1  }
0x31b: {  	v3 =	vadd.s32 v1, v3;
	_ =	sdelay $0x1  }
0x31c: {  	s22 =	simm.s32 $0x13400  }
0x31d: {  	[tilespmem:s22], [sflag:$0x3] =	stream.indirect_vreg.gather [hbm4b:s1+s18], $0x80, v4, vm0, $0xb8;
	[tilespmem:$0x19400] =	vst v63  }
0x31e: {  	s23 =	simm.s32 $0x13C00  }
0x31f: {  	[tilespmem:s23], [sflag:$0x3] =	stream.indirect_vreg.gather [hbm4b:s1+s18], $0x80, v3, vm0, $0xb8;
	[tilespmem:$0x19400] =	vst v63  }
0x320: {  	v3 =	vld [tilespmem:$0x2C0];
	_ =	sdelay $0x4  }
0x321: {  	v60 =	vshll.u32 v3, $0x1  }
0x322: {  	v3 =	vand.u32 $0x7, v3;
	v4 =	vand.u32 $0xFFFFFFF0, v60  }
0x323: {  	v3 =	vor.u32 v3, v4  }
0x324: {  	v4 =	vperm.xlane v3, v0;
	_ =	sdelay $0x1  }
0x325: {  	v3 =	vperm.xlane v3, v2;
	v4 =	vadd.s32 v1, v4;
	_ =	sdelay $0x1  }
0x326: {  	v3 =	vadd.s32 v1, v3;
	_ =	sdelay $0x1  }
0x327: {  	s24 =	simm.s32 $0x14400  }
0x328: {  	[tilespmem:s24], [sflag:$0x3] =	stream.indirect_vreg.gather [hbm4b:s1+s18], $0x80, v4, vm0, $0xb8;
	[tilespmem:$0x19400] =	vst v63  }
0x329: {  	s25 =	simm.s32 $0x14C00  }
0x32a: {  	[tilespmem:s25], [sflag:$0x3] =	stream.indirect_vreg.gather [hbm4b:s1+s18], $0x80, v3, vm0, $0xb8;
	[tilespmem:$0x19400] =	vst v63  }
0x32b: {  	v3 =	vld [tilespmem:$0x2D0];
	_ =	sdelay $0x4  }
0x32c: {  	v61 =	vshll.u32 v3, $0x1  }
0x32d: {  	v3 =	vand.u32 $0x7, v3;
	v4 =	vand.u32 $0xFFFFFFF0, v61  }
0x32e: {  	v3 =	vor.u32 v3, v4  }
0x32f: {  	v4 =	vperm.xlane v3, v0;
	_ =	sdelay $0x1  }
0x330: {  	v3 =	vperm.xlane v3, v2;
	v4 =	vadd.s32 v1, v4;
	_ =	sdelay $0x1  }
0x331: {  	v3 =	vadd.s32 v1, v3;
	_ =	sdelay $0x1  }
0x332: {  	s20 =	simm.s32 $0x15400  }
0x333: {  	[tilespmem:s20], [sflag:$0x3] =	stream.indirect_vreg.gather [hbm4b:s1+s18], $0x80, v4, vm0, $0xb8;
	[tilespmem:$0x19400] =	vst v63  }
0x334: {  	s21 =	simm.s32 $0x15C00  }
0x335: {  	[tilespmem:s21], [sflag:$0x3] =	stream.indirect_vreg.gather [hbm4b:s1+s18], $0x80, v3, vm0, $0xb8;
	[tilespmem:$0x19400] =	vst v63  }
0x336: {  	v3 =	vld [tilespmem:$0x2E0];
	_ =	sdelay $0x4  }
0x337: {  	v62 =	vshll.u32 v3, $0x1  }
0x338: {  	v3 =	vand.u32 $0x7, v3;
	v4 =	vand.u32 $0xFFFFFFF0, v62  }
0x339: {  	v3 =	vor.u32 v3, v4  }
0x33a: {  	v4 =	vperm.xlane v3, v0;
	_ =	sdelay $0x1  }
0x33b: {  	v3 =	vperm.xlane v3, v2;
	v4 =	vadd.s32 v1, v4;
	_ =	sdelay $0x1  }
0x33c: {  	v3 =	vadd.s32 v1, v3;
	_ =	sdelay $0x1  }
0x33d: {  	s22 =	simm.s32 $0x16400  }
0x33e: {  	[tilespmem:s22], [sflag:$0x3] =	stream.indirect_vreg.gather [hbm4b:s1+s18], $0x80, v4, vm0, $0xb8;
	[tilespmem:$0x19400] =	vst v63  }
0x33f: {  	s23 =	simm.s32 $0x16C00  }
0x340: {  	[tilespmem:s23], [sflag:$0x3] =	stream.indirect_vreg.gather [hbm4b:s1+s18], $0x80, v3, vm0, $0xb8;
	[tilespmem:$0x19400] =	vst v63  }
0x341: {  	v3 =	vld [tilespmem:$0x2F0];
	_ =	sdelay $0x4  }
0x342: {  	v63 =	vshll.u32 v3, $0x1  }
0x343: {  	v3 =	vand.u32 $0x7, v3;
	v4 =	vand.u32 $0xFFFFFFF0, v63  }
0x344: {  	v3 =	vor.u32 v3, v4  }
0x345: {  	v4 =	vperm.xlane v3, v0;
	_ =	sdelay $0x1  }
0x346: {  	v3 =	vperm.xlane v3, v2;
	v4 =	vadd.s32 v1, v4;
	_ =	sdelay $0x1  }
0x347: {  	v3 =	vadd.s32 v1, v3;
	_ =	sdelay $0x1  }
0x348: {  	s24 =	simm.s32 $0x17400  }
0x349: {  	[tilespmem:s24], [sflag:$0x3] =	stream.indirect_vreg.gather [hbm4b:s1+s18], $0x80, v4, vm0, $0xb8;
	[tilespmem:$0x19400] =	vst v63  }
0x34a: {  	s25 =	simm.s32 $0x17C00  }
0x34b: {  	[tilespmem:s25], [sflag:$0x3] =	stream.indirect_vreg.gather [hbm4b:s1+s18], $0x80, v3, vm0, $0xb8;
	[tilespmem:$0x19400] =	vst v63  }
0x34c: {  	_ =	swait.ge [sflag:s14], $0x8000  }
0x34d: {  	[sflag:s14] =	ssyncset.done $0x0  }
0x34e: {  	s19 =	simm.s32 $0x0;
	[sflag:s14] =	ssyncadd.s32 $0xFFFF8000  }
.LBB2_14:
0x34f: {  	s20 =	sshll.u32 s19, $0xC  }
0x350: {  	s20 =	sand.u32 $0x3FFFF000, s20  }
0x351: {  	s21 =	sand.u32 $0x800, s18;
	s20 =	sor.u32 $0x400, s20  }
0x352: {  	s22 =	sand.u32 $0x380, s18;
	s21 =	sadd.s32 s21, s20  }
0x353: {  	s21 =	sadd.s32 s22, s21  }
0x354: {  	v3 =	vld [tilespmem:s21+$0x470]  }
0x355: {  	v4 =	vld [tilespmem:s21+$0x0]  }
0x356: {  	v5 =	vld [tilespmem:s21+$0x10]  }
0x357: {  	v6 =	vld [tilespmem:s21+$0x20]  }
0x358: {  	v7 =	vld [tilespmem:s21+$0x30]  }
0x359: {  	v8 =	vld [tilespmem:s21+$0x40]  }
0x35a: {  	v11 =	vld [tilespmem:s21+$0x50]  }
0x35b: {  	v13 =	vld [tilespmem:s21+$0x60];
	v9 =	vmul.f32 $6.553700000e+04, v3  }
0x35c: {  	v16 =	vld [tilespmem:s21+$0x70];
	v10 =	vmul.f32 $6.553700000e+04, v4;
	v12 =	vmul.f32 $6.553700000e+04, v5  }
0x35d: {  	v18 =	vld [tilespmem:s21+$0x400];
	v15 =	vmul.f32 $6.553700000e+04, v6;
	v17 =	vmul.f32 $6.553700000e+04, v7;
	v3 =	vsub.f32 v3, v9  }
0x35e: {  	v27 =	vld [tilespmem:s21+$0x420];
	v14 =	vsub.f32 v4, v10;
	v5 =	vsub.f32 v5, v12  }
0x35f: {  	v30 =	vld [tilespmem:s21+$0x460];
	v4 =	vimm.f32 $0.0e+00;
	v6 =	vsub.f32 v6, v15;
	v7 =	vsub.f32 v7, v17  }
0x360: {  	v3 =	vadd.f32 v3, v9;
	v19 =	vadd.f32 v14, v10;
	v9 =	vmul.f32 $6.553700000e+04, v8;
	v10 =	vld [tilespmem:s21+$0x410]  }
0x361: {  	v14 =	vmul.f32 $6.553700000e+04, v11;
	v20 =	vadd.f32 v5, v12;
	v12 =	vld [tilespmem:s21+$0x430];
	v21 =	vadd.f32 v6, v15  }
0x362: {  	v15 =	vld [tilespmem:s21+$0x440];
	v22 =	vadd.f32 v7, v17;
	v5 =	vsub.f32 v8, v9;
	v8 =	vmul.f32 $6.553700000e+04, v13  }
0x363: {  	v17 =	vld [tilespmem:s21+$0x450];
	v3 =	vadd.f32 v3, v4;
	v6 =	vsub.f32 v11, v14;
	v11 =	vmul.f32 $6.553700000e+04, v16  }
0x364: {  	v33 =	vmul.f32 $6.553700000e+04, v30;
	v7 =	vsub.f32 v13, v8;
	v23 =	vadd.f32 v5, v9  }
0x365: {  	v13 =	vmul.f32 $6.553700000e+04, v18;
	v5 =	vsub.f32 v16, v11;
	v24 =	vadd.f32 v6, v14  }
0x366: {  	v14 =	vmul.f32 $6.553700000e+04, v27;
	v16 =	vimm.f32 $0.0e+00;
	v9 =	vmul.f32 $6.553700000e+04, v10  }
0x367: {  	v31 =	vmul.f32 $6.553700000e+04, v12;
	v32 =	vmul.f32 $6.553700000e+04, v15;
	v6 =	vsub.f32 v18, v13  }
0x368: {  	v34 =	vmul.f32 $6.553700000e+04, v17;
	v25 =	vadd.f32 v7, v8;
	v26 =	vadd.f32 v5, v11  }
0x369: {  	v5 =	vsub.f32 v27, v14;
	v18 =	vimm.f32 $0.0e+00;
	v11 =	vimm.f32 $0.0e+00  }
0x36a: {  	v8 =	vimm.f32 $0.0e+00;
	v7 =	vsub.f32 v10, v9;
	v35 =	vsub.f32 v12, v31  }
0x36b: {  	v36 =	vsub.f32 v15, v32;
	v37 =	vsub.f32 v17, v34;
	v17 =	vimm.f32 $0.0e+00  }
0x36c: {  	v15 =	vimm.f32 $0.0e+00;
	v10 =	vimm.f32 $0.0e+00;
	v12 =	vimm.f32 $0.0e+00  }
0x36d: {  	v27 =	vadd.f32 v6, v13;
	v29 =	vadd.f32 v5, v14;
	v13 =	vimm.f32 $0.0e+00  }
0x36e: {  	s25 =	simm.s32 $0x100;
	v14 =	vimm.f32 $0.0e+00;
	v6 =	vimm.f32 $0.0e+00;
	v5 =	vimm.f32 $0.0e+00  }
0x36f: {  	s23 =	sand.u32 $0x800, s25;
	s22 =	simm.s32 $0x200;
	s21 =	simm.s32 $0x80;
	v28 =	vadd.f32 v7, v9;
	v9 =	vimm.f32 $0.0e+00;
	v7 =	vimm.f32 $0.0e+00  }
.LBB2_15:
0x370: {  	p0 =	sne.s32 s22, $0xF00;
	s24 =	sand.u32 $0x380, s21;
	s23 =	sadd.s32 s23, s20;
	v31 =	vadd.f32 v35, v31;
	v30 =	vsub.f32 v30, v33  }
0x371: {  	v32 =	vadd.f32 v36, v32;
	s23 =	sadd.s32 s24, s23;
	v34 =	vadd.f32 v37, v34  }
0x372: {  	v4 =	vadd.f32 v19, v4;
	v35 =	vld [tilespmem:s23+$0x470];
	v19 =	vadd.f32 v30, v33  }
0x373: {  	v17 =	vadd.f32 v20, v17;
	v18 =	vadd.f32 v21, v18;
	v30 =	vld [tilespmem:s23+$0x0]  }
0x374: {  	v15 =	vadd.f32 v22, v15;
	v16 =	vadd.f32 v23, v16;
	v20 =	vld [tilespmem:s23+$0x10]  }
0x375: {  	v13 =	vadd.f32 v24, v13;
	v14 =	vadd.f32 v25, v14;
	v21 =	vld [tilespmem:s23+$0x20]  }
0x376: {  	v10 =	vadd.f32 v26, v10;
	v11 =	vadd.f32 v27, v11;
	v22 =	vld [tilespmem:s23+$0x30]  }
0x377: {  	v8 =	vadd.f32 v28, v8;
	v9 =	vadd.f32 v29, v9;
	v23 =	vld [tilespmem:s23+$0x40];
	v24 =	vmul.f32 $6.553700000e+04, v35  }
0x378: {  	v6 =	vadd.f32 v31, v6;
	v12 =	vadd.f32 v32, v12;
	v25 =	vmul.f32 $6.553700000e+04, v30;
	v26 =	vld [tilespmem:s23+$0x50]  }
0x379: {  	v7 =	vadd.f32 v34, v7;
	v27 =	vmul.f32 $6.553700000e+04, v20;
	v28 =	vld [tilespmem:s23+$0x60];
	v29 =	vsub.f32 v35, v24  }
0x37a: {  	v5 =	vadd.f32 v19, v5;
	v30 =	vsub.f32 v30, v25;
	v31 =	vmul.f32 $6.553700000e+04, v21;
	v32 =	vld [tilespmem:s23+$0x70]  }
0x37b: {  	v20 =	vsub.f32 v20, v27;
	v33 =	vmul.f32 $6.553700000e+04, v22;
	v34 =	vld [tilespmem:s23+$0x400];
	v24 =	vadd.f32 v29, v24  }
0x37c: {  	v19 =	vadd.f32 v30, v25;
	v21 =	vsub.f32 v21, v31;
	v25 =	vmul.f32 $6.553700000e+04, v23;
	v29 =	vld [tilespmem:s23+$0x410]  }
0x37d: {  	v22 =	vsub.f32 v22, v33;
	v35 =	vmul.f32 $6.553700000e+04, v26;
	v36 =	vld [tilespmem:s23+$0x420];
	v3 =	vadd.f32 v24, v3  }
0x37e: {  	v20 =	vadd.f32 v20, v27;
	v23 =	vsub.f32 v23, v25;
	v27 =	vmul.f32 $6.553700000e+04, v28;
	v37 =	vld [tilespmem:s23+$0x430]  }
0x37f: {  	v21 =	vadd.f32 v21, v31;
	v24 =	vsub.f32 v26, v35;
	v26 =	vmul.f32 $6.553700000e+04, v32;
	v38 =	vld [tilespmem:s23+$0x440]  }
0x380: {  	v22 =	vadd.f32 v22, v33;
	v28 =	vsub.f32 v28, v27;
	v33 =	vmul.f32 $6.553700000e+04, v34;
	v39 =	vld [tilespmem:s23+$0x450]  }
0x381: {  	v23 =	vadd.f32 v23, v25;
	v32 =	vsub.f32 v32, v26;
	v40 =	vmul.f32 $6.553700000e+04, v29;
	v30 =	vld [tilespmem:s23+$0x460]  }
0x382: {  	v24 =	vadd.f32 v24, v35;
	v34 =	vsub.f32 v34, v33;
	v41 =	vmul.f32 $6.553700000e+04, v36  }
.Ltmp6:
0x383: {  	v25 =	vadd.f32 v28, v27;
	v28 =	vsub.f32 v29, v40;
	v31 =	vmul.f32 $6.553700000e+04, v37;
	(pc) =	sbr.rel @p0 .LBB2_15-.Ltmp6, $4  }
0x384: {  	v26 =	vadd.f32 v32, v26;
	v29 =	vsub.f32 v36, v41;
	v32 =	vmul.f32 $6.553700000e+04, v38  }
0x385: {  	v27 =	vadd.f32 v34, v33;
	v35 =	vsub.f32 v37, v31;
	v34 =	vmul.f32 $6.553700000e+04, v39  }
0x386: {  	v28 =	vadd.f32 v28, v40;
	v36 =	vsub.f32 v38, v32;
	v33 =	vmul.f32 $6.553700000e+04, v30  }
0x387: {  	s21 =	sadd.s32 $0x80, s21;
	s23 =	sand.u32 $0x800, s22;
	s22 =	sadd.s32 $0x100, s22;
	v29 =	vadd.f32 v29, v41;
	v37 =	vsub.f32 v39, v34  }
0x388: {  	s21 =	sand.u32 $0x380, s21;
	s20 =	sadd.s32 s23, s20  }
0x389: {  	v31 =	vadd.f32 v35, v31;
	s20 =	sadd.s32 s21, s20  }
0x38a: {  	v30 =	vsub.f32 v30, v33;
	v32 =	vadd.f32 v36, v32;
	v46 =	vld [tilespmem:s20+$0x470]  }
0x38b: {  	v4 =	vadd.f32 v19, v4;
	v17 =	vadd.f32 v20, v17;
	v48 =	vld [tilespmem:s20+$0x0]  }
0x38c: {  	v18 =	vadd.f32 v21, v18;
	v15 =	vadd.f32 v22, v15;
	v49 =	vld [tilespmem:s20+$0x10]  }
0x38d: {  	v16 =	vadd.f32 v23, v16;
	v13 =	vadd.f32 v24, v13;
	v50 =	vld [tilespmem:s20+$0x20]  }
0x38e: {  	v14 =	vadd.f32 v25, v14;
	v10 =	vadd.f32 v26, v10;
	v51 =	vld [tilespmem:s20+$0x30]  }
0x38f: {  	v11 =	vadd.f32 v27, v11;
	v8 =	vadd.f32 v28, v8;
	v52 =	vld [tilespmem:s20+$0x40]  }
0x390: {  	v34 =	vadd.f32 v37, v34;
	v9 =	vadd.f32 v29, v9;
	v55 =	vld [tilespmem:s20+$0x50]  }
0x391: {  	v47 =	vadd.f32 v30, v33;
	v6 =	vadd.f32 v31, v6;
	v57 =	vld [tilespmem:s20+$0x60]  }
0x392: {  	v12 =	vadd.f32 v32, v12;
	v60 =	vld [tilespmem:s20+$0x70];
	v53 =	vmul.f32 $6.553700000e+04, v46;
	v54 =	vmul.f32 $6.553700000e+04, v48  }
0x393: {  	v7 =	vadd.f32 v34, v7;
	v56 =	vmul.f32 $6.553700000e+04, v49;
	v59 =	vmul.f32 $6.553700000e+04, v50  }
0x394: {  	v5 =	vadd.f32 v47, v5;
	v62 =	vmul.f32 $6.553700000e+04, v51;
	v41 =	vmul.f32 $6.553700000e+04, v52  }
0x395: {  	v43 =	vmul.f32 $6.553700000e+04, v55;
	v58 =	vsub.f32 v46, v53;
	v30 =	vsub.f32 v48, v54  }
0x396: {  	v63 =	vld [tilespmem:s20+$0x400];
	v45 =	vmul.f32 $6.553700000e+04, v57;
	v61 =	vsub.f32 v49, v56;
	v21 =	vsub.f32 v50, v59  }
0x397: {  	v42 =	vld [tilespmem:s20+$0x410];
	v47 =	vmul.f32 $6.553700000e+04, v60;
	v22 =	vsub.f32 v51, v62;
	v23 =	vsub.f32 v52, v41  }
0x398: {  	v44 =	vld [tilespmem:s20+$0x420];
	v26 =	vsub.f32 v55, v43;
	v49 =	vsub.f32 v57, v45  }
0x399: {  	v38 =	vld [tilespmem:s20+$0x450];
	v51 =	vsub.f32 v60, v47;
	v24 =	vadd.f32 v58, v53  }
0x39a: {  	v39 =	vld [tilespmem:s20+$0x460];
	v25 =	vadd.f32 v30, v54;
	v19 =	vadd.f32 v61, v56  }
0x39b: {  	v50 =	vmul.f32 $6.553700000e+04, v63;
	v21 =	vadd.f32 v21, v59;
	v20 =	vadd.f32 v22, v62  }
0x39c: {  	v52 =	vmul.f32 $6.553700000e+04, v42;
	v23 =	vadd.f32 v23, v41;
	v26 =	vadd.f32 v26, v43  }
0x39d: {  	v33 =	vsub.f32 v63, v50;
	v53 =	vmul.f32 $6.553700000e+04, v44;
	v22 =	vadd.f32 v49, v45  }
0x39e: {  	v54 =	vsub.f32 v42, v52;
	v29 =	vadd.f32 v51, v47;
	v59 =	vmul.f32 $6.553700000e+04, v38  }
0x39f: {  	s25 =	sshll.u32 s19, $0x9;
	v46 =	vld [tilespmem:s20+$0x430];
	v61 =	vmul.f32 $6.553700000e+04, v39;
	v56 =	vsub.f32 v44, v53;
	v28 =	vadd.f32 v33, v50  }
0x3a0: {  	v48 =	vld [tilespmem:s20+$0x440];
	s20 =	sshra.s32 s25, $0x2;
	v27 =	vadd.f32 v54, v52;
	v38 =	vsub.f32 v38, v59  }
0x3a1: {  	v62 =	vld [tilespmem:s20+$0x18C00];
	v39 =	vsub.f32 v39, v61;
	v4 =	vadd.f32 v25, v4  }
0x3a2: {  	v63 =	vld [tilespmem:s20+$0x18C10];
	v17 =	vadd.f32 v19, v17;
	v18 =	vadd.f32 v21, v18  }
0x3a3: {  	v42 =	vld [tilespmem:s20+$0x18C20];
	v15 =	vadd.f32 v20, v15;
	v16 =	vadd.f32 v23, v16  }
0x3a4: {  	v43 =	vld [tilespmem:s20+$0x18C30];
	v13 =	vadd.f32 v26, v13;
	v14 =	vadd.f32 v22, v14  }
0x3a5: {  	v45 =	vld [tilespmem:s20+$0x18C50];
	v10 =	vadd.f32 v29, v10;
	v31 =	vadd.f32 v56, v53  }
0x3a6: {  	v49 =	vld [tilespmem:s20+$0x19000];
	v36 =	vadd.f32 v38, v59;
	v4 =	vadd.f32 v62, v4  }
0x3a7: {  	v51 =	vld [tilespmem:s20+$0x19010];
	v37 =	vadd.f32 v39, v61;
	v17 =	vadd.f32 v63, v17  }
0x3a8: {  	v44 =	vld [tilespmem:s20+$0x18C40];
	v55 =	vmul.f32 $6.553700000e+04, v46;
	v11 =	vadd.f32 v28, v11;
	v47 =	vadd.f32 v42, v18;
	[tilespmem:s20+$0x18C00] =	vst v4  }
0x3a9: {  	v52 =	vld [tilespmem:s20+$0x19020];
	v57 =	vmul.f32 $6.553700000e+04, v48;
	v8 =	vadd.f32 v27, v8;
	v15 =	vadd.f32 v43, v15;
	[tilespmem:s20+$0x18C10] =	vst v17  }
0x3aa: {  	v58 =	vsub.f32 v46, v55;
	v46 =	vld [tilespmem:s20+$0x18C60];
	v13 =	vadd.f32 v45, v13;
	[tilespmem:s20+$0x18C20] =	vst v47  }
0x3ab: {  	v60 =	vsub.f32 v48, v57;
	v48 =	vld [tilespmem:s20+$0x18C70];
	v56 =	vadd.f32 v49, v11;
	[tilespmem:s20+$0x18C30] =	vst v15  }
0x3ac: {  	v54 =	vld [tilespmem:s20+$0x19030];
	v9 =	vadd.f32 v31, v9;
	v8 =	vadd.f32 v51, v8;
	[tilespmem:s20+$0x18C50] =	vst v13  }
0x3ad: {  	v30 =	vadd.f32 v58, v55;
	v50 =	vadd.f32 v44, v16;
	v55 =	vld [tilespmem:s20+$0x19040];
	[tilespmem:s20+$0x19000] =	vst v56  }
0x3ae: {  	v32 =	vadd.f32 v60, v57;
	v57 =	vld [tilespmem:s20+$0x19050];
	v59 =	vadd.f32 v52, v9;
	[tilespmem:s20+$0x19010] =	vst v8  }
0x3af: {  	v58 =	vld [tilespmem:s20+$0x19060];
	[tilespmem:s20+$0x18C40] =	vst v50;
	v6 =	vadd.f32 v30, v6;
	v53 =	vadd.f32 v46, v14  }
0x3b0: {  	v60 =	vld [tilespmem:s20+$0x19070];
	v12 =	vadd.f32 v32, v12;
	v10 =	vadd.f32 v48, v10;
	[tilespmem:s20+$0x19020] =	vst v59  }
0x3b1: {  	s19 =	sadd.s32 $0x1, s19;
	v7 =	vadd.f32 v36, v7;
	v6 =	vadd.f32 v54, v6;
	[tilespmem:s20+$0x18C60] =	vst v53  }
0x3b2: {  	p0 =	sne.s32 s19, $0x8;
	v5 =	vadd.f32 v37, v5;
	[tilespmem:s20+$0x18C70] =	vst v10;
	v61 =	vadd.f32 v55, v12  }
.Ltmp7:
0x3b3: {  	v3 =	vadd.f32 v24, v3;
	v62 =	vadd.f32 v57, v7;
	[tilespmem:s20+$0x19030] =	vst v6;
	(pc) =	sbr.rel @p0 .LBB2_14-.Ltmp7, $4  }
0x3b4: {  	v63 =	vadd.f32 v58, v5;
	[tilespmem:s20+$0x19040] =	vst v61  }
0x3b5: {  	v3 =	vadd.f32 v60, v3;
	[tilespmem:s20+$0x19050] =	vst v62  }
0x3b6: {  	[tilespmem:s20+$0x19060] =	vst v63  }
0x3b7: {  	[tilespmem:s20+$0x19070] =	vst v3  }
0x3b8: {  	v3 =	vld [tilespmem:$0x300];
	_ =	sdelay $0x4  }
0x3b9: {  	v4 =	vshll.u32 v3, $0x1  }
0x3ba: {  	v3 =	vand.u32 $0x7, v3;
	v4 =	vand.u32 $0xFFFFFFF0, v4  }
0x3bb: {  	v3 =	vor.u32 v3, v4  }
0x3bc: {  	v4 =	vperm.xlane v3, v0;
	_ =	sdelay $0x1  }
0x3bd: {  	v3 =	vperm.xlane v3, v2;
	v4 =	vadd.s32 v1, v4;
	_ =	sdelay $0x1  }
0x3be: {  	v3 =	vadd.s32 v1, v3;
	_ =	sdelay $0x1  }
0x3bf: {  	s18 =	simm.s32 $0x0;
	s19 =	simm.s32 $0x400  }
0x3c0: {  	[tilespmem:s19], [sflag:$0x1] =	stream.indirect_vreg.gather [hbm4b:s1+s18], $0x80, v4, vm0, $0xb8;
	[tilespmem:$0x19400] =	vst v63  }
0x3c1: {  	s23 =	simm.s32 $0xC00  }
0x3c2: {  	[tilespmem:s23], [sflag:$0x1] =	stream.indirect_vreg.gather [hbm4b:s1+s18], $0x80, v3, vm0, $0xb8;
	[tilespmem:$0x19400] =	vst v63  }
0x3c3: {  	v3 =	vld [tilespmem:$0x310];
	_ =	sdelay $0x4  }
0x3c4: {  	v57 =	vshll.u32 v3, $0x1  }
0x3c5: {  	v3 =	vand.u32 $0x7, v3;
	v4 =	vand.u32 $0xFFFFFFF0, v57  }
0x3c6: {  	v3 =	vor.u32 v3, v4  }
0x3c7: {  	v4 =	vperm.xlane v3, v0;
	_ =	sdelay $0x1  }
0x3c8: {  	v3 =	vperm.xlane v3, v2;
	v4 =	vadd.s32 v1, v4;
	_ =	sdelay $0x1  }
0x3c9: {  	v3 =	vadd.s32 v1, v3;
	_ =	sdelay $0x1  }
0x3ca: {  	s24 =	simm.s32 $0x1400  }
0x3cb: {  	[tilespmem:s24], [sflag:$0x1] =	stream.indirect_vreg.gather [hbm4b:s1+s18], $0x80, v4, vm0, $0xb8;
	[tilespmem:$0x19400] =	vst v63  }
0x3cc: {  	s25 =	simm.s32 $0x1C00  }
0x3cd: {  	[tilespmem:s25], [sflag:$0x1] =	stream.indirect_vreg.gather [hbm4b:s1+s18], $0x80, v3, vm0, $0xb8;
	[tilespmem:$0x19400] =	vst v63  }
0x3ce: {  	v3 =	vld [tilespmem:$0x320];
	_ =	sdelay $0x4  }
0x3cf: {  	v58 =	vshll.u32 v3, $0x1  }
0x3d0: {  	v3 =	vand.u32 $0x7, v3;
	v4 =	vand.u32 $0xFFFFFFF0, v58  }
0x3d1: {  	v3 =	vor.u32 v3, v4  }
0x3d2: {  	v4 =	vperm.xlane v3, v0;
	_ =	sdelay $0x1  }
0x3d3: {  	v3 =	vperm.xlane v3, v2;
	v4 =	vadd.s32 v1, v4;
	_ =	sdelay $0x1  }
0x3d4: {  	v3 =	vadd.s32 v1, v3;
	_ =	sdelay $0x1  }
0x3d5: {  	s20 =	simm.s32 $0x2400  }
0x3d6: {  	[tilespmem:s20], [sflag:$0x1] =	stream.indirect_vreg.gather [hbm4b:s1+s18], $0x80, v4, vm0, $0xb8;
	[tilespmem:$0x19400] =	vst v63  }
0x3d7: {  	s21 =	simm.s32 $0x2C00  }
0x3d8: {  	[tilespmem:s21], [sflag:$0x1] =	stream.indirect_vreg.gather [hbm4b:s1+s18], $0x80, v3, vm0, $0xb8;
	[tilespmem:$0x19400] =	vst v63  }
0x3d9: {  	v3 =	vld [tilespmem:$0x330];
	_ =	sdelay $0x4  }
0x3da: {  	v59 =	vshll.u32 v3, $0x1  }
0x3db: {  	v3 =	vand.u32 $0x7, v3;
	v4 =	vand.u32 $0xFFFFFFF0, v59  }
0x3dc: {  	v3 =	vor.u32 v3, v4  }
0x3dd: {  	v4 =	vperm.xlane v3, v0;
	_ =	sdelay $0x1  }
0x3de: {  	v3 =	vperm.xlane v3, v2;
	v4 =	vadd.s32 v1, v4;
	_ =	sdelay $0x1  }
0x3df: {  	v3 =	vadd.s32 v1, v3;
	_ =	sdelay $0x1  }
0x3e0: {  	s22 =	simm.s32 $0x3400  }
0x3e1: {  	[tilespmem:s22], [sflag:$0x1] =	stream.indirect_vreg.gather [hbm4b:s1+s18], $0x80, v4, vm0, $0xb8;
	[tilespmem:$0x19400] =	vst v63  }
0x3e2: {  	s23 =	simm.s32 $0x3C00  }
0x3e3: {  	[tilespmem:s23], [sflag:$0x1] =	stream.indirect_vreg.gather [hbm4b:s1+s18], $0x80, v3, vm0, $0xb8;
	[tilespmem:$0x19400] =	vst v63  }
0x3e4: {  	v3 =	vld [tilespmem:$0x340];
	_ =	sdelay $0x4  }
0x3e5: {  	v60 =	vshll.u32 v3, $0x1  }
0x3e6: {  	v3 =	vand.u32 $0x7, v3;
	v4 =	vand.u32 $0xFFFFFFF0, v60  }
0x3e7: {  	v3 =	vor.u32 v3, v4  }
0x3e8: {  	v4 =	vperm.xlane v3, v0;
	_ =	sdelay $0x1  }
0x3e9: {  	v3 =	vperm.xlane v3, v2;
	v4 =	vadd.s32 v1, v4;
	_ =	sdelay $0x1  }
0x3ea: {  	v3 =	vadd.s32 v1, v3;
	_ =	sdelay $0x1  }
0x3eb: {  	s24 =	simm.s32 $0x4400  }
0x3ec: {  	[tilespmem:s24], [sflag:$0x1] =	stream.indirect_vreg.gather [hbm4b:s1+s18], $0x80, v4, vm0, $0xb8;
	[tilespmem:$0x19400] =	vst v63  }
0x3ed: {  	s25 =	simm.s32 $0x4C00  }
0x3ee: {  	[tilespmem:s25], [sflag:$0x1] =	stream.indirect_vreg.gather [hbm4b:s1+s18], $0x80, v3, vm0, $0xb8;
	[tilespmem:$0x19400] =	vst v63  }
0x3ef: {  	v3 =	vld [tilespmem:$0x350];
	_ =	sdelay $0x4  }
0x3f0: {  	v61 =	vshll.u32 v3, $0x1  }
0x3f1: {  	v3 =	vand.u32 $0x7, v3;
	v4 =	vand.u32 $0xFFFFFFF0, v61  }
0x3f2: {  	v3 =	vor.u32 v3, v4  }
0x3f3: {  	v4 =	vperm.xlane v3, v0;
	_ =	sdelay $0x1  }
0x3f4: {  	v3 =	vperm.xlane v3, v2;
	v4 =	vadd.s32 v1, v4;
	_ =	sdelay $0x1  }
0x3f5: {  	v3 =	vadd.s32 v1, v3;
	_ =	sdelay $0x1  }
0x3f6: {  	s20 =	simm.s32 $0x5400  }
0x3f7: {  	[tilespmem:s20], [sflag:$0x1] =	stream.indirect_vreg.gather [hbm4b:s1+s18], $0x80, v4, vm0, $0xb8;
	[tilespmem:$0x19400] =	vst v63  }
0x3f8: {  	s21 =	simm.s32 $0x5C00  }
0x3f9: {  	[tilespmem:s21], [sflag:$0x1] =	stream.indirect_vreg.gather [hbm4b:s1+s18], $0x80, v3, vm0, $0xb8;
	[tilespmem:$0x19400] =	vst v63  }
0x3fa: {  	v3 =	vld [tilespmem:$0x360];
	_ =	sdelay $0x4  }
0x3fb: {  	v62 =	vshll.u32 v3, $0x1  }
0x3fc: {  	v3 =	vand.u32 $0x7, v3;
	v4 =	vand.u32 $0xFFFFFFF0, v62  }
0x3fd: {  	v3 =	vor.u32 v3, v4  }
0x3fe: {  	v4 =	vperm.xlane v3, v0;
	_ =	sdelay $0x1  }
0x3ff: {  	v3 =	vperm.xlane v3, v2;
	v4 =	vadd.s32 v1, v4;
	_ =	sdelay $0x1  }
0x400: {  	v3 =	vadd.s32 v1, v3;
	_ =	sdelay $0x1  }
0x401: {  	s22 =	simm.s32 $0x6400  }
0x402: {  	[tilespmem:s22], [sflag:$0x1] =	stream.indirect_vreg.gather [hbm4b:s1+s18], $0x80, v4, vm0, $0xb8;
	[tilespmem:$0x19400] =	vst v63  }
0x403: {  	s23 =	simm.s32 $0x6C00  }
0x404: {  	[tilespmem:s23], [sflag:$0x1] =	stream.indirect_vreg.gather [hbm4b:s1+s18], $0x80, v3, vm0, $0xb8;
	[tilespmem:$0x19400] =	vst v63  }
0x405: {  	v3 =	vld [tilespmem:$0x370];
	_ =	sdelay $0x4  }
0x406: {  	v63 =	vshll.u32 v3, $0x1  }
0x407: {  	v3 =	vand.u32 $0x7, v3;
	v4 =	vand.u32 $0xFFFFFFF0, v63  }
0x408: {  	v3 =	vor.u32 v3, v4  }
0x409: {  	v4 =	vperm.xlane v3, v0;
	_ =	sdelay $0x1  }
0x40a: {  	v3 =	vperm.xlane v3, v2;
	v4 =	vadd.s32 v1, v4;
	_ =	sdelay $0x1  }
0x40b: {  	v3 =	vadd.s32 v1, v3;
	_ =	sdelay $0x1  }
0x40c: {  	s24 =	simm.s32 $0x7400  }
0x40d: {  	[tilespmem:s24], [sflag:$0x1] =	stream.indirect_vreg.gather [hbm4b:s1+s18], $0x80, v4, vm0, $0xb8;
	[tilespmem:$0x19400] =	vst v63  }
0x40e: {  	s25 =	simm.s32 $0x7C00  }
0x40f: {  	[tilespmem:s25], [sflag:$0x1] =	stream.indirect_vreg.gather [hbm4b:s1+s18], $0x80, v3, vm0, $0xb8;
	[tilespmem:$0x19400] =	vst v63  }
0x410: {  	_ =	swait.ge [sflag:s15], $0x8000  }
0x411: {  	[sflag:s15] =	ssyncset.done $0x0  }
0x412: {  	s19 =	simm.s32 $0x0;
	[sflag:s15] =	ssyncadd.s32 $0xFFFF8000  }
.LBB2_18:
0x413: {  	s20 =	sshll.u32 s19, $0xC;
	s21 =	sand.u32 $0x800, s18  }
0x414: {  	s23 =	sand.u32 $0x380, s18;
	s21 =	sor.u32 s20, s21  }
0x415: {  	s22 =	sor.u32 s21, s18;
	s21 =	sadd.s32 s23, s21  }
0x416: {  	v28 =	vld [tilespmem:s21+$0x8440]  }
0x417: {  	v35 =	vld [tilespmem:s21+$0x8450]  }
0x418: {  	s22 =	sor.u32 $0x8400, s22;
	v29 =	vld [tilespmem:s21+$0x8460]  }
0x419: {  	v3 =	vld [tilespmem:s22+$0x470]  }
0x41a: {  	v5 =	vld [tilespmem:s22+$0x400]  }
0x41b: {  	v6 =	vld [tilespmem:s22+$0x410]  }
0x41c: {  	v7 =	vld [tilespmem:s22+$0x420]  }
0x41d: {  	v8 =	vld [tilespmem:s22+$0x430]  }
0x41e: {  	v12 =	vld [tilespmem:s22+$0x450];
	v31 =	vmul.f32 $6.553700000e+04, v28  }
0x41f: {  	v30 =	vld [tilespmem:s21+$0x8470];
	v32 =	vmul.f32 $6.553700000e+04, v35;
	v34 =	vmul.f32 $6.553700000e+04, v29  }
0x420: {  	v4 =	vimm.f32 $0.0e+00;
	v9 =	vld [tilespmem:s22+$0x440];
	v10 =	vmul.f32 $6.553700000e+04, v3;
	v11 =	vmul.f32 $6.553700000e+04, v5  }
0x421: {  	v15 =	vld [tilespmem:s21+$0x8400];
	v13 =	vmul.f32 $6.553700000e+04, v6;
	v16 =	vmul.f32 $6.553700000e+04, v7;
	v36 =	vsub.f32 v28, v31  }
0x422: {  	v14 =	vld [tilespmem:s22+$0x460];
	v18 =	vmul.f32 $6.553700000e+04, v8;
	v37 =	vsub.f32 v35, v32;
	v3 =	vsub.f32 v3, v10  }
0x423: {  	v17 =	vld [tilespmem:s21+$0x8410];
	v24 =	vmul.f32 $6.553700000e+04, v12;
	v5 =	vsub.f32 v5, v11;
	v6 =	vsub.f32 v6, v13  }
0x424: {  	v35 =	vmul.f32 $6.553700000e+04, v30;
	v8 =	vsub.f32 v8, v18;
	v3 =	vadd.f32 v3, v10  }
0x425: {  	v19 =	vadd.f32 v5, v11;
	v5 =	vsub.f32 v7, v16;
	v7 =	vmul.f32 $6.553700000e+04, v9  }
0x426: {  	v10 =	vld [tilespmem:s21+$0x8420];
	v20 =	vadd.f32 v6, v13;
	v13 =	vmul.f32 $6.553700000e+04, v15;
	v22 =	vadd.f32 v8, v18  }
0x427: {  	v11 =	vld [tilespmem:s21+$0x8430];
	v3 =	vadd.f32 v3, v4;
	v6 =	vsub.f32 v9, v7;
	v9 =	vmul.f32 $6.553700000e+04, v14  }
0x428: {  	v21 =	vadd.f32 v5, v16;
	v5 =	vsub.f32 v12, v24;
	v12 =	vmul.f32 $6.553700000e+04, v17  }
0x429: {  	v18 =	vimm.f32 $0.0e+00;
	v8 =	vsub.f32 v14, v9;
	v14 =	vsub.f32 v15, v13  }
0x42a: {  	v16 =	vimm.f32 $0.0e+00;
	v23 =	vadd.f32 v6, v7;
	v6 =	vsub.f32 v17, v12  }
0x42b: {  	v24 =	vadd.f32 v5, v24;
	v17 =	vimm.f32 $0.0e+00;
	v7 =	vimm.f32 $0.0e+00  }
0x42c: {  	v15 =	vmul.f32 $6.553700000e+04, v10;
	v33 =	vmul.f32 $6.553700000e+04, v11;
	v26 =	vadd.f32 v8, v9  }
0x42d: {  	v25 =	vadd.f32 v14, v13;
	v27 =	vadd.f32 v6, v12;
	v13 =	vimm.f32 $0.0e+00  }
0x42e: {  	v14 =	vimm.f32 $0.0e+00;
	v12 =	vimm.f32 $0.0e+00;
	v8 =	vimm.f32 $0.0e+00  }
0x42f: {  	v9 =	vimm.f32 $0.0e+00;
	v6 =	vimm.f32 $0.0e+00;
	v5 =	vsub.f32 v10, v15  }
0x430: {  	s25 =	simm.s32 $0x100;
	v38 =	vsub.f32 v11, v33;
	v11 =	vimm.f32 $0.0e+00;
	v10 =	vimm.f32 $0.0e+00  }
0x431: {  	s23 =	sand.u32 $0x800, s25;
	s22 =	simm.s32 $0x200;
	s21 =	simm.s32 $0x0;
	v28 =	vadd.f32 v5, v15;
	v15 =	vimm.f32 $0.0e+00;
	v5 =	vimm.f32 $0.0e+00  }
.LBB2_19:
0x432: {  	p0 =	sne.s32 s22, $0xF00;
	s23 =	sor.u32 s20, s23;
	v33 =	vadd.f32 v38, v33;
	v29 =	vsub.f32 v29, v34;
	s21 =	sadd.s32 $0x80, s21  }
0x433: {  	v31 =	vadd.f32 v36, v31;
	s24 =	sand.u32 $0x380, s21;
	s25 =	sor.u32 s23, s21;
	v30 =	vsub.f32 v30, v35  }
0x434: {  	v32 =	vadd.f32 v37, v32;
	s23 =	sadd.s32 s24, s23;
	s24 =	sor.u32 $0x8400, s25;
	v29 =	vadd.f32 v29, v34  }
0x435: {  	v4 =	vadd.f32 v19, v4;
	v34 =	vld [tilespmem:s24+$0x470];
	v30 =	vadd.f32 v30, v35  }
0x436: {  	v17 =	vadd.f32 v20, v17;
	v18 =	vadd.f32 v21, v18;
	v19 =	vld [tilespmem:s24+$0x400]  }
0x437: {  	v15 =	vadd.f32 v22, v15;
	v16 =	vadd.f32 v23, v16;
	v20 =	vld [tilespmem:s24+$0x410]  }
0x438: {  	v13 =	vadd.f32 v24, v13;
	v14 =	vadd.f32 v26, v14;
	v21 =	vld [tilespmem:s24+$0x420]  }
0x439: {  	v11 =	vadd.f32 v25, v11;
	v12 =	vadd.f32 v27, v12;
	v22 =	vld [tilespmem:s24+$0x430]  }
0x43a: {  	v10 =	vadd.f32 v28, v10;
	v8 =	vadd.f32 v33, v8;
	v23 =	vld [tilespmem:s24+$0x440];
	v24 =	vmul.f32 $6.553700000e+04, v34  }
0x43b: {  	v7 =	vadd.f32 v31, v7;
	v9 =	vadd.f32 v32, v9;
	v25 =	vmul.f32 $6.553700000e+04, v19;
	v26 =	vld [tilespmem:s24+$0x450]  }
0x43c: {  	v6 =	vadd.f32 v29, v6;
	v27 =	vmul.f32 $6.553700000e+04, v20;
	v28 =	vld [tilespmem:s24+$0x460];
	v31 =	vsub.f32 v34, v24  }
0x43d: {  	v5 =	vadd.f32 v30, v5;
	v32 =	vld [tilespmem:s23+$0x8400];
	v19 =	vsub.f32 v19, v25;
	v29 =	vmul.f32 $6.553700000e+04, v21  }
0x43e: {  	v33 =	vld [tilespmem:s23+$0x8410];
	v20 =	vsub.f32 v20, v27;
	v30 =	vmul.f32 $6.553700000e+04, v22;
	v24 =	vadd.f32 v31, v24  }
0x43f: {  	v31 =	vld [tilespmem:s23+$0x8420];
	v19 =	vadd.f32 v19, v25;
	v21 =	vsub.f32 v21, v29;
	v25 =	vmul.f32 $6.553700000e+04, v23  }
0x440: {  	v34 =	vld [tilespmem:s23+$0x8430];
	v22 =	vsub.f32 v22, v30;
	v35 =	vmul.f32 $6.553700000e+04, v26;
	v3 =	vadd.f32 v24, v3  }
0x441: {  	v20 =	vadd.f32 v20, v27;
	v36 =	vld [tilespmem:s23+$0x8440];
	v23 =	vsub.f32 v23, v25;
	v27 =	vmul.f32 $6.553700000e+04, v28  }
0x442: {  	v21 =	vadd.f32 v21, v29;
	v37 =	vmul.f32 $6.553700000e+04, v32;
	v39 =	vld [tilespmem:s23+$0x8450];
	v24 =	vsub.f32 v26, v35  }
0x443: {  	v22 =	vadd.f32 v22, v30;
	v40 =	vmul.f32 $6.553700000e+04, v33;
	v29 =	vld [tilespmem:s23+$0x8460];
	v26 =	vsub.f32 v28, v27  }
0x444: {  	v23 =	vadd.f32 v23, v25;
	v28 =	vsub.f32 v32, v37;
	v41 =	vmul.f32 $6.553700000e+04, v31;
	v30 =	vld [tilespmem:s23+$0x8470]  }
.Ltmp8:
0x445: {  	v24 =	vadd.f32 v24, v35;
	v42 =	vsub.f32 v33, v40;
	v33 =	vmul.f32 $6.553700000e+04, v34;
	(pc) =	sbr.rel @p0 .LBB2_19-.Ltmp8, $4  }
0x446: {  	v26 =	vadd.f32 v26, v27;
	v35 =	vsub.f32 v31, v41;
	v31 =	vmul.f32 $6.553700000e+04, v36  }
0x447: {  	v25 =	vadd.f32 v28, v37;
	v38 =	vsub.f32 v34, v33;
	v32 =	vmul.f32 $6.553700000e+04, v39  }
0x448: {  	v27 =	vadd.f32 v42, v40;
	v36 =	vsub.f32 v36, v31;
	v34 =	vmul.f32 $6.553700000e+04, v29  }
0x449: {  	s23 =	sand.u32 $0x800, s22;
	s22 =	sadd.s32 $0x100, s22;
	v28 =	vadd.f32 v35, v41;
	v37 =	vsub.f32 v39, v32;
	v35 =	vmul.f32 $6.553700000e+04, v30  }
0x44a: {  	s20 =	sor.u32 s20, s23;
	s21 =	sadd.s32 $0x80, s21  }
0x44b: {  	s22 =	sor.u32 s20, s21  }
0x44c: {  	v33 =	vadd.f32 v38, v33;
	s22 =	sor.u32 $0x8400, s22  }
0x44d: {  	v29 =	vsub.f32 v29, v34;
	v31 =	vadd.f32 v36, v31;
	v53 =	vld [tilespmem:s22+$0x470]  }
0x44e: {  	v4 =	vadd.f32 v19, v4;
	v17 =	vadd.f32 v20, v17;
	v54 =	vld [tilespmem:s22+$0x400]  }
0x44f: {  	v18 =	vadd.f32 v21, v18;
	v15 =	vadd.f32 v22, v15;
	v55 =	vld [tilespmem:s22+$0x410]  }
0x450: {  	v16 =	vadd.f32 v23, v16;
	v13 =	vadd.f32 v24, v13;
	v56 =	vld [tilespmem:s22+$0x420]  }
0x451: {  	v14 =	vadd.f32 v26, v14;
	v11 =	vadd.f32 v25, v11;
	v57 =	vld [tilespmem:s22+$0x430]  }
0x452: {  	v12 =	vadd.f32 v27, v12;
	v30 =	vsub.f32 v30, v35;
	v58 =	vld [tilespmem:s22+$0x440]  }
0x453: {  	v32 =	vadd.f32 v37, v32;
	v10 =	vadd.f32 v28, v10;
	s21 =	sand.u32 $0x380, s21;
	v61 =	vld [tilespmem:s22+$0x450]  }
0x454: {  	v29 =	vadd.f32 v29, v34;
	v8 =	vadd.f32 v33, v8;
	s20 =	sadd.s32 s21, s20;
	v63 =	vld [tilespmem:s22+$0x460]  }
0x455: {  	v7 =	vadd.f32 v31, v7;
	v30 =	vadd.f32 v30, v35;
	v41 =	vld [tilespmem:s20+$0x8400];
	v59 =	vmul.f32 $6.553700000e+04, v53  }
0x456: {  	v9 =	vadd.f32 v32, v9;
	v45 =	vld [tilespmem:s20+$0x8420];
	v60 =	vmul.f32 $6.553700000e+04, v54;
	v62 =	vmul.f32 $6.553700000e+04, v55  }
0x457: {  	v6 =	vadd.f32 v29, v6;
	v42 =	vmul.f32 $6.553700000e+04, v56;
	v44 =	vmul.f32 $6.553700000e+04, v57  }
0x458: {  	v5 =	vadd.f32 v30, v5;
	v46 =	vmul.f32 $6.553700000e+04, v58;
	v48 =	vmul.f32 $6.553700000e+04, v61  }
0x459: {  	v50 =	vmul.f32 $6.553700000e+04, v63;
	v40 =	vsub.f32 v53, v59;
	v19 =	vsub.f32 v54, v60  }
0x45a: {  	v43 =	vld [tilespmem:s20+$0x8410];
	v51 =	vmul.f32 $6.553700000e+04, v41;
	v20 =	vsub.f32 v55, v62;
	v21 =	vsub.f32 v56, v42  }
0x45b: {  	v47 =	vld [tilespmem:s20+$0x8430];
	v39 =	vmul.f32 $6.553700000e+04, v45;
	v22 =	vsub.f32 v57, v44;
	v23 =	vsub.f32 v58, v46  }
0x45c: {  	v49 =	vld [tilespmem:s20+$0x8440];
	v26 =	vsub.f32 v61, v48;
	v28 =	vsub.f32 v63, v50  }
0x45d: {  	v52 =	vld [tilespmem:s20+$0x8450];
	v29 =	vsub.f32 v41, v51;
	v31 =	vsub.f32 v45, v39  }
0x45e: {  	v24 =	vadd.f32 v40, v59;
	v19 =	vadd.f32 v19, v60  }
0x45f: {  	v53 =	vmul.f32 $6.553700000e+04, v43;
	v20 =	vadd.f32 v20, v62;
	v21 =	vadd.f32 v21, v42  }
0x460: {  	v56 =	vmul.f32 $6.553700000e+04, v47;
	v22 =	vadd.f32 v22, v44;
	v23 =	vadd.f32 v23, v46  }
0x461: {  	v57 =	vmul.f32 $6.553700000e+04, v49;
	v30 =	vsub.f32 v43, v53;
	v26 =	vadd.f32 v26, v48  }
0x462: {  	v58 =	vmul.f32 $6.553700000e+04, v52;
	v28 =	vadd.f32 v28, v50;
	v29 =	vadd.f32 v29, v51  }
0x463: {  	s25 =	sshll.u32 s19, $0x7;
	v54 =	vld [tilespmem:s20+$0x8460];
	v34 =	vsub.f32 v47, v56;
	v27 =	vsub.f32 v49, v57  }
0x464: {  	v55 =	vld [tilespmem:s20+$0x8470];
	s20 =	sand.u32 $0x3FFFFF80, s25;
	v31 =	vadd.f32 v31, v39;
	v32 =	vsub.f32 v52, v58  }
0x465: {  	v61 =	vld [tilespmem:s20+$0x18400];
	v30 =	vadd.f32 v30, v53;
	v34 =	vadd.f32 v34, v56  }
0x466: {  	v63 =	vld [tilespmem:s20+$0x18420];
	v27 =	vadd.f32 v27, v57;
	v32 =	vadd.f32 v32, v58  }
0x467: {  	v45 =	vld [tilespmem:s20+$0x18810];
	v11 =	vadd.f32 v29, v11;
	v10 =	vadd.f32 v31, v10  }
0x468: {  	v44 =	vld [tilespmem:s20+$0x18800];
	v4 =	vadd.f32 v19, v4;
	v17 =	vadd.f32 v20, v17  }
0x469: {  	v47 =	vld [tilespmem:s20+$0x18820];
	v50 =	vadd.f32 v21, v18;
	v52 =	vadd.f32 v22, v15  }
0x46a: {  	v62 =	vld [tilespmem:s20+$0x18410];
	v58 =	vadd.f32 v26, v13;
	v11 =	vadd.f32 v61, v11  }
0x46b: {  	v38 =	vld [tilespmem:s20+$0x18430];
	v3 =	vadd.f32 v24, v3;
	v10 =	vadd.f32 v63, v10  }
0x46c: {  	v40 =	vld [tilespmem:s20+$0x18440];
	v12 =	vadd.f32 v30, v12;
	v53 =	vadd.f32 v45, v17;
	[tilespmem:s20+$0x18400] =	vst v11  }
0x46d: {  	v41 =	vld [tilespmem:s20+$0x18450];
	v8 =	vadd.f32 v34, v8;
	v4 =	vadd.f32 v44, v4;
	[tilespmem:s20+$0x18420] =	vst v10  }
0x46e: {  	v51 =	vld [tilespmem:s20+$0x18850];
	v59 =	vmul.f32 $6.553700000e+04, v54;
	v7 =	vadd.f32 v27, v7;
	v56 =	vadd.f32 v47, v50;
	[tilespmem:s20+$0x18810] =	vst v53  }
0x46f: {  	v48 =	vld [tilespmem:s20+$0x18830];
	v60 =	vmul.f32 $6.553700000e+04, v55;
	v9 =	vadd.f32 v32, v9;
	v12 =	vadd.f32 v62, v12;
	[tilespmem:s20+$0x18800] =	vst v4  }
0x470: {  	v49 =	vld [tilespmem:s20+$0x18840];
	v33 =	vsub.f32 v54, v59;
	v8 =	vadd.f32 v38, v8;
	[tilespmem:s20+$0x18820] =	vst v56  }
0x471: {  	v57 =	vld [tilespmem:s20+$0x18870];
	v25 =	vsub.f32 v55, v60;
	v7 =	vadd.f32 v40, v7;
	[tilespmem:s20+$0x18410] =	vst v12  }
0x472: {  	v54 =	vld [tilespmem:s20+$0x18860];
	v55 =	vadd.f32 v23, v16;
	v46 =	vadd.f32 v41, v9;
	[tilespmem:s20+$0x18430] =	vst v8  }
0x473: {  	v42 =	vld [tilespmem:s20+$0x18460];
	v62 =	vadd.f32 v51, v58;
	v33 =	vadd.f32 v33, v59;
	[tilespmem:s20+$0x18440] =	vst v7  }
0x474: {  	v43 =	vld [tilespmem:s20+$0x18470];
	v25 =	vadd.f32 v25, v60;
	v59 =	vadd.f32 v48, v52;
	[tilespmem:s20+$0x18450] =	vst v46  }
0x475: {  	s19 =	sadd.s32 $0x1, s19;
	v60 =	vadd.f32 v28, v14;
	v61 =	vadd.f32 v49, v55;
	[tilespmem:s20+$0x18850] =	vst v62  }
0x476: {  	p0 =	sne.s32 s19, $0x8;
	v3 =	vadd.f32 v57, v3;
	v6 =	vadd.f32 v33, v6;
	[tilespmem:s20+$0x18830] =	vst v59  }
.Ltmp9:
0x477: {  	v5 =	vadd.f32 v25, v5;
	[tilespmem:s20+$0x18840] =	vst v61;
	v63 =	vadd.f32 v54, v60;
	(pc) =	sbr.rel @p0 .LBB2_18-.Ltmp9, $4  }
0x478: {  	[tilespmem:s20+$0x18870] =	vst v3;
	v6 =	vadd.f32 v42, v6  }
0x479: {  	v5 =	vadd.f32 v43, v5;
	[tilespmem:s20+$0x18860] =	vst v63  }
0x47a: {  	[tilespmem:s20+$0x18460] =	vst v6  }
0x47b: {  	[tilespmem:s20+$0x18470] =	vst v5  }
0x47c: {  	v3 =	vld [tilespmem:$0x380];
	_ =	sdelay $0x4  }
0x47d: {  	v4 =	vshll.u32 v3, $0x1  }
0x47e: {  	v3 =	vand.u32 $0x7, v3;
	v4 =	vand.u32 $0xFFFFFFF0, v4  }
0x47f: {  	v3 =	vor.u32 v3, v4  }
0x480: {  	v4 =	vperm.xlane v3, v0;
	_ =	sdelay $0x1  }
0x481: {  	v3 =	vperm.xlane v3, v2;
	v4 =	vadd.s32 v1, v4;
	_ =	sdelay $0x1  }
0x482: {  	v3 =	vadd.s32 v1, v3;
	_ =	sdelay $0x1  }
0x483: {  	s18 =	simm.s32 $0x0  }
0x484: {  	[tilespmem:s26], [sflag:$0x2] =	stream.indirect_vreg.gather [hbm4b:s1+s18], $0x80, v4, vm0, $0xb8;
	[tilespmem:$0x19400] =	vst v63  }
0x485: {  	_ = 	snop  }
0x486: {  	[tilespmem:s28], [sflag:$0x2] =	stream.indirect_vreg.gather [hbm4b:s1+s18], $0x80, v3, vm0, $0xb8;
	[tilespmem:$0x19400] =	vst v63  }
0x487: {  	v3 =	vld [tilespmem:$0x390];
	_ =	sdelay $0x4  }
0x488: {  	v57 =	vshll.u32 v3, $0x1  }
0x489: {  	v3 =	vand.u32 $0x7, v3;
	v4 =	vand.u32 $0xFFFFFFF0, v57  }
0x48a: {  	v3 =	vor.u32 v3, v4  }
0x48b: {  	v4 =	vperm.xlane v3, v0;
	_ =	sdelay $0x1  }
0x48c: {  	v3 =	vperm.xlane v3, v2;
	v4 =	vadd.s32 v1, v4;
	_ =	sdelay $0x1  }
0x48d: {  	v3 =	vadd.s32 v1, v3;
	_ =	sdelay $0x2  }
0x48e: {  	[tilespmem:s29], [sflag:$0x2] =	stream.indirect_vreg.gather [hbm4b:s1+s18], $0x80, v4, vm0, $0xb8;
	[tilespmem:$0x19400] =	vst v63  }
0x48f: {  	_ = 	snop  }
0x490: {  	[tilespmem:s30], [sflag:$0x2] =	stream.indirect_vreg.gather [hbm4b:s1+s18], $0x80, v3, vm0, $0xb8;
	[tilespmem:$0x19400] =	vst v63  }
0x491: {  	v3 =	vld [tilespmem:$0x3A0];
	_ =	sdelay $0x4  }
0x492: {  	v58 =	vshll.u32 v3, $0x1  }
0x493: {  	v3 =	vand.u32 $0x7, v3;
	v4 =	vand.u32 $0xFFFFFFF0, v58  }
0x494: {  	v3 =	vor.u32 v3, v4  }
0x495: {  	v4 =	vperm.xlane v3, v0;
	_ =	sdelay $0x1  }
0x496: {  	v3 =	vperm.xlane v3, v2;
	v4 =	vadd.s32 v1, v4;
	_ =	sdelay $0x1  }
0x497: {  	v3 =	vadd.s32 v1, v3;
	_ =	sdelay $0x2  }
0x498: {  	[tilespmem:s31], [sflag:$0x2] =	stream.indirect_vreg.gather [hbm4b:s1+s18], $0x80, v4, vm0, $0xb8;
	[tilespmem:$0x19400] =	vst v63  }
0x499: {  	_ = 	snop  }
0x49a: {  	[tilespmem:s0], [sflag:$0x2] =	stream.indirect_vreg.gather [hbm4b:s1+s18], $0x80, v3, vm0, $0xb8;
	[tilespmem:$0x19400] =	vst v63  }
0x49b: {  	v3 =	vld [tilespmem:$0x3B0];
	_ =	sdelay $0x4  }
0x49c: {  	v59 =	vshll.u32 v3, $0x1  }
0x49d: {  	v3 =	vand.u32 $0x7, v3;
	v4 =	vand.u32 $0xFFFFFFF0, v59  }
0x49e: {  	v3 =	vor.u32 v3, v4  }
0x49f: {  	v4 =	vperm.xlane v3, v0;
	_ =	sdelay $0x1  }
0x4a0: {  	v3 =	vperm.xlane v3, v2;
	v4 =	vadd.s32 v1, v4;
	_ =	sdelay $0x1  }
0x4a1: {  	v3 =	vadd.s32 v1, v3;
	_ =	sdelay $0x2  }
0x4a2: {  	[tilespmem:s2], [sflag:$0x2] =	stream.indirect_vreg.gather [hbm4b:s1+s18], $0x80, v4, vm0, $0xb8;
	[tilespmem:$0x19400] =	vst v63  }
0x4a3: {  	_ = 	snop  }
0x4a4: {  	[tilespmem:s7], [sflag:$0x2] =	stream.indirect_vreg.gather [hbm4b:s1+s18], $0x80, v3, vm0, $0xb8;
	[tilespmem:$0x19400] =	vst v63  }
0x4a5: {  	v3 =	vld [tilespmem:$0x3C0];
	_ =	sdelay $0x4  }
0x4a6: {  	v60 =	vshll.u32 v3, $0x1  }
0x4a7: {  	v3 =	vand.u32 $0x7, v3;
	v4 =	vand.u32 $0xFFFFFFF0, v60  }
0x4a8: {  	v3 =	vor.u32 v3, v4  }
0x4a9: {  	v4 =	vperm.xlane v3, v0;
	_ =	sdelay $0x1  }
0x4aa: {  	v3 =	vperm.xlane v3, v2;
	v4 =	vadd.s32 v1, v4;
	_ =	sdelay $0x1  }
0x4ab: {  	v3 =	vadd.s32 v1, v3;
	_ =	sdelay $0x2  }
0x4ac: {  	[tilespmem:s8], [sflag:$0x2] =	stream.indirect_vreg.gather [hbm4b:s1+s18], $0x80, v4, vm0, $0xb8;
	[tilespmem:$0x19400] =	vst v63  }
0x4ad: {  	_ = 	snop  }
0x4ae: {  	[tilespmem:s4], [sflag:$0x2] =	stream.indirect_vreg.gather [hbm4b:s1+s18], $0x80, v3, vm0, $0xb8;
	[tilespmem:$0x19400] =	vst v63  }
0x4af: {  	v3 =	vld [tilespmem:$0x3D0];
	_ =	sdelay $0x4  }
0x4b0: {  	v61 =	vshll.u32 v3, $0x1  }
0x4b1: {  	v3 =	vand.u32 $0x7, v3;
	v4 =	vand.u32 $0xFFFFFFF0, v61  }
0x4b2: {  	v3 =	vor.u32 v3, v4  }
0x4b3: {  	v4 =	vperm.xlane v3, v0;
	_ =	sdelay $0x1  }
0x4b4: {  	v3 =	vperm.xlane v3, v2;
	v4 =	vadd.s32 v1, v4;
	_ =	sdelay $0x1  }
0x4b5: {  	v3 =	vadd.s32 v1, v3;
	_ =	sdelay $0x2  }
0x4b6: {  	[tilespmem:s5], [sflag:$0x2] =	stream.indirect_vreg.gather [hbm4b:s1+s18], $0x80, v4, vm0, $0xb8;
	[tilespmem:$0x19400] =	vst v63  }
0x4b7: {  	_ = 	snop  }
0x4b8: {  	[tilespmem:s6], [sflag:$0x2] =	stream.indirect_vreg.gather [hbm4b:s1+s18], $0x80, v3, vm0, $0xb8;
	[tilespmem:$0x19400] =	vst v63  }
0x4b9: {  	v3 =	vld [tilespmem:$0x3E0];
	_ =	sdelay $0x4  }
0x4ba: {  	v62 =	vshll.u32 v3, $0x1  }
0x4bb: {  	v3 =	vand.u32 $0x7, v3;
	v4 =	vand.u32 $0xFFFFFFF0, v62  }
0x4bc: {  	v3 =	vor.u32 v3, v4  }
0x4bd: {  	v4 =	vperm.xlane v3, v0;
	_ =	sdelay $0x1  }
0x4be: {  	v3 =	vperm.xlane v3, v2;
	v4 =	vadd.s32 v1, v4;
	_ =	sdelay $0x1  }
0x4bf: {  	v3 =	vadd.s32 v1, v3;
	_ =	sdelay $0x2  }
0x4c0: {  	[tilespmem:s10], [sflag:$0x2] =	stream.indirect_vreg.gather [hbm4b:s1+s18], $0x80, v4, vm0, $0xb8;
	[tilespmem:$0x19400] =	vst v63  }
0x4c1: {  	_ = 	snop  }
0x4c2: {  	[tilespmem:s11], [sflag:$0x2] =	stream.indirect_vreg.gather [hbm4b:s1+s18], $0x80, v3, vm0, $0xb8;
	[tilespmem:$0x19400] =	vst v63  }
0x4c3: {  	v3 =	vld [tilespmem:$0x3F0];
	_ =	sdelay $0x4  }
0x4c4: {  	v63 =	vshll.u32 v3, $0x1  }
0x4c5: {  	v3 =	vand.u32 $0x7, v3;
	v4 =	vand.u32 $0xFFFFFFF0, v63  }
0x4c6: {  	v3 =	vor.u32 v3, v4  }
0x4c7: {  	v4 =	vperm.xlane v3, v0;
	_ =	sdelay $0x1  }
0x4c8: {  	v3 =	vperm.xlane v3, v2;
	v4 =	vadd.s32 v1, v4;
	_ =	sdelay $0x1  }
0x4c9: {  	v3 =	vadd.s32 v1, v3;
	_ =	sdelay $0x2  }
0x4ca: {  	[tilespmem:s12], [sflag:$0x2] =	stream.indirect_vreg.gather [hbm4b:s1+s18], $0x80, v4, vm0, $0xb8;
	[tilespmem:$0x19400] =	vst v63  }
0x4cb: {  	_ = 	snop  }
0x4cc: {  	[tilespmem:s13], [sflag:$0x2] =	stream.indirect_vreg.gather [hbm4b:s1+s18], $0x80, v3, vm0, $0xb8;
	[tilespmem:$0x19400] =	vst v63  }
0x4cd: {  	_ =	swait.ge [sflag:s16], $0x8000  }
0x4ce: {  	[sflag:s16] =	ssyncset.done $0x0  }
0x4cf: {  	s19 =	simm.s32 $0x0;
	[sflag:s16] =	ssyncadd.s32 $0xFFFF8000  }
.LBB2_22:
0x4d0: {  	s20 =	sshll.u32 s19, $0xC;
	s21 =	sand.u32 $0x800, s18  }
0x4d1: {  	s23 =	sand.u32 $0x380, s18;
	s21 =	sor.u32 s20, s21  }
0x4d2: {  	s22 =	sor.u32 s21, s18;
	s21 =	sadd.s32 s23, s21  }
0x4d3: {  	v28 =	vld [tilespmem:s21+$0x10440]  }
0x4d4: {  	v35 =	vld [tilespmem:s21+$0x10450]  }
0x4d5: {  	s22 =	sor.u32 $0x10400, s22;
	v29 =	vld [tilespmem:s21+$0x10460]  }
0x4d6: {  	v3 =	vld [tilespmem:s22+$0x470]  }
0x4d7: {  	v5 =	vld [tilespmem:s22+$0x400]  }
0x4d8: {  	v6 =	vld [tilespmem:s22+$0x410]  }
0x4d9: {  	v7 =	vld [tilespmem:s22+$0x420]  }
0x4da: {  	v8 =	vld [tilespmem:s22+$0x430]  }
0x4db: {  	v12 =	vld [tilespmem:s22+$0x450];
	v31 =	vmul.f32 $6.553700000e+04, v28  }
0x4dc: {  	v30 =	vld [tilespmem:s21+$0x10470];
	v32 =	vmul.f32 $6.553700000e+04, v35;
	v34 =	vmul.f32 $6.553700000e+04, v29  }
0x4dd: {  	v4 =	vimm.f32 $0.0e+00;
	v9 =	vld [tilespmem:s22+$0x440];
	v10 =	vmul.f32 $6.553700000e+04, v3;
	v11 =	vmul.f32 $6.553700000e+04, v5  }
0x4de: {  	v15 =	vld [tilespmem:s21+$0x10400];
	v13 =	vmul.f32 $6.553700000e+04, v6;
	v16 =	vmul.f32 $6.553700000e+04, v7;
	v36 =	vsub.f32 v28, v31  }
0x4df: {  	v14 =	vld [tilespmem:s22+$0x460];
	v18 =	vmul.f32 $6.553700000e+04, v8;
	v37 =	vsub.f32 v35, v32;
	v3 =	vsub.f32 v3, v10  }
0x4e0: {  	v17 =	vld [tilespmem:s21+$0x10410];
	v24 =	vmul.f32 $6.553700000e+04, v12;
	v5 =	vsub.f32 v5, v11;
	v6 =	vsub.f32 v6, v13  }
0x4e1: {  	v35 =	vmul.f32 $6.553700000e+04, v30;
	v8 =	vsub.f32 v8, v18;
	v3 =	vadd.f32 v3, v10  }
0x4e2: {  	v19 =	vadd.f32 v5, v11;
	v5 =	vsub.f32 v7, v16;
	v7 =	vmul.f32 $6.553700000e+04, v9  }
0x4e3: {  	v10 =	vld [tilespmem:s21+$0x10420];
	v20 =	vadd.f32 v6, v13;
	v13 =	vmul.f32 $6.553700000e+04, v15;
	v22 =	vadd.f32 v8, v18  }
0x4e4: {  	v11 =	vld [tilespmem:s21+$0x10430];
	v3 =	vadd.f32 v3, v4;
	v6 =	vsub.f32 v9, v7;
	v9 =	vmul.f32 $6.553700000e+04, v14  }
0x4e5: {  	v21 =	vadd.f32 v5, v16;
	v5 =	vsub.f32 v12, v24;
	v12 =	vmul.f32 $6.553700000e+04, v17  }
0x4e6: {  	v18 =	vimm.f32 $0.0e+00;
	v8 =	vsub.f32 v14, v9;
	v14 =	vsub.f32 v15, v13  }
0x4e7: {  	v16 =	vimm.f32 $0.0e+00;
	v23 =	vadd.f32 v6, v7;
	v6 =	vsub.f32 v17, v12  }
0x4e8: {  	v24 =	vadd.f32 v5, v24;
	v17 =	vimm.f32 $0.0e+00;
	v7 =	vimm.f32 $0.0e+00  }
0x4e9: {  	v15 =	vmul.f32 $6.553700000e+04, v10;
	v33 =	vmul.f32 $6.553700000e+04, v11;
	v26 =	vadd.f32 v8, v9  }
0x4ea: {  	v25 =	vadd.f32 v14, v13;
	v27 =	vadd.f32 v6, v12;
	v13 =	vimm.f32 $0.0e+00  }
0x4eb: {  	v14 =	vimm.f32 $0.0e+00;
	v12 =	vimm.f32 $0.0e+00;
	v8 =	vimm.f32 $0.0e+00  }
0x4ec: {  	v9 =	vimm.f32 $0.0e+00;
	v6 =	vimm.f32 $0.0e+00;
	v5 =	vsub.f32 v10, v15  }
0x4ed: {  	s25 =	simm.s32 $0x100;
	v38 =	vsub.f32 v11, v33;
	v11 =	vimm.f32 $0.0e+00;
	v10 =	vimm.f32 $0.0e+00  }
0x4ee: {  	s23 =	sand.u32 $0x800, s25;
	s22 =	simm.s32 $0x200;
	s21 =	simm.s32 $0x0;
	v28 =	vadd.f32 v5, v15;
	v15 =	vimm.f32 $0.0e+00;
	v5 =	vimm.f32 $0.0e+00  }
.LBB2_23:
0x4ef: {  	p0 =	sne.s32 s22, $0xF00;
	s23 =	sor.u32 s20, s23;
	v33 =	vadd.f32 v38, v33;
	v29 =	vsub.f32 v29, v34;
	s21 =	sadd.s32 $0x80, s21  }
0x4f0: {  	v31 =	vadd.f32 v36, v31;
	s24 =	sand.u32 $0x380, s21;
	s25 =	sor.u32 s23, s21;
	v30 =	vsub.f32 v30, v35  }
0x4f1: {  	v32 =	vadd.f32 v37, v32;
	s23 =	sadd.s32 s24, s23;
	s24 =	sor.u32 $0x10400, s25;
	v29 =	vadd.f32 v29, v34  }
0x4f2: {  	v4 =	vadd.f32 v19, v4;
	v34 =	vld [tilespmem:s24+$0x470];
	v30 =	vadd.f32 v30, v35  }
0x4f3: {  	v17 =	vadd.f32 v20, v17;
	v18 =	vadd.f32 v21, v18;
	v19 =	vld [tilespmem:s24+$0x400]  }
0x4f4: {  	v15 =	vadd.f32 v22, v15;
	v16 =	vadd.f32 v23, v16;
	v20 =	vld [tilespmem:s24+$0x410]  }
0x4f5: {  	v13 =	vadd.f32 v24, v13;
	v14 =	vadd.f32 v26, v14;
	v21 =	vld [tilespmem:s24+$0x420]  }
0x4f6: {  	v11 =	vadd.f32 v25, v11;
	v12 =	vadd.f32 v27, v12;
	v22 =	vld [tilespmem:s24+$0x430]  }
0x4f7: {  	v10 =	vadd.f32 v28, v10;
	v8 =	vadd.f32 v33, v8;
	v23 =	vld [tilespmem:s24+$0x440];
	v24 =	vmul.f32 $6.553700000e+04, v34  }
0x4f8: {  	v7 =	vadd.f32 v31, v7;
	v9 =	vadd.f32 v32, v9;
	v25 =	vmul.f32 $6.553700000e+04, v19;
	v26 =	vld [tilespmem:s24+$0x450]  }
0x4f9: {  	v6 =	vadd.f32 v29, v6;
	v27 =	vmul.f32 $6.553700000e+04, v20;
	v28 =	vld [tilespmem:s24+$0x460];
	v31 =	vsub.f32 v34, v24  }
0x4fa: {  	v5 =	vadd.f32 v30, v5;
	v32 =	vld [tilespmem:s23+$0x10400];
	v19 =	vsub.f32 v19, v25;
	v29 =	vmul.f32 $6.553700000e+04, v21  }
0x4fb: {  	v33 =	vld [tilespmem:s23+$0x10410];
	v20 =	vsub.f32 v20, v27;
	v30 =	vmul.f32 $6.553700000e+04, v22;
	v24 =	vadd.f32 v31, v24  }
0x4fc: {  	v31 =	vld [tilespmem:s23+$0x10420];
	v19 =	vadd.f32 v19, v25;
	v21 =	vsub.f32 v21, v29;
	v25 =	vmul.f32 $6.553700000e+04, v23  }
0x4fd: {  	v34 =	vld [tilespmem:s23+$0x10430];
	v22 =	vsub.f32 v22, v30;
	v35 =	vmul.f32 $6.553700000e+04, v26;
	v3 =	vadd.f32 v24, v3  }
0x4fe: {  	v20 =	vadd.f32 v20, v27;
	v36 =	vld [tilespmem:s23+$0x10440];
	v23 =	vsub.f32 v23, v25;
	v27 =	vmul.f32 $6.553700000e+04, v28  }
0x4ff: {  	v21 =	vadd.f32 v21, v29;
	v37 =	vmul.f32 $6.553700000e+04, v32;
	v39 =	vld [tilespmem:s23+$0x10450];
	v24 =	vsub.f32 v26, v35  }
0x500: {  	v22 =	vadd.f32 v22, v30;
	v40 =	vmul.f32 $6.553700000e+04, v33;
	v29 =	vld [tilespmem:s23+$0x10460];
	v26 =	vsub.f32 v28, v27  }
0x501: {  	v23 =	vadd.f32 v23, v25;
	v28 =	vsub.f32 v32, v37;
	v41 =	vmul.f32 $6.553700000e+04, v31;
	v30 =	vld [tilespmem:s23+$0x10470]  }
.Ltmp10:
0x502: {  	v24 =	vadd.f32 v24, v35;
	v42 =	vsub.f32 v33, v40;
	v33 =	vmul.f32 $6.553700000e+04, v34;
	(pc) =	sbr.rel @p0 .LBB2_23-.Ltmp10, $4  }
0x503: {  	v26 =	vadd.f32 v26, v27;
	v35 =	vsub.f32 v31, v41;
	v31 =	vmul.f32 $6.553700000e+04, v36  }
0x504: {  	v25 =	vadd.f32 v28, v37;
	v38 =	vsub.f32 v34, v33;
	v32 =	vmul.f32 $6.553700000e+04, v39  }
0x505: {  	v27 =	vadd.f32 v42, v40;
	v36 =	vsub.f32 v36, v31;
	v34 =	vmul.f32 $6.553700000e+04, v29  }
0x506: {  	s23 =	sand.u32 $0x800, s22;
	s22 =	sadd.s32 $0x100, s22;
	v28 =	vadd.f32 v35, v41;
	v37 =	vsub.f32 v39, v32;
	v35 =	vmul.f32 $6.553700000e+04, v30  }
0x507: {  	s20 =	sor.u32 s20, s23;
	s21 =	sadd.s32 $0x80, s21  }
0x508: {  	s22 =	sor.u32 s20, s21  }
0x509: {  	v33 =	vadd.f32 v38, v33;
	s22 =	sor.u32 $0x10400, s22  }
0x50a: {  	v29 =	vsub.f32 v29, v34;
	v31 =	vadd.f32 v36, v31;
	v53 =	vld [tilespmem:s22+$0x470]  }
0x50b: {  	v4 =	vadd.f32 v19, v4;
	v17 =	vadd.f32 v20, v17;
	v54 =	vld [tilespmem:s22+$0x400]  }
0x50c: {  	v18 =	vadd.f32 v21, v18;
	v15 =	vadd.f32 v22, v15;
	v55 =	vld [tilespmem:s22+$0x410]  }
0x50d: {  	v16 =	vadd.f32 v23, v16;
	v13 =	vadd.f32 v24, v13;
	v56 =	vld [tilespmem:s22+$0x420]  }
0x50e: {  	v14 =	vadd.f32 v26, v14;
	v11 =	vadd.f32 v25, v11;
	v57 =	vld [tilespmem:s22+$0x430]  }
0x50f: {  	v12 =	vadd.f32 v27, v12;
	v30 =	vsub.f32 v30, v35;
	v58 =	vld [tilespmem:s22+$0x440]  }
0x510: {  	v32 =	vadd.f32 v37, v32;
	v10 =	vadd.f32 v28, v10;
	s21 =	sand.u32 $0x380, s21;
	v61 =	vld [tilespmem:s22+$0x450]  }
0x511: {  	v29 =	vadd.f32 v29, v34;
	v8 =	vadd.f32 v33, v8;
	s20 =	sadd.s32 s21, s20;
	v63 =	vld [tilespmem:s22+$0x460]  }
0x512: {  	v7 =	vadd.f32 v31, v7;
	v30 =	vadd.f32 v30, v35;
	v41 =	vld [tilespmem:s20+$0x10400];
	v59 =	vmul.f32 $6.553700000e+04, v53  }
0x513: {  	v9 =	vadd.f32 v32, v9;
	v45 =	vld [tilespmem:s20+$0x10420];
	v60 =	vmul.f32 $6.553700000e+04, v54;
	v62 =	vmul.f32 $6.553700000e+04, v55  }
0x514: {  	v6 =	vadd.f32 v29, v6;
	v42 =	vmul.f32 $6.553700000e+04, v56;
	v44 =	vmul.f32 $6.553700000e+04, v57  }
0x515: {  	v5 =	vadd.f32 v30, v5;
	v46 =	vmul.f32 $6.553700000e+04, v58;
	v48 =	vmul.f32 $6.553700000e+04, v61  }
0x516: {  	v50 =	vmul.f32 $6.553700000e+04, v63;
	v40 =	vsub.f32 v53, v59;
	v19 =	vsub.f32 v54, v60  }
0x517: {  	v43 =	vld [tilespmem:s20+$0x10410];
	v51 =	vmul.f32 $6.553700000e+04, v41;
	v20 =	vsub.f32 v55, v62;
	v21 =	vsub.f32 v56, v42  }
0x518: {  	v47 =	vld [tilespmem:s20+$0x10430];
	v39 =	vmul.f32 $6.553700000e+04, v45;
	v22 =	vsub.f32 v57, v44;
	v23 =	vsub.f32 v58, v46  }
0x519: {  	v49 =	vld [tilespmem:s20+$0x10440];
	v26 =	vsub.f32 v61, v48;
	v28 =	vsub.f32 v63, v50  }
0x51a: {  	v52 =	vld [tilespmem:s20+$0x10450];
	v29 =	vsub.f32 v41, v51;
	v31 =	vsub.f32 v45, v39  }
0x51b: {  	v24 =	vadd.f32 v40, v59;
	v19 =	vadd.f32 v19, v60  }
0x51c: {  	v53 =	vmul.f32 $6.553700000e+04, v43;
	v20 =	vadd.f32 v20, v62;
	v21 =	vadd.f32 v21, v42  }
0x51d: {  	v56 =	vmul.f32 $6.553700000e+04, v47;
	v22 =	vadd.f32 v22, v44;
	v23 =	vadd.f32 v23, v46  }
0x51e: {  	v57 =	vmul.f32 $6.553700000e+04, v49;
	v30 =	vsub.f32 v43, v53;
	v26 =	vadd.f32 v26, v48  }
0x51f: {  	v58 =	vmul.f32 $6.553700000e+04, v52;
	v28 =	vadd.f32 v28, v50;
	v29 =	vadd.f32 v29, v51  }
0x520: {  	s25 =	sshll.u32 s19, $0x9;
	v54 =	vld [tilespmem:s20+$0x10460];
	v34 =	vsub.f32 v47, v56;
	v27 =	vsub.f32 v49, v57  }
0x521: {  	v55 =	vld [tilespmem:s20+$0x10470];
	s20 =	sshra.s32 s25, $0x2;
	v31 =	vadd.f32 v31, v39;
	v32 =	vsub.f32 v52, v58  }
0x522: {  	v61 =	vld [tilespmem:s20+$0x18C00];
	v30 =	vadd.f32 v30, v53;
	v34 =	vadd.f32 v34, v56  }
0x523: {  	v63 =	vld [tilespmem:s20+$0x18C20];
	v27 =	vadd.f32 v27, v57;
	v32 =	vadd.f32 v32, v58  }
0x524: {  	v45 =	vld [tilespmem:s20+$0x19010];
	v11 =	vadd.f32 v29, v11;
	v10 =	vadd.f32 v31, v10  }
0x525: {  	v44 =	vld [tilespmem:s20+$0x19000];
	v4 =	vadd.f32 v19, v4;
	v17 =	vadd.f32 v20, v17  }
0x526: {  	v47 =	vld [tilespmem:s20+$0x19020];
	v50 =	vadd.f32 v21, v18;
	v52 =	vadd.f32 v22, v15  }
0x527: {  	v62 =	vld [tilespmem:s20+$0x18C10];
	v58 =	vadd.f32 v26, v13;
	v11 =	vadd.f32 v61, v11  }
0x528: {  	v38 =	vld [tilespmem:s20+$0x18C30];
	v3 =	vadd.f32 v24, v3;
	v10 =	vadd.f32 v63, v10  }
0x529: {  	v40 =	vld [tilespmem:s20+$0x18C40];
	v12 =	vadd.f32 v30, v12;
	v53 =	vadd.f32 v45, v17;
	[tilespmem:s20+$0x18C00] =	vst v11  }
0x52a: {  	v41 =	vld [tilespmem:s20+$0x18C50];
	v8 =	vadd.f32 v34, v8;
	v4 =	vadd.f32 v44, v4;
	[tilespmem:s20+$0x18C20] =	vst v10  }
0x52b: {  	v51 =	vld [tilespmem:s20+$0x19050];
	v59 =	vmul.f32 $6.553700000e+04, v54;
	v7 =	vadd.f32 v27, v7;
	v56 =	vadd.f32 v47, v50;
	[tilespmem:s20+$0x19010] =	vst v53  }
0x52c: {  	v48 =	vld [tilespmem:s20+$0x19030];
	v60 =	vmul.f32 $6.553700000e+04, v55;
	v9 =	vadd.f32 v32, v9;
	v12 =	vadd.f32 v62, v12;
	[tilespmem:s20+$0x19000] =	vst v4  }
0x52d: {  	v49 =	vld [tilespmem:s20+$0x19040];
	v33 =	vsub.f32 v54, v59;
	v8 =	vadd.f32 v38, v8;
	[tilespmem:s20+$0x19020] =	vst v56  }
0x52e: {  	v57 =	vld [tilespmem:s20+$0x19070];
	v25 =	vsub.f32 v55, v60;
	v7 =	vadd.f32 v40, v7;
	[tilespmem:s20+$0x18C10] =	vst v12  }
0x52f: {  	v54 =	vld [tilespmem:s20+$0x19060];
	v55 =	vadd.f32 v23, v16;
	v46 =	vadd.f32 v41, v9;
	[tilespmem:s20+$0x18C30] =	vst v8  }
0x530: {  	v42 =	vld [tilespmem:s20+$0x18C60];
	v62 =	vadd.f32 v51, v58;
	v33 =	vadd.f32 v33, v59;
	[tilespmem:s20+$0x18C40] =	vst v7  }
0x531: {  	v43 =	vld [tilespmem:s20+$0x18C70];
	v25 =	vadd.f32 v25, v60;
	v59 =	vadd.f32 v48, v52;
	[tilespmem:s20+$0x18C50] =	vst v46  }
0x532: {  	s19 =	sadd.s32 $0x1, s19;
	v60 =	vadd.f32 v28, v14;
	v61 =	vadd.f32 v49, v55;
	[tilespmem:s20+$0x19050] =	vst v62  }
0x533: {  	p0 =	sne.s32 s19, $0x8;
	v3 =	vadd.f32 v57, v3;
	v6 =	vadd.f32 v33, v6;
	[tilespmem:s20+$0x19030] =	vst v59  }
.Ltmp11:
0x534: {  	v5 =	vadd.f32 v25, v5;
	[tilespmem:s20+$0x19040] =	vst v61;
	v63 =	vadd.f32 v54, v60;
	(pc) =	sbr.rel @p0 .LBB2_22-.Ltmp11, $4  }
0x535: {  	[tilespmem:s20+$0x19070] =	vst v3;
	v6 =	vadd.f32 v42, v6  }
0x536: {  	v5 =	vadd.f32 v43, v5;
	[tilespmem:s20+$0x19060] =	vst v63  }
0x537: {  	[tilespmem:s20+$0x18C60] =	vst v6  }
0x538: {  	[tilespmem:s20+$0x18C70] =	vst v5  }
0x539: {  	_ =	swait.ge [sflag:s14], $0x8000  }
0x53a: {  	[sflag:s14] =	ssyncset.done $0x0  }
0x53b: {  	s18 =	simm.s32 $0x0;
	s19 =	simm.s32 $0x0;
	[sflag:s14] =	ssyncadd.s32 $0xFFFF8000  }
.LBB2_26:
0x53c: {  	s20 =	sshll.u32 s19, $0xC  }
0x53d: {  	s20 =	sand.u32 $0x3FFFF000, s20  }
0x53e: {  	s21 =	sand.u32 $0x800, s18;
	s20 =	sor.u32 $0x400, s20  }
0x53f: {  	s22 =	sand.u32 $0x380, s18;
	s21 =	sadd.s32 s21, s20  }
0x540: {  	s21 =	sadd.s32 s22, s21  }
0x541: {  	v3 =	vld [tilespmem:s21+$0x470]  }
0x542: {  	v4 =	vld [tilespmem:s21+$0x0]  }
0x543: {  	v5 =	vld [tilespmem:s21+$0x10]  }
0x544: {  	v6 =	vld [tilespmem:s21+$0x20]  }
0x545: {  	v7 =	vld [tilespmem:s21+$0x30]  }
0x546: {  	v8 =	vld [tilespmem:s21+$0x40]  }
0x547: {  	v11 =	vld [tilespmem:s21+$0x50]  }
0x548: {  	v13 =	vld [tilespmem:s21+$0x60];
	v9 =	vmul.f32 $6.553700000e+04, v3  }
0x549: {  	v16 =	vld [tilespmem:s21+$0x70];
	v10 =	vmul.f32 $6.553700000e+04, v4;
	v12 =	vmul.f32 $6.553700000e+04, v5  }
0x54a: {  	v18 =	vld [tilespmem:s21+$0x400];
	v15 =	vmul.f32 $6.553700000e+04, v6;
	v17 =	vmul.f32 $6.553700000e+04, v7;
	v3 =	vsub.f32 v3, v9  }
0x54b: {  	v27 =	vld [tilespmem:s21+$0x420];
	v14 =	vsub.f32 v4, v10;
	v5 =	vsub.f32 v5, v12  }
0x54c: {  	v30 =	vld [tilespmem:s21+$0x460];
	v4 =	vimm.f32 $0.0e+00;
	v6 =	vsub.f32 v6, v15;
	v7 =	vsub.f32 v7, v17  }
0x54d: {  	v3 =	vadd.f32 v3, v9;
	v19 =	vadd.f32 v14, v10;
	v9 =	vmul.f32 $6.553700000e+04, v8;
	v10 =	vld [tilespmem:s21+$0x410]  }
0x54e: {  	v14 =	vmul.f32 $6.553700000e+04, v11;
	v20 =	vadd.f32 v5, v12;
	v12 =	vld [tilespmem:s21+$0x430];
	v21 =	vadd.f32 v6, v15  }
0x54f: {  	v15 =	vld [tilespmem:s21+$0x440];
	v22 =	vadd.f32 v7, v17;
	v5 =	vsub.f32 v8, v9;
	v8 =	vmul.f32 $6.553700000e+04, v13  }
0x550: {  	v17 =	vld [tilespmem:s21+$0x450];
	v3 =	vadd.f32 v3, v4;
	v6 =	vsub.f32 v11, v14;
	v11 =	vmul.f32 $6.553700000e+04, v16  }
0x551: {  	v33 =	vmul.f32 $6.553700000e+04, v30;
	v7 =	vsub.f32 v13, v8;
	v23 =	vadd.f32 v5, v9  }
0x552: {  	v13 =	vmul.f32 $6.553700000e+04, v18;
	v5 =	vsub.f32 v16, v11;
	v24 =	vadd.f32 v6, v14  }
0x553: {  	v14 =	vmul.f32 $6.553700000e+04, v27;
	v16 =	vimm.f32 $0.0e+00;
	v9 =	vmul.f32 $6.553700000e+04, v10  }
0x554: {  	v31 =	vmul.f32 $6.553700000e+04, v12;
	v32 =	vmul.f32 $6.553700000e+04, v15;
	v6 =	vsub.f32 v18, v13  }
0x555: {  	v34 =	vmul.f32 $6.553700000e+04, v17;
	v25 =	vadd.f32 v7, v8;
	v26 =	vadd.f32 v5, v11  }
0x556: {  	v5 =	vsub.f32 v27, v14;
	v18 =	vimm.f32 $0.0e+00;
	v11 =	vimm.f32 $0.0e+00  }
0x557: {  	v8 =	vimm.f32 $0.0e+00;
	v7 =	vsub.f32 v10, v9;
	v35 =	vsub.f32 v12, v31  }
0x558: {  	v36 =	vsub.f32 v15, v32;
	v37 =	vsub.f32 v17, v34;
	v17 =	vimm.f32 $0.0e+00  }
0x559: {  	v15 =	vimm.f32 $0.0e+00;
	v10 =	vimm.f32 $0.0e+00;
	v12 =	vimm.f32 $0.0e+00  }
0x55a: {  	v27 =	vadd.f32 v6, v13;
	v29 =	vadd.f32 v5, v14;
	v13 =	vimm.f32 $0.0e+00  }
0x55b: {  	s25 =	simm.s32 $0x100;
	v14 =	vimm.f32 $0.0e+00;
	v6 =	vimm.f32 $0.0e+00;
	v5 =	vimm.f32 $0.0e+00  }
0x55c: {  	s23 =	sand.u32 $0x800, s25;
	s22 =	simm.s32 $0x200;
	s21 =	simm.s32 $0x80;
	v28 =	vadd.f32 v7, v9;
	v9 =	vimm.f32 $0.0e+00;
	v7 =	vimm.f32 $0.0e+00  }
.LBB2_27:
0x55d: {  	p0 =	sne.s32 s22, $0xF00;
	s24 =	sand.u32 $0x380, s21;
	s23 =	sadd.s32 s23, s20;
	v31 =	vadd.f32 v35, v31;
	v30 =	vsub.f32 v30, v33  }
0x55e: {  	v32 =	vadd.f32 v36, v32;
	s23 =	sadd.s32 s24, s23;
	v34 =	vadd.f32 v37, v34  }
0x55f: {  	v4 =	vadd.f32 v19, v4;
	v35 =	vld [tilespmem:s23+$0x470];
	v19 =	vadd.f32 v30, v33  }
0x560: {  	v17 =	vadd.f32 v20, v17;
	v18 =	vadd.f32 v21, v18;
	v30 =	vld [tilespmem:s23+$0x0]  }
0x561: {  	v15 =	vadd.f32 v22, v15;
	v16 =	vadd.f32 v23, v16;
	v20 =	vld [tilespmem:s23+$0x10]  }
0x562: {  	v13 =	vadd.f32 v24, v13;
	v14 =	vadd.f32 v25, v14;
	v21 =	vld [tilespmem:s23+$0x20]  }
0x563: {  	v10 =	vadd.f32 v26, v10;
	v11 =	vadd.f32 v27, v11;
	v22 =	vld [tilespmem:s23+$0x30]  }
0x564: {  	v8 =	vadd.f32 v28, v8;
	v9 =	vadd.f32 v29, v9;
	v23 =	vld [tilespmem:s23+$0x40];
	v24 =	vmul.f32 $6.553700000e+04, v35  }
0x565: {  	v6 =	vadd.f32 v31, v6;
	v12 =	vadd.f32 v32, v12;
	v25 =	vmul.f32 $6.553700000e+04, v30;
	v26 =	vld [tilespmem:s23+$0x50]  }
0x566: {  	v7 =	vadd.f32 v34, v7;
	v27 =	vmul.f32 $6.553700000e+04, v20;
	v28 =	vld [tilespmem:s23+$0x60];
	v29 =	vsub.f32 v35, v24  }
0x567: {  	v5 =	vadd.f32 v19, v5;
	v30 =	vsub.f32 v30, v25;
	v31 =	vmul.f32 $6.553700000e+04, v21;
	v32 =	vld [tilespmem:s23+$0x70]  }
0x568: {  	v20 =	vsub.f32 v20, v27;
	v33 =	vmul.f32 $6.553700000e+04, v22;
	v34 =	vld [tilespmem:s23+$0x400];
	v24 =	vadd.f32 v29, v24  }
0x569: {  	v19 =	vadd.f32 v30, v25;
	v21 =	vsub.f32 v21, v31;
	v25 =	vmul.f32 $6.553700000e+04, v23;
	v29 =	vld [tilespmem:s23+$0x410]  }
0x56a: {  	v22 =	vsub.f32 v22, v33;
	v35 =	vmul.f32 $6.553700000e+04, v26;
	v36 =	vld [tilespmem:s23+$0x420];
	v3 =	vadd.f32 v24, v3  }
0x56b: {  	v20 =	vadd.f32 v20, v27;
	v23 =	vsub.f32 v23, v25;
	v27 =	vmul.f32 $6.553700000e+04, v28;
	v37 =	vld [tilespmem:s23+$0x430]  }
0x56c: {  	v21 =	vadd.f32 v21, v31;
	v24 =	vsub.f32 v26, v35;
	v26 =	vmul.f32 $6.553700000e+04, v32;
	v38 =	vld [tilespmem:s23+$0x440]  }
0x56d: {  	v22 =	vadd.f32 v22, v33;
	v28 =	vsub.f32 v28, v27;
	v33 =	vmul.f32 $6.553700000e+04, v34;
	v39 =	vld [tilespmem:s23+$0x450]  }
0x56e: {  	v23 =	vadd.f32 v23, v25;
	v32 =	vsub.f32 v32, v26;
	v40 =	vmul.f32 $6.553700000e+04, v29;
	v30 =	vld [tilespmem:s23+$0x460]  }
0x56f: {  	v24 =	vadd.f32 v24, v35;
	v34 =	vsub.f32 v34, v33;
	v41 =	vmul.f32 $6.553700000e+04, v36  }
.Ltmp12:
0x570: {  	v25 =	vadd.f32 v28, v27;
	v28 =	vsub.f32 v29, v40;
	v31 =	vmul.f32 $6.553700000e+04, v37;
	(pc) =	sbr.rel @p0 .LBB2_27-.Ltmp12, $4  }
0x571: {  	v26 =	vadd.f32 v32, v26;
	v29 =	vsub.f32 v36, v41;
	v32 =	vmul.f32 $6.553700000e+04, v38  }
0x572: {  	v27 =	vadd.f32 v34, v33;
	v35 =	vsub.f32 v37, v31;
	v34 =	vmul.f32 $6.553700000e+04, v39  }
0x573: {  	v28 =	vadd.f32 v28, v40;
	v36 =	vsub.f32 v38, v32;
	v33 =	vmul.f32 $6.553700000e+04, v30  }
0x574: {  	s21 =	sadd.s32 $0x80, s21;
	s23 =	sand.u32 $0x800, s22;
	s22 =	sadd.s32 $0x100, s22;
	v29 =	vadd.f32 v29, v41;
	v37 =	vsub.f32 v39, v34  }
0x575: {  	s21 =	sand.u32 $0x380, s21;
	s20 =	sadd.s32 s23, s20  }
0x576: {  	v31 =	vadd.f32 v35, v31;
	s20 =	sadd.s32 s21, s20  }
0x577: {  	v30 =	vsub.f32 v30, v33;
	v32 =	vadd.f32 v36, v32;
	v46 =	vld [tilespmem:s20+$0x470]  }
0x578: {  	v4 =	vadd.f32 v19, v4;
	v17 =	vadd.f32 v20, v17;
	v48 =	vld [tilespmem:s20+$0x0]  }
0x579: {  	v18 =	vadd.f32 v21, v18;
	v15 =	vadd.f32 v22, v15;
	v49 =	vld [tilespmem:s20+$0x10]  }
0x57a: {  	v16 =	vadd.f32 v23, v16;
	v13 =	vadd.f32 v24, v13;
	v50 =	vld [tilespmem:s20+$0x20]  }
0x57b: {  	v14 =	vadd.f32 v25, v14;
	v10 =	vadd.f32 v26, v10;
	v51 =	vld [tilespmem:s20+$0x30]  }
0x57c: {  	v11 =	vadd.f32 v27, v11;
	v8 =	vadd.f32 v28, v8;
	v52 =	vld [tilespmem:s20+$0x40]  }
0x57d: {  	v34 =	vadd.f32 v37, v34;
	v9 =	vadd.f32 v29, v9;
	v55 =	vld [tilespmem:s20+$0x50]  }
0x57e: {  	v47 =	vadd.f32 v30, v33;
	v6 =	vadd.f32 v31, v6;
	v57 =	vld [tilespmem:s20+$0x60]  }
0x57f: {  	v12 =	vadd.f32 v32, v12;
	v60 =	vld [tilespmem:s20+$0x70];
	v53 =	vmul.f32 $6.553700000e+04, v46;
	v54 =	vmul.f32 $6.553700000e+04, v48  }
0x580: {  	v7 =	vadd.f32 v34, v7;
	v56 =	vmul.f32 $6.553700000e+04, v49;
	v59 =	vmul.f32 $6.553700000e+04, v50  }
0x581: {  	v5 =	vadd.f32 v47, v5;
	v62 =	vmul.f32 $6.553700000e+04, v51;
	v41 =	vmul.f32 $6.553700000e+04, v52  }
0x582: {  	v43 =	vmul.f32 $6.553700000e+04, v55;
	v58 =	vsub.f32 v46, v53;
	v30 =	vsub.f32 v48, v54  }
0x583: {  	v63 =	vld [tilespmem:s20+$0x400];
	v45 =	vmul.f32 $6.553700000e+04, v57;
	v61 =	vsub.f32 v49, v56;
	v21 =	vsub.f32 v50, v59  }
0x584: {  	v42 =	vld [tilespmem:s20+$0x410];
	v47 =	vmul.f32 $6.553700000e+04, v60;
	v22 =	vsub.f32 v51, v62;
	v23 =	vsub.f32 v52, v41  }
0x585: {  	v44 =	vld [tilespmem:s20+$0x420];
	v26 =	vsub.f32 v55, v43;
	v49 =	vsub.f32 v57, v45  }
0x586: {  	v38 =	vld [tilespmem:s20+$0x450];
	v51 =	vsub.f32 v60, v47;
	v24 =	vadd.f32 v58, v53  }
0x587: {  	v39 =	vld [tilespmem:s20+$0x460];
	v25 =	vadd.f32 v30, v54;
	v19 =	vadd.f32 v61, v56  }
0x588: {  	v50 =	vmul.f32 $6.553700000e+04, v63;
	v21 =	vadd.f32 v21, v59;
	v20 =	vadd.f32 v22, v62  }
0x589: {  	v52 =	vmul.f32 $6.553700000e+04, v42;
	v23 =	vadd.f32 v23, v41;
	v26 =	vadd.f32 v26, v43  }
0x58a: {  	v33 =	vsub.f32 v63, v50;
	v53 =	vmul.f32 $6.553700000e+04, v44;
	v22 =	vadd.f32 v49, v45  }
0x58b: {  	v54 =	vsub.f32 v42, v52;
	v29 =	vadd.f32 v51, v47;
	v59 =	vmul.f32 $6.553700000e+04, v38  }
0x58c: {  	s25 =	sshll.u32 s19, $0x7;
	v46 =	vld [tilespmem:s20+$0x430];
	v61 =	vmul.f32 $6.553700000e+04, v39;
	v56 =	vsub.f32 v44, v53;
	v28 =	vadd.f32 v33, v50  }
0x58d: {  	v48 =	vld [tilespmem:s20+$0x440];
	s20 =	sand.u32 $0x3FFFFF80, s25;
	v27 =	vadd.f32 v54, v52;
	v38 =	vsub.f32 v38, v59  }
0x58e: {  	v62 =	vld [tilespmem:s20+$0x18400];
	v39 =	vsub.f32 v39, v61;
	v4 =	vadd.f32 v25, v4  }
0x58f: {  	v63 =	vld [tilespmem:s20+$0x18410];
	v17 =	vadd.f32 v19, v17;
	v18 =	vadd.f32 v21, v18  }
0x590: {  	v42 =	vld [tilespmem:s20+$0x18420];
	v15 =	vadd.f32 v20, v15;
	v16 =	vadd.f32 v23, v16  }
0x591: {  	v43 =	vld [tilespmem:s20+$0x18430];
	v13 =	vadd.f32 v26, v13;
	v14 =	vadd.f32 v22, v14  }
0x592: {  	v45 =	vld [tilespmem:s20+$0x18450];
	v10 =	vadd.f32 v29, v10;
	v31 =	vadd.f32 v56, v53  }
0x593: {  	v49 =	vld [tilespmem:s20+$0x18800];
	v36 =	vadd.f32 v38, v59;
	v4 =	vadd.f32 v62, v4  }
0x594: {  	v51 =	vld [tilespmem:s20+$0x18810];
	v37 =	vadd.f32 v39, v61;
	v17 =	vadd.f32 v63, v17  }
0x595: {  	v44 =	vld [tilespmem:s20+$0x18440];
	v55 =	vmul.f32 $6.553700000e+04, v46;
	v11 =	vadd.f32 v28, v11;
	v47 =	vadd.f32 v42, v18;
	[tilespmem:s20+$0x18400] =	vst v4  }
0x596: {  	v52 =	vld [tilespmem:s20+$0x18820];
	v57 =	vmul.f32 $6.553700000e+04, v48;
	v8 =	vadd.f32 v27, v8;
	v15 =	vadd.f32 v43, v15;
	[tilespmem:s20+$0x18410] =	vst v17  }
0x597: {  	v58 =	vsub.f32 v46, v55;
	v46 =	vld [tilespmem:s20+$0x18460];
	v13 =	vadd.f32 v45, v13;
	[tilespmem:s20+$0x18420] =	vst v47  }
0x598: {  	v60 =	vsub.f32 v48, v57;
	v48 =	vld [tilespmem:s20+$0x18470];
	v56 =	vadd.f32 v49, v11;
	[tilespmem:s20+$0x18430] =	vst v15  }
0x599: {  	v54 =	vld [tilespmem:s20+$0x18830];
	v9 =	vadd.f32 v31, v9;
	v8 =	vadd.f32 v51, v8;
	[tilespmem:s20+$0x18450] =	vst v13  }
0x59a: {  	v30 =	vadd.f32 v58, v55;
	v50 =	vadd.f32 v44, v16;
	v55 =	vld [tilespmem:s20+$0x18840];
	[tilespmem:s20+$0x18800] =	vst v56  }
0x59b: {  	v32 =	vadd.f32 v60, v57;
	v57 =	vld [tilespmem:s20+$0x18850];
	v59 =	vadd.f32 v52, v9;
	[tilespmem:s20+$0x18810] =	vst v8  }
0x59c: {  	v58 =	vld [tilespmem:s20+$0x18860];
	[tilespmem:s20+$0x18440] =	vst v50;
	v6 =	vadd.f32 v30, v6;
	v53 =	vadd.f32 v46, v14  }
0x59d: {  	v60 =	vld [tilespmem:s20+$0x18870];
	v12 =	vadd.f32 v32, v12;
	v10 =	vadd.f32 v48, v10;
	[tilespmem:s20+$0x18820] =	vst v59  }
0x59e: {  	s19 =	sadd.s32 $0x1, s19;
	v7 =	vadd.f32 v36, v7;
	v6 =	vadd.f32 v54, v6;
	[tilespmem:s20+$0x18460] =	vst v53  }
0x59f: {  	p0 =	sne.s32 s19, $0x8;
	v5 =	vadd.f32 v37, v5;
	[tilespmem:s20+$0x18470] =	vst v10;
	v61 =	vadd.f32 v55, v12  }
.Ltmp13:
0x5a0: {  	v3 =	vadd.f32 v24, v3;
	v62 =	vadd.f32 v57, v7;
	[tilespmem:s20+$0x18830] =	vst v6;
	(pc) =	sbr.rel @p0 .LBB2_26-.Ltmp13, $4  }
0x5a1: {  	v63 =	vadd.f32 v58, v5;
	[tilespmem:s20+$0x18840] =	vst v61  }
0x5a2: {  	v3 =	vadd.f32 v60, v3;
	[tilespmem:s20+$0x18850] =	vst v62  }
0x5a3: {  	[tilespmem:s20+$0x18860] =	vst v63  }
0x5a4: {  	[tilespmem:s20+$0x18870] =	vst v3  }
0x5a5: {  	_ =	swait.ge [sflag:s15], $0x8000  }
0x5a6: {  	[sflag:s15] =	ssyncset.done $0x0  }
0x5a7: {  	s18 =	simm.s32 $0x0;
	s19 =	simm.s32 $0x0;
	[sflag:s15] =	ssyncadd.s32 $0xFFFF8000  }
.LBB2_30:
0x5a8: {  	s20 =	sshll.u32 s19, $0xC;
	s21 =	sand.u32 $0x800, s18  }
0x5a9: {  	s23 =	sand.u32 $0x380, s18;
	s21 =	sor.u32 s20, s21  }
0x5aa: {  	s22 =	sor.u32 s21, s18;
	s21 =	sadd.s32 s23, s21  }
0x5ab: {  	v28 =	vld [tilespmem:s21+$0x8440]  }
0x5ac: {  	v35 =	vld [tilespmem:s21+$0x8450]  }
0x5ad: {  	s22 =	sor.u32 $0x8400, s22;
	v29 =	vld [tilespmem:s21+$0x8460]  }
0x5ae: {  	v3 =	vld [tilespmem:s22+$0x470]  }
0x5af: {  	v5 =	vld [tilespmem:s22+$0x400]  }
0x5b0: {  	v6 =	vld [tilespmem:s22+$0x410]  }
0x5b1: {  	v7 =	vld [tilespmem:s22+$0x420]  }
0x5b2: {  	v8 =	vld [tilespmem:s22+$0x430]  }
0x5b3: {  	v12 =	vld [tilespmem:s22+$0x450];
	v31 =	vmul.f32 $6.553700000e+04, v28  }
0x5b4: {  	v30 =	vld [tilespmem:s21+$0x8470];
	v32 =	vmul.f32 $6.553700000e+04, v35;
	v34 =	vmul.f32 $6.553700000e+04, v29  }
0x5b5: {  	v4 =	vimm.f32 $0.0e+00;
	v9 =	vld [tilespmem:s22+$0x440];
	v10 =	vmul.f32 $6.553700000e+04, v3;
	v11 =	vmul.f32 $6.553700000e+04, v5  }
0x5b6: {  	v15 =	vld [tilespmem:s21+$0x8400];
	v13 =	vmul.f32 $6.553700000e+04, v6;
	v16 =	vmul.f32 $6.553700000e+04, v7;
	v36 =	vsub.f32 v28, v31  }
0x5b7: {  	v14 =	vld [tilespmem:s22+$0x460];
	v18 =	vmul.f32 $6.553700000e+04, v8;
	v37 =	vsub.f32 v35, v32;
	v3 =	vsub.f32 v3, v10  }
0x5b8: {  	v17 =	vld [tilespmem:s21+$0x8410];
	v24 =	vmul.f32 $6.553700000e+04, v12;
	v5 =	vsub.f32 v5, v11;
	v6 =	vsub.f32 v6, v13  }
0x5b9: {  	v35 =	vmul.f32 $6.553700000e+04, v30;
	v8 =	vsub.f32 v8, v18;
	v3 =	vadd.f32 v3, v10  }
0x5ba: {  	v19 =	vadd.f32 v5, v11;
	v5 =	vsub.f32 v7, v16;
	v7 =	vmul.f32 $6.553700000e+04, v9  }
0x5bb: {  	v10 =	vld [tilespmem:s21+$0x8420];
	v20 =	vadd.f32 v6, v13;
	v13 =	vmul.f32 $6.553700000e+04, v15;
	v22 =	vadd.f32 v8, v18  }
0x5bc: {  	v11 =	vld [tilespmem:s21+$0x8430];
	v3 =	vadd.f32 v3, v4;
	v6 =	vsub.f32 v9, v7;
	v9 =	vmul.f32 $6.553700000e+04, v14  }
0x5bd: {  	v21 =	vadd.f32 v5, v16;
	v5 =	vsub.f32 v12, v24;
	v12 =	vmul.f32 $6.553700000e+04, v17  }
0x5be: {  	v18 =	vimm.f32 $0.0e+00;
	v8 =	vsub.f32 v14, v9;
	v14 =	vsub.f32 v15, v13  }
0x5bf: {  	v16 =	vimm.f32 $0.0e+00;
	v23 =	vadd.f32 v6, v7;
	v6 =	vsub.f32 v17, v12  }
0x5c0: {  	v24 =	vadd.f32 v5, v24;
	v17 =	vimm.f32 $0.0e+00;
	v7 =	vimm.f32 $0.0e+00  }
0x5c1: {  	v15 =	vmul.f32 $6.553700000e+04, v10;
	v33 =	vmul.f32 $6.553700000e+04, v11;
	v26 =	vadd.f32 v8, v9  }
0x5c2: {  	v25 =	vadd.f32 v14, v13;
	v27 =	vadd.f32 v6, v12;
	v13 =	vimm.f32 $0.0e+00  }
0x5c3: {  	v14 =	vimm.f32 $0.0e+00;
	v12 =	vimm.f32 $0.0e+00;
	v8 =	vimm.f32 $0.0e+00  }
0x5c4: {  	v9 =	vimm.f32 $0.0e+00;
	v6 =	vimm.f32 $0.0e+00;
	v5 =	vsub.f32 v10, v15  }
0x5c5: {  	s25 =	simm.s32 $0x100;
	v38 =	vsub.f32 v11, v33;
	v11 =	vimm.f32 $0.0e+00;
	v10 =	vimm.f32 $0.0e+00  }
0x5c6: {  	s23 =	sand.u32 $0x800, s25;
	s22 =	simm.s32 $0x200;
	s21 =	simm.s32 $0x0;
	v28 =	vadd.f32 v5, v15;
	v15 =	vimm.f32 $0.0e+00;
	v5 =	vimm.f32 $0.0e+00  }
.LBB2_31:
0x5c7: {  	p0 =	sne.s32 s22, $0xF00;
	s23 =	sor.u32 s20, s23;
	v33 =	vadd.f32 v38, v33;
	v29 =	vsub.f32 v29, v34;
	s21 =	sadd.s32 $0x80, s21  }
0x5c8: {  	v31 =	vadd.f32 v36, v31;
	s24 =	sand.u32 $0x380, s21;
	s25 =	sor.u32 s23, s21;
	v30 =	vsub.f32 v30, v35  }
0x5c9: {  	v32 =	vadd.f32 v37, v32;
	s23 =	sadd.s32 s24, s23;
	s24 =	sor.u32 $0x8400, s25;
	v29 =	vadd.f32 v29, v34  }
0x5ca: {  	v4 =	vadd.f32 v19, v4;
	v34 =	vld [tilespmem:s24+$0x470];
	v30 =	vadd.f32 v30, v35  }
0x5cb: {  	v17 =	vadd.f32 v20, v17;
	v18 =	vadd.f32 v21, v18;
	v19 =	vld [tilespmem:s24+$0x400]  }
0x5cc: {  	v15 =	vadd.f32 v22, v15;
	v16 =	vadd.f32 v23, v16;
	v20 =	vld [tilespmem:s24+$0x410]  }
0x5cd: {  	v13 =	vadd.f32 v24, v13;
	v14 =	vadd.f32 v26, v14;
	v21 =	vld [tilespmem:s24+$0x420]  }
0x5ce: {  	v11 =	vadd.f32 v25, v11;
	v12 =	vadd.f32 v27, v12;
	v22 =	vld [tilespmem:s24+$0x430]  }
0x5cf: {  	v10 =	vadd.f32 v28, v10;
	v8 =	vadd.f32 v33, v8;
	v23 =	vld [tilespmem:s24+$0x440];
	v24 =	vmul.f32 $6.553700000e+04, v34  }
0x5d0: {  	v7 =	vadd.f32 v31, v7;
	v9 =	vadd.f32 v32, v9;
	v25 =	vmul.f32 $6.553700000e+04, v19;
	v26 =	vld [tilespmem:s24+$0x450]  }
0x5d1: {  	v6 =	vadd.f32 v29, v6;
	v27 =	vmul.f32 $6.553700000e+04, v20;
	v28 =	vld [tilespmem:s24+$0x460];
	v31 =	vsub.f32 v34, v24  }
0x5d2: {  	v5 =	vadd.f32 v30, v5;
	v32 =	vld [tilespmem:s23+$0x8400];
	v19 =	vsub.f32 v19, v25;
	v29 =	vmul.f32 $6.553700000e+04, v21  }
0x5d3: {  	v33 =	vld [tilespmem:s23+$0x8410];
	v20 =	vsub.f32 v20, v27;
	v30 =	vmul.f32 $6.553700000e+04, v22;
	v24 =	vadd.f32 v31, v24  }
0x5d4: {  	v31 =	vld [tilespmem:s23+$0x8420];
	v19 =	vadd.f32 v19, v25;
	v21 =	vsub.f32 v21, v29;
	v25 =	vmul.f32 $6.553700000e+04, v23  }
0x5d5: {  	v34 =	vld [tilespmem:s23+$0x8430];
	v22 =	vsub.f32 v22, v30;
	v35 =	vmul.f32 $6.553700000e+04, v26;
	v3 =	vadd.f32 v24, v3  }
0x5d6: {  	v20 =	vadd.f32 v20, v27;
	v36 =	vld [tilespmem:s23+$0x8440];
	v23 =	vsub.f32 v23, v25;
	v27 =	vmul.f32 $6.553700000e+04, v28  }
0x5d7: {  	v21 =	vadd.f32 v21, v29;
	v37 =	vmul.f32 $6.553700000e+04, v32;
	v39 =	vld [tilespmem:s23+$0x8450];
	v24 =	vsub.f32 v26, v35  }
0x5d8: {  	v22 =	vadd.f32 v22, v30;
	v40 =	vmul.f32 $6.553700000e+04, v33;
	v29 =	vld [tilespmem:s23+$0x8460];
	v26 =	vsub.f32 v28, v27  }
0x5d9: {  	v23 =	vadd.f32 v23, v25;
	v28 =	vsub.f32 v32, v37;
	v41 =	vmul.f32 $6.553700000e+04, v31;
	v30 =	vld [tilespmem:s23+$0x8470]  }
.Ltmp14:
0x5da: {  	v24 =	vadd.f32 v24, v35;
	v42 =	vsub.f32 v33, v40;
	v33 =	vmul.f32 $6.553700000e+04, v34;
	(pc) =	sbr.rel @p0 .LBB2_31-.Ltmp14, $4  }
0x5db: {  	v26 =	vadd.f32 v26, v27;
	v35 =	vsub.f32 v31, v41;
	v31 =	vmul.f32 $6.553700000e+04, v36  }
0x5dc: {  	v25 =	vadd.f32 v28, v37;
	v38 =	vsub.f32 v34, v33;
	v32 =	vmul.f32 $6.553700000e+04, v39  }
0x5dd: {  	v27 =	vadd.f32 v42, v40;
	v36 =	vsub.f32 v36, v31;
	v34 =	vmul.f32 $6.553700000e+04, v29  }
0x5de: {  	s23 =	sand.u32 $0x800, s22;
	s22 =	sadd.s32 $0x100, s22;
	v28 =	vadd.f32 v35, v41;
	v37 =	vsub.f32 v39, v32;
	v35 =	vmul.f32 $6.553700000e+04, v30  }
0x5df: {  	s20 =	sor.u32 s20, s23;
	s21 =	sadd.s32 $0x80, s21  }
0x5e0: {  	s22 =	sor.u32 s20, s21  }
0x5e1: {  	v33 =	vadd.f32 v38, v33;
	s22 =	sor.u32 $0x8400, s22  }
0x5e2: {  	v29 =	vsub.f32 v29, v34;
	v31 =	vadd.f32 v36, v31;
	v53 =	vld [tilespmem:s22+$0x470]  }
0x5e3: {  	v4 =	vadd.f32 v19, v4;
	v17 =	vadd.f32 v20, v17;
	v54 =	vld [tilespmem:s22+$0x400]  }
0x5e4: {  	v18 =	vadd.f32 v21, v18;
	v15 =	vadd.f32 v22, v15;
	v55 =	vld [tilespmem:s22+$0x410]  }
0x5e5: {  	v16 =	vadd.f32 v23, v16;
	v13 =	vadd.f32 v24, v13;
	v56 =	vld [tilespmem:s22+$0x420]  }
0x5e6: {  	v14 =	vadd.f32 v26, v14;
	v11 =	vadd.f32 v25, v11;
	v57 =	vld [tilespmem:s22+$0x430]  }
0x5e7: {  	v12 =	vadd.f32 v27, v12;
	v30 =	vsub.f32 v30, v35;
	v58 =	vld [tilespmem:s22+$0x440]  }
0x5e8: {  	v32 =	vadd.f32 v37, v32;
	v10 =	vadd.f32 v28, v10;
	s21 =	sand.u32 $0x380, s21;
	v61 =	vld [tilespmem:s22+$0x450]  }
0x5e9: {  	v29 =	vadd.f32 v29, v34;
	v8 =	vadd.f32 v33, v8;
	s20 =	sadd.s32 s21, s20;
	v63 =	vld [tilespmem:s22+$0x460]  }
0x5ea: {  	v7 =	vadd.f32 v31, v7;
	v30 =	vadd.f32 v30, v35;
	v41 =	vld [tilespmem:s20+$0x8400];
	v59 =	vmul.f32 $6.553700000e+04, v53  }
0x5eb: {  	v9 =	vadd.f32 v32, v9;
	v45 =	vld [tilespmem:s20+$0x8420];
	v60 =	vmul.f32 $6.553700000e+04, v54;
	v62 =	vmul.f32 $6.553700000e+04, v55  }
0x5ec: {  	v6 =	vadd.f32 v29, v6;
	v42 =	vmul.f32 $6.553700000e+04, v56;
	v44 =	vmul.f32 $6.553700000e+04, v57  }
0x5ed: {  	v5 =	vadd.f32 v30, v5;
	v46 =	vmul.f32 $6.553700000e+04, v58;
	v48 =	vmul.f32 $6.553700000e+04, v61  }
0x5ee: {  	v50 =	vmul.f32 $6.553700000e+04, v63;
	v40 =	vsub.f32 v53, v59;
	v19 =	vsub.f32 v54, v60  }
0x5ef: {  	v43 =	vld [tilespmem:s20+$0x8410];
	v51 =	vmul.f32 $6.553700000e+04, v41;
	v20 =	vsub.f32 v55, v62;
	v21 =	vsub.f32 v56, v42  }
0x5f0: {  	v47 =	vld [tilespmem:s20+$0x8430];
	v39 =	vmul.f32 $6.553700000e+04, v45;
	v22 =	vsub.f32 v57, v44;
	v23 =	vsub.f32 v58, v46  }
0x5f1: {  	v49 =	vld [tilespmem:s20+$0x8440];
	v26 =	vsub.f32 v61, v48;
	v28 =	vsub.f32 v63, v50  }
0x5f2: {  	v52 =	vld [tilespmem:s20+$0x8450];
	v29 =	vsub.f32 v41, v51;
	v31 =	vsub.f32 v45, v39  }
0x5f3: {  	v24 =	vadd.f32 v40, v59;
	v19 =	vadd.f32 v19, v60  }
0x5f4: {  	v53 =	vmul.f32 $6.553700000e+04, v43;
	v20 =	vadd.f32 v20, v62;
	v21 =	vadd.f32 v21, v42  }
0x5f5: {  	v56 =	vmul.f32 $6.553700000e+04, v47;
	v22 =	vadd.f32 v22, v44;
	v23 =	vadd.f32 v23, v46  }
0x5f6: {  	v57 =	vmul.f32 $6.553700000e+04, v49;
	v30 =	vsub.f32 v43, v53;
	v26 =	vadd.f32 v26, v48  }
0x5f7: {  	v58 =	vmul.f32 $6.553700000e+04, v52;
	v28 =	vadd.f32 v28, v50;
	v29 =	vadd.f32 v29, v51  }
0x5f8: {  	s25 =	sshll.u32 s19, $0x9;
	v54 =	vld [tilespmem:s20+$0x8460];
	v34 =	vsub.f32 v47, v56;
	v27 =	vsub.f32 v49, v57  }
0x5f9: {  	v55 =	vld [tilespmem:s20+$0x8470];
	s20 =	sshra.s32 s25, $0x2;
	v31 =	vadd.f32 v31, v39;
	v32 =	vsub.f32 v52, v58  }
0x5fa: {  	v61 =	vld [tilespmem:s20+$0x18C00];
	v30 =	vadd.f32 v30, v53;
	v34 =	vadd.f32 v34, v56  }
0x5fb: {  	v63 =	vld [tilespmem:s20+$0x18C20];
	v27 =	vadd.f32 v27, v57;
	v32 =	vadd.f32 v32, v58  }
0x5fc: {  	v45 =	vld [tilespmem:s20+$0x19010];
	v11 =	vadd.f32 v29, v11;
	v10 =	vadd.f32 v31, v10  }
0x5fd: {  	v44 =	vld [tilespmem:s20+$0x19000];
	v4 =	vadd.f32 v19, v4;
	v17 =	vadd.f32 v20, v17  }
0x5fe: {  	v47 =	vld [tilespmem:s20+$0x19020];
	v50 =	vadd.f32 v21, v18;
	v52 =	vadd.f32 v22, v15  }
0x5ff: {  	v62 =	vld [tilespmem:s20+$0x18C10];
	v58 =	vadd.f32 v26, v13;
	v11 =	vadd.f32 v61, v11  }
0x600: {  	v38 =	vld [tilespmem:s20+$0x18C30];
	v3 =	vadd.f32 v24, v3;
	v10 =	vadd.f32 v63, v10  }
0x601: {  	v40 =	vld [tilespmem:s20+$0x18C40];
	v12 =	vadd.f32 v30, v12;
	v53 =	vadd.f32 v45, v17;
	[tilespmem:s20+$0x18C00] =	vst v11  }
0x602: {  	v41 =	vld [tilespmem:s20+$0x18C50];
	v8 =	vadd.f32 v34, v8;
	v4 =	vadd.f32 v44, v4;
	[tilespmem:s20+$0x18C20] =	vst v10  }
0x603: {  	v51 =	vld [tilespmem:s20+$0x19050];
	v59 =	vmul.f32 $6.553700000e+04, v54;
	v7 =	vadd.f32 v27, v7;
	v56 =	vadd.f32 v47, v50;
	[tilespmem:s20+$0x19010] =	vst v53  }
0x604: {  	v48 =	vld [tilespmem:s20+$0x19030];
	v60 =	vmul.f32 $6.553700000e+04, v55;
	v9 =	vadd.f32 v32, v9;
	v12 =	vadd.f32 v62, v12;
	[tilespmem:s20+$0x19000] =	vst v4  }
0x605: {  	v49 =	vld [tilespmem:s20+$0x19040];
	v33 =	vsub.f32 v54, v59;
	v8 =	vadd.f32 v38, v8;
	[tilespmem:s20+$0x19020] =	vst v56  }
0x606: {  	v57 =	vld [tilespmem:s20+$0x19070];
	v25 =	vsub.f32 v55, v60;
	v7 =	vadd.f32 v40, v7;
	[tilespmem:s20+$0x18C10] =	vst v12  }
0x607: {  	v54 =	vld [tilespmem:s20+$0x19060];
	v55 =	vadd.f32 v23, v16;
	v46 =	vadd.f32 v41, v9;
	[tilespmem:s20+$0x18C30] =	vst v8  }
0x608: {  	v42 =	vld [tilespmem:s20+$0x18C60];
	v62 =	vadd.f32 v51, v58;
	v33 =	vadd.f32 v33, v59;
	[tilespmem:s20+$0x18C40] =	vst v7  }
0x609: {  	v43 =	vld [tilespmem:s20+$0x18C70];
	v25 =	vadd.f32 v25, v60;
	v59 =	vadd.f32 v48, v52;
	[tilespmem:s20+$0x18C50] =	vst v46  }
0x60a: {  	s19 =	sadd.s32 $0x1, s19;
	v60 =	vadd.f32 v28, v14;
	v61 =	vadd.f32 v49, v55;
	[tilespmem:s20+$0x19050] =	vst v62  }
0x60b: {  	p0 =	sne.s32 s19, $0x8;
	v3 =	vadd.f32 v57, v3;
	v6 =	vadd.f32 v33, v6;
	[tilespmem:s20+$0x19030] =	vst v59  }
.Ltmp15:
0x60c: {  	v5 =	vadd.f32 v25, v5;
	[tilespmem:s20+$0x19040] =	vst v61;
	v63 =	vadd.f32 v54, v60;
	(pc) =	sbr.rel @p0 .LBB2_30-.Ltmp15, $4  }
0x60d: {  	[tilespmem:s20+$0x19070] =	vst v3;
	v6 =	vadd.f32 v42, v6  }
0x60e: {  	v5 =	vadd.f32 v43, v5;
	[tilespmem:s20+$0x19060] =	vst v63  }
0x60f: {  	[tilespmem:s20+$0x18C60] =	vst v6  }
0x610: {  	[tilespmem:s20+$0x18C70] =	vst v5  }
0x611: {  	s18 =	rddreg [dreg:$0x4];
	s19 =	simm.s32 $0x18400  }
0x612: {  	[hbm4b:s18+s3] =	stream.linear.scatter [tilespmem:s19], [sflag:$0x4], $0x1000, $0x38;
	[tilespmem:$0x19400] =	vst v63  }
0x613: {  	_ =	swait.ge [sflag:s9], $0x1000  }
0x614: {  	s17 =	sadd.s32 $0x1, s17;
	s25 =	rddreg [dreg:$0x5]  }
0x615: {  	p0 =	sne.s32 s17, s25  }
.Ltmp16:
0x616: {  	_ = 	snop;
	(pc) =	sbr.rel @p0 .LBB2_1-.Ltmp16, $3  }
0x617: {  	_ =	sdelay $0x1  }
0x618: {  	[sflag:s9] =	ssyncset.done $0x0  }
0x619: {  	[sflag:s9] =	ssyncadd.s32 $0xFFFFF000  }
0x61a: {  	_ =	sfence.sel $0x180000  }
0x61b: {  	[bflag:$0x0] =	sbarrier.arrive $0xFFFF  }
0x61c: {  	_ =	strace $0x90000047  }
0x61d: {  	s0 =	stileid.u32;
	[bflag:$0x2] =	sbarrier.arrive $0xFFFF  }
0x61e: {  	p0 =	sne.s32 s0, $0x0;
	s0 =	rddreg [dreg:$0x2]  }
0x61f: {  	s0 =	sadd.s32 @!p0 $0x100000, s0  }
0x620: {  	[sflag:s0] =	ssyncadd.tile.s32 @!p0 $0x1;
	_ =	shalt  }
.Lfunc_end2:
_tile_overlayer_lowered:
.L_overlay_start_2:
0x621: {  	(tag) =	ssettag $0x2  }
0x622: {  	s0 =	rddreg [dreg:$0x0];
	s2 =	stileid.u32  }
0x623: {  	s1 =	rddreg [dreg:$0x1];
	p0 =	sne.s32 s2, $0x0  }
0x624: {  	s3 =	rddreg [dreg:$0x2];
	[bflag:$0x3] =	sbarrier.arrive $0xFFFF;
	s2 =	simm.s32 @!p0 $0x1C04  }
0x625: {  	[timem:s3], [sflag:s2] =	dma.local @!p0 [hbm:s0], s1  }
0x626: {  	s0 =	simm.s32 @!p0 $0x4  }
0x627: {  	_ =	swait.ge @!p0 [sflag:s0], s1  }
0x628: {  	s1 =	ssub.s32 @!p0 $0x0, s1;
	[sflag:s0] =	ssyncset.done @!p0 $0x0  }
0x629: {  	[sflag:s0] =	ssyncadd.s32 @!p0 s1  }
0x62a: {  	[bflag:$0x3] =	sbarrier.arrive $0xFFFF  }
0x62b: {  	_ =	shalt  }

</sc_bundles>
